<compile_context>
chip_gen: v7x
topology: tpu7x:2x2x1
jax: 0.10.2.dev20260603
libtpu: 0.0.44.dev20260713+nightly
codegen_flags: <defaults>
</compile_context>

<pallas_src>
import dataclasses
import functools

import jax
import jax.numpy as jnp
from jax import lax
from jax.experimental import pallas as pl
from jax.experimental.pallas import tpu as pltpu
from jax.experimental.pallas import tpu_sc as plsc

DIM = 32
R = 8
LANES = 16
NTEC = 32
SPLITS = ((0, 128), (128, 72))


def _zero_padding_rows(idx_row, out_row):
    zeros = jnp.zeros((LANES,), jnp.float32)
    for off in list(range(0, 192, LANES)) + [200 - LANES]:
        v = idx_row[pl.ds(off, LANES)]
        is_pad = v == 0

        @pl.when(jnp.any(is_pad))
        def _():
            rows = jnp.arange(LANES, dtype=jnp.int32) + off

            @pl.loop(0, DIM)
            def _(c):
                cols = jnp.full((LANES,), 0, jnp.int32) + c
                plsc.store_scatter(out_row, [rows, cols], zeros, mask=is_pad)


def _make_kernel(n_rows, n_cols):
    mesh = plsc.VectorSubcoreMesh(core_axis_name="c", subcore_axis_name="s")
    out_sds = jax.ShapeDtypeStruct((n_rows, n_cols, DIM), jnp.float32)
    rows_per_tec = n_rows // NTEC
    n_ch = rows_per_tec // R

    cp = pltpu.CompilerParams()
    fields = pltpu.CompilerParams.__dataclass_fields__
    if "needs_layout_passes" in fields:
        cp = dataclasses.replace(cp, needs_layout_passes=False)
    if "use_tc_tiling_on_sc" in fields:
        cp = dataclasses.replace(cp, use_tc_tiling_on_sc=False)

    @functools.partial(
        pl.kernel,
        out_type=out_sds,
        mesh=mesh,
        compiler_params=cp,
        scratch_types=[
            pltpu.VMEM((R, n_cols), jnp.int32),
            pltpu.VMEM((R, n_cols), jnp.int32),
            pltpu.VMEM((R, n_cols, DIM), jnp.float32),
            pltpu.VMEM((R, n_cols, DIM), jnp.float32),
            pltpu.SemaphoreType.DMA,
            pltpu.SemaphoreType.DMA,
            pltpu.SemaphoreType.DMA,
            pltpu.SemaphoreType.DMA,
            pltpu.SemaphoreType.DMA,
            pltpu.SemaphoreType.DMA,
        ],
    )
    def emb_kernel(table_hbm, tok_hbm, out_hbm,
                   idx0, idx1, outb0, outb1, si0, si1, sg0, sg1, so0, so1):
        wid = lax.axis_index("s") * 2 + lax.axis_index("c")
        base_row = wid * rows_per_tec
        idxb = (idx0, idx1)
        outb = (outb0, outb1)
        si = (si0, si1)
        sg = (sg0, sg1)
        so = (so0, so1)

        def run(tbl, tok, out):
            def row0(c):
                return base_row + c * R

            def idx_req(c, b):
                pltpu.async_copy(tok.at[pl.ds(row0(c), R)], idxb[b], si[b])

            def idx_wait(b):
                pltpu.make_async_copy(
                    tok.at[pl.ds(0, R)], idxb[b], si[b]).wait()

            def fire(b):
                @pl.loop(0, R)
                def _(j):
                    for off, w in SPLITS:
                        pltpu.async_copy(
                            tbl.at[idxb[b].at[j, pl.ds(off, w)]],
                            outb[b].at[j, pl.ds(off, w)], sg[b])

            def drain(b):
                @pl.loop(0, R)
                def _(j):
                    for off, w in SPLITS:
                        pltpu.make_async_copy(
                            tbl.at[idxb[b].at[j, pl.ds(off, w)]],
                            outb[b].at[j, pl.ds(off, w)], sg[b]).wait()

            def wb_start(c, b):
                pltpu.async_copy(outb[b], out.at[pl.ds(row0(c), R)], so[b])

            def wb_wait(b):
                pltpu.make_async_copy(
                    outb[b], out.at[pl.ds(0, R)], so[b]).wait()

            idx_req(0, 0)
            idx_req(1, 1)
            idx_wait(0)
            fire(0)

            @pl.loop(0, n_ch // 2)
            def _(k):
                for half in (0, 1):
                    c = 2 * k + half
                    b = half
                    nb = 1 - half
                    @pl.when(c + 1 < n_ch)
                    def _():
                        idx_wait(nb)

                    @pl.when(c >= 1)
                    def _():
                        wb_wait(nb)

                    @pl.when(c + 1 < n_ch)
                    def _():
                        fire(nb)

                    drain(b)

                    @pl.loop(0, R)
                    def _(j):
                        _zero_padding_rows(idxb[b].at[j], outb[b].at[j])

                    @pl.when(c + 2 < n_ch)
                    def _():
                        idx_req(c + 2, b)

                    wb_start(c, b)

            wb_wait((n_ch - 1) % 2)

        run(table_hbm, tok_hbm, out_hbm)

    return emb_kernel


def kernel(src_tokens, tgt_tokens, src_table, tgt_table):
    b, l = src_tokens.shape
    src_idx = src_tokens.astype(jnp.int32)
    tgt_idx = tgt_tokens.astype(jnp.int32)
    emb = _make_kernel(b, l)
    return (emb(src_table, src_idx), emb(tgt_table, tgt_idx))

# --- scband reference (transcript-rebuilt; emitter-appended) ---
"""Pipeline reference for scband-embedding-layer-32899449487783 (READ-ONLY COPY).

The authoritative reference and input builder live on the scoring server;
editing this copy changes nothing except your own understanding.
"""

import jax, jax.numpy as jnp
import numpy as np

SRC_VOCAB = 1000000
TGT_VOCAB = 1000000
DIM = 32
B, L = 4096, 200


def setup_inputs(seed: int = 0) -> dict:
    key = jax.random.key(seed)
    k1, k2, k3, k4 = jax.random.split(key, 4)
    src_tokens = jax.random.randint(k1, (B, L), 0, SRC_VOCAB, dtype=jnp.int64 if jax.config.jax_enable_x64 else jnp.int32)
    tgt_tokens = jax.random.randint(k2, (B, L), 0, TGT_VOCAB, dtype=jnp.int64 if jax.config.jax_enable_x64 else jnp.int32)
    src_table = jax.random.normal(k3, (SRC_VOCAB, DIM), dtype=jnp.float32)
    tgt_table = jax.random.normal(k4, (TGT_VOCAB, DIM), dtype=jnp.float32)
    return {"src_tokens": src_tokens, "tgt_tokens": tgt_tokens, "src_table": src_table, "tgt_table": tgt_table}


def reference(src_tokens, tgt_tokens, src_table, tgt_table):
    # nn.Embedding with padding_idx=0: row 0 is a zero vector.
    src_w = src_table.at[0].set(0.0)
    tgt_w = tgt_table.at[0].set(0.0)
    src_emb = jnp.take(src_w, src_tokens, axis=0)
    tgt_emb = jnp.take(tgt_w, tgt_tokens, axis=0)
    return (src_emb, tgt_emb)

if __name__ == "__main__":
    import jax
    _d = setup_inputs()
    print(jax.jit(kernel)(*tuple(_d.values())))

</pallas_src>

<mosaic_0001>
#map = affine_map<(d0, d1) -> (0, 0)>
#map1 = affine_map<(d0, d1) -> (0, 0, 0)>
module attributes {stable_mosaic.version = 14 : i64} {
  func.func @emb_kernel(%arg0: i32, %arg1: i32, %arg2: memref<1000000x32xf32, #tpu.memory_space<hbm>>, %arg3: memref<4096x200xi32, #tpu.memory_space<hbm>>, %arg4: memref<4096x200x32xf32, #tpu.memory_space<hbm>>, %arg5: memref<8x200xi32, #tpu.memory_space<vmem>>, %arg6: memref<8x200xi32, #tpu.memory_space<vmem>>, %arg7: memref<8x200x32xf32, #tpu.memory_space<vmem>>, %arg8: memref<8x200x32xf32, #tpu.memory_space<vmem>>, %arg9: memref<!tpu.dma_semaphore, #tpu.memory_space<semaphore_mem>>, %arg10: memref<!tpu.dma_semaphore, #tpu.memory_space<semaphore_mem>>, %arg11: memref<!tpu.dma_semaphore, #tpu.memory_space<semaphore_mem>>, %arg12: memref<!tpu.dma_semaphore, #tpu.memory_space<semaphore_mem>>, %arg13: memref<!tpu.dma_semaphore, #tpu.memory_space<semaphore_mem>>, %arg14: memref<!tpu.dma_semaphore, #tpu.memory_space<semaphore_mem>>) attributes {dimension_semantics = [#tpu.dimension_semantics<core_parallel>, #tpu.dimension_semantics<subcore_parallel>], iteration_bounds = array<i64: 2, 16>, scalar_prefetch = 0 : i64, scratch_operands = 10 : i64, tpu.core_type = #tpu.core_type<sc_vector_subcore>, window_params = [{transform_indices = #map}, {transform_indices = #map}, {transform_indices = #map1}]} {
    %mul3A = arith.constant 2 : i32
    %mul3A_0 = arith.muli %arg1, %mul3A : i32
    %add3A = arith.addi %mul3A_0, %arg0 : i32
    %mul3A_1 = arith.constant 128 : i32
    %mul3A_2 = arith.muli %add3A, %mul3A_1 : i32
    %add3A_3 = arith.constant 0 : i32
    %add3A_4 = arith.addi %mul3A_2, %add3A_3 : i32
    %dma_start3A = arith.constant 0 : i32
    %dma_start3A_5 = tpu.memref_slice %arg3[%add3A_4, %dma_start3A] : memref<4096x200xi32, #tpu.memory_space<hbm>> -> memref<8x200xi32, #tpu.memory_space<hbm>>
    %dma_start3A_6 = arith.constant 0 : i32
    %dma_start3A_7 = tpu.memref_slice %arg3[%add3A_4, %dma_start3A_6] : memref<4096x200xi32, #tpu.memory_space<hbm>> -> memref<8x200xi32, #tpu.memory_space<hbm>>
    tpu.enqueue_dma source(%dma_start3A_7 : memref<8x200xi32, #tpu.memory_space<hbm>>) target(%arg5 : memref<8x200xi32, #tpu.memory_space<vmem>>) target_semaphore(%arg9 : memref<!tpu.dma_semaphore, #tpu.memory_space<semaphore_mem>>)
    %add3A_8 = arith.constant 8 : i32
    %add3A_9 = arith.addi %mul3A_2, %add3A_8 : i32
    %dma_start3A_10 = arith.constant 0 : i32
    %dma_start3A_11 = tpu.memref_slice %arg3[%add3A_9, %dma_start3A_10] : memref<4096x200xi32, #tpu.memory_space<hbm>> -> memref<8x200xi32, #tpu.memory_space<hbm>>
    %dma_start3A_12 = arith.constant 0 : i32
    %dma_start3A_13 = tpu.memref_slice %arg3[%add3A_9, %dma_start3A_12] : memref<4096x200xi32, #tpu.memory_space<hbm>> -> memref<8x200xi32, #tpu.memory_space<hbm>>
    tpu.enqueue_dma source(%dma_start3A_13 : memref<8x200xi32, #tpu.memory_space<hbm>>) target(%arg6 : memref<8x200xi32, #tpu.memory_space<vmem>>) target_semaphore(%arg10 : memref<!tpu.dma_semaphore, #tpu.memory_space<semaphore_mem>>)
    %dma_wait3A = arith.constant 0 : i32
    %dma_wait3A_14 = arith.constant 0 : i32
    %dma_wait3A_15 = tpu.memref_slice %arg3[%dma_wait3A, %dma_wait3A_14] : memref<4096x200xi32, #tpu.memory_space<hbm>> -> memref<8x200xi32, #tpu.memory_space<hbm>>
    %dma_wait3A_16 = arith.constant 0 : i32
    %dma_wait3A_17 = arith.constant 0 : i32
    %dma_wait3A_18 = tpu.memref_slice %arg3[%dma_wait3A_16, %dma_wait3A_17] : memref<4096x200xi32, #tpu.memory_space<hbm>> -> memref<8x200xi32, #tpu.memory_space<hbm>>
    tpu.wait_dma2 semaphore(%arg9 : memref<!tpu.dma_semaphore, #tpu.memory_space<semaphore_mem>>) src(%dma_wait3A_18 : memref<8x200xi32, #tpu.memory_space<hbm>>) dst(%arg5 : memref<8x200xi32, #tpu.memory_space<vmem>>)
    %scan3A = arith.constant 0 : i32
    %scan3A_19 = arith.constant 8 : i32
    %scan3A_20 = arith.addi %scan3A, %scan3A_19 : i32
    %scan3A_21 = arith.constant 1 : i32
    scf.for %scan3A_36 = %scan3A to %scan3A_20 step %scan3A_21  : i32 {
      %mul3A_37 = arith.constant 1 : i32
      %mul3A_38 = arith.muli %scan3A_36, %mul3A_37 : i32
      %add3A_39 = arith.constant 0 : i32
      %add3A_40 = arith.addi %add3A_39, %mul3A_38 : i32
      %dma_start3A_41 = arith.constant 0 : i32
      %dma_start3A_42 = arith.constant 0 : i32
      %dma_start3A_43 = tpu.memref_slice %arg7[%add3A_40, %dma_start3A_41, %dma_start3A_42] : memref<8x200x32xf32, #tpu.memory_space<vmem>> -> memref<1x128x32xf32, #tpu.memory_space<vmem>>
      %dma_start3A_44 = tpu.memref_squeeze %dma_start3A_43 : memref<1x128x32xf32, #tpu.memory_space<vmem>> -> memref<128x32xf32, #tpu.memory_space<vmem>>
      %dma_start3A_45 = arith.constant 0 : i32
      %dma_start3A_46 = tpu.memref_slice %arg5[%add3A_40, %dma_start3A_45] : memref<8x200xi32, #tpu.memory_space<vmem>> -> memref<1x128xi32, #tpu.memory_space<vmem>>
      %dma_start3A_47 = tpu.memref_squeeze %dma_start3A_46 : memref<1x128xi32, #tpu.memory_space<vmem>> -> memref<128xi32, #tpu.memory_space<vmem>>
      %dma_start3A_48 = arith.constant 0 : i32
      %dma_start3A_49 = arith.constant 0 : i32
      %dma_start3A_50 = tpu.memref_slice %arg2[%dma_start3A_48, %dma_start3A_49] : memref<1000000x32xf32, #tpu.memory_space<hbm>> -> memref<1000000x32xf32, #tpu.memory_space<hbm>>
      tpu.enqueue_indirect_dma source(%dma_start3A_50 : memref<1000000x32xf32, #tpu.memory_space<hbm>>) target(%dma_start3A_44 : memref<128x32xf32, #tpu.memory_space<vmem>>) offsets(%dma_start3A_47 : memref<128xi32, #tpu.memory_space<vmem>>) semaphore(%arg11 : memref<!tpu.dma_semaphore, #tpu.memory_space<semaphore_mem>>)
      %dma_start3A_51 = arith.constant 128 : i32
      %dma_start3A_52 = arith.constant 0 : i32
      %dma_start3A_53 = tpu.memref_slice %arg7[%add3A_40, %dma_start3A_51, %dma_start3A_52] : memref<8x200x32xf32, #tpu.memory_space<vmem>> -> memref<1x72x32xf32, #tpu.memory_space<vmem>>
      %dma_start3A_54 = tpu.memref_squeeze %dma_start3A_53 : memref<1x72x32xf32, #tpu.memory_space<vmem>> -> memref<72x32xf32, #tpu.memory_space<vmem>>
      %dma_start3A_55 = arith.constant 128 : i32
      %dma_start3A_56 = tpu.memref_slice %arg5[%add3A_40, %dma_start3A_55] : memref<8x200xi32, #tpu.memory_space<vmem>> -> memref<1x72xi32, #tpu.memory_space<vmem>>
      %dma_start3A_57 = tpu.memref_squeeze %dma_start3A_56 : memref<1x72xi32, #tpu.memory_space<vmem>> -> memref<72xi32, #tpu.memory_space<vmem>>
      %dma_start3A_58 = arith.constant 0 : i32
      %dma_start3A_59 = arith.constant 0 : i32
      %dma_start3A_60 = tpu.memref_slice %arg2[%dma_start3A_58, %dma_start3A_59] : memref<1000000x32xf32, #tpu.memory_space<hbm>> -> memref<1000000x32xf32, #tpu.memory_space<hbm>>
      tpu.enqueue_indirect_dma source(%dma_start3A_60 : memref<1000000x32xf32, #tpu.memory_space<hbm>>) target(%dma_start3A_54 : memref<72x32xf32, #tpu.memory_space<vmem>>) offsets(%dma_start3A_57 : memref<72xi32, #tpu.memory_space<vmem>>) semaphore(%arg11 : memref<!tpu.dma_semaphore, #tpu.memory_space<semaphore_mem>>)
    }
    %scan3A_22 = arith.constant 8 : i32
    %scan3A_23 = arith.constant 0 : i32
    %scan3A_24 = arith.constant 8 : i32
    %scan3A_25 = arith.addi %scan3A_23, %scan3A_24 : i32
    %scan3A_26 = arith.constant 1 : i32
    scf.for %scan3A_36 = %scan3A_23 to %scan3A_25 step %scan3A_26  : i32 {
      %mul3A_37 = arith.constant 1 : i32
      %mul3A_38 = arith.muli %scan3A_36, %mul3A_37 : i32
      %add3A_39 = arith.constant 0 : i32
      %add3A_40 = arith.addi %add3A_39, %mul3A_38 : i32
      %mul3A_41 = arith.constant 2 : i32
      %mul3A_42 = arith.muli %mul3A_41, %add3A_40 : i32
      %add3A_43 = arith.constant 0 : i32
      %add3A_44 = arith.addi %mul3A_42, %add3A_43 : i32
      %add3A_45 = arith.constant 1 : i32
      %add3A_46 = arith.addi %add3A_44, %add3A_45 : i32
      %lt3A = arith.constant 16 : i32
      %lt3A_47 = arith.cmpi slt, %add3A_46, %lt3A : i32
      %convert_element_type3A = arith.extui %lt3A_47 : i1 to i32
      %cond3A = arith.constant 0 : i32
      %cond3A_48 = arith.cmpi ne, %convert_element_type3A, %cond3A : i32
      scf.if %cond3A_48 {
        %dma_wait3A_135 = arith.constant 0 : i32
        %dma_wait3A_136 = arith.constant 0 : i32
        %dma_wait3A_137 = tpu.memref_slice %arg3[%dma_wait3A_135, %dma_wait3A_136] : memref<4096x200xi32, #tpu.memory_space<hbm>> -> memref<8x200xi32, #tpu.memory_space<hbm>>
        %dma_wait3A_138 = arith.constant 0 : i32
        %dma_wait3A_139 = arith.constant 0 : i32
        %dma_wait3A_140 = tpu.memref_slice %arg3[%dma_wait3A_138, %dma_wait3A_139] : memref<4096x200xi32, #tpu.memory_space<hbm>> -> memref<8x200xi32, #tpu.memory_space<hbm>>
        tpu.wait_dma2 semaphore(%arg10 : memref<!tpu.dma_semaphore, #tpu.memory_space<semaphore_mem>>) src(%dma_wait3A_140 : memref<8x200xi32, #tpu.memory_space<hbm>>) dst(%arg6 : memref<8x200xi32, #tpu.memory_space<vmem>>)
      } else {
      }
      %ge3A = arith.constant 1 : i32
      %ge3A_49 = arith.cmpi sge, %add3A_44, %ge3A : i32
      %convert_element_type3A_50 = arith.extui %ge3A_49 : i1 to i32
      %cond3A_51 = arith.constant 0 : i32
      %cond3A_52 = arith.cmpi ne, %convert_element_type3A_50, %cond3A_51 : i32
      scf.if %cond3A_52 {
        %dma_wait3A_135 = arith.constant 0 : i32
        %dma_wait3A_136 = arith.constant 0 : i32
        %dma_wait3A_137 = arith.constant 0 : i32
        %dma_wait3A_138 = tpu.memref_slice %arg4[%dma_wait3A_135, %dma_wait3A_136, %dma_wait3A_137] : memref<4096x200x32xf32, #tpu.memory_space<hbm>> -> memref<8x200x32xf32, #tpu.memory_space<hbm>>
        %dma_wait3A_139 = arith.constant 0 : i32
        %dma_wait3A_140 = arith.constant 0 : i32
        %dma_wait3A_141 = arith.constant 0 : i32
        %dma_wait3A_142 = tpu.memref_slice %arg4[%dma_wait3A_139, %dma_wait3A_140, %dma_wait3A_141] : memref<4096x200x32xf32, #tpu.memory_space<hbm>> -> memref<8x200x32xf32, #tpu.memory_space<hbm>>
        tpu.wait_dma2 semaphore(%arg14 : memref<!tpu.dma_semaphore, #tpu.memory_space<semaphore_mem>>) src(%arg8 : memref<8x200x32xf32, #tpu.memory_space<vmem>>) dst(%dma_wait3A_142 : memref<8x200x32xf32, #tpu.memory_space<hbm>>)
      } else {
      }
      %add3A_53 = arith.constant 1 : i32
      %add3A_54 = arith.addi %add3A_44, %add3A_53 : i32
      %lt3A_55 = arith.constant 16 : i32
      %lt3A_56 = arith.cmpi slt, %add3A_54, %lt3A_55 : i32
      %convert_element_type3A_57 = arith.extui %lt3A_56 : i1 to i32
      %cond3A_58 = arith.constant 0 : i32
      %cond3A_59 = arith.cmpi ne, %convert_element_type3A_57, %cond3A_58 : i32
      scf.if %cond3A_59 {
        %scan3A_135 = arith.constant 0 : i32
        %scan3A_136 = arith.constant 8 : i32
        %scan3A_137 = arith.addi %scan3A_135, %scan3A_136 : i32
        %scan3A_138 = arith.constant 1 : i32
        scf.for %scan3A_140 = %scan3A_135 to %scan3A_137 step %scan3A_138  : i32 {
          %mul3A_141 = arith.constant 1 : i32
          %mul3A_142 = arith.muli %scan3A_140, %mul3A_141 : i32
          %add3A_143 = arith.constant 0 : i32
          %add3A_144 = arith.addi %add3A_143, %mul3A_142 : i32
          %dma_start3A_145 = arith.constant 0 : i32
          %dma_start3A_146 = arith.constant 0 : i32
          %dma_start3A_147 = tpu.memref_slice %arg8[%add3A_144, %dma_start3A_145, %dma_start3A_146] : memref<8x200x32xf32, #tpu.memory_space<vmem>> -> memref<1x128x32xf32, #tpu.memory_space<vmem>>
          %dma_start3A_148 = tpu.memref_squeeze %dma_start3A_147 : memref<1x128x32xf32, #tpu.memory_space<vmem>> -> memref<128x32xf32, #tpu.memory_space<vmem>>
          %dma_start3A_149 = arith.constant 0 : i32
          %dma_start3A_150 = tpu.memref_slice %arg6[%add3A_144, %dma_start3A_149] : memref<8x200xi32, #tpu.memory_space<vmem>> -> memref<1x128xi32, #tpu.memory_space<vmem>>
          %dma_start3A_151 = tpu.memref_squeeze %dma_start3A_150 : memref<1x128xi32, #tpu.memory_space<vmem>> -> memref<128xi32, #tpu.memory_space<vmem>>
          %dma_start3A_152 = arith.constant 0 : i32
          %dma_start3A_153 = arith.constant 0 : i32
          %dma_start3A_154 = tpu.memref_slice %arg2[%dma_start3A_152, %dma_start3A_153] : memref<1000000x32xf32, #tpu.memory_space<hbm>> -> memref<1000000x32xf32, #tpu.memory_space<hbm>>
          tpu.enqueue_indirect_dma source(%dma_start3A_154 : memref<1000000x32xf32, #tpu.memory_space<hbm>>) target(%dma_start3A_148 : memref<128x32xf32, #tpu.memory_space<vmem>>) offsets(%dma_start3A_151 : memref<128xi32, #tpu.memory_space<vmem>>) semaphore(%arg12 : memref<!tpu.dma_semaphore, #tpu.memory_space<semaphore_mem>>)
          %dma_start3A_155 = arith.constant 128 : i32
          %dma_start3A_156 = arith.constant 0 : i32
          %dma_start3A_157 = tpu.memref_slice %arg8[%add3A_144, %dma_start3A_155, %dma_start3A_156] : memref<8x200x32xf32, #tpu.memory_space<vmem>> -> memref<1x72x32xf32, #tpu.memory_space<vmem>>
          %dma_start3A_158 = tpu.memref_squeeze %dma_start3A_157 : memref<1x72x32xf32, #tpu.memory_space<vmem>> -> memref<72x32xf32, #tpu.memory_space<vmem>>
          %dma_start3A_159 = arith.constant 128 : i32
          %dma_start3A_160 = tpu.memref_slice %arg6[%add3A_144, %dma_start3A_159] : memref<8x200xi32, #tpu.memory_space<vmem>> -> memref<1x72xi32, #tpu.memory_space<vmem>>
          %dma_start3A_161 = tpu.memref_squeeze %dma_start3A_160 : memref<1x72xi32, #tpu.memory_space<vmem>> -> memref<72xi32, #tpu.memory_space<vmem>>
          %dma_start3A_162 = arith.constant 0 : i32
          %dma_start3A_163 = arith.constant 0 : i32
          %dma_start3A_164 = tpu.memref_slice %arg2[%dma_start3A_162, %dma_start3A_163] : memref<1000000x32xf32, #tpu.memory_space<hbm>> -> memref<1000000x32xf32, #tpu.memory_space<hbm>>
          tpu.enqueue_indirect_dma source(%dma_start3A_164 : memref<1000000x32xf32, #tpu.memory_space<hbm>>) target(%dma_start3A_158 : memref<72x32xf32, #tpu.memory_space<vmem>>) offsets(%dma_start3A_161 : memref<72xi32, #tpu.memory_space<vmem>>) semaphore(%arg12 : memref<!tpu.dma_semaphore, #tpu.memory_space<semaphore_mem>>)
        }
        %scan3A_139 = arith.constant 8 : i32
      } else {
      }
      %scan3A_60 = arith.constant 0 : i32
      %scan3A_61 = arith.constant 8 : i32
      %scan3A_62 = arith.addi %scan3A_60, %scan3A_61 : i32
      %scan3A_63 = arith.constant 1 : i32
      scf.for %scan3A_135 = %scan3A_60 to %scan3A_62 step %scan3A_63  : i32 {
        %mul3A_136 = arith.constant 1 : i32
        %mul3A_137 = arith.muli %scan3A_135, %mul3A_136 : i32
        %add3A_138 = arith.constant 0 : i32
        %add3A_139 = arith.addi %add3A_138, %mul3A_137 : i32
        %dma_wait3A_140 = arith.constant 0 : i32
        %dma_wait3A_141 = arith.constant 0 : i32
        %dma_wait3A_142 = tpu.memref_slice %arg7[%add3A_139, %dma_wait3A_140, %dma_wait3A_141] : memref<8x200x32xf32, #tpu.memory_space<vmem>> -> memref<1x128x32xf32, #tpu.memory_space<vmem>>
        %dma_wait3A_143 = tpu.memref_squeeze %dma_wait3A_142 : memref<1x128x32xf32, #tpu.memory_space<vmem>> -> memref<128x32xf32, #tpu.memory_space<vmem>>
        %dma_wait3A_144 = arith.constant 0 : i32
        %dma_wait3A_145 = tpu.memref_slice %arg5[%add3A_139, %dma_wait3A_144] : memref<8x200xi32, #tpu.memory_space<vmem>> -> memref<1x128xi32, #tpu.memory_space<vmem>>
        %dma_wait3A_146 = tpu.memref_squeeze %dma_wait3A_145 : memref<1x128xi32, #tpu.memory_space<vmem>> -> memref<128xi32, #tpu.memory_space<vmem>>
        %dma_wait3A_147 = arith.constant 0 : i32
        %dma_wait3A_148 = arith.constant 0 : i32
        %dma_wait3A_149 = tpu.memref_slice %arg2[%dma_wait3A_147, %dma_wait3A_148] : memref<1000000x32xf32, #tpu.memory_space<hbm>> -> memref<1000000x32xf32, #tpu.memory_space<hbm>>
        tpu.wait_indirect_dma semaphore(%arg11 : memref<!tpu.dma_semaphore, #tpu.memory_space<semaphore_mem>>) src(%dma_wait3A_149 : memref<1000000x32xf32, #tpu.memory_space<hbm>>) dst(%dma_wait3A_143 : memref<128x32xf32, #tpu.memory_space<vmem>>)
        %dma_wait3A_150 = arith.constant 128 : i32
        %dma_wait3A_151 = arith.constant 0 : i32
        %dma_wait3A_152 = tpu.memref_slice %arg7[%add3A_139, %dma_wait3A_150, %dma_wait3A_151] : memref<8x200x32xf32, #tpu.memory_space<vmem>> -> memref<1x72x32xf32, #tpu.memory_space<vmem>>
        %dma_wait3A_153 = tpu.memref_squeeze %dma_wait3A_152 : memref<1x72x32xf32, #tpu.memory_space<vmem>> -> memref<72x32xf32, #tpu.memory_space<vmem>>
        %dma_wait3A_154 = arith.constant 128 : i32
        %dma_wait3A_155 = tpu.memref_slice %arg5[%add3A_139, %dma_wait3A_154] : memref<8x200xi32, #tpu.memory_space<vmem>> -> memref<1x72xi32, #tpu.memory_space<vmem>>
        %dma_wait3A_156 = tpu.memref_squeeze %dma_wait3A_155 : memref<1x72xi32, #tpu.memory_space<vmem>> -> memref<72xi32, #tpu.memory_space<vmem>>
        %dma_wait3A_157 = arith.constant 0 : i32
        %dma_wait3A_158 = arith.constant 0 : i32
        %dma_wait3A_159 = tpu.memref_slice %arg2[%dma_wait3A_157, %dma_wait3A_158] : memref<1000000x32xf32, #tpu.memory_space<hbm>> -> memref<1000000x32xf32, #tpu.memory_space<hbm>>
        tpu.wait_indirect_dma semaphore(%arg11 : memref<!tpu.dma_semaphore, #tpu.memory_space<semaphore_mem>>) src(%dma_wait3A_159 : memref<1000000x32xf32, #tpu.memory_space<hbm>>) dst(%dma_wait3A_153 : memref<72x32xf32, #tpu.memory_space<vmem>>)
      }
      %scan3A_64 = arith.constant 8 : i32
      %scan3A_65 = arith.constant 0 : i32
      %scan3A_66 = arith.constant 8 : i32
      %scan3A_67 = arith.addi %scan3A_65, %scan3A_66 : i32
      %scan3A_68 = arith.constant 1 : i32
      scf.for %scan3A_135 = %scan3A_65 to %scan3A_67 step %scan3A_68  : i32 {
        %mul3A_136 = arith.constant 1 : i32
        %mul3A_137 = arith.muli %scan3A_135, %mul3A_136 : i32
        %add3A_138 = arith.constant 0 : i32
        %add3A_139 = arith.addi %add3A_138, %mul3A_137 : i32
        %broadcast_in_dim3A = arith.constant 0.000000e+00 : f32
        %broadcast_in_dim3A_140 = vector.broadcast %broadcast_in_dim3A : f32 to vector<16xf32>
        %get3A = arith.constant 0 : i32
        %get3A_141 = tpu.memref_slice %arg5[%add3A_139, %get3A] : memref<8x200xi32, #tpu.memory_space<vmem>> -> memref<1x200xi32, #tpu.memory_space<vmem>>
        %get3A_142 = tpu.memref_squeeze %get3A_141 : memref<1x200xi32, #tpu.memory_space<vmem>> -> memref<200xi32, #tpu.memory_space<vmem>>
        %get3A_143 = arith.constant 0 : index
        %get3A_144 = tpu.vector_load %get3A_142[%get3A_143] {strides = array<i32>} : memref<200xi32, #tpu.memory_space<vmem>>, vector<16xi32>,
        %eq3A = arith.constant 0 : i32
        %eq3A_145 = vector.broadcast %eq3A : i32 to vector<16xi32>
        %eq3A_146 = arith.cmpi eq, %get3A_144, %eq3A_145 : vector<16xi32>
        %reduce_or3A = arith.constant 1.000000e+00 : f32
        %reduce_or3A_147 = arith.constant 0.000000e+00 : f32
        %reduce_or3A_148 = vector.broadcast %reduce_or3A : f32 to vector<16xf32>
        %reduce_or3A_149 = vector.broadcast %reduce_or3A_147 : f32 to vector<16xf32>
        %reduce_or3A_150 = arith.select %eq3A_146, %reduce_or3A_148, %reduce_or3A_149 : vector<16xi1>, vector<16xf32>
        %reduce_or3A_151 = arith.constant true
        %reduce_or3A_152 = vector.broadcast %reduce_or3A_151 : i1 to vector<16xi1>
        %reduce_or3A_153 = tpu.scan <max>, %reduce_or3A_150 masked %reduce_or3A_152 : vector<16xf32>, vector<16xi1> -> vector<16xf32>
        %reduce_or3A_154 = vector.extract %reduce_or3A_153[15] : f32 from vector<16xf32>
        %reduce_or3A_155 = arith.constant 0.000000e+00 : f32
        %reduce_or3A_156 = arith.cmpf ogt, %reduce_or3A_154, %reduce_or3A_155 : f32
        %convert_element_type3A_157 = arith.extui %reduce_or3A_156 : i1 to i32
        %cond3A_158 = arith.constant 0 : i32
        %cond3A_159 = arith.cmpi ne, %convert_element_type3A_157, %cond3A_158 : i32
        scf.if %cond3A_159 {
          %iota3A = tpu.iota {dimensions = array<i32: 0>} : vector<16xi32>
          %add3A_424 = arith.constant 0 : i32
          %add3A_425 = vector.broadcast %add3A_424 : i32 to vector<16xi32>
          %add3A_426 = arith.addi %iota3A, %add3A_425 : vector<16xi32>
          %scan3A_427 = arith.constant 0 : i32
          %scan3A_428 = arith.constant 32 : i32
          %scan3A_429 = arith.addi %scan3A_427, %scan3A_428 : i32
          %scan3A_430 = arith.constant 1 : i32
          scf.for %scan3A_432 = %scan3A_427 to %scan3A_429 step %scan3A_430  : i32 {
            %mul3A_433 = arith.constant 1 : i32
            %mul3A_434 = arith.muli %scan3A_432, %mul3A_433 : i32
            %add3A_435 = arith.constant 0 : i32
            %add3A_436 = arith.addi %add3A_435, %mul3A_434 : i32
            %broadcast_in_dim3A_437 = arith.constant 0 : i32
            %broadcast_in_dim3A_438 = vector.broadcast %broadcast_in_dim3A_437 : i32 to vector<16xi32>
            %add3A_439 = vector.broadcast %add3A_436 : i32 to vector<16xi32>
            %add3A_440 = arith.addi %broadcast_in_dim3A_438, %add3A_439 : vector<16xi32>
            %scatter3A = arith.constant 0 : i32
            %scatter3A_441 = arith.constant 0 : i32
            %scatter3A_442 = tpu.memref_slice %arg7[%add3A_139, %scatter3A, %scatter3A_441] : memref<8x200x32xf32, #tpu.memory_space<vmem>> -> memref<1x200x32xf32, #tpu.memory_space<vmem>>
            %scatter3A_443 = tpu.memref_squeeze %scatter3A_442 : memref<1x200x32xf32, #tpu.memory_space<vmem>> -> memref<200x32xf32, #tpu.memory_space<vmem>>
            tpu.vector_store_idx %scatter3A_443[%add3A_426, %add3A_440], %broadcast_in_dim3A_140 masked %eq3A_146 : memref<200x32xf32, #tpu.memory_space<vmem>>[vector<16xi32>, vector<16xi32>], vector<16xf32>, vector<16xi1>
          }
          %scan3A_431 = arith.constant 32 : i32
        } else {
        }
        %get3A_160 = arith.constant 0 : i32
        %get3A_161 = tpu.memref_slice %arg5[%add3A_139, %get3A_160] : memref<8x200xi32, #tpu.memory_space<vmem>> -> memref<1x200xi32, #tpu.memory_space<vmem>>
        %get3A_162 = tpu.memref_squeeze %get3A_161 : memref<1x200xi32, #tpu.memory_space<vmem>> -> memref<200xi32, #tpu.memory_space<vmem>>
        %get3A_163 = arith.constant 16 : index
        %get3A_164 = tpu.vector_load %get3A_162[%get3A_163] {strides = array<i32>} : memref<200xi32, #tpu.memory_space<vmem>>, vector<16xi32>,
        %eq3A_165 = arith.constant 0 : i32
        %eq3A_166 = vector.broadcast %eq3A_165 : i32 to vector<16xi32>
        %eq3A_167 = arith.cmpi eq, %get3A_164, %eq3A_166 : vector<16xi32>
        %reduce_or3A_168 = arith.constant 1.000000e+00 : f32
        %reduce_or3A_169 = arith.constant 0.000000e+00 : f32
        %reduce_or3A_170 = vector.broadcast %reduce_or3A_168 : f32 to vector<16xf32>
        %reduce_or3A_171 = vector.broadcast %reduce_or3A_169 : f32 to vector<16xf32>
        %reduce_or3A_172 = arith.select %eq3A_167, %reduce_or3A_170, %reduce_or3A_171 : vector<16xi1>, vector<16xf32>
        %reduce_or3A_173 = arith.constant true
        %reduce_or3A_174 = vector.broadcast %reduce_or3A_173 : i1 to vector<16xi1>
        %reduce_or3A_175 = tpu.scan <max>, %reduce_or3A_172 masked %reduce_or3A_174 : vector<16xf32>, vector<16xi1> -> vector<16xf32>
        %reduce_or3A_176 = vector.extract %reduce_or3A_175[15] : f32 from vector<16xf32>
        %reduce_or3A_177 = arith.constant 0.000000e+00 : f32
        %reduce_or3A_178 = arith.cmpf ogt, %reduce_or3A_176, %reduce_or3A_177 : f32
        %convert_element_type3A_179 = arith.extui %reduce_or3A_178 : i1 to i32
        %cond3A_180 = arith.constant 0 : i32
        %cond3A_181 = arith.cmpi ne, %convert_element_type3A_179, %cond3A_180 : i32
        scf.if %cond3A_181 {
          %iota3A = tpu.iota {dimensions = array<i32: 0>} : vector<16xi32>
          %add3A_424 = arith.constant 16 : i32
          %add3A_425 = vector.broadcast %add3A_424 : i32 to vector<16xi32>
          %add3A_426 = arith.addi %iota3A, %add3A_425 : vector<16xi32>
          %scan3A_427 = arith.constant 0 : i32
          %scan3A_428 = arith.constant 32 : i32
          %scan3A_429 = arith.addi %scan3A_427, %scan3A_428 : i32
          %scan3A_430 = arith.constant 1 : i32
          scf.for %scan3A_432 = %scan3A_427 to %scan3A_429 step %scan3A_430  : i32 {
            %mul3A_433 = arith.constant 1 : i32
            %mul3A_434 = arith.muli %scan3A_432, %mul3A_433 : i32
            %add3A_435 = arith.constant 0 : i32
            %add3A_436 = arith.addi %add3A_435, %mul3A_434 : i32
            %broadcast_in_dim3A_437 = arith.constant 0 : i32
            %broadcast_in_dim3A_438 = vector.broadcast %broadcast_in_dim3A_437 : i32 to vector<16xi32>
            %add3A_439 = vector.broadcast %add3A_436 : i32 to vector<16xi32>
            %add3A_440 = arith.addi %broadcast_in_dim3A_438, %add3A_439 : vector<16xi32>
            %scatter3A = arith.constant 0 : i32
            %scatter3A_441 = arith.constant 0 : i32
            %scatter3A_442 = tpu.memref_slice %arg7[%add3A_139, %scatter3A, %scatter3A_441] : memref<8x200x32xf32, #tpu.memory_space<vmem>> -> memref<1x200x32xf32, #tpu.memory_space<vmem>>
            %scatter3A_443 = tpu.memref_squeeze %scatter3A_442 : memref<1x200x32xf32, #tpu.memory_space<vmem>> -> memref<200x32xf32, #tpu.memory_space<vmem>>
            tpu.vector_store_idx %scatter3A_443[%add3A_426, %add3A_440], %broadcast_in_dim3A_140 masked %eq3A_167 : memref<200x32xf32, #tpu.memory_space<vmem>>[vector<16xi32>, vector<16xi32>], vector<16xf32>, vector<16xi1>
          }
          %scan3A_431 = arith.constant 32 : i32
        } else {
        }
        %get3A_182 = arith.constant 0 : i32
        %get3A_183 = tpu.memref_slice %arg5[%add3A_139, %get3A_182] : memref<8x200xi32, #tpu.memory_space<vmem>> -> memref<1x200xi32, #tpu.memory_space<vmem>>
        %get3A_184 = tpu.memref_squeeze %get3A_183 : memref<1x200xi32, #tpu.memory_space<vmem>> -> memref<200xi32, #tpu.memory_space<vmem>>
        %get3A_185 = arith.constant 32 : index
        %get3A_186 = tpu.vector_load %get3A_184[%get3A_185] {strides = array<i32>} : memref<200xi32, #tpu.memory_space<vmem>>, vector<16xi32>,
        %eq3A_187 = arith.constant 0 : i32
        %eq3A_188 = vector.broadcast %eq3A_187 : i32 to vector<16xi32>
        %eq3A_189 = arith.cmpi eq, %get3A_186, %eq3A_188 : vector<16xi32>
        %reduce_or3A_190 = arith.constant 1.000000e+00 : f32
        %reduce_or3A_191 = arith.constant 0.000000e+00 : f32
        %reduce_or3A_192 = vector.broadcast %reduce_or3A_190 : f32 to vector<16xf32>
        %reduce_or3A_193 = vector.broadcast %reduce_or3A_191 : f32 to vector<16xf32>
        %reduce_or3A_194 = arith.select %eq3A_189, %reduce_or3A_192, %reduce_or3A_193 : vector<16xi1>, vector<16xf32>
        %reduce_or3A_195 = arith.constant true
        %reduce_or3A_196 = vector.broadcast %reduce_or3A_195 : i1 to vector<16xi1>
        %reduce_or3A_197 = tpu.scan <max>, %reduce_or3A_194 masked %reduce_or3A_196 : vector<16xf32>, vector<16xi1> -> vector<16xf32>
        %reduce_or3A_198 = vector.extract %reduce_or3A_197[15] : f32 from vector<16xf32>
        %reduce_or3A_199 = arith.constant 0.000000e+00 : f32
        %reduce_or3A_200 = arith.cmpf ogt, %reduce_or3A_198, %reduce_or3A_199 : f32
        %convert_element_type3A_201 = arith.extui %reduce_or3A_200 : i1 to i32
        %cond3A_202 = arith.constant 0 : i32
        %cond3A_203 = arith.cmpi ne, %convert_element_type3A_201, %cond3A_202 : i32
        scf.if %cond3A_203 {
          %iota3A = tpu.iota {dimensions = array<i32: 0>} : vector<16xi32>
          %add3A_424 = arith.constant 32 : i32
          %add3A_425 = vector.broadcast %add3A_424 : i32 to vector<16xi32>
          %add3A_426 = arith.addi %iota3A, %add3A_425 : vector<16xi32>
          %scan3A_427 = arith.constant 0 : i32
          %scan3A_428 = arith.constant 32 : i32
          %scan3A_429 = arith.addi %scan3A_427, %scan3A_428 : i32
          %scan3A_430 = arith.constant 1 : i32
          scf.for %scan3A_432 = %scan3A_427 to %scan3A_429 step %scan3A_430  : i32 {
            %mul3A_433 = arith.constant 1 : i32
            %mul3A_434 = arith.muli %scan3A_432, %mul3A_433 : i32
            %add3A_435 = arith.constant 0 : i32
            %add3A_436 = arith.addi %add3A_435, %mul3A_434 : i32
            %broadcast_in_dim3A_437 = arith.constant 0 : i32
            %broadcast_in_dim3A_438 = vector.broadcast %broadcast_in_dim3A_437 : i32 to vector<16xi32>
            %add3A_439 = vector.broadcast %add3A_436 : i32 to vector<16xi32>
            %add3A_440 = arith.addi %broadcast_in_dim3A_438, %add3A_439 : vector<16xi32>
            %scatter3A = arith.constant 0 : i32
            %scatter3A_441 = arith.constant 0 : i32
            %scatter3A_442 = tpu.memref_slice %arg7[%add3A_139, %scatter3A, %scatter3A_441] : memref<8x200x32xf32, #tpu.memory_space<vmem>> -> memref<1x200x32xf32, #tpu.memory_space<vmem>>
            %scatter3A_443 = tpu.memref_squeeze %scatter3A_442 : memref<1x200x32xf32, #tpu.memory_space<vmem>> -> memref<200x32xf32, #tpu.memory_space<vmem>>
            tpu.vector_store_idx %scatter3A_443[%add3A_426, %add3A_440], %broadcast_in_dim3A_140 masked %eq3A_189 : memref<200x32xf32, #tpu.memory_space<vmem>>[vector<16xi32>, vector<16xi32>], vector<16xf32>, vector<16xi1>
          }
          %scan3A_431 = arith.constant 32 : i32
        } else {
        }
        %get3A_204 = arith.constant 0 : i32
        %get3A_205 = tpu.memref_slice %arg5[%add3A_139, %get3A_204] : memref<8x200xi32, #tpu.memory_space<vmem>> -> memref<1x200xi32, #tpu.memory_space<vmem>>
        %get3A_206 = tpu.memref_squeeze %get3A_205 : memref<1x200xi32, #tpu.memory_space<vmem>> -> memref<200xi32, #tpu.memory_space<vmem>>
        %get3A_207 = arith.constant 48 : index
        %get3A_208 = tpu.vector_load %get3A_206[%get3A_207] {strides = array<i32>} : memref<200xi32, #tpu.memory_space<vmem>>, vector<16xi32>,
        %eq3A_209 = arith.constant 0 : i32
        %eq3A_210 = vector.broadcast %eq3A_209 : i32 to vector<16xi32>
        %eq3A_211 = arith.cmpi eq, %get3A_208, %eq3A_210 : vector<16xi32>
        %reduce_or3A_212 = arith.constant 1.000000e+00 : f32
        %reduce_or3A_213 = arith.constant 0.000000e+00 : f32
        %reduce_or3A_214 = vector.broadcast %reduce_or3A_212 : f32 to vector<16xf32>
        %reduce_or3A_215 = vector.broadcast %reduce_or3A_213 : f32 to vector<16xf32>
        %reduce_or3A_216 = arith.select %eq3A_211, %reduce_or3A_214, %reduce_or3A_215 : vector<16xi1>, vector<16xf32>
        %reduce_or3A_217 = arith.constant true
        %reduce_or3A_218 = vector.broadcast %reduce_or3A_217 : i1 to vector<16xi1>
        %reduce_or3A_219 = tpu.scan <max>, %reduce_or3A_216 masked %reduce_or3A_218 : vector<16xf32>, vector<16xi1> -> vector<16xf32>
        %reduce_or3A_220 = vector.extract %reduce_or3A_219[15] : f32 from vector<16xf32>
        %reduce_or3A_221 = arith.constant 0.000000e+00 : f32
        %reduce_or3A_222 = arith.cmpf ogt, %reduce_or3A_220, %reduce_or3A_221 : f32
        %convert_element_type3A_223 = arith.extui %reduce_or3A_222 : i1 to i32
        %cond3A_224 = arith.constant 0 : i32
        %cond3A_225 = arith.cmpi ne, %convert_element_type3A_223, %cond3A_224 : i32
        scf.if %cond3A_225 {
          %iota3A = tpu.iota {dimensions = array<i32: 0>} : vector<16xi32>
          %add3A_424 = arith.constant 48 : i32
          %add3A_425 = vector.broadcast %add3A_424 : i32 to vector<16xi32>
          %add3A_426 = arith.addi %iota3A, %add3A_425 : vector<16xi32>
          %scan3A_427 = arith.constant 0 : i32
          %scan3A_428 = arith.constant 32 : i32
          %scan3A_429 = arith.addi %scan3A_427, %scan3A_428 : i32
          %scan3A_430 = arith.constant 1 : i32
          scf.for %scan3A_432 = %scan3A_427 to %scan3A_429 step %scan3A_430  : i32 {
            %mul3A_433 = arith.constant 1 : i32
            %mul3A_434 = arith.muli %scan3A_432, %mul3A_433 : i32
            %add3A_435 = arith.constant 0 : i32
            %add3A_436 = arith.addi %add3A_435, %mul3A_434 : i32
            %broadcast_in_dim3A_437 = arith.constant 0 : i32
            %broadcast_in_dim3A_438 = vector.broadcast %broadcast_in_dim3A_437 : i32 to vector<16xi32>
            %add3A_439 = vector.broadcast %add3A_436 : i32 to vector<16xi32>
            %add3A_440 = arith.addi %broadcast_in_dim3A_438, %add3A_439 : vector<16xi32>
            %scatter3A = arith.constant 0 : i32
            %scatter3A_441 = arith.constant 0 : i32
            %scatter3A_442 = tpu.memref_slice %arg7[%add3A_139, %scatter3A, %scatter3A_441] : memref<8x200x32xf32, #tpu.memory_space<vmem>> -> memref<1x200x32xf32, #tpu.memory_space<vmem>>
            %scatter3A_443 = tpu.memref_squeeze %scatter3A_442 : memref<1x200x32xf32, #tpu.memory_space<vmem>> -> memref<200x32xf32, #tpu.memory_space<vmem>>
            tpu.vector_store_idx %scatter3A_443[%add3A_426, %add3A_440], %broadcast_in_dim3A_140 masked %eq3A_211 : memref<200x32xf32, #tpu.memory_space<vmem>>[vector<16xi32>, vector<16xi32>], vector<16xf32>, vector<16xi1>
          }
          %scan3A_431 = arith.constant 32 : i32
        } else {
        }
        %get3A_226 = arith.constant 0 : i32
        %get3A_227 = tpu.memref_slice %arg5[%add3A_139, %get3A_226] : memref<8x200xi32, #tpu.memory_space<vmem>> -> memref<1x200xi32, #tpu.memory_space<vmem>>
        %get3A_228 = tpu.memref_squeeze %get3A_227 : memref<1x200xi32, #tpu.memory_space<vmem>> -> memref<200xi32, #tpu.memory_space<vmem>>
        %get3A_229 = arith.constant 64 : index
        %get3A_230 = tpu.vector_load %get3A_228[%get3A_229] {strides = array<i32>} : memref<200xi32, #tpu.memory_space<vmem>>, vector<16xi32>,
        %eq3A_231 = arith.constant 0 : i32
        %eq3A_232 = vector.broadcast %eq3A_231 : i32 to vector<16xi32>
        %eq3A_233 = arith.cmpi eq, %get3A_230, %eq3A_232 : vector<16xi32>
        %reduce_or3A_234 = arith.constant 1.000000e+00 : f32
        %reduce_or3A_235 = arith.constant 0.000000e+00 : f32
        %reduce_or3A_236 = vector.broadcast %reduce_or3A_234 : f32 to vector<16xf32>
        %reduce_or3A_237 = vector.broadcast %reduce_or3A_235 : f32 to vector<16xf32>
        %reduce_or3A_238 = arith.select %eq3A_233, %reduce_or3A_236, %reduce_or3A_237 : vector<16xi1>, vector<16xf32>
        %reduce_or3A_239 = arith.constant true
        %reduce_or3A_240 = vector.broadcast %reduce_or3A_239 : i1 to vector<16xi1>
        %reduce_or3A_241 = tpu.scan <max>, %reduce_or3A_238 masked %reduce_or3A_240 : vector<16xf32>, vector<16xi1> -> vector<16xf32>
        %reduce_or3A_242 = vector.extract %reduce_or3A_241[15] : f32 from vector<16xf32>
        %reduce_or3A_243 = arith.constant 0.000000e+00 : f32
        %reduce_or3A_244 = arith.cmpf ogt, %reduce_or3A_242, %reduce_or3A_243 : f32
        %convert_element_type3A_245 = arith.extui %reduce_or3A_244 : i1 to i32
        %cond3A_246 = arith.constant 0 : i32
        %cond3A_247 = arith.cmpi ne, %convert_element_type3A_245, %cond3A_246 : i32
        scf.if %cond3A_247 {
          %iota3A = tpu.iota {dimensions = array<i32: 0>} : vector<16xi32>
          %add3A_424 = arith.constant 64 : i32
          %add3A_425 = vector.broadcast %add3A_424 : i32 to vector<16xi32>
          %add3A_426 = arith.addi %iota3A, %add3A_425 : vector<16xi32>
          %scan3A_427 = arith.constant 0 : i32
          %scan3A_428 = arith.constant 32 : i32
          %scan3A_429 = arith.addi %scan3A_427, %scan3A_428 : i32
          %scan3A_430 = arith.constant 1 : i32
          scf.for %scan3A_432 = %scan3A_427 to %scan3A_429 step %scan3A_430  : i32 {
            %mul3A_433 = arith.constant 1 : i32
            %mul3A_434 = arith.muli %scan3A_432, %mul3A_433 : i32
            %add3A_435 = arith.constant 0 : i32
            %add3A_436 = arith.addi %add3A_435, %mul3A_434 : i32
            %broadcast_in_dim3A_437 = arith.constant 0 : i32
            %broadcast_in_dim3A_438 = vector.broadcast %broadcast_in_dim3A_437 : i32 to vector<16xi32>
            %add3A_439 = vector.broadcast %add3A_436 : i32 to vector<16xi32>
            %add3A_440 = arith.addi %broadcast_in_dim3A_438, %add3A_439 : vector<16xi32>
            %scatter3A = arith.constant 0 : i32
            %scatter3A_441 = arith.constant 0 : i32
            %scatter3A_442 = tpu.memref_slice %arg7[%add3A_139, %scatter3A, %scatter3A_441] : memref<8x200x32xf32, #tpu.memory_space<vmem>> -> memref<1x200x32xf32, #tpu.memory_space<vmem>>
            %scatter3A_443 = tpu.memref_squeeze %scatter3A_442 : memref<1x200x32xf32, #tpu.memory_space<vmem>> -> memref<200x32xf32, #tpu.memory_space<vmem>>
            tpu.vector_store_idx %scatter3A_443[%add3A_426, %add3A_440], %broadcast_in_dim3A_140 masked %eq3A_233 : memref<200x32xf32, #tpu.memory_space<vmem>>[vector<16xi32>, vector<16xi32>], vector<16xf32>, vector<16xi1>
          }
          %scan3A_431 = arith.constant 32 : i32
        } else {
        }
        %get3A_248 = arith.constant 0 : i32
        %get3A_249 = tpu.memref_slice %arg5[%add3A_139, %get3A_248] : memref<8x200xi32, #tpu.memory_space<vmem>> -> memref<1x200xi32, #tpu.memory_space<vmem>>
        %get3A_250 = tpu.memref_squeeze %get3A_249 : memref<1x200xi32, #tpu.memory_space<vmem>> -> memref<200xi32, #tpu.memory_space<vmem>>
        %get3A_251 = arith.constant 80 : index
        %get3A_252 = tpu.vector_load %get3A_250[%get3A_251] {strides = array<i32>} : memref<200xi32, #tpu.memory_space<vmem>>, vector<16xi32>,
        %eq3A_253 = arith.constant 0 : i32
        %eq3A_254 = vector.broadcast %eq3A_253 : i32 to vector<16xi32>
        %eq3A_255 = arith.cmpi eq, %get3A_252, %eq3A_254 : vector<16xi32>
        %reduce_or3A_256 = arith.constant 1.000000e+00 : f32
        %reduce_or3A_257 = arith.constant 0.000000e+00 : f32
        %reduce_or3A_258 = vector.broadcast %reduce_or3A_256 : f32 to vector<16xf32>
        %reduce_or3A_259 = vector.broadcast %reduce_or3A_257 : f32 to vector<16xf32>
        %reduce_or3A_260 = arith.select %eq3A_255, %reduce_or3A_258, %reduce_or3A_259 : vector<16xi1>, vector<16xf32>
        %reduce_or3A_261 = arith.constant true
        %reduce_or3A_262 = vector.broadcast %reduce_or3A_261 : i1 to vector<16xi1>
        %reduce_or3A_263 = tpu.scan <max>, %reduce_or3A_260 masked %reduce_or3A_262 : vector<16xf32>, vector<16xi1> -> vector<16xf32>
        %reduce_or3A_264 = vector.extract %reduce_or3A_263[15] : f32 from vector<16xf32>
        %reduce_or3A_265 = arith.constant 0.000000e+00 : f32
        %reduce_or3A_266 = arith.cmpf ogt, %reduce_or3A_264, %reduce_or3A_265 : f32
        %convert_element_type3A_267 = arith.extui %reduce_or3A_266 : i1 to i32
        %cond3A_268 = arith.constant 0 : i32
        %cond3A_269 = arith.cmpi ne, %convert_element_type3A_267, %cond3A_268 : i32
        scf.if %cond3A_269 {
          %iota3A = tpu.iota {dimensions = array<i32: 0>} : vector<16xi32>
          %add3A_424 = arith.constant 80 : i32
          %add3A_425 = vector.broadcast %add3A_424 : i32 to vector<16xi32>
          %add3A_426 = arith.addi %iota3A, %add3A_425 : vector<16xi32>
          %scan3A_427 = arith.constant 0 : i32
          %scan3A_428 = arith.constant 32 : i32
          %scan3A_429 = arith.addi %scan3A_427, %scan3A_428 : i32
          %scan3A_430 = arith.constant 1 : i32
          scf.for %scan3A_432 = %scan3A_427 to %scan3A_429 step %scan3A_430  : i32 {
            %mul3A_433 = arith.constant 1 : i32
            %mul3A_434 = arith.muli %scan3A_432, %mul3A_433 : i32
            %add3A_435 = arith.constant 0 : i32
            %add3A_436 = arith.addi %add3A_435, %mul3A_434 : i32
            %broadcast_in_dim3A_437 = arith.constant 0 : i32
            %broadcast_in_dim3A_438 = vector.broadcast %broadcast_in_dim3A_437 : i32 to vector<16xi32>
            %add3A_439 = vector.broadcast %add3A_436 : i32 to vector<16xi32>
            %add3A_440 = arith.addi %broadcast_in_dim3A_438, %add3A_439 : vector<16xi32>
            %scatter3A = arith.constant 0 : i32
            %scatter3A_441 = arith.constant 0 : i32
            %scatter3A_442 = tpu.memref_slice %arg7[%add3A_139, %scatter3A, %scatter3A_441] : memref<8x200x32xf32, #tpu.memory_space<vmem>> -> memref<1x200x32xf32, #tpu.memory_space<vmem>>
            %scatter3A_443 = tpu.memref_squeeze %scatter3A_442 : memref<1x200x32xf32, #tpu.memory_space<vmem>> -> memref<200x32xf32, #tpu.memory_space<vmem>>
            tpu.vector_store_idx %scatter3A_443[%add3A_426, %add3A_440], %broadcast_in_dim3A_140 masked %eq3A_255 : memref<200x32xf32, #tpu.memory_space<vmem>>[vector<16xi32>, vector<16xi32>], vector<16xf32>, vector<16xi1>
          }
          %scan3A_431 = arith.constant 32 : i32
        } else {
        }
        %get3A_270 = arith.constant 0 : i32
        %get3A_271 = tpu.memref_slice %arg5[%add3A_139, %get3A_270] : memref<8x200xi32, #tpu.memory_space<vmem>> -> memref<1x200xi32, #tpu.memory_space<vmem>>
        %get3A_272 = tpu.memref_squeeze %get3A_271 : memref<1x200xi32, #tpu.memory_space<vmem>> -> memref<200xi32, #tpu.memory_space<vmem>>
        %get3A_273 = arith.constant 96 : index
        %get3A_274 = tpu.vector_load %get3A_272[%get3A_273] {strides = array<i32>} : memref<200xi32, #tpu.memory_space<vmem>>, vector<16xi32>,
        %eq3A_275 = arith.constant 0 : i32
        %eq3A_276 = vector.broadcast %eq3A_275 : i32 to vector<16xi32>
        %eq3A_277 = arith.cmpi eq, %get3A_274, %eq3A_276 : vector<16xi32>
        %reduce_or3A_278 = arith.constant 1.000000e+00 : f32
        %reduce_or3A_279 = arith.constant 0.000000e+00 : f32
        %reduce_or3A_280 = vector.broadcast %reduce_or3A_278 : f32 to vector<16xf32>
        %reduce_or3A_281 = vector.broadcast %reduce_or3A_279 : f32 to vector<16xf32>
        %reduce_or3A_282 = arith.select %eq3A_277, %reduce_or3A_280, %reduce_or3A_281 : vector<16xi1>, vector<16xf32>
        %reduce_or3A_283 = arith.constant true
        %reduce_or3A_284 = vector.broadcast %reduce_or3A_283 : i1 to vector<16xi1>
        %reduce_or3A_285 = tpu.scan <max>, %reduce_or3A_282 masked %reduce_or3A_284 : vector<16xf32>, vector<16xi1> -> vector<16xf32>
        %reduce_or3A_286 = vector.extract %reduce_or3A_285[15] : f32 from vector<16xf32>
        %reduce_or3A_287 = arith.constant 0.000000e+00 : f32
        %reduce_or3A_288 = arith.cmpf ogt, %reduce_or3A_286, %reduce_or3A_287 : f32
        %convert_element_type3A_289 = arith.extui %reduce_or3A_288 : i1 to i32
        %cond3A_290 = arith.constant 0 : i32
        %cond3A_291 = arith.cmpi ne, %convert_element_type3A_289, %cond3A_290 : i32
        scf.if %cond3A_291 {
          %iota3A = tpu.iota {dimensions = array<i32: 0>} : vector<16xi32>
          %add3A_424 = arith.constant 96 : i32
          %add3A_425 = vector.broadcast %add3A_424 : i32 to vector<16xi32>
          %add3A_426 = arith.addi %iota3A, %add3A_425 : vector<16xi32>
          %scan3A_427 = arith.constant 0 : i32
          %scan3A_428 = arith.constant 32 : i32
          %scan3A_429 = arith.addi %scan3A_427, %scan3A_428 : i32
          %scan3A_430 = arith.constant 1 : i32
          scf.for %scan3A_432 = %scan3A_427 to %scan3A_429 step %scan3A_430  : i32 {
            %mul3A_433 = arith.constant 1 : i32
            %mul3A_434 = arith.muli %scan3A_432, %mul3A_433 : i32
            %add3A_435 = arith.constant 0 : i32
            %add3A_436 = arith.addi %add3A_435, %mul3A_434 : i32
            %broadcast_in_dim3A_437 = arith.constant 0 : i32
            %broadcast_in_dim3A_438 = vector.broadcast %broadcast_in_dim3A_437 : i32 to vector<16xi32>
            %add3A_439 = vector.broadcast %add3A_436 : i32 to vector<16xi32>
            %add3A_440 = arith.addi %broadcast_in_dim3A_438, %add3A_439 : vector<16xi32>
            %scatter3A = arith.constant 0 : i32
            %scatter3A_441 = arith.constant 0 : i32
            %scatter3A_442 = tpu.memref_slice %arg7[%add3A_139, %scatter3A, %scatter3A_441] : memref<8x200x32xf32, #tpu.memory_space<vmem>> -> memref<1x200x32xf32, #tpu.memory_space<vmem>>
            %scatter3A_443 = tpu.memref_squeeze %scatter3A_442 : memref<1x200x32xf32, #tpu.memory_space<vmem>> -> memref<200x32xf32, #tpu.memory_space<vmem>>
            tpu.vector_store_idx %scatter3A_443[%add3A_426, %add3A_440], %broadcast_in_dim3A_140 masked %eq3A_277 : memref<200x32xf32, #tpu.memory_space<vmem>>[vector<16xi32>, vector<16xi32>], vector<16xf32>, vector<16xi1>
          }
          %scan3A_431 = arith.constant 32 : i32
        } else {
        }
        %get3A_292 = arith.constant 0 : i32
        %get3A_293 = tpu.memref_slice %arg5[%add3A_139, %get3A_292] : memref<8x200xi32, #tpu.memory_space<vmem>> -> memref<1x200xi32, #tpu.memory_space<vmem>>
        %get3A_294 = tpu.memref_squeeze %get3A_293 : memref<1x200xi32, #tpu.memory_space<vmem>> -> memref<200xi32, #tpu.memory_space<vmem>>
        %get3A_295 = arith.constant 112 : index
        %get3A_296 = tpu.vector_load %get3A_294[%get3A_295] {strides = array<i32>} : memref<200xi32, #tpu.memory_space<vmem>>, vector<16xi32>,
        %eq3A_297 = arith.constant 0 : i32
        %eq3A_298 = vector.broadcast %eq3A_297 : i32 to vector<16xi32>
        %eq3A_299 = arith.cmpi eq, %get3A_296, %eq3A_298 : vector<16xi32>
        %reduce_or3A_300 = arith.constant 1.000000e+00 : f32
        %reduce_or3A_301 = arith.constant 0.000000e+00 : f32
        %reduce_or3A_302 = vector.broadcast %reduce_or3A_300 : f32 to vector<16xf32>
        %reduce_or3A_303 = vector.broadcast %reduce_or3A_301 : f32 to vector<16xf32>
        %reduce_or3A_304 = arith.select %eq3A_299, %reduce_or3A_302, %reduce_or3A_303 : vector<16xi1>, vector<16xf32>
        %reduce_or3A_305 = arith.constant true
        %reduce_or3A_306 = vector.broadcast %reduce_or3A_305 : i1 to vector<16xi1>
        %reduce_or3A_307 = tpu.scan <max>, %reduce_or3A_304 masked %reduce_or3A_306 : vector<16xf32>, vector<16xi1> -> vector<16xf32>
        %reduce_or3A_308 = vector.extract %reduce_or3A_307[15] : f32 from vector<16xf32>
        %reduce_or3A_309 = arith.constant 0.000000e+00 : f32
        %reduce_or3A_310 = arith.cmpf ogt, %reduce_or3A_308, %reduce_or3A_309 : f32
        %convert_element_type3A_311 = arith.extui %reduce_or3A_310 : i1 to i32
        %cond3A_312 = arith.constant 0 : i32
        %cond3A_313 = arith.cmpi ne, %convert_element_type3A_311, %cond3A_312 : i32
        scf.if %cond3A_313 {
          %iota3A = tpu.iota {dimensions = array<i32: 0>} : vector<16xi32>
          %add3A_424 = arith.constant 112 : i32
          %add3A_425 = vector.broadcast %add3A_424 : i32 to vector<16xi32>
          %add3A_426 = arith.addi %iota3A, %add3A_425 : vector<16xi32>
          %scan3A_427 = arith.constant 0 : i32
          %scan3A_428 = arith.constant 32 : i32
          %scan3A_429 = arith.addi %scan3A_427, %scan3A_428 : i32
          %scan3A_430 = arith.constant 1 : i32
          scf.for %scan3A_432 = %scan3A_427 to %scan3A_429 step %scan3A_430  : i32 {
            %mul3A_433 = arith.constant 1 : i32
            %mul3A_434 = arith.muli %scan3A_432, %mul3A_433 : i32
            %add3A_435 = arith.constant 0 : i32
            %add3A_436 = arith.addi %add3A_435, %mul3A_434 : i32
            %broadcast_in_dim3A_437 = arith.constant 0 : i32
            %broadcast_in_dim3A_438 = vector.broadcast %broadcast_in_dim3A_437 : i32 to vector<16xi32>
            %add3A_439 = vector.broadcast %add3A_436 : i32 to vector<16xi32>
            %add3A_440 = arith.addi %broadcast_in_dim3A_438, %add3A_439 : vector<16xi32>
            %scatter3A = arith.constant 0 : i32
            %scatter3A_441 = arith.constant 0 : i32
            %scatter3A_442 = tpu.memref_slice %arg7[%add3A_139, %scatter3A, %scatter3A_441] : memref<8x200x32xf32, #tpu.memory_space<vmem>> -> memref<1x200x32xf32, #tpu.memory_space<vmem>>
            %scatter3A_443 = tpu.memref_squeeze %scatter3A_442 : memref<1x200x32xf32, #tpu.memory_space<vmem>> -> memref<200x32xf32, #tpu.memory_space<vmem>>
            tpu.vector_store_idx %scatter3A_443[%add3A_426, %add3A_440], %broadcast_in_dim3A_140 masked %eq3A_299 : memref<200x32xf32, #tpu.memory_space<vmem>>[vector<16xi32>, vector<16xi32>], vector<16xf32>, vector<16xi1>
          }
          %scan3A_431 = arith.constant 32 : i32
        } else {
        }
        %get3A_314 = arith.constant 0 : i32
        %get3A_315 = tpu.memref_slice %arg5[%add3A_139, %get3A_314] : memref<8x200xi32, #tpu.memory_space<vmem>> -> memref<1x200xi32, #tpu.memory_space<vmem>>
        %get3A_316 = tpu.memref_squeeze %get3A_315 : memref<1x200xi32, #tpu.memory_space<vmem>> -> memref<200xi32, #tpu.memory_space<vmem>>
        %get3A_317 = arith.constant 128 : index
        %get3A_318 = tpu.vector_load %get3A_316[%get3A_317] {strides = array<i32>} : memref<200xi32, #tpu.memory_space<vmem>>, vector<16xi32>,
        %eq3A_319 = arith.constant 0 : i32
        %eq3A_320 = vector.broadcast %eq3A_319 : i32 to vector<16xi32>
        %eq3A_321 = arith.cmpi eq, %get3A_318, %eq3A_320 : vector<16xi32>
        %reduce_or3A_322 = arith.constant 1.000000e+00 : f32
        %reduce_or3A_323 = arith.constant 0.000000e+00 : f32
        %reduce_or3A_324 = vector.broadcast %reduce_or3A_322 : f32 to vector<16xf32>
        %reduce_or3A_325 = vector.broadcast %reduce_or3A_323 : f32 to vector<16xf32>
        %reduce_or3A_326 = arith.select %eq3A_321, %reduce_or3A_324, %reduce_or3A_325 : vector<16xi1>, vector<16xf32>
        %reduce_or3A_327 = arith.constant true
        %reduce_or3A_328 = vector.broadcast %reduce_or3A_327 : i1 to vector<16xi1>
        %reduce_or3A_329 = tpu.scan <max>, %reduce_or3A_326 masked %reduce_or3A_328 : vector<16xf32>, vector<16xi1> -> vector<16xf32>
        %reduce_or3A_330 = vector.extract %reduce_or3A_329[15] : f32 from vector<16xf32>
        %reduce_or3A_331 = arith.constant 0.000000e+00 : f32
        %reduce_or3A_332 = arith.cmpf ogt, %reduce_or3A_330, %reduce_or3A_331 : f32
        %convert_element_type3A_333 = arith.extui %reduce_or3A_332 : i1 to i32
        %cond3A_334 = arith.constant 0 : i32
        %cond3A_335 = arith.cmpi ne, %convert_element_type3A_333, %cond3A_334 : i32
        scf.if %cond3A_335 {
          %iota3A = tpu.iota {dimensions = array<i32: 0>} : vector<16xi32>
          %add3A_424 = arith.constant 128 : i32
          %add3A_425 = vector.broadcast %add3A_424 : i32 to vector<16xi32>
          %add3A_426 = arith.addi %iota3A, %add3A_425 : vector<16xi32>
          %scan3A_427 = arith.constant 0 : i32
          %scan3A_428 = arith.constant 32 : i32
          %scan3A_429 = arith.addi %scan3A_427, %scan3A_428 : i32
          %scan3A_430 = arith.constant 1 : i32
          scf.for %scan3A_432 = %scan3A_427 to %scan3A_429 step %scan3A_430  : i32 {
            %mul3A_433 = arith.constant 1 : i32
            %mul3A_434 = arith.muli %scan3A_432, %mul3A_433 : i32
            %add3A_435 = arith.constant 0 : i32
            %add3A_436 = arith.addi %add3A_435, %mul3A_434 : i32
            %broadcast_in_dim3A_437 = arith.constant 0 : i32
            %broadcast_in_dim3A_438 = vector.broadcast %broadcast_in_dim3A_437 : i32 to vector<16xi32>
            %add3A_439 = vector.broadcast %add3A_436 : i32 to vector<16xi32>
            %add3A_440 = arith.addi %broadcast_in_dim3A_438, %add3A_439 : vector<16xi32>
            %scatter3A = arith.constant 0 : i32
            %scatter3A_441 = arith.constant 0 : i32
            %scatter3A_442 = tpu.memref_slice %arg7[%add3A_139, %scatter3A, %scatter3A_441] : memref<8x200x32xf32, #tpu.memory_space<vmem>> -> memref<1x200x32xf32, #tpu.memory_space<vmem>>
            %scatter3A_443 = tpu.memref_squeeze %scatter3A_442 : memref<1x200x32xf32, #tpu.memory_space<vmem>> -> memref<200x32xf32, #tpu.memory_space<vmem>>
            tpu.vector_store_idx %scatter3A_443[%add3A_426, %add3A_440], %broadcast_in_dim3A_140 masked %eq3A_321 : memref<200x32xf32, #tpu.memory_space<vmem>>[vector<16xi32>, vector<16xi32>], vector<16xf32>, vector<16xi1>
          }
          %scan3A_431 = arith.constant 32 : i32
        } else {
        }
        %get3A_336 = arith.constant 0 : i32
        %get3A_337 = tpu.memref_slice %arg5[%add3A_139, %get3A_336] : memref<8x200xi32, #tpu.memory_space<vmem>> -> memref<1x200xi32, #tpu.memory_space<vmem>>
        %get3A_338 = tpu.memref_squeeze %get3A_337 : memref<1x200xi32, #tpu.memory_space<vmem>> -> memref<200xi32, #tpu.memory_space<vmem>>
        %get3A_339 = arith.constant 144 : index
        %get3A_340 = tpu.vector_load %get3A_338[%get3A_339] {strides = array<i32>} : memref<200xi32, #tpu.memory_space<vmem>>, vector<16xi32>,
        %eq3A_341 = arith.constant 0 : i32
        %eq3A_342 = vector.broadcast %eq3A_341 : i32 to vector<16xi32>
        %eq3A_343 = arith.cmpi eq, %get3A_340, %eq3A_342 : vector<16xi32>
        %reduce_or3A_344 = arith.constant 1.000000e+00 : f32
        %reduce_or3A_345 = arith.constant 0.000000e+00 : f32
        %reduce_or3A_346 = vector.broadcast %reduce_or3A_344 : f32 to vector<16xf32>
        %reduce_or3A_347 = vector.broadcast %reduce_or3A_345 : f32 to vector<16xf32>
        %reduce_or3A_348 = arith.select %eq3A_343, %reduce_or3A_346, %reduce_or3A_347 : vector<16xi1>, vector<16xf32>
        %reduce_or3A_349 = arith.constant true
        %reduce_or3A_350 = vector.broadcast %reduce_or3A_349 : i1 to vector<16xi1>
        %reduce_or3A_351 = tpu.scan <max>, %reduce_or3A_348 masked %reduce_or3A_350 : vector<16xf32>, vector<16xi1> -> vector<16xf32>
        %reduce_or3A_352 = vector.extract %reduce_or3A_351[15] : f32 from vector<16xf32>
        %reduce_or3A_353 = arith.constant 0.000000e+00 : f32
        %reduce_or3A_354 = arith.cmpf ogt, %reduce_or3A_352, %reduce_or3A_353 : f32
        %convert_element_type3A_355 = arith.extui %reduce_or3A_354 : i1 to i32
        %cond3A_356 = arith.constant 0 : i32
        %cond3A_357 = arith.cmpi ne, %convert_element_type3A_355, %cond3A_356 : i32
        scf.if %cond3A_357 {
          %iota3A = tpu.iota {dimensions = array<i32: 0>} : vector<16xi32>
          %add3A_424 = arith.constant 144 : i32
          %add3A_425 = vector.broadcast %add3A_424 : i32 to vector<16xi32>
          %add3A_426 = arith.addi %iota3A, %add3A_425 : vector<16xi32>
          %scan3A_427 = arith.constant 0 : i32
          %scan3A_428 = arith.constant 32 : i32
          %scan3A_429 = arith.addi %scan3A_427, %scan3A_428 : i32
          %scan3A_430 = arith.constant 1 : i32
          scf.for %scan3A_432 = %scan3A_427 to %scan3A_429 step %scan3A_430  : i32 {
            %mul3A_433 = arith.constant 1 : i32
            %mul3A_434 = arith.muli %scan3A_432, %mul3A_433 : i32
            %add3A_435 = arith.constant 0 : i32
            %add3A_436 = arith.addi %add3A_435, %mul3A_434 : i32
            %broadcast_in_dim3A_437 = arith.constant 0 : i32
            %broadcast_in_dim3A_438 = vector.broadcast %broadcast_in_dim3A_437 : i32 to vector<16xi32>
            %add3A_439 = vector.broadcast %add3A_436 : i32 to vector<16xi32>
            %add3A_440 = arith.addi %broadcast_in_dim3A_438, %add3A_439 : vector<16xi32>
            %scatter3A = arith.constant 0 : i32
            %scatter3A_441 = arith.constant 0 : i32
            %scatter3A_442 = tpu.memref_slice %arg7[%add3A_139, %scatter3A, %scatter3A_441] : memref<8x200x32xf32, #tpu.memory_space<vmem>> -> memref<1x200x32xf32, #tpu.memory_space<vmem>>
            %scatter3A_443 = tpu.memref_squeeze %scatter3A_442 : memref<1x200x32xf32, #tpu.memory_space<vmem>> -> memref<200x32xf32, #tpu.memory_space<vmem>>
            tpu.vector_store_idx %scatter3A_443[%add3A_426, %add3A_440], %broadcast_in_dim3A_140 masked %eq3A_343 : memref<200x32xf32, #tpu.memory_space<vmem>>[vector<16xi32>, vector<16xi32>], vector<16xf32>, vector<16xi1>
          }
          %scan3A_431 = arith.constant 32 : i32
        } else {
        }
        %get3A_358 = arith.constant 0 : i32
        %get3A_359 = tpu.memref_slice %arg5[%add3A_139, %get3A_358] : memref<8x200xi32, #tpu.memory_space<vmem>> -> memref<1x200xi32, #tpu.memory_space<vmem>>
        %get3A_360 = tpu.memref_squeeze %get3A_359 : memref<1x200xi32, #tpu.memory_space<vmem>> -> memref<200xi32, #tpu.memory_space<vmem>>
        %get3A_361 = arith.constant 160 : index
        %get3A_362 = tpu.vector_load %get3A_360[%get3A_361] {strides = array<i32>} : memref<200xi32, #tpu.memory_space<vmem>>, vector<16xi32>,
        %eq3A_363 = arith.constant 0 : i32
        %eq3A_364 = vector.broadcast %eq3A_363 : i32 to vector<16xi32>
        %eq3A_365 = arith.cmpi eq, %get3A_362, %eq3A_364 : vector<16xi32>
        %reduce_or3A_366 = arith.constant 1.000000e+00 : f32
        %reduce_or3A_367 = arith.constant 0.000000e+00 : f32
        %reduce_or3A_368 = vector.broadcast %reduce_or3A_366 : f32 to vector<16xf32>
        %reduce_or3A_369 = vector.broadcast %reduce_or3A_367 : f32 to vector<16xf32>
        %reduce_or3A_370 = arith.select %eq3A_365, %reduce_or3A_368, %reduce_or3A_369 : vector<16xi1>, vector<16xf32>
        %reduce_or3A_371 = arith.constant true
        %reduce_or3A_372 = vector.broadcast %reduce_or3A_371 : i1 to vector<16xi1>
        %reduce_or3A_373 = tpu.scan <max>, %reduce_or3A_370 masked %reduce_or3A_372 : vector<16xf32>, vector<16xi1> -> vector<16xf32>
        %reduce_or3A_374 = vector.extract %reduce_or3A_373[15] : f32 from vector<16xf32>
        %reduce_or3A_375 = arith.constant 0.000000e+00 : f32
        %reduce_or3A_376 = arith.cmpf ogt, %reduce_or3A_374, %reduce_or3A_375 : f32
        %convert_element_type3A_377 = arith.extui %reduce_or3A_376 : i1 to i32
        %cond3A_378 = arith.constant 0 : i32
        %cond3A_379 = arith.cmpi ne, %convert_element_type3A_377, %cond3A_378 : i32
        scf.if %cond3A_379 {
          %iota3A = tpu.iota {dimensions = array<i32: 0>} : vector<16xi32>
          %add3A_424 = arith.constant 160 : i32
          %add3A_425 = vector.broadcast %add3A_424 : i32 to vector<16xi32>
          %add3A_426 = arith.addi %iota3A, %add3A_425 : vector<16xi32>
          %scan3A_427 = arith.constant 0 : i32
          %scan3A_428 = arith.constant 32 : i32
          %scan3A_429 = arith.addi %scan3A_427, %scan3A_428 : i32
          %scan3A_430 = arith.constant 1 : i32
          scf.for %scan3A_432 = %scan3A_427 to %scan3A_429 step %scan3A_430  : i32 {
            %mul3A_433 = arith.constant 1 : i32
            %mul3A_434 = arith.muli %scan3A_432, %mul3A_433 : i32
            %add3A_435 = arith.constant 0 : i32
            %add3A_436 = arith.addi %add3A_435, %mul3A_434 : i32
            %broadcast_in_dim3A_437 = arith.constant 0 : i32
            %broadcast_in_dim3A_438 = vector.broadcast %broadcast_in_dim3A_437 : i32 to vector<16xi32>
            %add3A_439 = vector.broadcast %add3A_436 : i32 to vector<16xi32>
            %add3A_440 = arith.addi %broadcast_in_dim3A_438, %add3A_439 : vector<16xi32>
            %scatter3A = arith.constant 0 : i32
            %scatter3A_441 = arith.constant 0 : i32
            %scatter3A_442 = tpu.memref_slice %arg7[%add3A_139, %scatter3A, %scatter3A_441] : memref<8x200x32xf32, #tpu.memory_space<vmem>> -> memref<1x200x32xf32, #tpu.memory_space<vmem>>
            %scatter3A_443 = tpu.memref_squeeze %scatter3A_442 : memref<1x200x32xf32, #tpu.memory_space<vmem>> -> memref<200x32xf32, #tpu.memory_space<vmem>>
            tpu.vector_store_idx %scatter3A_443[%add3A_426, %add3A_440], %broadcast_in_dim3A_140 masked %eq3A_365 : memref<200x32xf32, #tpu.memory_space<vmem>>[vector<16xi32>, vector<16xi32>], vector<16xf32>, vector<16xi1>
          }
          %scan3A_431 = arith.constant 32 : i32
        } else {
        }
        %get3A_380 = arith.constant 0 : i32
        %get3A_381 = tpu.memref_slice %arg5[%add3A_139, %get3A_380] : memref<8x200xi32, #tpu.memory_space<vmem>> -> memref<1x200xi32, #tpu.memory_space<vmem>>
        %get3A_382 = tpu.memref_squeeze %get3A_381 : memref<1x200xi32, #tpu.memory_space<vmem>> -> memref<200xi32, #tpu.memory_space<vmem>>
        %get3A_383 = arith.constant 176 : index
        %get3A_384 = tpu.vector_load %get3A_382[%get3A_383] {strides = array<i32>} : memref<200xi32, #tpu.memory_space<vmem>>, vector<16xi32>,
        %eq3A_385 = arith.constant 0 : i32
        %eq3A_386 = vector.broadcast %eq3A_385 : i32 to vector<16xi32>
        %eq3A_387 = arith.cmpi eq, %get3A_384, %eq3A_386 : vector<16xi32>
        %reduce_or3A_388 = arith.constant 1.000000e+00 : f32
        %reduce_or3A_389 = arith.constant 0.000000e+00 : f32
        %reduce_or3A_390 = vector.broadcast %reduce_or3A_388 : f32 to vector<16xf32>
        %reduce_or3A_391 = vector.broadcast %reduce_or3A_389 : f32 to vector<16xf32>
        %reduce_or3A_392 = arith.select %eq3A_387, %reduce_or3A_390, %reduce_or3A_391 : vector<16xi1>, vector<16xf32>
        %reduce_or3A_393 = arith.constant true
        %reduce_or3A_394 = vector.broadcast %reduce_or3A_393 : i1 to vector<16xi1>
        %reduce_or3A_395 = tpu.scan <max>, %reduce_or3A_392 masked %reduce_or3A_394 : vector<16xf32>, vector<16xi1> -> vector<16xf32>
        %reduce_or3A_396 = vector.extract %reduce_or3A_395[15] : f32 from vector<16xf32>
        %reduce_or3A_397 = arith.constant 0.000000e+00 : f32
        %reduce_or3A_398 = arith.cmpf ogt, %reduce_or3A_396, %reduce_or3A_397 : f32
        %convert_element_type3A_399 = arith.extui %reduce_or3A_398 : i1 to i32
        %cond3A_400 = arith.constant 0 : i32
        %cond3A_401 = arith.cmpi ne, %convert_element_type3A_399, %cond3A_400 : i32
        scf.if %cond3A_401 {
          %iota3A = tpu.iota {dimensions = array<i32: 0>} : vector<16xi32>
          %add3A_424 = arith.constant 176 : i32
          %add3A_425 = vector.broadcast %add3A_424 : i32 to vector<16xi32>
          %add3A_426 = arith.addi %iota3A, %add3A_425 : vector<16xi32>
          %scan3A_427 = arith.constant 0 : i32
          %scan3A_428 = arith.constant 32 : i32
          %scan3A_429 = arith.addi %scan3A_427, %scan3A_428 : i32
          %scan3A_430 = arith.constant 1 : i32
          scf.for %scan3A_432 = %scan3A_427 to %scan3A_429 step %scan3A_430  : i32 {
            %mul3A_433 = arith.constant 1 : i32
            %mul3A_434 = arith.muli %scan3A_432, %mul3A_433 : i32
            %add3A_435 = arith.constant 0 : i32
            %add3A_436 = arith.addi %add3A_435, %mul3A_434 : i32
            %broadcast_in_dim3A_437 = arith.constant 0 : i32
            %broadcast_in_dim3A_438 = vector.broadcast %broadcast_in_dim3A_437 : i32 to vector<16xi32>
            %add3A_439 = vector.broadcast %add3A_436 : i32 to vector<16xi32>
            %add3A_440 = arith.addi %broadcast_in_dim3A_438, %add3A_439 : vector<16xi32>
            %scatter3A = arith.constant 0 : i32
            %scatter3A_441 = arith.constant 0 : i32
            %scatter3A_442 = tpu.memref_slice %arg7[%add3A_139, %scatter3A, %scatter3A_441] : memref<8x200x32xf32, #tpu.memory_space<vmem>> -> memref<1x200x32xf32, #tpu.memory_space<vmem>>
            %scatter3A_443 = tpu.memref_squeeze %scatter3A_442 : memref<1x200x32xf32, #tpu.memory_space<vmem>> -> memref<200x32xf32, #tpu.memory_space<vmem>>
            tpu.vector_store_idx %scatter3A_443[%add3A_426, %add3A_440], %broadcast_in_dim3A_140 masked %eq3A_387 : memref<200x32xf32, #tpu.memory_space<vmem>>[vector<16xi32>, vector<16xi32>], vector<16xf32>, vector<16xi1>
          }
          %scan3A_431 = arith.constant 32 : i32
        } else {
        }
        %get3A_402 = arith.constant 0 : i32
        %get3A_403 = tpu.memref_slice %arg5[%add3A_139, %get3A_402] : memref<8x200xi32, #tpu.memory_space<vmem>> -> memref<1x200xi32, #tpu.memory_space<vmem>>
        %get3A_404 = tpu.memref_squeeze %get3A_403 : memref<1x200xi32, #tpu.memory_space<vmem>> -> memref<200xi32, #tpu.memory_space<vmem>>
        %get3A_405 = arith.constant 184 : index
        %get3A_406 = tpu.vector_load %get3A_404[%get3A_405] {strides = array<i32>} : memref<200xi32, #tpu.memory_space<vmem>>, vector<16xi32>,
        %eq3A_407 = arith.constant 0 : i32
        %eq3A_408 = vector.broadcast %eq3A_407 : i32 to vector<16xi32>
        %eq3A_409 = arith.cmpi eq, %get3A_406, %eq3A_408 : vector<16xi32>
        %reduce_or3A_410 = arith.constant 1.000000e+00 : f32
        %reduce_or3A_411 = arith.constant 0.000000e+00 : f32
        %reduce_or3A_412 = vector.broadcast %reduce_or3A_410 : f32 to vector<16xf32>
        %reduce_or3A_413 = vector.broadcast %reduce_or3A_411 : f32 to vector<16xf32>
        %reduce_or3A_414 = arith.select %eq3A_409, %reduce_or3A_412, %reduce_or3A_413 : vector<16xi1>, vector<16xf32>
        %reduce_or3A_415 = arith.constant true
        %reduce_or3A_416 = vector.broadcast %reduce_or3A_415 : i1 to vector<16xi1>
        %reduce_or3A_417 = tpu.scan <max>, %reduce_or3A_414 masked %reduce_or3A_416 : vector<16xf32>, vector<16xi1> -> vector<16xf32>
        %reduce_or3A_418 = vector.extract %reduce_or3A_417[15] : f32 from vector<16xf32>
        %reduce_or3A_419 = arith.constant 0.000000e+00 : f32
        %reduce_or3A_420 = arith.cmpf ogt, %reduce_or3A_418, %reduce_or3A_419 : f32
        %convert_element_type3A_421 = arith.extui %reduce_or3A_420 : i1 to i32
        %cond3A_422 = arith.constant 0 : i32
        %cond3A_423 = arith.cmpi ne, %convert_element_type3A_421, %cond3A_422 : i32
        scf.if %cond3A_423 {
          %iota3A = tpu.iota {dimensions = array<i32: 0>} : vector<16xi32>
          %add3A_424 = arith.constant 184 : i32
          %add3A_425 = vector.broadcast %add3A_424 : i32 to vector<16xi32>
          %add3A_426 = arith.addi %iota3A, %add3A_425 : vector<16xi32>
          %scan3A_427 = arith.constant 0 : i32
          %scan3A_428 = arith.constant 32 : i32
          %scan3A_429 = arith.addi %scan3A_427, %scan3A_428 : i32
          %scan3A_430 = arith.constant 1 : i32
          scf.for %scan3A_432 = %scan3A_427 to %scan3A_429 step %scan3A_430  : i32 {
            %mul3A_433 = arith.constant 1 : i32
            %mul3A_434 = arith.muli %scan3A_432, %mul3A_433 : i32
            %add3A_435 = arith.constant 0 : i32
            %add3A_436 = arith.addi %add3A_435, %mul3A_434 : i32
            %broadcast_in_dim3A_437 = arith.constant 0 : i32
            %broadcast_in_dim3A_438 = vector.broadcast %broadcast_in_dim3A_437 : i32 to vector<16xi32>
            %add3A_439 = vector.broadcast %add3A_436 : i32 to vector<16xi32>
            %add3A_440 = arith.addi %broadcast_in_dim3A_438, %add3A_439 : vector<16xi32>
            %scatter3A = arith.constant 0 : i32
            %scatter3A_441 = arith.constant 0 : i32
            %scatter3A_442 = tpu.memref_slice %arg7[%add3A_139, %scatter3A, %scatter3A_441] : memref<8x200x32xf32, #tpu.memory_space<vmem>> -> memref<1x200x32xf32, #tpu.memory_space<vmem>>
            %scatter3A_443 = tpu.memref_squeeze %scatter3A_442 : memref<1x200x32xf32, #tpu.memory_space<vmem>> -> memref<200x32xf32, #tpu.memory_space<vmem>>
            tpu.vector_store_idx %scatter3A_443[%add3A_426, %add3A_440], %broadcast_in_dim3A_140 masked %eq3A_409 : memref<200x32xf32, #tpu.memory_space<vmem>>[vector<16xi32>, vector<16xi32>], vector<16xf32>, vector<16xi1>
          }
          %scan3A_431 = arith.constant 32 : i32
        } else {
        }
      }
      %scan3A_69 = arith.constant 8 : i32
      %add3A_70 = arith.constant 2 : i32
      %add3A_71 = arith.addi %add3A_44, %add3A_70 : i32
      %lt3A_72 = arith.constant 16 : i32
      %lt3A_73 = arith.cmpi slt, %add3A_71, %lt3A_72 : i32
      %convert_element_type3A_74 = arith.extui %lt3A_73 : i1 to i32
      %cond3A_75 = arith.constant 0 : i32
      %cond3A_76 = arith.cmpi ne, %convert_element_type3A_74, %cond3A_75 : i32
      scf.if %cond3A_76 {
        %add3A_135 = arith.constant 2 : i32
        %add3A_136 = arith.addi %add3A_44, %add3A_135 : i32
        %mul3A_137 = arith.constant 8 : i32
        %mul3A_138 = arith.muli %add3A_136, %mul3A_137 : i32
        %add3A_139 = arith.addi %mul3A_2, %mul3A_138 : i32
        %dma_start3A_140 = arith.constant 0 : i32
        %dma_start3A_141 = tpu.memref_slice %arg3[%add3A_139, %dma_start3A_140] : memref<4096x200xi32, #tpu.memory_space<hbm>> -> memref<8x200xi32, #tpu.memory_space<hbm>>
        %dma_start3A_142 = arith.constant 0 : i32
        %dma_start3A_143 = tpu.memref_slice %arg3[%add3A_139, %dma_start3A_142] : memref<4096x200xi32, #tpu.memory_space<hbm>> -> memref<8x200xi32, #tpu.memory_space<hbm>>
        tpu.enqueue_dma source(%dma_start3A_143 : memref<8x200xi32, #tpu.memory_space<hbm>>) target(%arg5 : memref<8x200xi32, #tpu.memory_space<vmem>>) target_semaphore(%arg9 : memref<!tpu.dma_semaphore, #tpu.memory_space<semaphore_mem>>)
      } else {
      }
      %mul3A_77 = arith.constant 8 : i32
      %mul3A_78 = arith.muli %add3A_44, %mul3A_77 : i32
      %add3A_79 = arith.addi %mul3A_2, %mul3A_78 : i32
      %dma_start3A_80 = arith.constant 0 : i32
      %dma_start3A_81 = arith.constant 0 : i32
      %dma_start3A_82 = tpu.memref_slice %arg4[%add3A_79, %dma_start3A_80, %dma_start3A_81] : memref<4096x200x32xf32, #tpu.memory_space<hbm>> -> memref<8x200x32xf32, #tpu.memory_space<hbm>>
      %dma_start3A_83 = arith.constant 0 : i32
      %dma_start3A_84 = arith.constant 0 : i32
      %dma_start3A_85 = tpu.memref_slice %arg4[%add3A_79, %dma_start3A_83, %dma_start3A_84] : memref<4096x200x32xf32, #tpu.memory_space<hbm>> -> memref<8x200x32xf32, #tpu.memory_space<hbm>>
      tpu.enqueue_dma source(%arg7 : memref<8x200x32xf32, #tpu.memory_space<vmem>>) target(%dma_start3A_85 : memref<8x200x32xf32, #tpu.memory_space<hbm>>) target_semaphore(%arg13 : memref<!tpu.dma_semaphore, #tpu.memory_space<semaphore_mem>>)
      %mul3A_86 = arith.constant 2 : i32
      %mul3A_87 = arith.muli %mul3A_86, %add3A_40 : i32
      %add3A_88 = arith.constant 1 : i32
      %add3A_89 = arith.addi %mul3A_87, %add3A_88 : i32
      %add3A_90 = arith.constant 1 : i32
      %add3A_91 = arith.addi %add3A_89, %add3A_90 : i32
      %lt3A_92 = arith.constant 16 : i32
      %lt3A_93 = arith.cmpi slt, %add3A_91, %lt3A_92 : i32
      %convert_element_type3A_94 = arith.extui %lt3A_93 : i1 to i32
      %cond3A_95 = arith.constant 0 : i32
      %cond3A_96 = arith.cmpi ne, %convert_element_type3A_94, %cond3A_95 : i32
      scf.if %cond3A_96 {
        %dma_wait3A_135 = arith.constant 0 : i32
        %dma_wait3A_136 = arith.constant 0 : i32
        %dma_wait3A_137 = tpu.memref_slice %arg3[%dma_wait3A_135, %dma_wait3A_136] : memref<4096x200xi32, #tpu.memory_space<hbm>> -> memref<8x200xi32, #tpu.memory_space<hbm>>
        %dma_wait3A_138 = arith.constant 0 : i32
        %dma_wait3A_139 = arith.constant 0 : i32
        %dma_wait3A_140 = tpu.memref_slice %arg3[%dma_wait3A_138, %dma_wait3A_139] : memref<4096x200xi32, #tpu.memory_space<hbm>> -> memref<8x200xi32, #tpu.memory_space<hbm>>
        tpu.wait_dma2 semaphore(%arg9 : memref<!tpu.dma_semaphore, #tpu.memory_space<semaphore_mem>>) src(%dma_wait3A_140 : memref<8x200xi32, #tpu.memory_space<hbm>>) dst(%arg5 : memref<8x200xi32, #tpu.memory_space<vmem>>)
      } else {
      }
      %ge3A_97 = arith.constant 1 : i32
      %ge3A_98 = arith.cmpi sge, %add3A_89, %ge3A_97 : i32
      %convert_element_type3A_99 = arith.extui %ge3A_98 : i1 to i32
      %cond3A_100 = arith.constant 0 : i32
      %cond3A_101 = arith.cmpi ne, %convert_element_type3A_99, %cond3A_100 : i32
      scf.if %cond3A_101 {
        %dma_wait3A_135 = arith.constant 0 : i32
        %dma_wait3A_136 = arith.constant 0 : i32
        %dma_wait3A_137 = arith.constant 0 : i32
        %dma_wait3A_138 = tpu.memref_slice %arg4[%dma_wait3A_135, %dma_wait3A_136, %dma_wait3A_137] : memref<4096x200x32xf32, #tpu.memory_space<hbm>> -> memref<8x200x32xf32, #tpu.memory_space<hbm>>
        %dma_wait3A_139 = arith.constant 0 : i32
        %dma_wait3A_140 = arith.constant 0 : i32
        %dma_wait3A_141 = arith.constant 0 : i32
        %dma_wait3A_142 = tpu.memref_slice %arg4[%dma_wait3A_139, %dma_wait3A_140, %dma_wait3A_141] : memref<4096x200x32xf32, #tpu.memory_space<hbm>> -> memref<8x200x32xf32, #tpu.memory_space<hbm>>
        tpu.wait_dma2 semaphore(%arg13 : memref<!tpu.dma_semaphore, #tpu.memory_space<semaphore_mem>>) src(%arg7 : memref<8x200x32xf32, #tpu.memory_space<vmem>>) dst(%dma_wait3A_142 : memref<8x200x32xf32, #tpu.memory_space<hbm>>)
      } else {
      }
      %add3A_102 = arith.constant 1 : i32
      %add3A_103 = arith.addi %add3A_89, %add3A_102 : i32
      %lt3A_104 = arith.constant 16 : i32
      %lt3A_105 = arith.cmpi slt, %add3A_103, %lt3A_104 : i32
      %convert_element_type3A_106 = arith.extui %lt3A_105 : i1 to i32
      %cond3A_107 = arith.constant 0 : i32
      %cond3A_108 = arith.cmpi ne, %convert_element_type3A_106, %cond3A_107 : i32
      scf.if %cond3A_108 {
        %scan3A_135 = arith.constant 0 : i32
        %scan3A_136 = arith.constant 8 : i32
        %scan3A_137 = arith.addi %scan3A_135, %scan3A_136 : i32
        %scan3A_138 = arith.constant 1 : i32
        scf.for %scan3A_140 = %scan3A_135 to %scan3A_137 step %scan3A_138  : i32 {
          %mul3A_141 = arith.constant 1 : i32
          %mul3A_142 = arith.muli %scan3A_140, %mul3A_141 : i32
          %add3A_143 = arith.constant 0 : i32
          %add3A_144 = arith.addi %add3A_143, %mul3A_142 : i32
          %dma_start3A_145 = arith.constant 0 : i32
          %dma_start3A_146 = arith.constant 0 : i32
          %dma_start3A_147 = tpu.memref_slice %arg7[%add3A_144, %dma_start3A_145, %dma_start3A_146] : memref<8x200x32xf32, #tpu.memory_space<vmem>> -> memref<1x128x32xf32, #tpu.memory_space<vmem>>
          %dma_start3A_148 = tpu.memref_squeeze %dma_start3A_147 : memref<1x128x32xf32, #tpu.memory_space<vmem>> -> memref<128x32xf32, #tpu.memory_space<vmem>>
          %dma_start3A_149 = arith.constant 0 : i32
          %dma_start3A_150 = tpu.memref_slice %arg5[%add3A_144, %dma_start3A_149] : memref<8x200xi32, #tpu.memory_space<vmem>> -> memref<1x128xi32, #tpu.memory_space<vmem>>
          %dma_start3A_151 = tpu.memref_squeeze %dma_start3A_150 : memref<1x128xi32, #tpu.memory_space<vmem>> -> memref<128xi32, #tpu.memory_space<vmem>>
          %dma_start3A_152 = arith.constant 0 : i32
          %dma_start3A_153 = arith.constant 0 : i32
          %dma_start3A_154 = tpu.memref_slice %arg2[%dma_start3A_152, %dma_start3A_153] : memref<1000000x32xf32, #tpu.memory_space<hbm>> -> memref<1000000x32xf32, #tpu.memory_space<hbm>>
          tpu.enqueue_indirect_dma source(%dma_start3A_154 : memref<1000000x32xf32, #tpu.memory_space<hbm>>) target(%dma_start3A_148 : memref<128x32xf32, #tpu.memory_space<vmem>>) offsets(%dma_start3A_151 : memref<128xi32, #tpu.memory_space<vmem>>) semaphore(%arg11 : memref<!tpu.dma_semaphore, #tpu.memory_space<semaphore_mem>>)
          %dma_start3A_155 = arith.constant 128 : i32
          %dma_start3A_156 = arith.constant 0 : i32
          %dma_start3A_157 = tpu.memref_slice %arg7[%add3A_144, %dma_start3A_155, %dma_start3A_156] : memref<8x200x32xf32, #tpu.memory_space<vmem>> -> memref<1x72x32xf32, #tpu.memory_space<vmem>>
          %dma_start3A_158 = tpu.memref_squeeze %dma_start3A_157 : memref<1x72x32xf32, #tpu.memory_space<vmem>> -> memref<72x32xf32, #tpu.memory_space<vmem>>
          %dma_start3A_159 = arith.constant 128 : i32
          %dma_start3A_160 = tpu.memref_slice %arg5[%add3A_144, %dma_start3A_159] : memref<8x200xi32, #tpu.memory_space<vmem>> -> memref<1x72xi32, #tpu.memory_space<vmem>>
          %dma_start3A_161 = tpu.memref_squeeze %dma_start3A_160 : memref<1x72xi32, #tpu.memory_space<vmem>> -> memref<72xi32, #tpu.memory_space<vmem>>
          %dma_start3A_162 = arith.constant 0 : i32
          %dma_start3A_163 = arith.constant 0 : i32
          %dma_start3A_164 = tpu.memref_slice %arg2[%dma_start3A_162, %dma_start3A_163] : memref<1000000x32xf32, #tpu.memory_space<hbm>> -> memref<1000000x32xf32, #tpu.memory_space<hbm>>
          tpu.enqueue_indirect_dma source(%dma_start3A_164 : memref<1000000x32xf32, #tpu.memory_space<hbm>>) target(%dma_start3A_158 : memref<72x32xf32, #tpu.memory_space<vmem>>) offsets(%dma_start3A_161 : memref<72xi32, #tpu.memory_space<vmem>>) semaphore(%arg11 : memref<!tpu.dma_semaphore, #tpu.memory_space<semaphore_mem>>)
        }
        %scan3A_139 = arith.constant 8 : i32
      } else {
      }
      %scan3A_109 = arith.constant 0 : i32
      %scan3A_110 = arith.constant 8 : i32
      %scan3A_111 = arith.addi %scan3A_109, %scan3A_110 : i32
      %scan3A_112 = arith.constant 1 : i32
      scf.for %scan3A_135 = %scan3A_109 to %scan3A_111 step %scan3A_112  : i32 {
        %mul3A_136 = arith.constant 1 : i32
        %mul3A_137 = arith.muli %scan3A_135, %mul3A_136 : i32
        %add3A_138 = arith.constant 0 : i32
        %add3A_139 = arith.addi %add3A_138, %mul3A_137 : i32
        %dma_wait3A_140 = arith.constant 0 : i32
        %dma_wait3A_141 = arith.constant 0 : i32
        %dma_wait3A_142 = tpu.memref_slice %arg8[%add3A_139, %dma_wait3A_140, %dma_wait3A_141] : memref<8x200x32xf32, #tpu.memory_space<vmem>> -> memref<1x128x32xf32, #tpu.memory_space<vmem>>
        %dma_wait3A_143 = tpu.memref_squeeze %dma_wait3A_142 : memref<1x128x32xf32, #tpu.memory_space<vmem>> -> memref<128x32xf32, #tpu.memory_space<vmem>>
        %dma_wait3A_144 = arith.constant 0 : i32
        %dma_wait3A_145 = tpu.memref_slice %arg6[%add3A_139, %dma_wait3A_144] : memref<8x200xi32, #tpu.memory_space<vmem>> -> memref<1x128xi32, #tpu.memory_space<vmem>>
        %dma_wait3A_146 = tpu.memref_squeeze %dma_wait3A_145 : memref<1x128xi32, #tpu.memory_space<vmem>> -> memref<128xi32, #tpu.memory_space<vmem>>
        %dma_wait3A_147 = arith.constant 0 : i32
        %dma_wait3A_148 = arith.constant 0 : i32
        %dma_wait3A_149 = tpu.memref_slice %arg2[%dma_wait3A_147, %dma_wait3A_148] : memref<1000000x32xf32, #tpu.memory_space<hbm>> -> memref<1000000x32xf32, #tpu.memory_space<hbm>>
        tpu.wait_indirect_dma semaphore(%arg12 : memref<!tpu.dma_semaphore, #tpu.memory_space<semaphore_mem>>) src(%dma_wait3A_149 : memref<1000000x32xf32, #tpu.memory_space<hbm>>) dst(%dma_wait3A_143 : memref<128x32xf32, #tpu.memory_space<vmem>>)
        %dma_wait3A_150 = arith.constant 128 : i32
        %dma_wait3A_151 = arith.constant 0 : i32
        %dma_wait3A_152 = tpu.memref_slice %arg8[%add3A_139, %dma_wait3A_150, %dma_wait3A_151] : memref<8x200x32xf32, #tpu.memory_space<vmem>> -> memref<1x72x32xf32, #tpu.memory_space<vmem>>
        %dma_wait3A_153 = tpu.memref_squeeze %dma_wait3A_152 : memref<1x72x32xf32, #tpu.memory_space<vmem>> -> memref<72x32xf32, #tpu.memory_space<vmem>>
        %dma_wait3A_154 = arith.constant 128 : i32
        %dma_wait3A_155 = tpu.memref_slice %arg6[%add3A_139, %dma_wait3A_154] : memref<8x200xi32, #tpu.memory_space<vmem>> -> memref<1x72xi32, #tpu.memory_space<vmem>>
        %dma_wait3A_156 = tpu.memref_squeeze %dma_wait3A_155 : memref<1x72xi32, #tpu.memory_space<vmem>> -> memref<72xi32, #tpu.memory_space<vmem>>
        %dma_wait3A_157 = arith.constant 0 : i32
        %dma_wait3A_158 = arith.constant 0 : i32
        %dma_wait3A_159 = tpu.memref_slice %arg2[%dma_wait3A_157, %dma_wait3A_158] : memref<1000000x32xf32, #tpu.memory_space<hbm>> -> memref<1000000x32xf32, #tpu.memory_space<hbm>>
        tpu.wait_indirect_dma semaphore(%arg12 : memref<!tpu.dma_semaphore, #tpu.memory_space<semaphore_mem>>) src(%dma_wait3A_159 : memref<1000000x32xf32, #tpu.memory_space<hbm>>) dst(%dma_wait3A_153 : memref<72x32xf32, #tpu.memory_space<vmem>>)
      }
      %scan3A_113 = arith.constant 8 : i32
      %scan3A_114 = arith.constant 0 : i32
      %scan3A_115 = arith.constant 8 : i32
      %scan3A_116 = arith.addi %scan3A_114, %scan3A_115 : i32
      %scan3A_117 = arith.constant 1 : i32
      scf.for %scan3A_135 = %scan3A_114 to %scan3A_116 step %scan3A_117  : i32 {
        %mul3A_136 = arith.constant 1 : i32
        %mul3A_137 = arith.muli %scan3A_135, %mul3A_136 : i32
        %add3A_138 = arith.constant 0 : i32
        %add3A_139 = arith.addi %add3A_138, %mul3A_137 : i32
        %broadcast_in_dim3A = arith.constant 0.000000e+00 : f32
        %broadcast_in_dim3A_140 = vector.broadcast %broadcast_in_dim3A : f32 to vector<16xf32>
        %get3A = arith.constant 0 : i32
        %get3A_141 = tpu.memref_slice %arg6[%add3A_139, %get3A] : memref<8x200xi32, #tpu.memory_space<vmem>> -> memref<1x200xi32, #tpu.memory_space<vmem>>
        %get3A_142 = tpu.memref_squeeze %get3A_141 : memref<1x200xi32, #tpu.memory_space<vmem>> -> memref<200xi32, #tpu.memory_space<vmem>>
        %get3A_143 = arith.constant 0 : index
        %get3A_144 = tpu.vector_load %get3A_142[%get3A_143] {strides = array<i32>} : memref<200xi32, #tpu.memory_space<vmem>>, vector<16xi32>,
        %eq3A = arith.constant 0 : i32
        %eq3A_145 = vector.broadcast %eq3A : i32 to vector<16xi32>
        %eq3A_146 = arith.cmpi eq, %get3A_144, %eq3A_145 : vector<16xi32>
        %reduce_or3A = arith.constant 1.000000e+00 : f32
        %reduce_or3A_147 = arith.constant 0.000000e+00 : f32
        %reduce_or3A_148 = vector.broadcast %reduce_or3A : f32 to vector<16xf32>
        %reduce_or3A_149 = vector.broadcast %reduce_or3A_147 : f32 to vector<16xf32>
        %reduce_or3A_150 = arith.select %eq3A_146, %reduce_or3A_148, %reduce_or3A_149 : vector<16xi1>, vector<16xf32>
        %reduce_or3A_151 = arith.constant true
        %reduce_or3A_152 = vector.broadcast %reduce_or3A_151 : i1 to vector<16xi1>
        %reduce_or3A_153 = tpu.scan <max>, %reduce_or3A_150 masked %reduce_or3A_152 : vector<16xf32>, vector<16xi1> -> vector<16xf32>
        %reduce_or3A_154 = vector.extract %reduce_or3A_153[15] : f32 from vector<16xf32>
        %reduce_or3A_155 = arith.constant 0.000000e+00 : f32
        %reduce_or3A_156 = arith.cmpf ogt, %reduce_or3A_154, %reduce_or3A_155 : f32
        %convert_element_type3A_157 = arith.extui %reduce_or3A_156 : i1 to i32
        %cond3A_158 = arith.constant 0 : i32
        %cond3A_159 = arith.cmpi ne, %convert_element_type3A_157, %cond3A_158 : i32
        scf.if %cond3A_159 {
          %iota3A = tpu.iota {dimensions = array<i32: 0>} : vector<16xi32>
          %add3A_424 = arith.constant 0 : i32
          %add3A_425 = vector.broadcast %add3A_424 : i32 to vector<16xi32>
          %add3A_426 = arith.addi %iota3A, %add3A_425 : vector<16xi32>
          %scan3A_427 = arith.constant 0 : i32
          %scan3A_428 = arith.constant 32 : i32
          %scan3A_429 = arith.addi %scan3A_427, %scan3A_428 : i32
          %scan3A_430 = arith.constant 1 : i32
          scf.for %scan3A_432 = %scan3A_427 to %scan3A_429 step %scan3A_430  : i32 {
            %mul3A_433 = arith.constant 1 : i32
            %mul3A_434 = arith.muli %scan3A_432, %mul3A_433 : i32
            %add3A_435 = arith.constant 0 : i32
            %add3A_436 = arith.addi %add3A_435, %mul3A_434 : i32
            %broadcast_in_dim3A_437 = arith.constant 0 : i32
            %broadcast_in_dim3A_438 = vector.broadcast %broadcast_in_dim3A_437 : i32 to vector<16xi32>
            %add3A_439 = vector.broadcast %add3A_436 : i32 to vector<16xi32>
            %add3A_440 = arith.addi %broadcast_in_dim3A_438, %add3A_439 : vector<16xi32>
            %scatter3A = arith.constant 0 : i32
            %scatter3A_441 = arith.constant 0 : i32
            %scatter3A_442 = tpu.memref_slice %arg8[%add3A_139, %scatter3A, %scatter3A_441] : memref<8x200x32xf32, #tpu.memory_space<vmem>> -> memref<1x200x32xf32, #tpu.memory_space<vmem>>
            %scatter3A_443 = tpu.memref_squeeze %scatter3A_442 : memref<1x200x32xf32, #tpu.memory_space<vmem>> -> memref<200x32xf32, #tpu.memory_space<vmem>>
            tpu.vector_store_idx %scatter3A_443[%add3A_426, %add3A_440], %broadcast_in_dim3A_140 masked %eq3A_146 : memref<200x32xf32, #tpu.memory_space<vmem>>[vector<16xi32>, vector<16xi32>], vector<16xf32>, vector<16xi1>
          }
          %scan3A_431 = arith.constant 32 : i32
        } else {
        }
        %get3A_160 = arith.constant 0 : i32
        %get3A_161 = tpu.memref_slice %arg6[%add3A_139, %get3A_160] : memref<8x200xi32, #tpu.memory_space<vmem>> -> memref<1x200xi32, #tpu.memory_space<vmem>>
        %get3A_162 = tpu.memref_squeeze %get3A_161 : memref<1x200xi32, #tpu.memory_space<vmem>> -> memref<200xi32, #tpu.memory_space<vmem>>
        %get3A_163 = arith.constant 16 : index
        %get3A_164 = tpu.vector_load %get3A_162[%get3A_163] {strides = array<i32>} : memref<200xi32, #tpu.memory_space<vmem>>, vector<16xi32>,
        %eq3A_165 = arith.constant 0 : i32
        %eq3A_166 = vector.broadcast %eq3A_165 : i32 to vector<16xi32>
        %eq3A_167 = arith.cmpi eq, %get3A_164, %eq3A_166 : vector<16xi32>
        %reduce_or3A_168 = arith.constant 1.000000e+00 : f32
        %reduce_or3A_169 = arith.constant 0.000000e+00 : f32
        %reduce_or3A_170 = vector.broadcast %reduce_or3A_168 : f32 to vector<16xf32>
        %reduce_or3A_171 = vector.broadcast %reduce_or3A_169 : f32 to vector<16xf32>
        %reduce_or3A_172 = arith.select %eq3A_167, %reduce_or3A_170, %reduce_or3A_171 : vector<16xi1>, vector<16xf32>
        %reduce_or3A_173 = arith.constant true
        %reduce_or3A_174 = vector.broadcast %reduce_or3A_173 : i1 to vector<16xi1>
        %reduce_or3A_175 = tpu.scan <max>, %reduce_or3A_172 masked %reduce_or3A_174 : vector<16xf32>, vector<16xi1> -> vector<16xf32>
        %reduce_or3A_176 = vector.extract %reduce_or3A_175[15] : f32 from vector<16xf32>
        %reduce_or3A_177 = arith.constant 0.000000e+00 : f32
        %reduce_or3A_178 = arith.cmpf ogt, %reduce_or3A_176, %reduce_or3A_177 : f32
        %convert_element_type3A_179 = arith.extui %reduce_or3A_178 : i1 to i32
        %cond3A_180 = arith.constant 0 : i32
        %cond3A_181 = arith.cmpi ne, %convert_element_type3A_179, %cond3A_180 : i32
        scf.if %cond3A_181 {
          %iota3A = tpu.iota {dimensions = array<i32: 0>} : vector<16xi32>
          %add3A_424 = arith.constant 16 : i32
          %add3A_425 = vector.broadcast %add3A_424 : i32 to vector<16xi32>
          %add3A_426 = arith.addi %iota3A, %add3A_425 : vector<16xi32>
          %scan3A_427 = arith.constant 0 : i32
          %scan3A_428 = arith.constant 32 : i32
          %scan3A_429 = arith.addi %scan3A_427, %scan3A_428 : i32
          %scan3A_430 = arith.constant 1 : i32
          scf.for %scan3A_432 = %scan3A_427 to %scan3A_429 step %scan3A_430  : i32 {
            %mul3A_433 = arith.constant 1 : i32
            %mul3A_434 = arith.muli %scan3A_432, %mul3A_433 : i32
            %add3A_435 = arith.constant 0 : i32
            %add3A_436 = arith.addi %add3A_435, %mul3A_434 : i32
            %broadcast_in_dim3A_437 = arith.constant 0 : i32
            %broadcast_in_dim3A_438 = vector.broadcast %broadcast_in_dim3A_437 : i32 to vector<16xi32>
            %add3A_439 = vector.broadcast %add3A_436 : i32 to vector<16xi32>
            %add3A_440 = arith.addi %broadcast_in_dim3A_438, %add3A_439 : vector<16xi32>
            %scatter3A = arith.constant 0 : i32
            %scatter3A_441 = arith.constant 0 : i32
            %scatter3A_442 = tpu.memref_slice %arg8[%add3A_139, %scatter3A, %scatter3A_441] : memref<8x200x32xf32, #tpu.memory_space<vmem>> -> memref<1x200x32xf32, #tpu.memory_space<vmem>>
            %scatter3A_443 = tpu.memref_squeeze %scatter3A_442 : memref<1x200x32xf32, #tpu.memory_space<vmem>> -> memref<200x32xf32, #tpu.memory_space<vmem>>
            tpu.vector_store_idx %scatter3A_443[%add3A_426, %add3A_440], %broadcast_in_dim3A_140 masked %eq3A_167 : memref<200x32xf32, #tpu.memory_space<vmem>>[vector<16xi32>, vector<16xi32>], vector<16xf32>, vector<16xi1>
          }
          %scan3A_431 = arith.constant 32 : i32
        } else {
        }
        %get3A_182 = arith.constant 0 : i32
        %get3A_183 = tpu.memref_slice %arg6[%add3A_139, %get3A_182] : memref<8x200xi32, #tpu.memory_space<vmem>> -> memref<1x200xi32, #tpu.memory_space<vmem>>
        %get3A_184 = tpu.memref_squeeze %get3A_183 : memref<1x200xi32, #tpu.memory_space<vmem>> -> memref<200xi32, #tpu.memory_space<vmem>>
        %get3A_185 = arith.constant 32 : index
        %get3A_186 = tpu.vector_load %get3A_184[%get3A_185] {strides = array<i32>} : memref<200xi32, #tpu.memory_space<vmem>>, vector<16xi32>,
        %eq3A_187 = arith.constant 0 : i32
        %eq3A_188 = vector.broadcast %eq3A_187 : i32 to vector<16xi32>
        %eq3A_189 = arith.cmpi eq, %get3A_186, %eq3A_188 : vector<16xi32>
        %reduce_or3A_190 = arith.constant 1.000000e+00 : f32
        %reduce_or3A_191 = arith.constant 0.000000e+00 : f32
        %reduce_or3A_192 = vector.broadcast %reduce_or3A_190 : f32 to vector<16xf32>
        %reduce_or3A_193 = vector.broadcast %reduce_or3A_191 : f32 to vector<16xf32>
        %reduce_or3A_194 = arith.select %eq3A_189, %reduce_or3A_192, %reduce_or3A_193 : vector<16xi1>, vector<16xf32>
        %reduce_or3A_195 = arith.constant true
        %reduce_or3A_196 = vector.broadcast %reduce_or3A_195 : i1 to vector<16xi1>
        %reduce_or3A_197 = tpu.scan <max>, %reduce_or3A_194 masked %reduce_or3A_196 : vector<16xf32>, vector<16xi1> -> vector<16xf32>
        %reduce_or3A_198 = vector.extract %reduce_or3A_197[15] : f32 from vector<16xf32>
        %reduce_or3A_199 = arith.constant 0.000000e+00 : f32
        %reduce_or3A_200 = arith.cmpf ogt, %reduce_or3A_198, %reduce_or3A_199 : f32
        %convert_element_type3A_201 = arith.extui %reduce_or3A_200 : i1 to i32
        %cond3A_202 = arith.constant 0 : i32
        %cond3A_203 = arith.cmpi ne, %convert_element_type3A_201, %cond3A_202 : i32
        scf.if %cond3A_203 {
          %iota3A = tpu.iota {dimensions = array<i32: 0>} : vector<16xi32>
          %add3A_424 = arith.constant 32 : i32
          %add3A_425 = vector.broadcast %add3A_424 : i32 to vector<16xi32>
          %add3A_426 = arith.addi %iota3A, %add3A_425 : vector<16xi32>
          %scan3A_427 = arith.constant 0 : i32
          %scan3A_428 = arith.constant 32 : i32
          %scan3A_429 = arith.addi %scan3A_427, %scan3A_428 : i32
          %scan3A_430 = arith.constant 1 : i32
          scf.for %scan3A_432 = %scan3A_427 to %scan3A_429 step %scan3A_430  : i32 {
            %mul3A_433 = arith.constant 1 : i32
            %mul3A_434 = arith.muli %scan3A_432, %mul3A_433 : i32
            %add3A_435 = arith.constant 0 : i32
            %add3A_436 = arith.addi %add3A_435, %mul3A_434 : i32
            %broadcast_in_dim3A_437 = arith.constant 0 : i32
            %broadcast_in_dim3A_438 = vector.broadcast %broadcast_in_dim3A_437 : i32 to vector<16xi32>
            %add3A_439 = vector.broadcast %add3A_436 : i32 to vector<16xi32>
            %add3A_440 = arith.addi %broadcast_in_dim3A_438, %add3A_439 : vector<16xi32>
            %scatter3A = arith.constant 0 : i32
            %scatter3A_441 = arith.constant 0 : i32
            %scatter3A_442 = tpu.memref_slice %arg8[%add3A_139, %scatter3A, %scatter3A_441] : memref<8x200x32xf32, #tpu.memory_space<vmem>> -> memref<1x200x32xf32, #tpu.memory_space<vmem>>
            %scatter3A_443 = tpu.memref_squeeze %scatter3A_442 : memref<1x200x32xf32, #tpu.memory_space<vmem>> -> memref<200x32xf32, #tpu.memory_space<vmem>>
            tpu.vector_store_idx %scatter3A_443[%add3A_426, %add3A_440], %broadcast_in_dim3A_140 masked %eq3A_189 : memref<200x32xf32, #tpu.memory_space<vmem>>[vector<16xi32>, vector<16xi32>], vector<16xf32>, vector<16xi1>
          }
          %scan3A_431 = arith.constant 32 : i32
        } else {
        }
        %get3A_204 = arith.constant 0 : i32
        %get3A_205 = tpu.memref_slice %arg6[%add3A_139, %get3A_204] : memref<8x200xi32, #tpu.memory_space<vmem>> -> memref<1x200xi32, #tpu.memory_space<vmem>>
        %get3A_206 = tpu.memref_squeeze %get3A_205 : memref<1x200xi32, #tpu.memory_space<vmem>> -> memref<200xi32, #tpu.memory_space<vmem>>
        %get3A_207 = arith.constant 48 : index
        %get3A_208 = tpu.vector_load %get3A_206[%get3A_207] {strides = array<i32>} : memref<200xi32, #tpu.memory_space<vmem>>, vector<16xi32>,
        %eq3A_209 = arith.constant 0 : i32
        %eq3A_210 = vector.broadcast %eq3A_209 : i32 to vector<16xi32>
        %eq3A_211 = arith.cmpi eq, %get3A_208, %eq3A_210 : vector<16xi32>
        %reduce_or3A_212 = arith.constant 1.000000e+00 : f32
        %reduce_or3A_213 = arith.constant 0.000000e+00 : f32
        %reduce_or3A_214 = vector.broadcast %reduce_or3A_212 : f32 to vector<16xf32>
        %reduce_or3A_215 = vector.broadcast %reduce_or3A_213 : f32 to vector<16xf32>
        %reduce_or3A_216 = arith.select %eq3A_211, %reduce_or3A_214, %reduce_or3A_215 : vector<16xi1>, vector<16xf32>
        %reduce_or3A_217 = arith.constant true
        %reduce_or3A_218 = vector.broadcast %reduce_or3A_217 : i1 to vector<16xi1>
        %reduce_or3A_219 = tpu.scan <max>, %reduce_or3A_216 masked %reduce_or3A_218 : vector<16xf32>, vector<16xi1> -> vector<16xf32>
        %reduce_or3A_220 = vector.extract %reduce_or3A_219[15] : f32 from vector<16xf32>
        %reduce_or3A_221 = arith.constant 0.000000e+00 : f32
        %reduce_or3A_222 = arith.cmpf ogt, %reduce_or3A_220, %reduce_or3A_221 : f32
        %convert_element_type3A_223 = arith.extui %reduce_or3A_222 : i1 to i32
        %cond3A_224 = arith.constant 0 : i32
        %cond3A_225 = arith.cmpi ne, %convert_element_type3A_223, %cond3A_224 : i32
        scf.if %cond3A_225 {
          %iota3A = tpu.iota {dimensions = array<i32: 0>} : vector<16xi32>
          %add3A_424 = arith.constant 48 : i32
          %add3A_425 = vector.broadcast %add3A_424 : i32 to vector<16xi32>
          %add3A_426 = arith.addi %iota3A, %add3A_425 : vector<16xi32>
          %scan3A_427 = arith.constant 0 : i32
          %scan3A_428 = arith.constant 32 : i32
          %scan3A_429 = arith.addi %scan3A_427, %scan3A_428 : i32
          %scan3A_430 = arith.constant 1 : i32
          scf.for %scan3A_432 = %scan3A_427 to %scan3A_429 step %scan3A_430  : i32 {
            %mul3A_433 = arith.constant 1 : i32
            %mul3A_434 = arith.muli %scan3A_432, %mul3A_433 : i32
            %add3A_435 = arith.constant 0 : i32
            %add3A_436 = arith.addi %add3A_435, %mul3A_434 : i32
            %broadcast_in_dim3A_437 = arith.constant 0 : i32
            %broadcast_in_dim3A_438 = vector.broadcast %broadcast_in_dim3A_437 : i32 to vector<16xi32>
            %add3A_439 = vector.broadcast %add3A_436 : i32 to vector<16xi32>
            %add3A_440 = arith.addi %broadcast_in_dim3A_438, %add3A_439 : vector<16xi32>
            %scatter3A = arith.constant 0 : i32
            %scatter3A_441 = arith.constant 0 : i32
            %scatter3A_442 = tpu.memref_slice %arg8[%add3A_139, %scatter3A, %scatter3A_441] : memref<8x200x32xf32, #tpu.memory_space<vmem>> -> memref<1x200x32xf32, #tpu.memory_space<vmem>>
            %scatter3A_443 = tpu.memref_squeeze %scatter3A_442 : memref<1x200x32xf32, #tpu.memory_space<vmem>> -> memref<200x32xf32, #tpu.memory_space<vmem>>
            tpu.vector_store_idx %scatter3A_443[%add3A_426, %add3A_440], %broadcast_in_dim3A_140 masked %eq3A_211 : memref<200x32xf32, #tpu.memory_space<vmem>>[vector<16xi32>, vector<16xi32>], vector<16xf32>, vector<16xi1>
          }
          %scan3A_431 = arith.constant 32 : i32
        } else {
        }
        %get3A_226 = arith.constant 0 : i32
        %get3A_227 = tpu.memref_slice %arg6[%add3A_139, %get3A_226] : memref<8x200xi32, #tpu.memory_space<vmem>> -> memref<1x200xi32, #tpu.memory_space<vmem>>
        %get3A_228 = tpu.memref_squeeze %get3A_227 : memref<1x200xi32, #tpu.memory_space<vmem>> -> memref<200xi32, #tpu.memory_space<vmem>>
        %get3A_229 = arith.constant 64 : index
        %get3A_230 = tpu.vector_load %get3A_228[%get3A_229] {strides = array<i32>} : memref<200xi32, #tpu.memory_space<vmem>>, vector<16xi32>,
        %eq3A_231 = arith.constant 0 : i32
        %eq3A_232 = vector.broadcast %eq3A_231 : i32 to vector<16xi32>
        %eq3A_233 = arith.cmpi eq, %get3A_230, %eq3A_232 : vector<16xi32>
        %reduce_or3A_234 = arith.constant 1.000000e+00 : f32
        %reduce_or3A_235 = arith.constant 0.000000e+00 : f32
        %reduce_or3A_236 = vector.broadcast %reduce_or3A_234 : f32 to vector<16xf32>
        %reduce_or3A_237 = vector.broadcast %reduce_or3A_235 : f32 to vector<16xf32>
        %reduce_or3A_238 = arith.select %eq3A_233, %reduce_or3A_236, %reduce_or3A_237 : vector<16xi1>, vector<16xf32>
        %reduce_or3A_239 = arith.constant true
        %reduce_or3A_240 = vector.broadcast %reduce_or3A_239 : i1 to vector<16xi1>
        %reduce_or3A_241 = tpu.scan <max>, %reduce_or3A_238 masked %reduce_or3A_240 : vector<16xf32>, vector<16xi1> -> vector<16xf32>
        %reduce_or3A_242 = vector.extract %reduce_or3A_241[15] : f32 from vector<16xf32>
        %reduce_or3A_243 = arith.constant 0.000000e+00 : f32
        %reduce_or3A_244 = arith.cmpf ogt, %reduce_or3A_242, %reduce_or3A_243 : f32
        %convert_element_type3A_245 = arith.extui %reduce_or3A_244 : i1 to i32
        %cond3A_246 = arith.constant 0 : i32
        %cond3A_247 = arith.cmpi ne, %convert_element_type3A_245, %cond3A_246 : i32
        scf.if %cond3A_247 {
          %iota3A = tpu.iota {dimensions = array<i32: 0>} : vector<16xi32>
          %add3A_424 = arith.constant 64 : i32
          %add3A_425 = vector.broadcast %add3A_424 : i32 to vector<16xi32>
          %add3A_426 = arith.addi %iota3A, %add3A_425 : vector<16xi32>
          %scan3A_427 = arith.constant 0 : i32
          %scan3A_428 = arith.constant 32 : i32
          %scan3A_429 = arith.addi %scan3A_427, %scan3A_428 : i32
          %scan3A_430 = arith.constant 1 : i32
          scf.for %scan3A_432 = %scan3A_427 to %scan3A_429 step %scan3A_430  : i32 {
            %mul3A_433 = arith.constant 1 : i32
            %mul3A_434 = arith.muli %scan3A_432, %mul3A_433 : i32
            %add3A_435 = arith.constant 0 : i32
            %add3A_436 = arith.addi %add3A_435, %mul3A_434 : i32
            %broadcast_in_dim3A_437 = arith.constant 0 : i32
            %broadcast_in_dim3A_438 = vector.broadcast %broadcast_in_dim3A_437 : i32 to vector<16xi32>
            %add3A_439 = vector.broadcast %add3A_436 : i32 to vector<16xi32>
            %add3A_440 = arith.addi %broadcast_in_dim3A_438, %add3A_439 : vector<16xi32>
            %scatter3A = arith.constant 0 : i32
            %scatter3A_441 = arith.constant 0 : i32
            %scatter3A_442 = tpu.memref_slice %arg8[%add3A_139, %scatter3A, %scatter3A_441] : memref<8x200x32xf32, #tpu.memory_space<vmem>> -> memref<1x200x32xf32, #tpu.memory_space<vmem>>
            %scatter3A_443 = tpu.memref_squeeze %scatter3A_442 : memref<1x200x32xf32, #tpu.memory_space<vmem>> -> memref<200x32xf32, #tpu.memory_space<vmem>>
            tpu.vector_store_idx %scatter3A_443[%add3A_426, %add3A_440], %broadcast_in_dim3A_140 masked %eq3A_233 : memref<200x32xf32, #tpu.memory_space<vmem>>[vector<16xi32>, vector<16xi32>], vector<16xf32>, vector<16xi1>
          }
          %scan3A_431 = arith.constant 32 : i32
        } else {
        }
        %get3A_248 = arith.constant 0 : i32
        %get3A_249 = tpu.memref_slice %arg6[%add3A_139, %get3A_248] : memref<8x200xi32, #tpu.memory_space<vmem>> -> memref<1x200xi32, #tpu.memory_space<vmem>>
        %get3A_250 = tpu.memref_squeeze %get3A_249 : memref<1x200xi32, #tpu.memory_space<vmem>> -> memref<200xi32, #tpu.memory_space<vmem>>
        %get3A_251 = arith.constant 80 : index
        %get3A_252 = tpu.vector_load %get3A_250[%get3A_251] {strides = array<i32>} : memref<200xi32, #tpu.memory_space<vmem>>, vector<16xi32>,
        %eq3A_253 = arith.constant 0 : i32
        %eq3A_254 = vector.broadcast %eq3A_253 : i32 to vector<16xi32>
        %eq3A_255 = arith.cmpi eq, %get3A_252, %eq3A_254 : vector<16xi32>
        %reduce_or3A_256 = arith.constant 1.000000e+00 : f32
        %reduce_or3A_257 = arith.constant 0.000000e+00 : f32
        %reduce_or3A_258 = vector.broadcast %reduce_or3A_256 : f32 to vector<16xf32>
        %reduce_or3A_259 = vector.broadcast %reduce_or3A_257 : f32 to vector<16xf32>
        %reduce_or3A_260 = arith.select %eq3A_255, %reduce_or3A_258, %reduce_or3A_259 : vector<16xi1>, vector<16xf32>
        %reduce_or3A_261 = arith.constant true
        %reduce_or3A_262 = vector.broadcast %reduce_or3A_261 : i1 to vector<16xi1>
        %reduce_or3A_263 = tpu.scan <max>, %reduce_or3A_260 masked %reduce_or3A_262 : vector<16xf32>, vector<16xi1> -> vector<16xf32>
        %reduce_or3A_264 = vector.extract %reduce_or3A_263[15] : f32 from vector<16xf32>
        %reduce_or3A_265 = arith.constant 0.000000e+00 : f32
        %reduce_or3A_266 = arith.cmpf ogt, %reduce_or3A_264, %reduce_or3A_265 : f32
        %convert_element_type3A_267 = arith.extui %reduce_or3A_266 : i1 to i32
        %cond3A_268 = arith.constant 0 : i32
        %cond3A_269 = arith.cmpi ne, %convert_element_type3A_267, %cond3A_268 : i32
        scf.if %cond3A_269 {
          %iota3A = tpu.iota {dimensions = array<i32: 0>} : vector<16xi32>
          %add3A_424 = arith.constant 80 : i32
          %add3A_425 = vector.broadcast %add3A_424 : i32 to vector<16xi32>
          %add3A_426 = arith.addi %iota3A, %add3A_425 : vector<16xi32>
          %scan3A_427 = arith.constant 0 : i32
          %scan3A_428 = arith.constant 32 : i32
          %scan3A_429 = arith.addi %scan3A_427, %scan3A_428 : i32
          %scan3A_430 = arith.constant 1 : i32
          scf.for %scan3A_432 = %scan3A_427 to %scan3A_429 step %scan3A_430  : i32 {
            %mul3A_433 = arith.constant 1 : i32
            %mul3A_434 = arith.muli %scan3A_432, %mul3A_433 : i32
            %add3A_435 = arith.constant 0 : i32
            %add3A_436 = arith.addi %add3A_435, %mul3A_434 : i32
            %broadcast_in_dim3A_437 = arith.constant 0 : i32
            %broadcast_in_dim3A_438 = vector.broadcast %broadcast_in_dim3A_437 : i32 to vector<16xi32>
            %add3A_439 = vector.broadcast %add3A_436 : i32 to vector<16xi32>
            %add3A_440 = arith.addi %broadcast_in_dim3A_438, %add3A_439 : vector<16xi32>
            %scatter3A = arith.constant 0 : i32
            %scatter3A_441 = arith.constant 0 : i32
            %scatter3A_442 = tpu.memref_slice %arg8[%add3A_139, %scatter3A, %scatter3A_441] : memref<8x200x32xf32, #tpu.memory_space<vmem>> -> memref<1x200x32xf32, #tpu.memory_space<vmem>>
            %scatter3A_443 = tpu.memref_squeeze %scatter3A_442 : memref<1x200x32xf32, #tpu.memory_space<vmem>> -> memref<200x32xf32, #tpu.memory_space<vmem>>
            tpu.vector_store_idx %scatter3A_443[%add3A_426, %add3A_440], %broadcast_in_dim3A_140 masked %eq3A_255 : memref<200x32xf32, #tpu.memory_space<vmem>>[vector<16xi32>, vector<16xi32>], vector<16xf32>, vector<16xi1>
          }
          %scan3A_431 = arith.constant 32 : i32
        } else {
        }
        %get3A_270 = arith.constant 0 : i32
        %get3A_271 = tpu.memref_slice %arg6[%add3A_139, %get3A_270] : memref<8x200xi32, #tpu.memory_space<vmem>> -> memref<1x200xi32, #tpu.memory_space<vmem>>
        %get3A_272 = tpu.memref_squeeze %get3A_271 : memref<1x200xi32, #tpu.memory_space<vmem>> -> memref<200xi32, #tpu.memory_space<vmem>>
        %get3A_273 = arith.constant 96 : index
        %get3A_274 = tpu.vector_load %get3A_272[%get3A_273] {strides = array<i32>} : memref<200xi32, #tpu.memory_space<vmem>>, vector<16xi32>,
        %eq3A_275 = arith.constant 0 : i32
        %eq3A_276 = vector.broadcast %eq3A_275 : i32 to vector<16xi32>
        %eq3A_277 = arith.cmpi eq, %get3A_274, %eq3A_276 : vector<16xi32>
        %reduce_or3A_278 = arith.constant 1.000000e+00 : f32
        %reduce_or3A_279 = arith.constant 0.000000e+00 : f32
        %reduce_or3A_280 = vector.broadcast %reduce_or3A_278 : f32 to vector<16xf32>
        %reduce_or3A_281 = vector.broadcast %reduce_or3A_279 : f32 to vector<16xf32>
        %reduce_or3A_282 = arith.select %eq3A_277, %reduce_or3A_280, %reduce_or3A_281 : vector<16xi1>, vector<16xf32>
        %reduce_or3A_283 = arith.constant true
        %reduce_or3A_284 = vector.broadcast %reduce_or3A_283 : i1 to vector<16xi1>
        %reduce_or3A_285 = tpu.scan <max>, %reduce_or3A_282 masked %reduce_or3A_284 : vector<16xf32>, vector<16xi1> -> vector<16xf32>
        %reduce_or3A_286 = vector.extract %reduce_or3A_285[15] : f32 from vector<16xf32>
        %reduce_or3A_287 = arith.constant 0.000000e+00 : f32
        %reduce_or3A_288 = arith.cmpf ogt, %reduce_or3A_286, %reduce_or3A_287 : f32
        %convert_element_type3A_289 = arith.extui %reduce_or3A_288 : i1 to i32
        %cond3A_290 = arith.constant 0 : i32
        %cond3A_291 = arith.cmpi ne, %convert_element_type3A_289, %cond3A_290 : i32
        scf.if %cond3A_291 {
          %iota3A = tpu.iota {dimensions = array<i32: 0>} : vector<16xi32>
          %add3A_424 = arith.constant 96 : i32
          %add3A_425 = vector.broadcast %add3A_424 : i32 to vector<16xi32>
          %add3A_426 = arith.addi %iota3A, %add3A_425 : vector<16xi32>
          %scan3A_427 = arith.constant 0 : i32
          %scan3A_428 = arith.constant 32 : i32
          %scan3A_429 = arith.addi %scan3A_427, %scan3A_428 : i32
          %scan3A_430 = arith.constant 1 : i32
          scf.for %scan3A_432 = %scan3A_427 to %scan3A_429 step %scan3A_430  : i32 {
            %mul3A_433 = arith.constant 1 : i32
            %mul3A_434 = arith.muli %scan3A_432, %mul3A_433 : i32
            %add3A_435 = arith.constant 0 : i32
            %add3A_436 = arith.addi %add3A_435, %mul3A_434 : i32
            %broadcast_in_dim3A_437 = arith.constant 0 : i32
            %broadcast_in_dim3A_438 = vector.broadcast %broadcast_in_dim3A_437 : i32 to vector<16xi32>
            %add3A_439 = vector.broadcast %add3A_436 : i32 to vector<16xi32>
            %add3A_440 = arith.addi %broadcast_in_dim3A_438, %add3A_439 : vector<16xi32>
            %scatter3A = arith.constant 0 : i32
            %scatter3A_441 = arith.constant 0 : i32
            %scatter3A_442 = tpu.memref_slice %arg8[%add3A_139, %scatter3A, %scatter3A_441] : memref<8x200x32xf32, #tpu.memory_space<vmem>> -> memref<1x200x32xf32, #tpu.memory_space<vmem>>
            %scatter3A_443 = tpu.memref_squeeze %scatter3A_442 : memref<1x200x32xf32, #tpu.memory_space<vmem>> -> memref<200x32xf32, #tpu.memory_space<vmem>>
            tpu.vector_store_idx %scatter3A_443[%add3A_426, %add3A_440], %broadcast_in_dim3A_140 masked %eq3A_277 : memref<200x32xf32, #tpu.memory_space<vmem>>[vector<16xi32>, vector<16xi32>], vector<16xf32>, vector<16xi1>
          }
          %scan3A_431 = arith.constant 32 : i32
        } else {
        }
        %get3A_292 = arith.constant 0 : i32
        %get3A_293 = tpu.memref_slice %arg6[%add3A_139, %get3A_292] : memref<8x200xi32, #tpu.memory_space<vmem>> -> memref<1x200xi32, #tpu.memory_space<vmem>>
        %get3A_294 = tpu.memref_squeeze %get3A_293 : memref<1x200xi32, #tpu.memory_space<vmem>> -> memref<200xi32, #tpu.memory_space<vmem>>
        %get3A_295 = arith.constant 112 : index
        %get3A_296 = tpu.vector_load %get3A_294[%get3A_295] {strides = array<i32>} : memref<200xi32, #tpu.memory_space<vmem>>, vector<16xi32>,
        %eq3A_297 = arith.constant 0 : i32
        %eq3A_298 = vector.broadcast %eq3A_297 : i32 to vector<16xi32>
        %eq3A_299 = arith.cmpi eq, %get3A_296, %eq3A_298 : vector<16xi32>
        %reduce_or3A_300 = arith.constant 1.000000e+00 : f32
        %reduce_or3A_301 = arith.constant 0.000000e+00 : f32
        %reduce_or3A_302 = vector.broadcast %reduce_or3A_300 : f32 to vector<16xf32>
        %reduce_or3A_303 = vector.broadcast %reduce_or3A_301 : f32 to vector<16xf32>
        %reduce_or3A_304 = arith.select %eq3A_299, %reduce_or3A_302, %reduce_or3A_303 : vector<16xi1>, vector<16xf32>
        %reduce_or3A_305 = arith.constant true
        %reduce_or3A_306 = vector.broadcast %reduce_or3A_305 : i1 to vector<16xi1>
        %reduce_or3A_307 = tpu.scan <max>, %reduce_or3A_304 masked %reduce_or3A_306 : vector<16xf32>, vector<16xi1> -> vector<16xf32>
        %reduce_or3A_308 = vector.extract %reduce_or3A_307[15] : f32 from vector<16xf32>
        %reduce_or3A_309 = arith.constant 0.000000e+00 : f32
        %reduce_or3A_310 = arith.cmpf ogt, %reduce_or3A_308, %reduce_or3A_309 : f32
        %convert_element_type3A_311 = arith.extui %reduce_or3A_310 : i1 to i32
        %cond3A_312 = arith.constant 0 : i32
        %cond3A_313 = arith.cmpi ne, %convert_element_type3A_311, %cond3A_312 : i32
        scf.if %cond3A_313 {
          %iota3A = tpu.iota {dimensions = array<i32: 0>} : vector<16xi32>
          %add3A_424 = arith.constant 112 : i32
          %add3A_425 = vector.broadcast %add3A_424 : i32 to vector<16xi32>
          %add3A_426 = arith.addi %iota3A, %add3A_425 : vector<16xi32>
          %scan3A_427 = arith.constant 0 : i32
          %scan3A_428 = arith.constant 32 : i32
          %scan3A_429 = arith.addi %scan3A_427, %scan3A_428 : i32
          %scan3A_430 = arith.constant 1 : i32
          scf.for %scan3A_432 = %scan3A_427 to %scan3A_429 step %scan3A_430  : i32 {
            %mul3A_433 = arith.constant 1 : i32
            %mul3A_434 = arith.muli %scan3A_432, %mul3A_433 : i32
            %add3A_435 = arith.constant 0 : i32
            %add3A_436 = arith.addi %add3A_435, %mul3A_434 : i32
            %broadcast_in_dim3A_437 = arith.constant 0 : i32
            %broadcast_in_dim3A_438 = vector.broadcast %broadcast_in_dim3A_437 : i32 to vector<16xi32>
            %add3A_439 = vector.broadcast %add3A_436 : i32 to vector<16xi32>
            %add3A_440 = arith.addi %broadcast_in_dim3A_438, %add3A_439 : vector<16xi32>
            %scatter3A = arith.constant 0 : i32
            %scatter3A_441 = arith.constant 0 : i32
            %scatter3A_442 = tpu.memref_slice %arg8[%add3A_139, %scatter3A, %scatter3A_441] : memref<8x200x32xf32, #tpu.memory_space<vmem>> -> memref<1x200x32xf32, #tpu.memory_space<vmem>>
            %scatter3A_443 = tpu.memref_squeeze %scatter3A_442 : memref<1x200x32xf32, #tpu.memory_space<vmem>> -> memref<200x32xf32, #tpu.memory_space<vmem>>
            tpu.vector_store_idx %scatter3A_443[%add3A_426, %add3A_440], %broadcast_in_dim3A_140 masked %eq3A_299 : memref<200x32xf32, #tpu.memory_space<vmem>>[vector<16xi32>, vector<16xi32>], vector<16xf32>, vector<16xi1>
          }
          %scan3A_431 = arith.constant 32 : i32
        } else {
        }
        %get3A_314 = arith.constant 0 : i32
        %get3A_315 = tpu.memref_slice %arg6[%add3A_139, %get3A_314] : memref<8x200xi32, #tpu.memory_space<vmem>> -> memref<1x200xi32, #tpu.memory_space<vmem>>
        %get3A_316 = tpu.memref_squeeze %get3A_315 : memref<1x200xi32, #tpu.memory_space<vmem>> -> memref<200xi32, #tpu.memory_space<vmem>>
        %get3A_317 = arith.constant 128 : index
        %get3A_318 = tpu.vector_load %get3A_316[%get3A_317] {strides = array<i32>} : memref<200xi32, #tpu.memory_space<vmem>>, vector<16xi32>,
        %eq3A_319 = arith.constant 0 : i32
        %eq3A_320 = vector.broadcast %eq3A_319 : i32 to vector<16xi32>
        %eq3A_321 = arith.cmpi eq, %get3A_318, %eq3A_320 : vector<16xi32>
        %reduce_or3A_322 = arith.constant 1.000000e+00 : f32
        %reduce_or3A_323 = arith.constant 0.000000e+00 : f32
        %reduce_or3A_324 = vector.broadcast %reduce_or3A_322 : f32 to vector<16xf32>
        %reduce_or3A_325 = vector.broadcast %reduce_or3A_323 : f32 to vector<16xf32>
        %reduce_or3A_326 = arith.select %eq3A_321, %reduce_or3A_324, %reduce_or3A_325 : vector<16xi1>, vector<16xf32>
        %reduce_or3A_327 = arith.constant true
        %reduce_or3A_328 = vector.broadcast %reduce_or3A_327 : i1 to vector<16xi1>
        %reduce_or3A_329 = tpu.scan <max>, %reduce_or3A_326 masked %reduce_or3A_328 : vector<16xf32>, vector<16xi1> -> vector<16xf32>
        %reduce_or3A_330 = vector.extract %reduce_or3A_329[15] : f32 from vector<16xf32>
        %reduce_or3A_331 = arith.constant 0.000000e+00 : f32
        %reduce_or3A_332 = arith.cmpf ogt, %reduce_or3A_330, %reduce_or3A_331 : f32
        %convert_element_type3A_333 = arith.extui %reduce_or3A_332 : i1 to i32
        %cond3A_334 = arith.constant 0 : i32
        %cond3A_335 = arith.cmpi ne, %convert_element_type3A_333, %cond3A_334 : i32
        scf.if %cond3A_335 {
          %iota3A = tpu.iota {dimensions = array<i32: 0>} : vector<16xi32>
          %add3A_424 = arith.constant 128 : i32
          %add3A_425 = vector.broadcast %add3A_424 : i32 to vector<16xi32>
          %add3A_426 = arith.addi %iota3A, %add3A_425 : vector<16xi32>
          %scan3A_427 = arith.constant 0 : i32
          %scan3A_428 = arith.constant 32 : i32
          %scan3A_429 = arith.addi %scan3A_427, %scan3A_428 : i32
          %scan3A_430 = arith.constant 1 : i32
          scf.for %scan3A_432 = %scan3A_427 to %scan3A_429 step %scan3A_430  : i32 {
            %mul3A_433 = arith.constant 1 : i32
            %mul3A_434 = arith.muli %scan3A_432, %mul3A_433 : i32
            %add3A_435 = arith.constant 0 : i32
            %add3A_436 = arith.addi %add3A_435, %mul3A_434 : i32
            %broadcast_in_dim3A_437 = arith.constant 0 : i32
            %broadcast_in_dim3A_438 = vector.broadcast %broadcast_in_dim3A_437 : i32 to vector<16xi32>
            %add3A_439 = vector.broadcast %add3A_436 : i32 to vector<16xi32>
            %add3A_440 = arith.addi %broadcast_in_dim3A_438, %add3A_439 : vector<16xi32>
            %scatter3A = arith.constant 0 : i32
            %scatter3A_441 = arith.constant 0 : i32
            %scatter3A_442 = tpu.memref_slice %arg8[%add3A_139, %scatter3A, %scatter3A_441] : memref<8x200x32xf32, #tpu.memory_space<vmem>> -> memref<1x200x32xf32, #tpu.memory_space<vmem>>
            %scatter3A_443 = tpu.memref_squeeze %scatter3A_442 : memref<1x200x32xf32, #tpu.memory_space<vmem>> -> memref<200x32xf32, #tpu.memory_space<vmem>>
            tpu.vector_store_idx %scatter3A_443[%add3A_426, %add3A_440], %broadcast_in_dim3A_140 masked %eq3A_321 : memref<200x32xf32, #tpu.memory_space<vmem>>[vector<16xi32>, vector<16xi32>], vector<16xf32>, vector<16xi1>
          }
          %scan3A_431 = arith.constant 32 : i32
        } else {
        }
        %get3A_336 = arith.constant 0 : i32
        %get3A_337 = tpu.memref_slice %arg6[%add3A_139, %get3A_336] : memref<8x200xi32, #tpu.memory_space<vmem>> -> memref<1x200xi32, #tpu.memory_space<vmem>>
        %get3A_338 = tpu.memref_squeeze %get3A_337 : memref<1x200xi32, #tpu.memory_space<vmem>> -> memref<200xi32, #tpu.memory_space<vmem>>
        %get3A_339 = arith.constant 144 : index
        %get3A_340 = tpu.vector_load %get3A_338[%get3A_339] {strides = array<i32>} : memref<200xi32, #tpu.memory_space<vmem>>, vector<16xi32>,
        %eq3A_341 = arith.constant 0 : i32
        %eq3A_342 = vector.broadcast %eq3A_341 : i32 to vector<16xi32>
        %eq3A_343 = arith.cmpi eq, %get3A_340, %eq3A_342 : vector<16xi32>
        %reduce_or3A_344 = arith.constant 1.000000e+00 : f32
        %reduce_or3A_345 = arith.constant 0.000000e+00 : f32
        %reduce_or3A_346 = vector.broadcast %reduce_or3A_344 : f32 to vector<16xf32>
        %reduce_or3A_347 = vector.broadcast %reduce_or3A_345 : f32 to vector<16xf32>
        %reduce_or3A_348 = arith.select %eq3A_343, %reduce_or3A_346, %reduce_or3A_347 : vector<16xi1>, vector<16xf32>
        %reduce_or3A_349 = arith.constant true
        %reduce_or3A_350 = vector.broadcast %reduce_or3A_349 : i1 to vector<16xi1>
        %reduce_or3A_351 = tpu.scan <max>, %reduce_or3A_348 masked %reduce_or3A_350 : vector<16xf32>, vector<16xi1> -> vector<16xf32>
        %reduce_or3A_352 = vector.extract %reduce_or3A_351[15] : f32 from vector<16xf32>
        %reduce_or3A_353 = arith.constant 0.000000e+00 : f32
        %reduce_or3A_354 = arith.cmpf ogt, %reduce_or3A_352, %reduce_or3A_353 : f32
        %convert_element_type3A_355 = arith.extui %reduce_or3A_354 : i1 to i32
        %cond3A_356 = arith.constant 0 : i32
        %cond3A_357 = arith.cmpi ne, %convert_element_type3A_355, %cond3A_356 : i32
        scf.if %cond3A_357 {
          %iota3A = tpu.iota {dimensions = array<i32: 0>} : vector<16xi32>
          %add3A_424 = arith.constant 144 : i32
          %add3A_425 = vector.broadcast %add3A_424 : i32 to vector<16xi32>
          %add3A_426 = arith.addi %iota3A, %add3A_425 : vector<16xi32>
          %scan3A_427 = arith.constant 0 : i32
          %scan3A_428 = arith.constant 32 : i32
          %scan3A_429 = arith.addi %scan3A_427, %scan3A_428 : i32
          %scan3A_430 = arith.constant 1 : i32
          scf.for %scan3A_432 = %scan3A_427 to %scan3A_429 step %scan3A_430  : i32 {
            %mul3A_433 = arith.constant 1 : i32
            %mul3A_434 = arith.muli %scan3A_432, %mul3A_433 : i32
            %add3A_435 = arith.constant 0 : i32
            %add3A_436 = arith.addi %add3A_435, %mul3A_434 : i32
            %broadcast_in_dim3A_437 = arith.constant 0 : i32
            %broadcast_in_dim3A_438 = vector.broadcast %broadcast_in_dim3A_437 : i32 to vector<16xi32>
            %add3A_439 = vector.broadcast %add3A_436 : i32 to vector<16xi32>
            %add3A_440 = arith.addi %broadcast_in_dim3A_438, %add3A_439 : vector<16xi32>
            %scatter3A = arith.constant 0 : i32
            %scatter3A_441 = arith.constant 0 : i32
            %scatter3A_442 = tpu.memref_slice %arg8[%add3A_139, %scatter3A, %scatter3A_441] : memref<8x200x32xf32, #tpu.memory_space<vmem>> -> memref<1x200x32xf32, #tpu.memory_space<vmem>>
            %scatter3A_443 = tpu.memref_squeeze %scatter3A_442 : memref<1x200x32xf32, #tpu.memory_space<vmem>> -> memref<200x32xf32, #tpu.memory_space<vmem>>
            tpu.vector_store_idx %scatter3A_443[%add3A_426, %add3A_440], %broadcast_in_dim3A_140 masked %eq3A_343 : memref<200x32xf32, #tpu.memory_space<vmem>>[vector<16xi32>, vector<16xi32>], vector<16xf32>, vector<16xi1>
          }
          %scan3A_431 = arith.constant 32 : i32
        } else {
        }
        %get3A_358 = arith.constant 0 : i32
        %get3A_359 = tpu.memref_slice %arg6[%add3A_139, %get3A_358] : memref<8x200xi32, #tpu.memory_space<vmem>> -> memref<1x200xi32, #tpu.memory_space<vmem>>
        %get3A_360 = tpu.memref_squeeze %get3A_359 : memref<1x200xi32, #tpu.memory_space<vmem>> -> memref<200xi32, #tpu.memory_space<vmem>>
        %get3A_361 = arith.constant 160 : index
        %get3A_362 = tpu.vector_load %get3A_360[%get3A_361] {strides = array<i32>} : memref<200xi32, #tpu.memory_space<vmem>>, vector<16xi32>,
        %eq3A_363 = arith.constant 0 : i32
        %eq3A_364 = vector.broadcast %eq3A_363 : i32 to vector<16xi32>
        %eq3A_365 = arith.cmpi eq, %get3A_362, %eq3A_364 : vector<16xi32>
        %reduce_or3A_366 = arith.constant 1.000000e+00 : f32
        %reduce_or3A_367 = arith.constant 0.000000e+00 : f32
        %reduce_or3A_368 = vector.broadcast %reduce_or3A_366 : f32 to vector<16xf32>
        %reduce_or3A_369 = vector.broadcast %reduce_or3A_367 : f32 to vector<16xf32>
        %reduce_or3A_370 = arith.select %eq3A_365, %reduce_or3A_368, %reduce_or3A_369 : vector<16xi1>, vector<16xf32>
        %reduce_or3A_371 = arith.constant true
        %reduce_or3A_372 = vector.broadcast %reduce_or3A_371 : i1 to vector<16xi1>
        %reduce_or3A_373 = tpu.scan <max>, %reduce_or3A_370 masked %reduce_or3A_372 : vector<16xf32>, vector<16xi1> -> vector<16xf32>
        %reduce_or3A_374 = vector.extract %reduce_or3A_373[15] : f32 from vector<16xf32>
        %reduce_or3A_375 = arith.constant 0.000000e+00 : f32
        %reduce_or3A_376 = arith.cmpf ogt, %reduce_or3A_374, %reduce_or3A_375 : f32
        %convert_element_type3A_377 = arith.extui %reduce_or3A_376 : i1 to i32
        %cond3A_378 = arith.constant 0 : i32
        %cond3A_379 = arith.cmpi ne, %convert_element_type3A_377, %cond3A_378 : i32
        scf.if %cond3A_379 {
          %iota3A = tpu.iota {dimensions = array<i32: 0>} : vector<16xi32>
          %add3A_424 = arith.constant 160 : i32
          %add3A_425 = vector.broadcast %add3A_424 : i32 to vector<16xi32>
          %add3A_426 = arith.addi %iota3A, %add3A_425 : vector<16xi32>
          %scan3A_427 = arith.constant 0 : i32
          %scan3A_428 = arith.constant 32 : i32
          %scan3A_429 = arith.addi %scan3A_427, %scan3A_428 : i32
          %scan3A_430 = arith.constant 1 : i32
          scf.for %scan3A_432 = %scan3A_427 to %scan3A_429 step %scan3A_430  : i32 {
            %mul3A_433 = arith.constant 1 : i32
            %mul3A_434 = arith.muli %scan3A_432, %mul3A_433 : i32
            %add3A_435 = arith.constant 0 : i32
            %add3A_436 = arith.addi %add3A_435, %mul3A_434 : i32
            %broadcast_in_dim3A_437 = arith.constant 0 : i32
            %broadcast_in_dim3A_438 = vector.broadcast %broadcast_in_dim3A_437 : i32 to vector<16xi32>
            %add3A_439 = vector.broadcast %add3A_436 : i32 to vector<16xi32>
            %add3A_440 = arith.addi %broadcast_in_dim3A_438, %add3A_439 : vector<16xi32>
            %scatter3A = arith.constant 0 : i32
            %scatter3A_441 = arith.constant 0 : i32
            %scatter3A_442 = tpu.memref_slice %arg8[%add3A_139, %scatter3A, %scatter3A_441] : memref<8x200x32xf32, #tpu.memory_space<vmem>> -> memref<1x200x32xf32, #tpu.memory_space<vmem>>
            %scatter3A_443 = tpu.memref_squeeze %scatter3A_442 : memref<1x200x32xf32, #tpu.memory_space<vmem>> -> memref<200x32xf32, #tpu.memory_space<vmem>>
            tpu.vector_store_idx %scatter3A_443[%add3A_426, %add3A_440], %broadcast_in_dim3A_140 masked %eq3A_365 : memref<200x32xf32, #tpu.memory_space<vmem>>[vector<16xi32>, vector<16xi32>], vector<16xf32>, vector<16xi1>
          }
          %scan3A_431 = arith.constant 32 : i32
        } else {
        }
        %get3A_380 = arith.constant 0 : i32
        %get3A_381 = tpu.memref_slice %arg6[%add3A_139, %get3A_380] : memref<8x200xi32, #tpu.memory_space<vmem>> -> memref<1x200xi32, #tpu.memory_space<vmem>>
        %get3A_382 = tpu.memref_squeeze %get3A_381 : memref<1x200xi32, #tpu.memory_space<vmem>> -> memref<200xi32, #tpu.memory_space<vmem>>
        %get3A_383 = arith.constant 176 : index
        %get3A_384 = tpu.vector_load %get3A_382[%get3A_383] {strides = array<i32>} : memref<200xi32, #tpu.memory_space<vmem>>, vector<16xi32>,
        %eq3A_385 = arith.constant 0 : i32
        %eq3A_386 = vector.broadcast %eq3A_385 : i32 to vector<16xi32>
        %eq3A_387 = arith.cmpi eq, %get3A_384, %eq3A_386 : vector<16xi32>
        %reduce_or3A_388 = arith.constant 1.000000e+00 : f32
        %reduce_or3A_389 = arith.constant 0.000000e+00 : f32
        %reduce_or3A_390 = vector.broadcast %reduce_or3A_388 : f32 to vector<16xf32>
        %reduce_or3A_391 = vector.broadcast %reduce_or3A_389 : f32 to vector<16xf32>
        %reduce_or3A_392 = arith.select %eq3A_387, %reduce_or3A_390, %reduce_or3A_391 : vector<16xi1>, vector<16xf32>
        %reduce_or3A_393 = arith.constant true
        %reduce_or3A_394 = vector.broadcast %reduce_or3A_393 : i1 to vector<16xi1>
        %reduce_or3A_395 = tpu.scan <max>, %reduce_or3A_392 masked %reduce_or3A_394 : vector<16xf32>, vector<16xi1> -> vector<16xf32>
        %reduce_or3A_396 = vector.extract %reduce_or3A_395[15] : f32 from vector<16xf32>
        %reduce_or3A_397 = arith.constant 0.000000e+00 : f32
        %reduce_or3A_398 = arith.cmpf ogt, %reduce_or3A_396, %reduce_or3A_397 : f32
        %convert_element_type3A_399 = arith.extui %reduce_or3A_398 : i1 to i32
        %cond3A_400 = arith.constant 0 : i32
        %cond3A_401 = arith.cmpi ne, %convert_element_type3A_399, %cond3A_400 : i32
        scf.if %cond3A_401 {
          %iota3A = tpu.iota {dimensions = array<i32: 0>} : vector<16xi32>
          %add3A_424 = arith.constant 176 : i32
          %add3A_425 = vector.broadcast %add3A_424 : i32 to vector<16xi32>
          %add3A_426 = arith.addi %iota3A, %add3A_425 : vector<16xi32>
          %scan3A_427 = arith.constant 0 : i32
          %scan3A_428 = arith.constant 32 : i32
          %scan3A_429 = arith.addi %scan3A_427, %scan3A_428 : i32
          %scan3A_430 = arith.constant 1 : i32
          scf.for %scan3A_432 = %scan3A_427 to %scan3A_429 step %scan3A_430  : i32 {
            %mul3A_433 = arith.constant 1 : i32
            %mul3A_434 = arith.muli %scan3A_432, %mul3A_433 : i32
            %add3A_435 = arith.constant 0 : i32
            %add3A_436 = arith.addi %add3A_435, %mul3A_434 : i32
            %broadcast_in_dim3A_437 = arith.constant 0 : i32
            %broadcast_in_dim3A_438 = vector.broadcast %broadcast_in_dim3A_437 : i32 to vector<16xi32>
            %add3A_439 = vector.broadcast %add3A_436 : i32 to vector<16xi32>
            %add3A_440 = arith.addi %broadcast_in_dim3A_438, %add3A_439 : vector<16xi32>
            %scatter3A = arith.constant 0 : i32
            %scatter3A_441 = arith.constant 0 : i32
            %scatter3A_442 = tpu.memref_slice %arg8[%add3A_139, %scatter3A, %scatter3A_441] : memref<8x200x32xf32, #tpu.memory_space<vmem>> -> memref<1x200x32xf32, #tpu.memory_space<vmem>>
            %scatter3A_443 = tpu.memref_squeeze %scatter3A_442 : memref<1x200x32xf32, #tpu.memory_space<vmem>> -> memref<200x32xf32, #tpu.memory_space<vmem>>
            tpu.vector_store_idx %scatter3A_443[%add3A_426, %add3A_440], %broadcast_in_dim3A_140 masked %eq3A_387 : memref<200x32xf32, #tpu.memory_space<vmem>>[vector<16xi32>, vector<16xi32>], vector<16xf32>, vector<16xi1>
          }
          %scan3A_431 = arith.constant 32 : i32
        } else {
        }
        %get3A_402 = arith.constant 0 : i32
        %get3A_403 = tpu.memref_slice %arg6[%add3A_139, %get3A_402] : memref<8x200xi32, #tpu.memory_space<vmem>> -> memref<1x200xi32, #tpu.memory_space<vmem>>
        %get3A_404 = tpu.memref_squeeze %get3A_403 : memref<1x200xi32, #tpu.memory_space<vmem>> -> memref<200xi32, #tpu.memory_space<vmem>>
        %get3A_405 = arith.constant 184 : index
        %get3A_406 = tpu.vector_load %get3A_404[%get3A_405] {strides = array<i32>} : memref<200xi32, #tpu.memory_space<vmem>>, vector<16xi32>,
        %eq3A_407 = arith.constant 0 : i32
        %eq3A_408 = vector.broadcast %eq3A_407 : i32 to vector<16xi32>
        %eq3A_409 = arith.cmpi eq, %get3A_406, %eq3A_408 : vector<16xi32>
        %reduce_or3A_410 = arith.constant 1.000000e+00 : f32
        %reduce_or3A_411 = arith.constant 0.000000e+00 : f32
        %reduce_or3A_412 = vector.broadcast %reduce_or3A_410 : f32 to vector<16xf32>
        %reduce_or3A_413 = vector.broadcast %reduce_or3A_411 : f32 to vector<16xf32>
        %reduce_or3A_414 = arith.select %eq3A_409, %reduce_or3A_412, %reduce_or3A_413 : vector<16xi1>, vector<16xf32>
        %reduce_or3A_415 = arith.constant true
        %reduce_or3A_416 = vector.broadcast %reduce_or3A_415 : i1 to vector<16xi1>
        %reduce_or3A_417 = tpu.scan <max>, %reduce_or3A_414 masked %reduce_or3A_416 : vector<16xf32>, vector<16xi1> -> vector<16xf32>
        %reduce_or3A_418 = vector.extract %reduce_or3A_417[15] : f32 from vector<16xf32>
        %reduce_or3A_419 = arith.constant 0.000000e+00 : f32
        %reduce_or3A_420 = arith.cmpf ogt, %reduce_or3A_418, %reduce_or3A_419 : f32
        %convert_element_type3A_421 = arith.extui %reduce_or3A_420 : i1 to i32
        %cond3A_422 = arith.constant 0 : i32
        %cond3A_423 = arith.cmpi ne, %convert_element_type3A_421, %cond3A_422 : i32
        scf.if %cond3A_423 {
          %iota3A = tpu.iota {dimensions = array<i32: 0>} : vector<16xi32>
          %add3A_424 = arith.constant 184 : i32
          %add3A_425 = vector.broadcast %add3A_424 : i32 to vector<16xi32>
          %add3A_426 = arith.addi %iota3A, %add3A_425 : vector<16xi32>
          %scan3A_427 = arith.constant 0 : i32
          %scan3A_428 = arith.constant 32 : i32
          %scan3A_429 = arith.addi %scan3A_427, %scan3A_428 : i32
          %scan3A_430 = arith.constant 1 : i32
          scf.for %scan3A_432 = %scan3A_427 to %scan3A_429 step %scan3A_430  : i32 {
            %mul3A_433 = arith.constant 1 : i32
            %mul3A_434 = arith.muli %scan3A_432, %mul3A_433 : i32
            %add3A_435 = arith.constant 0 : i32
            %add3A_436 = arith.addi %add3A_435, %mul3A_434 : i32
            %broadcast_in_dim3A_437 = arith.constant 0 : i32
            %broadcast_in_dim3A_438 = vector.broadcast %broadcast_in_dim3A_437 : i32 to vector<16xi32>
            %add3A_439 = vector.broadcast %add3A_436 : i32 to vector<16xi32>
            %add3A_440 = arith.addi %broadcast_in_dim3A_438, %add3A_439 : vector<16xi32>
            %scatter3A = arith.constant 0 : i32
            %scatter3A_441 = arith.constant 0 : i32
            %scatter3A_442 = tpu.memref_slice %arg8[%add3A_139, %scatter3A, %scatter3A_441] : memref<8x200x32xf32, #tpu.memory_space<vmem>> -> memref<1x200x32xf32, #tpu.memory_space<vmem>>
            %scatter3A_443 = tpu.memref_squeeze %scatter3A_442 : memref<1x200x32xf32, #tpu.memory_space<vmem>> -> memref<200x32xf32, #tpu.memory_space<vmem>>
            tpu.vector_store_idx %scatter3A_443[%add3A_426, %add3A_440], %broadcast_in_dim3A_140 masked %eq3A_409 : memref<200x32xf32, #tpu.memory_space<vmem>>[vector<16xi32>, vector<16xi32>], vector<16xf32>, vector<16xi1>
          }
          %scan3A_431 = arith.constant 32 : i32
        } else {
        }
      }
      %scan3A_118 = arith.constant 8 : i32
      %add3A_119 = arith.constant 2 : i32
      %add3A_120 = arith.addi %add3A_89, %add3A_119 : i32
      %lt3A_121 = arith.constant 16 : i32
      %lt3A_122 = arith.cmpi slt, %add3A_120, %lt3A_121 : i32
      %convert_element_type3A_123 = arith.extui %lt3A_122 : i1 to i32
      %cond3A_124 = arith.constant 0 : i32
      %cond3A_125 = arith.cmpi ne, %convert_element_type3A_123, %cond3A_124 : i32
      scf.if %cond3A_125 {
        %add3A_135 = arith.constant 2 : i32
        %add3A_136 = arith.addi %add3A_89, %add3A_135 : i32
        %mul3A_137 = arith.constant 8 : i32
        %mul3A_138 = arith.muli %add3A_136, %mul3A_137 : i32
        %add3A_139 = arith.addi %mul3A_2, %mul3A_138 : i32
        %dma_start3A_140 = arith.constant 0 : i32
        %dma_start3A_141 = tpu.memref_slice %arg3[%add3A_139, %dma_start3A_140] : memref<4096x200xi32, #tpu.memory_space<hbm>> -> memref<8x200xi32, #tpu.memory_space<hbm>>
        %dma_start3A_142 = arith.constant 0 : i32
        %dma_start3A_143 = tpu.memref_slice %arg3[%add3A_139, %dma_start3A_142] : memref<4096x200xi32, #tpu.memory_space<hbm>> -> memref<8x200xi32, #tpu.memory_space<hbm>>
        tpu.enqueue_dma source(%dma_start3A_143 : memref<8x200xi32, #tpu.memory_space<hbm>>) target(%arg6 : memref<8x200xi32, #tpu.memory_space<vmem>>) target_semaphore(%arg10 : memref<!tpu.dma_semaphore, #tpu.memory_space<semaphore_mem>>)
      } else {
      }
      %mul3A_126 = arith.constant 8 : i32
      %mul3A_127 = arith.muli %add3A_89, %mul3A_126 : i32
      %add3A_128 = arith.addi %mul3A_2, %mul3A_127 : i32
      %dma_start3A_129 = arith.constant 0 : i32
      %dma_start3A_130 = arith.constant 0 : i32
      %dma_start3A_131 = tpu.memref_slice %arg4[%add3A_128, %dma_start3A_129, %dma_start3A_130] : memref<4096x200x32xf32, #tpu.memory_space<hbm>> -> memref<8x200x32xf32, #tpu.memory_space<hbm>>
      %dma_start3A_132 = arith.constant 0 : i32
      %dma_start3A_133 = arith.constant 0 : i32
      %dma_start3A_134 = tpu.memref_slice %arg4[%add3A_128, %dma_start3A_132, %dma_start3A_133] : memref<4096x200x32xf32, #tpu.memory_space<hbm>> -> memref<8x200x32xf32, #tpu.memory_space<hbm>>
      tpu.enqueue_dma source(%arg8 : memref<8x200x32xf32, #tpu.memory_space<vmem>>) target(%dma_start3A_134 : memref<8x200x32xf32, #tpu.memory_space<hbm>>) target_semaphore(%arg14 : memref<!tpu.dma_semaphore, #tpu.memory_space<semaphore_mem>>)
    }
    %scan3A_27 = arith.constant 8 : i32
    %dma_wait3A_28 = arith.constant 0 : i32
    %dma_wait3A_29 = arith.constant 0 : i32
    %dma_wait3A_30 = arith.constant 0 : i32
    %dma_wait3A_31 = tpu.memref_slice %arg4[%dma_wait3A_28, %dma_wait3A_29, %dma_wait3A_30] : memref<4096x200x32xf32, #tpu.memory_space<hbm>> -> memref<8x200x32xf32, #tpu.memory_space<hbm>>
    %dma_wait3A_32 = arith.constant 0 : i32
    %dma_wait3A_33 = arith.constant 0 : i32
    %dma_wait3A_34 = arith.constant 0 : i32
    %dma_wait3A_35 = tpu.memref_slice %arg4[%dma_wait3A_32, %dma_wait3A_33, %dma_wait3A_34] : memref<4096x200x32xf32, #tpu.memory_space<hbm>> -> memref<8x200x32xf32, #tpu.memory_space<hbm>>
    tpu.wait_dma2 semaphore(%arg14 : memref<!tpu.dma_semaphore, #tpu.memory_space<semaphore_mem>>) src(%arg8 : memref<8x200x32xf32, #tpu.memory_space<vmem>>) dst(%dma_wait3A_35 : memref<8x200x32xf32, #tpu.memory_space<hbm>>)
    return
  }
}

#map = affine_map<(d0, d1) -> (0, 0)>
#map1 = affine_map<(d0, d1) -> (0, 0, 0)>
module attributes {stable_mosaic.version = 14 : i64} {
  func.func @emb_kernel(%arg0: i32, %arg1: i32, %arg2: memref<1000000x32xf32, #tpu.memory_space<hbm>>, %arg3: memref<4096x200xi32, #tpu.memory_space<hbm>>, %arg4: memref<4096x200x32xf32, #tpu.memory_space<hbm>>, %arg5: memref<8x200xi32, #tpu.memory_space<vmem>>, %arg6: memref<8x200xi32, #tpu.memory_space<vmem>>, %arg7: memref<8x200x32xf32, #tpu.memory_space<vmem>>, %arg8: memref<8x200x32xf32, #tpu.memory_space<vmem>>, %arg9: memref<!tpu.dma_semaphore, #tpu.memory_space<semaphore_mem>>, %arg10: memref<!tpu.dma_semaphore, #tpu.memory_space<semaphore_mem>>, %arg11: memref<!tpu.dma_semaphore, #tpu.memory_space<semaphore_mem>>, %arg12: memref<!tpu.dma_semaphore, #tpu.memory_space<semaphore_mem>>, %arg13: memref<!tpu.dma_semaphore, #tpu.memory_space<semaphore_mem>>, %arg14: memref<!tpu.dma_semaphore, #tpu.memory_space<semaphore_mem>>) attributes {dimension_semantics = [#tpu.dimension_semantics<core_parallel>, #tpu.dimension_semantics<subcore_parallel>], iteration_bounds = array<i64: 2, 16>, scalar_prefetch = 0 : i64, scratch_operands = 10 : i64, tpu.core_type = #tpu.core_type<sc_vector_subcore>, window_params = [{transform_indices = #map}, {transform_indices = #map}, {transform_indices = #map1}]} {
    %mul3A = arith.constant 2 : i32
    %mul3A_0 = arith.muli %arg1, %mul3A : i32
    %add3A = arith.addi %mul3A_0, %arg0 : i32
    %mul3A_1 = arith.constant 128 : i32
    %mul3A_2 = arith.muli %add3A, %mul3A_1 : i32
    %add3A_3 = arith.constant 0 : i32
    %add3A_4 = arith.addi %mul3A_2, %add3A_3 : i32
    %dma_start3A = arith.constant 0 : i32
    %dma_start3A_5 = tpu.memref_slice %arg3[%add3A_4, %dma_start3A] : memref<4096x200xi32, #tpu.memory_space<hbm>> -> memref<8x200xi32, #tpu.memory_space<hbm>>
    %dma_start3A_6 = arith.constant 0 : i32
    %dma_start3A_7 = tpu.memref_slice %arg3[%add3A_4, %dma_start3A_6] : memref<4096x200xi32, #tpu.memory_space<hbm>> -> memref<8x200xi32, #tpu.memory_space<hbm>>
    tpu.enqueue_dma source(%dma_start3A_7 : memref<8x200xi32, #tpu.memory_space<hbm>>) target(%arg5 : memref<8x200xi32, #tpu.memory_space<vmem>>) target_semaphore(%arg9 : memref<!tpu.dma_semaphore, #tpu.memory_space<semaphore_mem>>)
    %add3A_8 = arith.constant 8 : i32
    %add3A_9 = arith.addi %mul3A_2, %add3A_8 : i32
    %dma_start3A_10 = arith.constant 0 : i32
    %dma_start3A_11 = tpu.memref_slice %arg3[%add3A_9, %dma_start3A_10] : memref<4096x200xi32, #tpu.memory_space<hbm>> -> memref<8x200xi32, #tpu.memory_space<hbm>>
    %dma_start3A_12 = arith.constant 0 : i32
    %dma_start3A_13 = tpu.memref_slice %arg3[%add3A_9, %dma_start3A_12] : memref<4096x200xi32, #tpu.memory_space<hbm>> -> memref<8x200xi32, #tpu.memory_space<hbm>>
    tpu.enqueue_dma source(%dma_start3A_13 : memref<8x200xi32, #tpu.memory_space<hbm>>) target(%arg6 : memref<8x200xi32, #tpu.memory_space<vmem>>) target_semaphore(%arg10 : memref<!tpu.dma_semaphore, #tpu.memory_space<semaphore_mem>>)
    %dma_wait3A = arith.constant 0 : i32
    %dma_wait3A_14 = arith.constant 0 : i32
    %dma_wait3A_15 = tpu.memref_slice %arg3[%dma_wait3A, %dma_wait3A_14] : memref<4096x200xi32, #tpu.memory_space<hbm>> -> memref<8x200xi32, #tpu.memory_space<hbm>>
    %dma_wait3A_16 = arith.constant 0 : i32
    %dma_wait3A_17 = arith.constant 0 : i32
    %dma_wait3A_18 = tpu.memref_slice %arg3[%dma_wait3A_16, %dma_wait3A_17] : memref<4096x200xi32, #tpu.memory_space<hbm>> -> memref<8x200xi32, #tpu.memory_space<hbm>>
    tpu.wait_dma2 semaphore(%arg9 : memref<!tpu.dma_semaphore, #tpu.memory_space<semaphore_mem>>) src(%dma_wait3A_18 : memref<8x200xi32, #tpu.memory_space<hbm>>) dst(%arg5 : memref<8x200xi32, #tpu.memory_space<vmem>>)
    %scan3A = arith.constant 0 : i32
    %scan3A_19 = arith.constant 8 : i32
    %scan3A_20 = arith.addi %scan3A, %scan3A_19 : i32
    %scan3A_21 = arith.constant 1 : i32
    scf.for %scan3A_36 = %scan3A to %scan3A_20 step %scan3A_21  : i32 {
      %mul3A_37 = arith.constant 1 : i32
      %mul3A_38 = arith.muli %scan3A_36, %mul3A_37 : i32
      %add3A_39 = arith.constant 0 : i32
      %add3A_40 = arith.addi %add3A_39, %mul3A_38 : i32
      %dma_start3A_41 = arith.constant 0 : i32
      %dma_start3A_42 = arith.constant 0 : i32
      %dma_start3A_43 = tpu.memref_slice %arg7[%add3A_40, %dma_start3A_41, %dma_start3A_42] : memref<8x200x32xf32, #tpu.memory_space<vmem>> -> memref<1x128x32xf32, #tpu.memory_space<vmem>>
      %dma_start3A_44 = tpu.memref_squeeze %dma_start3A_43 : memref<1x128x32xf32, #tpu.memory_space<vmem>> -> memref<128x32xf32, #tpu.memory_space<vmem>>
      %dma_start3A_45 = arith.constant 0 : i32
      %dma_start3A_46 = tpu.memref_slice %arg5[%add3A_40, %dma_start3A_45] : memref<8x200xi32, #tpu.memory_space<vmem>> -> memref<1x128xi32, #tpu.memory_space<vmem>>
      %dma_start3A_47 = tpu.memref_squeeze %dma_start3A_46 : memref<1x128xi32, #tpu.memory_space<vmem>> -> memref<128xi32, #tpu.memory_space<vmem>>
      %dma_start3A_48 = arith.constant 0 : i32
      %dma_start3A_49 = arith.constant 0 : i32
      %dma_start3A_50 = tpu.memref_slice %arg2[%dma_start3A_48, %dma_start3A_49] : memref<1000000x32xf32, #tpu.memory_space<hbm>> -> memref<1000000x32xf32, #tpu.memory_space<hbm>>
      tpu.enqueue_indirect_dma source(%dma_start3A_50 : memref<1000000x32xf32, #tpu.memory_space<hbm>>) target(%dma_start3A_44 : memref<128x32xf32, #tpu.memory_space<vmem>>) offsets(%dma_start3A_47 : memref<128xi32, #tpu.memory_space<vmem>>) semaphore(%arg11 : memref<!tpu.dma_semaphore, #tpu.memory_space<semaphore_mem>>)
      %dma_start3A_51 = arith.constant 128 : i32
      %dma_start3A_52 = arith.constant 0 : i32
      %dma_start3A_53 = tpu.memref_slice %arg7[%add3A_40, %dma_start3A_51, %dma_start3A_52] : memref<8x200x32xf32, #tpu.memory_space<vmem>> -> memref<1x72x32xf32, #tpu.memory_space<vmem>>
      %dma_start3A_54 = tpu.memref_squeeze %dma_start3A_53 : memref<1x72x32xf32, #tpu.memory_space<vmem>> -> memref<72x32xf32, #tpu.memory_space<vmem>>
      %dma_start3A_55 = arith.constant 128 : i32
      %dma_start3A_56 = tpu.memref_slice %arg5[%add3A_40, %dma_start3A_55] : memref<8x200xi32, #tpu.memory_space<vmem>> -> memref<1x72xi32, #tpu.memory_space<vmem>>
      %dma_start3A_57 = tpu.memref_squeeze %dma_start3A_56 : memref<1x72xi32, #tpu.memory_space<vmem>> -> memref<72xi32, #tpu.memory_space<vmem>>
      %dma_start3A_58 = arith.constant 0 : i32
      %dma_start3A_59 = arith.constant 0 : i32
      %dma_start3A_60 = tpu.memref_slice %arg2[%dma_start3A_58, %dma_start3A_59] : memref<1000000x32xf32, #tpu.memory_space<hbm>> -> memref<1000000x32xf32, #tpu.memory_space<hbm>>
      tpu.enqueue_indirect_dma source(%dma_start3A_60 : memref<1000000x32xf32, #tpu.memory_space<hbm>>) target(%dma_start3A_54 : memref<72x32xf32, #tpu.memory_space<vmem>>) offsets(%dma_start3A_57 : memref<72xi32, #tpu.memory_space<vmem>>) semaphore(%arg11 : memref<!tpu.dma_semaphore, #tpu.memory_space<semaphore_mem>>)
    }
    %scan3A_22 = arith.constant 8 : i32
    %scan3A_23 = arith.constant 0 : i32
    %scan3A_24 = arith.constant 8 : i32
    %scan3A_25 = arith.addi %scan3A_23, %scan3A_24 : i32
    %scan3A_26 = arith.constant 1 : i32
    scf.for %scan3A_36 = %scan3A_23 to %scan3A_25 step %scan3A_26  : i32 {
      %mul3A_37 = arith.constant 1 : i32
      %mul3A_38 = arith.muli %scan3A_36, %mul3A_37 : i32
      %add3A_39 = arith.constant 0 : i32
      %add3A_40 = arith.addi %add3A_39, %mul3A_38 : i32
      %mul3A_41 = arith.constant 2 : i32
      %mul3A_42 = arith.muli %mul3A_41, %add3A_40 : i32
      %add3A_43 = arith.constant 0 : i32
      %add3A_44 = arith.addi %mul3A_42, %add3A_43 : i32
      %add3A_45 = arith.constant 1 : i32
      %add3A_46 = arith.addi %add3A_44, %add3A_45 : i32
      %lt3A = arith.constant 16 : i32
      %lt3A_47 = arith.cmpi slt, %add3A_46, %lt3A : i32
      %convert_element_type3A = arith.extui %lt3A_47 : i1 to i32
      %cond3A = arith.constant 0 : i32
      %cond3A_48 = arith.cmpi ne, %convert_element_type3A, %cond3A : i32
      scf.if %cond3A_48 {
        %dma_wait3A_135 = arith.constant 0 : i32
        %dma_wait3A_136 = arith.constant 0 : i32
        %dma_wait3A_137 = tpu.memref_slice %arg3[%dma_wait3A_135, %dma_wait3A_136] : memref<4096x200xi32, #tpu.memory_space<hbm>> -> memref<8x200xi32, #tpu.memory_space<hbm>>
        %dma_wait3A_138 = arith.constant 0 : i32
        %dma_wait3A_139 = arith.constant 0 : i32
        %dma_wait3A_140 = tpu.memref_slice %arg3[%dma_wait3A_138, %dma_wait3A_139] : memref<4096x200xi32, #tpu.memory_space<hbm>> -> memref<8x200xi32, #tpu.memory_space<hbm>>
        tpu.wait_dma2 semaphore(%arg10 : memref<!tpu.dma_semaphore, #tpu.memory_space<semaphore_mem>>) src(%dma_wait3A_140 : memref<8x200xi32, #tpu.memory_space<hbm>>) dst(%arg6 : memref<8x200xi32, #tpu.memory_space<vmem>>)
      } else {
      }
      %ge3A = arith.constant 1 : i32
      %ge3A_49 = arith.cmpi sge, %add3A_44, %ge3A : i32
      %convert_element_type3A_50 = arith.extui %ge3A_49 : i1 to i32
      %cond3A_51 = arith.constant 0 : i32
      %cond3A_52 = arith.cmpi ne, %convert_element_type3A_50, %cond3A_51 : i32
      scf.if %cond3A_52 {
        %dma_wait3A_135 = arith.constant 0 : i32
        %dma_wait3A_136 = arith.constant 0 : i32
        %dma_wait3A_137 = arith.constant 0 : i32
        %dma_wait3A_138 = tpu.memref_slice %arg4[%dma_wait3A_135, %dma_wait3A_136, %dma_wait3A_137] : memref<4096x200x32xf32, #tpu.memory_space<hbm>> -> memref<8x200x32xf32, #tpu.memory_space<hbm>>
        %dma_wait3A_139 = arith.constant 0 : i32
        %dma_wait3A_140 = arith.constant 0 : i32
        %dma_wait3A_141 = arith.constant 0 : i32
        %dma_wait3A_142 = tpu.memref_slice %arg4[%dma_wait3A_139, %dma_wait3A_140, %dma_wait3A_141] : memref<4096x200x32xf32, #tpu.memory_space<hbm>> -> memref<8x200x32xf32, #tpu.memory_space<hbm>>
        tpu.wait_dma2 semaphore(%arg14 : memref<!tpu.dma_semaphore, #tpu.memory_space<semaphore_mem>>) src(%arg8 : memref<8x200x32xf32, #tpu.memory_space<vmem>>) dst(%dma_wait3A_142 : memref<8x200x32xf32, #tpu.memory_space<hbm>>)
      } else {
      }
      %add3A_53 = arith.constant 1 : i32
      %add3A_54 = arith.addi %add3A_44, %add3A_53 : i32
      %lt3A_55 = arith.constant 16 : i32
      %lt3A_56 = arith.cmpi slt, %add3A_54, %lt3A_55 : i32
      %convert_element_type3A_57 = arith.extui %lt3A_56 : i1 to i32
      %cond3A_58 = arith.constant 0 : i32
      %cond3A_59 = arith.cmpi ne, %convert_element_type3A_57, %cond3A_58 : i32
      scf.if %cond3A_59 {
        %scan3A_135 = arith.constant 0 : i32
        %scan3A_136 = arith.constant 8 : i32
        %scan3A_137 = arith.addi %scan3A_135, %scan3A_136 : i32
        %scan3A_138 = arith.constant 1 : i32
        scf.for %scan3A_140 = %scan3A_135 to %scan3A_137 step %scan3A_138  : i32 {
          %mul3A_141 = arith.constant 1 : i32
          %mul3A_142 = arith.muli %scan3A_140, %mul3A_141 : i32
          %add3A_143 = arith.constant 0 : i32
          %add3A_144 = arith.addi %add3A_143, %mul3A_142 : i32
          %dma_start3A_145 = arith.constant 0 : i32
          %dma_start3A_146 = arith.constant 0 : i32
          %dma_start3A_147 = tpu.memref_slice %arg8[%add3A_144, %dma_start3A_145, %dma_start3A_146] : memref<8x200x32xf32, #tpu.memory_space<vmem>> -> memref<1x128x32xf32, #tpu.memory_space<vmem>>
          %dma_start3A_148 = tpu.memref_squeeze %dma_start3A_147 : memref<1x128x32xf32, #tpu.memory_space<vmem>> -> memref<128x32xf32, #tpu.memory_space<vmem>>
          %dma_start3A_149 = arith.constant 0 : i32
          %dma_start3A_150 = tpu.memref_slice %arg6[%add3A_144, %dma_start3A_149] : memref<8x200xi32, #tpu.memory_space<vmem>> -> memref<1x128xi32, #tpu.memory_space<vmem>>
          %dma_start3A_151 = tpu.memref_squeeze %dma_start3A_150 : memref<1x128xi32, #tpu.memory_space<vmem>> -> memref<128xi32, #tpu.memory_space<vmem>>
          %dma_start3A_152 = arith.constant 0 : i32
          %dma_start3A_153 = arith.constant 0 : i32
          %dma_start3A_154 = tpu.memref_slice %arg2[%dma_start3A_152, %dma_start3A_153] : memref<1000000x32xf32, #tpu.memory_space<hbm>> -> memref<1000000x32xf32, #tpu.memory_space<hbm>>
          tpu.enqueue_indirect_dma source(%dma_start3A_154 : memref<1000000x32xf32, #tpu.memory_space<hbm>>) target(%dma_start3A_148 : memref<128x32xf32, #tpu.memory_space<vmem>>) offsets(%dma_start3A_151 : memref<128xi32, #tpu.memory_space<vmem>>) semaphore(%arg12 : memref<!tpu.dma_semaphore, #tpu.memory_space<semaphore_mem>>)
          %dma_start3A_155 = arith.constant 128 : i32
          %dma_start3A_156 = arith.constant 0 : i32
          %dma_start3A_157 = tpu.memref_slice %arg8[%add3A_144, %dma_start3A_155, %dma_start3A_156] : memref<8x200x32xf32, #tpu.memory_space<vmem>> -> memref<1x72x32xf32, #tpu.memory_space<vmem>>
          %dma_start3A_158 = tpu.memref_squeeze %dma_start3A_157 : memref<1x72x32xf32, #tpu.memory_space<vmem>> -> memref<72x32xf32, #tpu.memory_space<vmem>>
          %dma_start3A_159 = arith.constant 128 : i32
          %dma_start3A_160 = tpu.memref_slice %arg6[%add3A_144, %dma_start3A_159] : memref<8x200xi32, #tpu.memory_space<vmem>> -> memref<1x72xi32, #tpu.memory_space<vmem>>
          %dma_start3A_161 = tpu.memref_squeeze %dma_start3A_160 : memref<1x72xi32, #tpu.memory_space<vmem>> -> memref<72xi32, #tpu.memory_space<vmem>>
          %dma_start3A_162 = arith.constant 0 : i32
          %dma_start3A_163 = arith.constant 0 : i32
          %dma_start3A_164 = tpu.memref_slice %arg2[%dma_start3A_162, %dma_start3A_163] : memref<1000000x32xf32, #tpu.memory_space<hbm>> -> memref<1000000x32xf32, #tpu.memory_space<hbm>>
          tpu.enqueue_indirect_dma source(%dma_start3A_164 : memref<1000000x32xf32, #tpu.memory_space<hbm>>) target(%dma_start3A_158 : memref<72x32xf32, #tpu.memory_space<vmem>>) offsets(%dma_start3A_161 : memref<72xi32, #tpu.memory_space<vmem>>) semaphore(%arg12 : memref<!tpu.dma_semaphore, #tpu.memory_space<semaphore_mem>>)
        }
        %scan3A_139 = arith.constant 8 : i32
      } else {
      }
      %scan3A_60 = arith.constant 0 : i32
      %scan3A_61 = arith.constant 8 : i32
      %scan3A_62 = arith.addi %scan3A_60, %scan3A_61 : i32
      %scan3A_63 = arith.constant 1 : i32
      scf.for %scan3A_135 = %scan3A_60 to %scan3A_62 step %scan3A_63  : i32 {
        %mul3A_136 = arith.constant 1 : i32
        %mul3A_137 = arith.muli %scan3A_135, %mul3A_136 : i32
        %add3A_138 = arith.constant 0 : i32
        %add3A_139 = arith.addi %add3A_138, %mul3A_137 : i32
        %dma_wait3A_140 = arith.constant 0 : i32
        %dma_wait3A_141 = arith.constant 0 : i32
        %dma_wait3A_142 = tpu.memref_slice %arg7[%add3A_139, %dma_wait3A_140, %dma_wait3A_141] : memref<8x200x32xf32, #tpu.memory_space<vmem>> -> memref<1x128x32xf32, #tpu.memory_space<vmem>>
        %dma_wait3A_143 = tpu.memref_squeeze %dma_wait3A_142 : memref<1x128x32xf32, #tpu.memory_space<vmem>> -> memref<128x32xf32, #tpu.memory_space<vmem>>
        %dma_wait3A_144 = arith.constant 0 : i32
        %dma_wait3A_145 = tpu.memref_slice %arg5[%add3A_139, %dma_wait3A_144] : memref<8x200xi32, #tpu.memory_space<vmem>> -> memref<1x128xi32, #tpu.memory_space<vmem>>
        %dma_wait3A_146 = tpu.memref_squeeze %dma_wait3A_145 : memref<1x128xi32, #tpu.memory_space<vmem>> -> memref<128xi32, #tpu.memory_space<vmem>>
        %dma_wait3A_147 = arith.constant 0 : i32
        %dma_wait3A_148 = arith.constant 0 : i32
        %dma_wait3A_149 = tpu.memref_slice %arg2[%dma_wait3A_147, %dma_wait3A_148] : memref<1000000x32xf32, #tpu.memory_space<hbm>> -> memref<1000000x32xf32, #tpu.memory_space<hbm>>
        tpu.wait_indirect_dma semaphore(%arg11 : memref<!tpu.dma_semaphore, #tpu.memory_space<semaphore_mem>>) src(%dma_wait3A_149 : memref<1000000x32xf32, #tpu.memory_space<hbm>>) dst(%dma_wait3A_143 : memref<128x32xf32, #tpu.memory_space<vmem>>)
        %dma_wait3A_150 = arith.constant 128 : i32
        %dma_wait3A_151 = arith.constant 0 : i32
        %dma_wait3A_152 = tpu.memref_slice %arg7[%add3A_139, %dma_wait3A_150, %dma_wait3A_151] : memref<8x200x32xf32, #tpu.memory_space<vmem>> -> memref<1x72x32xf32, #tpu.memory_space<vmem>>
        %dma_wait3A_153 = tpu.memref_squeeze %dma_wait3A_152 : memref<1x72x32xf32, #tpu.memory_space<vmem>> -> memref<72x32xf32, #tpu.memory_space<vmem>>
        %dma_wait3A_154 = arith.constant 128 : i32
        %dma_wait3A_155 = tpu.memref_slice %arg5[%add3A_139, %dma_wait3A_154] : memref<8x200xi32, #tpu.memory_space<vmem>> -> memref<1x72xi32, #tpu.memory_space<vmem>>
        %dma_wait3A_156 = tpu.memref_squeeze %dma_wait3A_155 : memref<1x72xi32, #tpu.memory_space<vmem>> -> memref<72xi32, #tpu.memory_space<vmem>>
        %dma_wait3A_157 = arith.constant 0 : i32
        %dma_wait3A_158 = arith.constant 0 : i32
        %dma_wait3A_159 = tpu.memref_slice %arg2[%dma_wait3A_157, %dma_wait3A_158] : memref<1000000x32xf32, #tpu.memory_space<hbm>> -> memref<1000000x32xf32, #tpu.memory_space<hbm>>
        tpu.wait_indirect_dma semaphore(%arg11 : memref<!tpu.dma_semaphore, #tpu.memory_space<semaphore_mem>>) src(%dma_wait3A_159 : memref<1000000x32xf32, #tpu.memory_space<hbm>>) dst(%dma_wait3A_153 : memref<72x32xf32, #tpu.memory_space<vmem>>)
      }
      %scan3A_64 = arith.constant 8 : i32
      %scan3A_65 = arith.constant 0 : i32
      %scan3A_66 = arith.constant 8 : i32
      %scan3A_67 = arith.addi %scan3A_65, %scan3A_66 : i32
      %scan3A_68 = arith.constant 1 : i32
      scf.for %scan3A_135 = %scan3A_65 to %scan3A_67 step %scan3A_68  : i32 {
        %mul3A_136 = arith.constant 1 : i32
        %mul3A_137 = arith.muli %scan3A_135, %mul3A_136 : i32
        %add3A_138 = arith.constant 0 : i32
        %add3A_139 = arith.addi %add3A_138, %mul3A_137 : i32
        %broadcast_in_dim3A = arith.constant 0.000000e+00 : f32
        %broadcast_in_dim3A_140 = vector.broadcast %broadcast_in_dim3A : f32 to vector<16xf32>
        %get3A = arith.constant 0 : i32
        %get3A_141 = tpu.memref_slice %arg5[%add3A_139, %get3A] : memref<8x200xi32, #tpu.memory_space<vmem>> -> memref<1x200xi32, #tpu.memory_space<vmem>>
        %get3A_142 = tpu.memref_squeeze %get3A_141 : memref<1x200xi32, #tpu.memory_space<vmem>> -> memref<200xi32, #tpu.memory_space<vmem>>
        %get3A_143 = arith.constant 0 : index
        %get3A_144 = tpu.vector_load %get3A_142[%get3A_143] {strides = array<i32>} : memref<200xi32, #tpu.memory_space<vmem>>, vector<16xi32>,
        %eq3A = arith.constant 0 : i32
        %eq3A_145 = vector.broadcast %eq3A : i32 to vector<16xi32>
        %eq3A_146 = arith.cmpi eq, %get3A_144, %eq3A_145 : vector<16xi32>
        %reduce_or3A = arith.constant 1.000000e+00 : f32
        %reduce_or3A_147 = arith.constant 0.000000e+00 : f32
        %reduce_or3A_148 = vector.broadcast %reduce_or3A : f32 to vector<16xf32>
        %reduce_or3A_149 = vector.broadcast %reduce_or3A_147 : f32 to vector<16xf32>
        %reduce_or3A_150 = arith.select %eq3A_146, %reduce_or3A_148, %reduce_or3A_149 : vector<16xi1>, vector<16xf32>
        %reduce_or3A_151 = arith.constant true
        %reduce_or3A_152 = vector.broadcast %reduce_or3A_151 : i1 to vector<16xi1>
        %reduce_or3A_153 = tpu.scan <max>, %reduce_or3A_150 masked %reduce_or3A_152 : vector<16xf32>, vector<16xi1> -> vector<16xf32>
        %reduce_or3A_154 = vector.extract %reduce_or3A_153[15] : f32 from vector<16xf32>
        %reduce_or3A_155 = arith.constant 0.000000e+00 : f32
        %reduce_or3A_156 = arith.cmpf ogt, %reduce_or3A_154, %reduce_or3A_155 : f32
        %convert_element_type3A_157 = arith.extui %reduce_or3A_156 : i1 to i32
        %cond3A_158 = arith.constant 0 : i32
        %cond3A_159 = arith.cmpi ne, %convert_element_type3A_157, %cond3A_158 : i32
        scf.if %cond3A_159 {
          %iota3A = tpu.iota {dimensions = array<i32: 0>} : vector<16xi32>
          %add3A_424 = arith.constant 0 : i32
          %add3A_425 = vector.broadcast %add3A_424 : i32 to vector<16xi32>
          %add3A_426 = arith.addi %iota3A, %add3A_425 : vector<16xi32>
          %scan3A_427 = arith.constant 0 : i32
          %scan3A_428 = arith.constant 32 : i32
          %scan3A_429 = arith.addi %scan3A_427, %scan3A_428 : i32
          %scan3A_430 = arith.constant 1 : i32
          scf.for %scan3A_432 = %scan3A_427 to %scan3A_429 step %scan3A_430  : i32 {
            %mul3A_433 = arith.constant 1 : i32
            %mul3A_434 = arith.muli %scan3A_432, %mul3A_433 : i32
            %add3A_435 = arith.constant 0 : i32
            %add3A_436 = arith.addi %add3A_435, %mul3A_434 : i32
            %broadcast_in_dim3A_437 = arith.constant 0 : i32
            %broadcast_in_dim3A_438 = vector.broadcast %broadcast_in_dim3A_437 : i32 to vector<16xi32>
            %add3A_439 = vector.broadcast %add3A_436 : i32 to vector<16xi32>
            %add3A_440 = arith.addi %broadcast_in_dim3A_438, %add3A_439 : vector<16xi32>
            %scatter3A = arith.constant 0 : i32
            %scatter3A_441 = arith.constant 0 : i32
            %scatter3A_442 = tpu.memref_slice %arg7[%add3A_139, %scatter3A, %scatter3A_441] : memref<8x200x32xf32, #tpu.memory_space<vmem>> -> memref<1x200x32xf32, #tpu.memory_space<vmem>>
            %scatter3A_443 = tpu.memref_squeeze %scatter3A_442 : memref<1x200x32xf32, #tpu.memory_space<vmem>> -> memref<200x32xf32, #tpu.memory_space<vmem>>
            tpu.vector_store_idx %scatter3A_443[%add3A_426, %add3A_440], %broadcast_in_dim3A_140 masked %eq3A_146 : memref<200x32xf32, #tpu.memory_space<vmem>>[vector<16xi32>, vector<16xi32>], vector<16xf32>, vector<16xi1>
          }
          %scan3A_431 = arith.constant 32 : i32
        } else {
        }
        %get3A_160 = arith.constant 0 : i32
        %get3A_161 = tpu.memref_slice %arg5[%add3A_139, %get3A_160] : memref<8x200xi32, #tpu.memory_space<vmem>> -> memref<1x200xi32, #tpu.memory_space<vmem>>
        %get3A_162 = tpu.memref_squeeze %get3A_161 : memref<1x200xi32, #tpu.memory_space<vmem>> -> memref<200xi32, #tpu.memory_space<vmem>>
        %get3A_163 = arith.constant 16 : index
        %get3A_164 = tpu.vector_load %get3A_162[%get3A_163] {strides = array<i32>} : memref<200xi32, #tpu.memory_space<vmem>>, vector<16xi32>,
        %eq3A_165 = arith.constant 0 : i32
        %eq3A_166 = vector.broadcast %eq3A_165 : i32 to vector<16xi32>
        %eq3A_167 = arith.cmpi eq, %get3A_164, %eq3A_166 : vector<16xi32>
        %reduce_or3A_168 = arith.constant 1.000000e+00 : f32
        %reduce_or3A_169 = arith.constant 0.000000e+00 : f32
        %reduce_or3A_170 = vector.broadcast %reduce_or3A_168 : f32 to vector<16xf32>
        %reduce_or3A_171 = vector.broadcast %reduce_or3A_169 : f32 to vector<16xf32>
        %reduce_or3A_172 = arith.select %eq3A_167, %reduce_or3A_170, %reduce_or3A_171 : vector<16xi1>, vector<16xf32>
        %reduce_or3A_173 = arith.constant true
        %reduce_or3A_174 = vector.broadcast %reduce_or3A_173 : i1 to vector<16xi1>
        %reduce_or3A_175 = tpu.scan <max>, %reduce_or3A_172 masked %reduce_or3A_174 : vector<16xf32>, vector<16xi1> -> vector<16xf32>
        %reduce_or3A_176 = vector.extract %reduce_or3A_175[15] : f32 from vector<16xf32>
        %reduce_or3A_177 = arith.constant 0.000000e+00 : f32
        %reduce_or3A_178 = arith.cmpf ogt, %reduce_or3A_176, %reduce_or3A_177 : f32
        %convert_element_type3A_179 = arith.extui %reduce_or3A_178 : i1 to i32
        %cond3A_180 = arith.constant 0 : i32
        %cond3A_181 = arith.cmpi ne, %convert_element_type3A_179, %cond3A_180 : i32
        scf.if %cond3A_181 {
          %iota3A = tpu.iota {dimensions = array<i32: 0>} : vector<16xi32>
          %add3A_424 = arith.constant 16 : i32
          %add3A_425 = vector.broadcast %add3A_424 : i32 to vector<16xi32>
          %add3A_426 = arith.addi %iota3A, %add3A_425 : vector<16xi32>
          %scan3A_427 = arith.constant 0 : i32
          %scan3A_428 = arith.constant 32 : i32
          %scan3A_429 = arith.addi %scan3A_427, %scan3A_428 : i32
          %scan3A_430 = arith.constant 1 : i32
          scf.for %scan3A_432 = %scan3A_427 to %scan3A_429 step %scan3A_430  : i32 {
            %mul3A_433 = arith.constant 1 : i32
            %mul3A_434 = arith.muli %scan3A_432, %mul3A_433 : i32
            %add3A_435 = arith.constant 0 : i32
            %add3A_436 = arith.addi %add3A_435, %mul3A_434 : i32
            %broadcast_in_dim3A_437 = arith.constant 0 : i32
            %broadcast_in_dim3A_438 = vector.broadcast %broadcast_in_dim3A_437 : i32 to vector<16xi32>
            %add3A_439 = vector.broadcast %add3A_436 : i32 to vector<16xi32>
            %add3A_440 = arith.addi %broadcast_in_dim3A_438, %add3A_439 : vector<16xi32>
            %scatter3A = arith.constant 0 : i32
            %scatter3A_441 = arith.constant 0 : i32
            %scatter3A_442 = tpu.memref_slice %arg7[%add3A_139, %scatter3A, %scatter3A_441] : memref<8x200x32xf32, #tpu.memory_space<vmem>> -> memref<1x200x32xf32, #tpu.memory_space<vmem>>
            %scatter3A_443 = tpu.memref_squeeze %scatter3A_442 : memref<1x200x32xf32, #tpu.memory_space<vmem>> -> memref<200x32xf32, #tpu.memory_space<vmem>>
            tpu.vector_store_idx %scatter3A_443[%add3A_426, %add3A_440], %broadcast_in_dim3A_140 masked %eq3A_167 : memref<200x32xf32, #tpu.memory_space<vmem>>[vector<16xi32>, vector<16xi32>], vector<16xf32>, vector<16xi1>
          }
          %scan3A_431 = arith.constant 32 : i32
        } else {
        }
        %get3A_182 = arith.constant 0 : i32
        %get3A_183 = tpu.memref_slice %arg5[%add3A_139, %get3A_182] : memref<8x200xi32, #tpu.memory_space<vmem>> -> memref<1x200xi32, #tpu.memory_space<vmem>>
        %get3A_184 = tpu.memref_squeeze %get3A_183 : memref<1x200xi32, #tpu.memory_space<vmem>> -> memref<200xi32, #tpu.memory_space<vmem>>
        %get3A_185 = arith.constant 32 : index
        %get3A_186 = tpu.vector_load %get3A_184[%get3A_185] {strides = array<i32>} : memref<200xi32, #tpu.memory_space<vmem>>, vector<16xi32>,
        %eq3A_187 = arith.constant 0 : i32
        %eq3A_188 = vector.broadcast %eq3A_187 : i32 to vector<16xi32>
        %eq3A_189 = arith.cmpi eq, %get3A_186, %eq3A_188 : vector<16xi32>
        %reduce_or3A_190 = arith.constant 1.000000e+00 : f32
        %reduce_or3A_191 = arith.constant 0.000000e+00 : f32
        %reduce_or3A_192 = vector.broadcast %reduce_or3A_190 : f32 to vector<16xf32>
        %reduce_or3A_193 = vector.broadcast %reduce_or3A_191 : f32 to vector<16xf32>
        %reduce_or3A_194 = arith.select %eq3A_189, %reduce_or3A_192, %reduce_or3A_193 : vector<16xi1>, vector<16xf32>
        %reduce_or3A_195 = arith.constant true
        %reduce_or3A_196 = vector.broadcast %reduce_or3A_195 : i1 to vector<16xi1>
        %reduce_or3A_197 = tpu.scan <max>, %reduce_or3A_194 masked %reduce_or3A_196 : vector<16xf32>, vector<16xi1> -> vector<16xf32>
        %reduce_or3A_198 = vector.extract %reduce_or3A_197[15] : f32 from vector<16xf32>
        %reduce_or3A_199 = arith.constant 0.000000e+00 : f32
        %reduce_or3A_200 = arith.cmpf ogt, %reduce_or3A_198, %reduce_or3A_199 : f32
        %convert_element_type3A_201 = arith.extui %reduce_or3A_200 : i1 to i32
        %cond3A_202 = arith.constant 0 : i32
        %cond3A_203 = arith.cmpi ne, %convert_element_type3A_201, %cond3A_202 : i32
        scf.if %cond3A_203 {
          %iota3A = tpu.iota {dimensions = array<i32: 0>} : vector<16xi32>
          %add3A_424 = arith.constant 32 : i32
          %add3A_425 = vector.broadcast %add3A_424 : i32 to vector<16xi32>
          %add3A_426 = arith.addi %iota3A, %add3A_425 : vector<16xi32>
          %scan3A_427 = arith.constant 0 : i32
          %scan3A_428 = arith.constant 32 : i32
          %scan3A_429 = arith.addi %scan3A_427, %scan3A_428 : i32
          %scan3A_430 = arith.constant 1 : i32
          scf.for %scan3A_432 = %scan3A_427 to %scan3A_429 step %scan3A_430  : i32 {
            %mul3A_433 = arith.constant 1 : i32
            %mul3A_434 = arith.muli %scan3A_432, %mul3A_433 : i32
            %add3A_435 = arith.constant 0 : i32
            %add3A_436 = arith.addi %add3A_435, %mul3A_434 : i32
            %broadcast_in_dim3A_437 = arith.constant 0 : i32
            %broadcast_in_dim3A_438 = vector.broadcast %broadcast_in_dim3A_437 : i32 to vector<16xi32>
            %add3A_439 = vector.broadcast %add3A_436 : i32 to vector<16xi32>
            %add3A_440 = arith.addi %broadcast_in_dim3A_438, %add3A_439 : vector<16xi32>
            %scatter3A = arith.constant 0 : i32
            %scatter3A_441 = arith.constant 0 : i32
            %scatter3A_442 = tpu.memref_slice %arg7[%add3A_139, %scatter3A, %scatter3A_441] : memref<8x200x32xf32, #tpu.memory_space<vmem>> -> memref<1x200x32xf32, #tpu.memory_space<vmem>>
            %scatter3A_443 = tpu.memref_squeeze %scatter3A_442 : memref<1x200x32xf32, #tpu.memory_space<vmem>> -> memref<200x32xf32, #tpu.memory_space<vmem>>
            tpu.vector_store_idx %scatter3A_443[%add3A_426, %add3A_440], %broadcast_in_dim3A_140 masked %eq3A_189 : memref<200x32xf32, #tpu.memory_space<vmem>>[vector<16xi32>, vector<16xi32>], vector<16xf32>, vector<16xi1>
          }
          %scan3A_431 = arith.constant 32 : i32
        } else {
        }
        %get3A_204 = arith.constant 0 : i32
        %get3A_205 = tpu.memref_slice %arg5[%add3A_139, %get3A_204] : memref<8x200xi32, #tpu.memory_space<vmem>> -> memref<1x200xi32, #tpu.memory_space<vmem>>
        %get3A_206 = tpu.memref_squeeze %get3A_205 : memref<1x200xi32, #tpu.memory_space<vmem>> -> memref<200xi32, #tpu.memory_space<vmem>>
        %get3A_207 = arith.constant 48 : index
        %get3A_208 = tpu.vector_load %get3A_206[%get3A_207] {strides = array<i32>} : memref<200xi32, #tpu.memory_space<vmem>>, vector<16xi32>,
        %eq3A_209 = arith.constant 0 : i32
        %eq3A_210 = vector.broadcast %eq3A_209 : i32 to vector<16xi32>
        %eq3A_211 = arith.cmpi eq, %get3A_208, %eq3A_210 : vector<16xi32>
        %reduce_or3A_212 = arith.constant 1.000000e+00 : f32
        %reduce_or3A_213 = arith.constant 0.000000e+00 : f32
        %reduce_or3A_214 = vector.broadcast %reduce_or3A_212 : f32 to vector<16xf32>
        %reduce_or3A_215 = vector.broadcast %reduce_or3A_213 : f32 to vector<16xf32>
        %reduce_or3A_216 = arith.select %eq3A_211, %reduce_or3A_214, %reduce_or3A_215 : vector<16xi1>, vector<16xf32>
        %reduce_or3A_217 = arith.constant true
        %reduce_or3A_218 = vector.broadcast %reduce_or3A_217 : i1 to vector<16xi1>
        %reduce_or3A_219 = tpu.scan <max>, %reduce_or3A_216 masked %reduce_or3A_218 : vector<16xf32>, vector<16xi1> -> vector<16xf32>
        %reduce_or3A_220 = vector.extract %reduce_or3A_219[15] : f32 from vector<16xf32>
        %reduce_or3A_221 = arith.constant 0.000000e+00 : f32
        %reduce_or3A_222 = arith.cmpf ogt, %reduce_or3A_220, %reduce_or3A_221 : f32
        %convert_element_type3A_223 = arith.extui %reduce_or3A_222 : i1 to i32
        %cond3A_224 = arith.constant 0 : i32
        %cond3A_225 = arith.cmpi ne, %convert_element_type3A_223, %cond3A_224 : i32
        scf.if %cond3A_225 {
          %iota3A = tpu.iota {dimensions = array<i32: 0>} : vector<16xi32>
          %add3A_424 = arith.constant 48 : i32
          %add3A_425 = vector.broadcast %add3A_424 : i32 to vector<16xi32>
          %add3A_426 = arith.addi %iota3A, %add3A_425 : vector<16xi32>
          %scan3A_427 = arith.constant 0 : i32
          %scan3A_428 = arith.constant 32 : i32
          %scan3A_429 = arith.addi %scan3A_427, %scan3A_428 : i32
          %scan3A_430 = arith.constant 1 : i32
          scf.for %scan3A_432 = %scan3A_427 to %scan3A_429 step %scan3A_430  : i32 {
            %mul3A_433 = arith.constant 1 : i32
            %mul3A_434 = arith.muli %scan3A_432, %mul3A_433 : i32
            %add3A_435 = arith.constant 0 : i32
            %add3A_436 = arith.addi %add3A_435, %mul3A_434 : i32
            %broadcast_in_dim3A_437 = arith.constant 0 : i32
            %broadcast_in_dim3A_438 = vector.broadcast %broadcast_in_dim3A_437 : i32 to vector<16xi32>
            %add3A_439 = vector.broadcast %add3A_436 : i32 to vector<16xi32>
            %add3A_440 = arith.addi %broadcast_in_dim3A_438, %add3A_439 : vector<16xi32>
            %scatter3A = arith.constant 0 : i32
            %scatter3A_441 = arith.constant 0 : i32
            %scatter3A_442 = tpu.memref_slice %arg7[%add3A_139, %scatter3A, %scatter3A_441] : memref<8x200x32xf32, #tpu.memory_space<vmem>> -> memref<1x200x32xf32, #tpu.memory_space<vmem>>
            %scatter3A_443 = tpu.memref_squeeze %scatter3A_442 : memref<1x200x32xf32, #tpu.memory_space<vmem>> -> memref<200x32xf32, #tpu.memory_space<vmem>>
            tpu.vector_store_idx %scatter3A_443[%add3A_426, %add3A_440], %broadcast_in_dim3A_140 masked %eq3A_211 : memref<200x32xf32, #tpu.memory_space<vmem>>[vector<16xi32>, vector<16xi32>], vector<16xf32>, vector<16xi1>
          }
          %scan3A_431 = arith.constant 32 : i32
        } else {
        }
        %get3A_226 = arith.constant 0 : i32
        %get3A_227 = tpu.memref_slice %arg5[%add3A_139, %get3A_226] : memref<8x200xi32, #tpu.memory_space<vmem>> -> memref<1x200xi32, #tpu.memory_space<vmem>>
        %get3A_228 = tpu.memref_squeeze %get3A_227 : memref<1x200xi32, #tpu.memory_space<vmem>> -> memref<200xi32, #tpu.memory_space<vmem>>
        %get3A_229 = arith.constant 64 : index
        %get3A_230 = tpu.vector_load %get3A_228[%get3A_229] {strides = array<i32>} : memref<200xi32, #tpu.memory_space<vmem>>, vector<16xi32>,
        %eq3A_231 = arith.constant 0 : i32
        %eq3A_232 = vector.broadcast %eq3A_231 : i32 to vector<16xi32>
        %eq3A_233 = arith.cmpi eq, %get3A_230, %eq3A_232 : vector<16xi32>
        %reduce_or3A_234 = arith.constant 1.000000e+00 : f32
        %reduce_or3A_235 = arith.constant 0.000000e+00 : f32
        %reduce_or3A_236 = vector.broadcast %reduce_or3A_234 : f32 to vector<16xf32>
        %reduce_or3A_237 = vector.broadcast %reduce_or3A_235 : f32 to vector<16xf32>
        %reduce_or3A_238 = arith.select %eq3A_233, %reduce_or3A_236, %reduce_or3A_237 : vector<16xi1>, vector<16xf32>
        %reduce_or3A_239 = arith.constant true
        %reduce_or3A_240 = vector.broadcast %reduce_or3A_239 : i1 to vector<16xi1>
        %reduce_or3A_241 = tpu.scan <max>, %reduce_or3A_238 masked %reduce_or3A_240 : vector<16xf32>, vector<16xi1> -> vector<16xf32>
        %reduce_or3A_242 = vector.extract %reduce_or3A_241[15] : f32 from vector<16xf32>
        %reduce_or3A_243 = arith.constant 0.000000e+00 : f32
        %reduce_or3A_244 = arith.cmpf ogt, %reduce_or3A_242, %reduce_or3A_243 : f32
        %convert_element_type3A_245 = arith.extui %reduce_or3A_244 : i1 to i32
        %cond3A_246 = arith.constant 0 : i32
        %cond3A_247 = arith.cmpi ne, %convert_element_type3A_245, %cond3A_246 : i32
        scf.if %cond3A_247 {
          %iota3A = tpu.iota {dimensions = array<i32: 0>} : vector<16xi32>
          %add3A_424 = arith.constant 64 : i32
          %add3A_425 = vector.broadcast %add3A_424 : i32 to vector<16xi32>
          %add3A_426 = arith.addi %iota3A, %add3A_425 : vector<16xi32>
          %scan3A_427 = arith.constant 0 : i32
          %scan3A_428 = arith.constant 32 : i32
          %scan3A_429 = arith.addi %scan3A_427, %scan3A_428 : i32
          %scan3A_430 = arith.constant 1 : i32
          scf.for %scan3A_432 = %scan3A_427 to %scan3A_429 step %scan3A_430  : i32 {
            %mul3A_433 = arith.constant 1 : i32
            %mul3A_434 = arith.muli %scan3A_432, %mul3A_433 : i32
            %add3A_435 = arith.constant 0 : i32
            %add3A_436 = arith.addi %add3A_435, %mul3A_434 : i32
            %broadcast_in_dim3A_437 = arith.constant 0 : i32
            %broadcast_in_dim3A_438 = vector.broadcast %broadcast_in_dim3A_437 : i32 to vector<16xi32>
            %add3A_439 = vector.broadcast %add3A_436 : i32 to vector<16xi32>
            %add3A_440 = arith.addi %broadcast_in_dim3A_438, %add3A_439 : vector<16xi32>
            %scatter3A = arith.constant 0 : i32
            %scatter3A_441 = arith.constant 0 : i32
            %scatter3A_442 = tpu.memref_slice %arg7[%add3A_139, %scatter3A, %scatter3A_441] : memref<8x200x32xf32, #tpu.memory_space<vmem>> -> memref<1x200x32xf32, #tpu.memory_space<vmem>>
            %scatter3A_443 = tpu.memref_squeeze %scatter3A_442 : memref<1x200x32xf32, #tpu.memory_space<vmem>> -> memref<200x32xf32, #tpu.memory_space<vmem>>
            tpu.vector_store_idx %scatter3A_443[%add3A_426, %add3A_440], %broadcast_in_dim3A_140 masked %eq3A_233 : memref<200x32xf32, #tpu.memory_space<vmem>>[vector<16xi32>, vector<16xi32>], vector<16xf32>, vector<16xi1>
          }
          %scan3A_431 = arith.constant 32 : i32
        } else {
        }
        %get3A_248 = arith.constant 0 : i32
        %get3A_249 = tpu.memref_slice %arg5[%add3A_139, %get3A_248] : memref<8x200xi32, #tpu.memory_space<vmem>> -> memref<1x200xi32, #tpu.memory_space<vmem>>
        %get3A_250 = tpu.memref_squeeze %get3A_249 : memref<1x200xi32, #tpu.memory_space<vmem>> -> memref<200xi32, #tpu.memory_space<vmem>>
        %get3A_251 = arith.constant 80 : index
        %get3A_252 = tpu.vector_load %get3A_250[%get3A_251] {strides = array<i32>} : memref<200xi32, #tpu.memory_space<vmem>>, vector<16xi32>,
        %eq3A_253 = arith.constant 0 : i32
        %eq3A_254 = vector.broadcast %eq3A_253 : i32 to vector<16xi32>
        %eq3A_255 = arith.cmpi eq, %get3A_252, %eq3A_254 : vector<16xi32>
        %reduce_or3A_256 = arith.constant 1.000000e+00 : f32
        %reduce_or3A_257 = arith.constant 0.000000e+00 : f32
        %reduce_or3A_258 = vector.broadcast %reduce_or3A_256 : f32 to vector<16xf32>
        %reduce_or3A_259 = vector.broadcast %reduce_or3A_257 : f32 to vector<16xf32>
        %reduce_or3A_260 = arith.select %eq3A_255, %reduce_or3A_258, %reduce_or3A_259 : vector<16xi1>, vector<16xf32>
        %reduce_or3A_261 = arith.constant true
        %reduce_or3A_262 = vector.broadcast %reduce_or3A_261 : i1 to vector<16xi1>
        %reduce_or3A_263 = tpu.scan <max>, %reduce_or3A_260 masked %reduce_or3A_262 : vector<16xf32>, vector<16xi1> -> vector<16xf32>
        %reduce_or3A_264 = vector.extract %reduce_or3A_263[15] : f32 from vector<16xf32>
        %reduce_or3A_265 = arith.constant 0.000000e+00 : f32
        %reduce_or3A_266 = arith.cmpf ogt, %reduce_or3A_264, %reduce_or3A_265 : f32
        %convert_element_type3A_267 = arith.extui %reduce_or3A_266 : i1 to i32
        %cond3A_268 = arith.constant 0 : i32
        %cond3A_269 = arith.cmpi ne, %convert_element_type3A_267, %cond3A_268 : i32
        scf.if %cond3A_269 {
          %iota3A = tpu.iota {dimensions = array<i32: 0>} : vector<16xi32>
          %add3A_424 = arith.constant 80 : i32
          %add3A_425 = vector.broadcast %add3A_424 : i32 to vector<16xi32>
          %add3A_426 = arith.addi %iota3A, %add3A_425 : vector<16xi32>
          %scan3A_427 = arith.constant 0 : i32
          %scan3A_428 = arith.constant 32 : i32
          %scan3A_429 = arith.addi %scan3A_427, %scan3A_428 : i32
          %scan3A_430 = arith.constant 1 : i32
          scf.for %scan3A_432 = %scan3A_427 to %scan3A_429 step %scan3A_430  : i32 {
            %mul3A_433 = arith.constant 1 : i32
            %mul3A_434 = arith.muli %scan3A_432, %mul3A_433 : i32
            %add3A_435 = arith.constant 0 : i32
            %add3A_436 = arith.addi %add3A_435, %mul3A_434 : i32
            %broadcast_in_dim3A_437 = arith.constant 0 : i32
            %broadcast_in_dim3A_438 = vector.broadcast %broadcast_in_dim3A_437 : i32 to vector<16xi32>
            %add3A_439 = vector.broadcast %add3A_436 : i32 to vector<16xi32>
            %add3A_440 = arith.addi %broadcast_in_dim3A_438, %add3A_439 : vector<16xi32>
            %scatter3A = arith.constant 0 : i32
            %scatter3A_441 = arith.constant 0 : i32
            %scatter3A_442 = tpu.memref_slice %arg7[%add3A_139, %scatter3A, %scatter3A_441] : memref<8x200x32xf32, #tpu.memory_space<vmem>> -> memref<1x200x32xf32, #tpu.memory_space<vmem>>
            %scatter3A_443 = tpu.memref_squeeze %scatter3A_442 : memref<1x200x32xf32, #tpu.memory_space<vmem>> -> memref<200x32xf32, #tpu.memory_space<vmem>>
            tpu.vector_store_idx %scatter3A_443[%add3A_426, %add3A_440], %broadcast_in_dim3A_140 masked %eq3A_255 : memref<200x32xf32, #tpu.memory_space<vmem>>[vector<16xi32>, vector<16xi32>], vector<16xf32>, vector<16xi1>
          }
          %scan3A_431 = arith.constant 32 : i32
        } else {
        }
        %get3A_270 = arith.constant 0 : i32
        %get3A_271 = tpu.memref_slice %arg5[%add3A_139, %get3A_270] : memref<8x200xi32, #tpu.memory_space<vmem>> -> memref<1x200xi32, #tpu.memory_space<vmem>>
        %get3A_272 = tpu.memref_squeeze %get3A_271 : memref<1x200xi32, #tpu.memory_space<vmem>> -> memref<200xi32, #tpu.memory_space<vmem>>
        %get3A_273 = arith.constant 96 : index
        %get3A_274 = tpu.vector_load %get3A_272[%get3A_273] {strides = array<i32>} : memref<200xi32, #tpu.memory_space<vmem>>, vector<16xi32>,
        %eq3A_275 = arith.constant 0 : i32
        %eq3A_276 = vector.broadcast %eq3A_275 : i32 to vector<16xi32>
        %eq3A_277 = arith.cmpi eq, %get3A_274, %eq3A_276 : vector<16xi32>
        %reduce_or3A_278 = arith.constant 1.000000e+00 : f32
        %reduce_or3A_279 = arith.constant 0.000000e+00 : f32
        %reduce_or3A_280 = vector.broadcast %reduce_or3A_278 : f32 to vector<16xf32>
        %reduce_or3A_281 = vector.broadcast %reduce_or3A_279 : f32 to vector<16xf32>
        %reduce_or3A_282 = arith.select %eq3A_277, %reduce_or3A_280, %reduce_or3A_281 : vector<16xi1>, vector<16xf32>
        %reduce_or3A_283 = arith.constant true
        %reduce_or3A_284 = vector.broadcast %reduce_or3A_283 : i1 to vector<16xi1>
        %reduce_or3A_285 = tpu.scan <max>, %reduce_or3A_282 masked %reduce_or3A_284 : vector<16xf32>, vector<16xi1> -> vector<16xf32>
        %reduce_or3A_286 = vector.extract %reduce_or3A_285[15] : f32 from vector<16xf32>
        %reduce_or3A_287 = arith.constant 0.000000e+00 : f32
        %reduce_or3A_288 = arith.cmpf ogt, %reduce_or3A_286, %reduce_or3A_287 : f32
        %convert_element_type3A_289 = arith.extui %reduce_or3A_288 : i1 to i32
        %cond3A_290 = arith.constant 0 : i32
        %cond3A_291 = arith.cmpi ne, %convert_element_type3A_289, %cond3A_290 : i32
        scf.if %cond3A_291 {
          %iota3A = tpu.iota {dimensions = array<i32: 0>} : vector<16xi32>
          %add3A_424 = arith.constant 96 : i32
          %add3A_425 = vector.broadcast %add3A_424 : i32 to vector<16xi32>
          %add3A_426 = arith.addi %iota3A, %add3A_425 : vector<16xi32>
          %scan3A_427 = arith.constant 0 : i32
          %scan3A_428 = arith.constant 32 : i32
          %scan3A_429 = arith.addi %scan3A_427, %scan3A_428 : i32
          %scan3A_430 = arith.constant 1 : i32
          scf.for %scan3A_432 = %scan3A_427 to %scan3A_429 step %scan3A_430  : i32 {
            %mul3A_433 = arith.constant 1 : i32
            %mul3A_434 = arith.muli %scan3A_432, %mul3A_433 : i32
            %add3A_435 = arith.constant 0 : i32
            %add3A_436 = arith.addi %add3A_435, %mul3A_434 : i32
            %broadcast_in_dim3A_437 = arith.constant 0 : i32
            %broadcast_in_dim3A_438 = vector.broadcast %broadcast_in_dim3A_437 : i32 to vector<16xi32>
            %add3A_439 = vector.broadcast %add3A_436 : i32 to vector<16xi32>
            %add3A_440 = arith.addi %broadcast_in_dim3A_438, %add3A_439 : vector<16xi32>
            %scatter3A = arith.constant 0 : i32
            %scatter3A_441 = arith.constant 0 : i32
            %scatter3A_442 = tpu.memref_slice %arg7[%add3A_139, %scatter3A, %scatter3A_441] : memref<8x200x32xf32, #tpu.memory_space<vmem>> -> memref<1x200x32xf32, #tpu.memory_space<vmem>>
            %scatter3A_443 = tpu.memref_squeeze %scatter3A_442 : memref<1x200x32xf32, #tpu.memory_space<vmem>> -> memref<200x32xf32, #tpu.memory_space<vmem>>
            tpu.vector_store_idx %scatter3A_443[%add3A_426, %add3A_440], %broadcast_in_dim3A_140 masked %eq3A_277 : memref<200x32xf32, #tpu.memory_space<vmem>>[vector<16xi32>, vector<16xi32>], vector<16xf32>, vector<16xi1>
          }
          %scan3A_431 = arith.constant 32 : i32
        } else {
        }
        %get3A_292 = arith.constant 0 : i32
        %get3A_293 = tpu.memref_slice %arg5[%add3A_139, %get3A_292] : memref<8x200xi32, #tpu.memory_space<vmem>> -> memref<1x200xi32, #tpu.memory_space<vmem>>
        %get3A_294 = tpu.memref_squeeze %get3A_293 : memref<1x200xi32, #tpu.memory_space<vmem>> -> memref<200xi32, #tpu.memory_space<vmem>>
        %get3A_295 = arith.constant 112 : index
        %get3A_296 = tpu.vector_load %get3A_294[%get3A_295] {strides = array<i32>} : memref<200xi32, #tpu.memory_space<vmem>>, vector<16xi32>,
        %eq3A_297 = arith.constant 0 : i32
        %eq3A_298 = vector.broadcast %eq3A_297 : i32 to vector<16xi32>
        %eq3A_299 = arith.cmpi eq, %get3A_296, %eq3A_298 : vector<16xi32>
        %reduce_or3A_300 = arith.constant 1.000000e+00 : f32
        %reduce_or3A_301 = arith.constant 0.000000e+00 : f32
        %reduce_or3A_302 = vector.broadcast %reduce_or3A_300 : f32 to vector<16xf32>
        %reduce_or3A_303 = vector.broadcast %reduce_or3A_301 : f32 to vector<16xf32>
        %reduce_or3A_304 = arith.select %eq3A_299, %reduce_or3A_302, %reduce_or3A_303 : vector<16xi1>, vector<16xf32>
        %reduce_or3A_305 = arith.constant true
        %reduce_or3A_306 = vector.broadcast %reduce_or3A_305 : i1 to vector<16xi1>
        %reduce_or3A_307 = tpu.scan <max>, %reduce_or3A_304 masked %reduce_or3A_306 : vector<16xf32>, vector<16xi1> -> vector<16xf32>
        %reduce_or3A_308 = vector.extract %reduce_or3A_307[15] : f32 from vector<16xf32>
        %reduce_or3A_309 = arith.constant 0.000000e+00 : f32
        %reduce_or3A_310 = arith.cmpf ogt, %reduce_or3A_308, %reduce_or3A_309 : f32
        %convert_element_type3A_311 = arith.extui %reduce_or3A_310 : i1 to i32
        %cond3A_312 = arith.constant 0 : i32
        %cond3A_313 = arith.cmpi ne, %convert_element_type3A_311, %cond3A_312 : i32
        scf.if %cond3A_313 {
          %iota3A = tpu.iota {dimensions = array<i32: 0>} : vector<16xi32>
          %add3A_424 = arith.constant 112 : i32
          %add3A_425 = vector.broadcast %add3A_424 : i32 to vector<16xi32>
          %add3A_426 = arith.addi %iota3A, %add3A_425 : vector<16xi32>
          %scan3A_427 = arith.constant 0 : i32
          %scan3A_428 = arith.constant 32 : i32
          %scan3A_429 = arith.addi %scan3A_427, %scan3A_428 : i32
          %scan3A_430 = arith.constant 1 : i32
          scf.for %scan3A_432 = %scan3A_427 to %scan3A_429 step %scan3A_430  : i32 {
            %mul3A_433 = arith.constant 1 : i32
            %mul3A_434 = arith.muli %scan3A_432, %mul3A_433 : i32
            %add3A_435 = arith.constant 0 : i32
            %add3A_436 = arith.addi %add3A_435, %mul3A_434 : i32
            %broadcast_in_dim3A_437 = arith.constant 0 : i32
            %broadcast_in_dim3A_438 = vector.broadcast %broadcast_in_dim3A_437 : i32 to vector<16xi32>
            %add3A_439 = vector.broadcast %add3A_436 : i32 to vector<16xi32>
            %add3A_440 = arith.addi %broadcast_in_dim3A_438, %add3A_439 : vector<16xi32>
            %scatter3A = arith.constant 0 : i32
            %scatter3A_441 = arith.constant 0 : i32
            %scatter3A_442 = tpu.memref_slice %arg7[%add3A_139, %scatter3A, %scatter3A_441] : memref<8x200x32xf32, #tpu.memory_space<vmem>> -> memref<1x200x32xf32, #tpu.memory_space<vmem>>
            %scatter3A_443 = tpu.memref_squeeze %scatter3A_442 : memref<1x200x32xf32, #tpu.memory_space<vmem>> -> memref<200x32xf32, #tpu.memory_space<vmem>>
            tpu.vector_store_idx %scatter3A_443[%add3A_426, %add3A_440], %broadcast_in_dim3A_140 masked %eq3A_299 : memref<200x32xf32, #tpu.memory_space<vmem>>[vector<16xi32>, vector<16xi32>], vector<16xf32>, vector<16xi1>
          }
          %scan3A_431 = arith.constant 32 : i32
        } else {
        }
        %get3A_314 = arith.constant 0 : i32
        %get3A_315 = tpu.memref_slice %arg5[%add3A_139, %get3A_314] : memref<8x200xi32, #tpu.memory_space<vmem>> -> memref<1x200xi32, #tpu.memory_space<vmem>>
        %get3A_316 = tpu.memref_squeeze %get3A_315 : memref<1x200xi32, #tpu.memory_space<vmem>> -> memref<200xi32, #tpu.memory_space<vmem>>
        %get3A_317 = arith.constant 128 : index
        %get3A_318 = tpu.vector_load %get3A_316[%get3A_317] {strides = array<i32>} : memref<200xi32, #tpu.memory_space<vmem>>, vector<16xi32>,
        %eq3A_319 = arith.constant 0 : i32
        %eq3A_320 = vector.broadcast %eq3A_319 : i32 to vector<16xi32>
        %eq3A_321 = arith.cmpi eq, %get3A_318, %eq3A_320 : vector<16xi32>
        %reduce_or3A_322 = arith.constant 1.000000e+00 : f32
        %reduce_or3A_323 = arith.constant 0.000000e+00 : f32
        %reduce_or3A_324 = vector.broadcast %reduce_or3A_322 : f32 to vector<16xf32>
        %reduce_or3A_325 = vector.broadcast %reduce_or3A_323 : f32 to vector<16xf32>
        %reduce_or3A_326 = arith.select %eq3A_321, %reduce_or3A_324, %reduce_or3A_325 : vector<16xi1>, vector<16xf32>
        %reduce_or3A_327 = arith.constant true
        %reduce_or3A_328 = vector.broadcast %reduce_or3A_327 : i1 to vector<16xi1>
        %reduce_or3A_329 = tpu.scan <max>, %reduce_or3A_326 masked %reduce_or3A_328 : vector<16xf32>, vector<16xi1> -> vector<16xf32>
        %reduce_or3A_330 = vector.extract %reduce_or3A_329[15] : f32 from vector<16xf32>
        %reduce_or3A_331 = arith.constant 0.000000e+00 : f32
        %reduce_or3A_332 = arith.cmpf ogt, %reduce_or3A_330, %reduce_or3A_331 : f32
        %convert_element_type3A_333 = arith.extui %reduce_or3A_332 : i1 to i32
        %cond3A_334 = arith.constant 0 : i32
        %cond3A_335 = arith.cmpi ne, %convert_element_type3A_333, %cond3A_334 : i32
        scf.if %cond3A_335 {
          %iota3A = tpu.iota {dimensions = array<i32: 0>} : vector<16xi32>
          %add3A_424 = arith.constant 128 : i32
          %add3A_425 = vector.broadcast %add3A_424 : i32 to vector<16xi32>
          %add3A_426 = arith.addi %iota3A, %add3A_425 : vector<16xi32>
          %scan3A_427 = arith.constant 0 : i32
          %scan3A_428 = arith.constant 32 : i32
          %scan3A_429 = arith.addi %scan3A_427, %scan3A_428 : i32
          %scan3A_430 = arith.constant 1 : i32
          scf.for %scan3A_432 = %scan3A_427 to %scan3A_429 step %scan3A_430  : i32 {
            %mul3A_433 = arith.constant 1 : i32
            %mul3A_434 = arith.muli %scan3A_432, %mul3A_433 : i32
            %add3A_435 = arith.constant 0 : i32
            %add3A_436 = arith.addi %add3A_435, %mul3A_434 : i32
            %broadcast_in_dim3A_437 = arith.constant 0 : i32
            %broadcast_in_dim3A_438 = vector.broadcast %broadcast_in_dim3A_437 : i32 to vector<16xi32>
            %add3A_439 = vector.broadcast %add3A_436 : i32 to vector<16xi32>
            %add3A_440 = arith.addi %broadcast_in_dim3A_438, %add3A_439 : vector<16xi32>
            %scatter3A = arith.constant 0 : i32
            %scatter3A_441 = arith.constant 0 : i32
            %scatter3A_442 = tpu.memref_slice %arg7[%add3A_139, %scatter3A, %scatter3A_441] : memref<8x200x32xf32, #tpu.memory_space<vmem>> -> memref<1x200x32xf32, #tpu.memory_space<vmem>>
            %scatter3A_443 = tpu.memref_squeeze %scatter3A_442 : memref<1x200x32xf32, #tpu.memory_space<vmem>> -> memref<200x32xf32, #tpu.memory_space<vmem>>
            tpu.vector_store_idx %scatter3A_443[%add3A_426, %add3A_440], %broadcast_in_dim3A_140 masked %eq3A_321 : memref<200x32xf32, #tpu.memory_space<vmem>>[vector<16xi32>, vector<16xi32>], vector<16xf32>, vector<16xi1>
          }
          %scan3A_431 = arith.constant 32 : i32
        } else {
        }
        %get3A_336 = arith.constant 0 : i32
        %get3A_337 = tpu.memref_slice %arg5[%add3A_139, %get3A_336] : memref<8x200xi32, #tpu.memory_space<vmem>> -> memref<1x200xi32, #tpu.memory_space<vmem>>
        %get3A_338 = tpu.memref_squeeze %get3A_337 : memref<1x200xi32, #tpu.memory_space<vmem>> -> memref<200xi32, #tpu.memory_space<vmem>>
        %get3A_339 = arith.constant 144 : index
        %get3A_340 = tpu.vector_load %get3A_338[%get3A_339] {strides = array<i32>} : memref<200xi32, #tpu.memory_space<vmem>>, vector<16xi32>,
        %eq3A_341 = arith.constant 0 : i32
        %eq3A_342 = vector.broadcast %eq3A_341 : i32 to vector<16xi32>
        %eq3A_343 = arith.cmpi eq, %get3A_340, %eq3A_342 : vector<16xi32>
        %reduce_or3A_344 = arith.constant 1.000000e+00 : f32
        %reduce_or3A_345 = arith.constant 0.000000e+00 : f32
        %reduce_or3A_346 = vector.broadcast %reduce_or3A_344 : f32 to vector<16xf32>
        %reduce_or3A_347 = vector.broadcast %reduce_or3A_345 : f32 to vector<16xf32>
        %reduce_or3A_348 = arith.select %eq3A_343, %reduce_or3A_346, %reduce_or3A_347 : vector<16xi1>, vector<16xf32>
        %reduce_or3A_349 = arith.constant true
        %reduce_or3A_350 = vector.broadcast %reduce_or3A_349 : i1 to vector<16xi1>
        %reduce_or3A_351 = tpu.scan <max>, %reduce_or3A_348 masked %reduce_or3A_350 : vector<16xf32>, vector<16xi1> -> vector<16xf32>
        %reduce_or3A_352 = vector.extract %reduce_or3A_351[15] : f32 from vector<16xf32>
        %reduce_or3A_353 = arith.constant 0.000000e+00 : f32
        %reduce_or3A_354 = arith.cmpf ogt, %reduce_or3A_352, %reduce_or3A_353 : f32
        %convert_element_type3A_355 = arith.extui %reduce_or3A_354 : i1 to i32
        %cond3A_356 = arith.constant 0 : i32
        %cond3A_357 = arith.cmpi ne, %convert_element_type3A_355, %cond3A_356 : i32
        scf.if %cond3A_357 {
          %iota3A = tpu.iota {dimensions = array<i32: 0>} : vector<16xi32>
          %add3A_424 = arith.constant 144 : i32
          %add3A_425 = vector.broadcast %add3A_424 : i32 to vector<16xi32>
          %add3A_426 = arith.addi %iota3A, %add3A_425 : vector<16xi32>
          %scan3A_427 = arith.constant 0 : i32
          %scan3A_428 = arith.constant 32 : i32
          %scan3A_429 = arith.addi %scan3A_427, %scan3A_428 : i32
          %scan3A_430 = arith.constant 1 : i32
          scf.for %scan3A_432 = %scan3A_427 to %scan3A_429 step %scan3A_430  : i32 {
            %mul3A_433 = arith.constant 1 : i32
            %mul3A_434 = arith.muli %scan3A_432, %mul3A_433 : i32
            %add3A_435 = arith.constant 0 : i32
            %add3A_436 = arith.addi %add3A_435, %mul3A_434 : i32
            %broadcast_in_dim3A_437 = arith.constant 0 : i32
            %broadcast_in_dim3A_438 = vector.broadcast %broadcast_in_dim3A_437 : i32 to vector<16xi32>
            %add3A_439 = vector.broadcast %add3A_436 : i32 to vector<16xi32>
            %add3A_440 = arith.addi %broadcast_in_dim3A_438, %add3A_439 : vector<16xi32>
            %scatter3A = arith.constant 0 : i32
            %scatter3A_441 = arith.constant 0 : i32
            %scatter3A_442 = tpu.memref_slice %arg7[%add3A_139, %scatter3A, %scatter3A_441] : memref<8x200x32xf32, #tpu.memory_space<vmem>> -> memref<1x200x32xf32, #tpu.memory_space<vmem>>
            %scatter3A_443 = tpu.memref_squeeze %scatter3A_442 : memref<1x200x32xf32, #tpu.memory_space<vmem>> -> memref<200x32xf32, #tpu.memory_space<vmem>>
            tpu.vector_store_idx %scatter3A_443[%add3A_426, %add3A_440], %broadcast_in_dim3A_140 masked %eq3A_343 : memref<200x32xf32, #tpu.memory_space<vmem>>[vector<16xi32>, vector<16xi32>], vector<16xf32>, vector<16xi1>
          }
          %scan3A_431 = arith.constant 32 : i32
        } else {
        }
        %get3A_358 = arith.constant 0 : i32
        %get3A_359 = tpu.memref_slice %arg5[%add3A_139, %get3A_358] : memref<8x200xi32, #tpu.memory_space<vmem>> -> memref<1x200xi32, #tpu.memory_space<vmem>>
        %get3A_360 = tpu.memref_squeeze %get3A_359 : memref<1x200xi32, #tpu.memory_space<vmem>> -> memref<200xi32, #tpu.memory_space<vmem>>
        %get3A_361 = arith.constant 160 : index
        %get3A_362 = tpu.vector_load %get3A_360[%get3A_361] {strides = array<i32>} : memref<200xi32, #tpu.memory_space<vmem>>, vector<16xi32>,
        %eq3A_363 = arith.constant 0 : i32
        %eq3A_364 = vector.broadcast %eq3A_363 : i32 to vector<16xi32>
        %eq3A_365 = arith.cmpi eq, %get3A_362, %eq3A_364 : vector<16xi32>
        %reduce_or3A_366 = arith.constant 1.000000e+00 : f32
        %reduce_or3A_367 = arith.constant 0.000000e+00 : f32
        %reduce_or3A_368 = vector.broadcast %reduce_or3A_366 : f32 to vector<16xf32>
        %reduce_or3A_369 = vector.broadcast %reduce_or3A_367 : f32 to vector<16xf32>
        %reduce_or3A_370 = arith.select %eq3A_365, %reduce_or3A_368, %reduce_or3A_369 : vector<16xi1>, vector<16xf32>
        %reduce_or3A_371 = arith.constant true
        %reduce_or3A_372 = vector.broadcast %reduce_or3A_371 : i1 to vector<16xi1>
        %reduce_or3A_373 = tpu.scan <max>, %reduce_or3A_370 masked %reduce_or3A_372 : vector<16xf32>, vector<16xi1> -> vector<16xf32>
        %reduce_or3A_374 = vector.extract %reduce_or3A_373[15] : f32 from vector<16xf32>
        %reduce_or3A_375 = arith.constant 0.000000e+00 : f32
        %reduce_or3A_376 = arith.cmpf ogt, %reduce_or3A_374, %reduce_or3A_375 : f32
        %convert_element_type3A_377 = arith.extui %reduce_or3A_376 : i1 to i32
        %cond3A_378 = arith.constant 0 : i32
        %cond3A_379 = arith.cmpi ne, %convert_element_type3A_377, %cond3A_378 : i32
        scf.if %cond3A_379 {
          %iota3A = tpu.iota {dimensions = array<i32: 0>} : vector<16xi32>
          %add3A_424 = arith.constant 160 : i32
          %add3A_425 = vector.broadcast %add3A_424 : i32 to vector<16xi32>
          %add3A_426 = arith.addi %iota3A, %add3A_425 : vector<16xi32>
          %scan3A_427 = arith.constant 0 : i32
          %scan3A_428 = arith.constant 32 : i32
          %scan3A_429 = arith.addi %scan3A_427, %scan3A_428 : i32
          %scan3A_430 = arith.constant 1 : i32
          scf.for %scan3A_432 = %scan3A_427 to %scan3A_429 step %scan3A_430  : i32 {
            %mul3A_433 = arith.constant 1 : i32
            %mul3A_434 = arith.muli %scan3A_432, %mul3A_433 : i32
            %add3A_435 = arith.constant 0 : i32
            %add3A_436 = arith.addi %add3A_435, %mul3A_434 : i32
            %broadcast_in_dim3A_437 = arith.constant 0 : i32
            %broadcast_in_dim3A_438 = vector.broadcast %broadcast_in_dim3A_437 : i32 to vector<16xi32>
            %add3A_439 = vector.broadcast %add3A_436 : i32 to vector<16xi32>
            %add3A_440 = arith.addi %broadcast_in_dim3A_438, %add3A_439 : vector<16xi32>
            %scatter3A = arith.constant 0 : i32
            %scatter3A_441 = arith.constant 0 : i32
            %scatter3A_442 = tpu.memref_slice %arg7[%add3A_139, %scatter3A, %scatter3A_441] : memref<8x200x32xf32, #tpu.memory_space<vmem>> -> memref<1x200x32xf32, #tpu.memory_space<vmem>>
            %scatter3A_443 = tpu.memref_squeeze %scatter3A_442 : memref<1x200x32xf32, #tpu.memory_space<vmem>> -> memref<200x32xf32, #tpu.memory_space<vmem>>
            tpu.vector_store_idx %scatter3A_443[%add3A_426, %add3A_440], %broadcast_in_dim3A_140 masked %eq3A_365 : memref<200x32xf32, #tpu.memory_space<vmem>>[vector<16xi32>, vector<16xi32>], vector<16xf32>, vector<16xi1>
          }
          %scan3A_431 = arith.constant 32 : i32
        } else {
        }
        %get3A_380 = arith.constant 0 : i32
        %get3A_381 = tpu.memref_slice %arg5[%add3A_139, %get3A_380] : memref<8x200xi32, #tpu.memory_space<vmem>> -> memref<1x200xi32, #tpu.memory_space<vmem>>
        %get3A_382 = tpu.memref_squeeze %get3A_381 : memref<1x200xi32, #tpu.memory_space<vmem>> -> memref<200xi32, #tpu.memory_space<vmem>>
        %get3A_383 = arith.constant 176 : index
        %get3A_384 = tpu.vector_load %get3A_382[%get3A_383] {strides = array<i32>} : memref<200xi32, #tpu.memory_space<vmem>>, vector<16xi32>,
        %eq3A_385 = arith.constant 0 : i32
        %eq3A_386 = vector.broadcast %eq3A_385 : i32 to vector<16xi32>
        %eq3A_387 = arith.cmpi eq, %get3A_384, %eq3A_386 : vector<16xi32>
        %reduce_or3A_388 = arith.constant 1.000000e+00 : f32
        %reduce_or3A_389 = arith.constant 0.000000e+00 : f32
        %reduce_or3A_390 = vector.broadcast %reduce_or3A_388 : f32 to vector<16xf32>
        %reduce_or3A_391 = vector.broadcast %reduce_or3A_389 : f32 to vector<16xf32>
        %reduce_or3A_392 = arith.select %eq3A_387, %reduce_or3A_390, %reduce_or3A_391 : vector<16xi1>, vector<16xf32>
        %reduce_or3A_393 = arith.constant true
        %reduce_or3A_394 = vector.broadcast %reduce_or3A_393 : i1 to vector<16xi1>
        %reduce_or3A_395 = tpu.scan <max>, %reduce_or3A_392 masked %reduce_or3A_394 : vector<16xf32>, vector<16xi1> -> vector<16xf32>
        %reduce_or3A_396 = vector.extract %reduce_or3A_395[15] : f32 from vector<16xf32>
        %reduce_or3A_397 = arith.constant 0.000000e+00 : f32
        %reduce_or3A_398 = arith.cmpf ogt, %reduce_or3A_396, %reduce_or3A_397 : f32
        %convert_element_type3A_399 = arith.extui %reduce_or3A_398 : i1 to i32
        %cond3A_400 = arith.constant 0 : i32
        %cond3A_401 = arith.cmpi ne, %convert_element_type3A_399, %cond3A_400 : i32
        scf.if %cond3A_401 {
          %iota3A = tpu.iota {dimensions = array<i32: 0>} : vector<16xi32>
          %add3A_424 = arith.constant 176 : i32
          %add3A_425 = vector.broadcast %add3A_424 : i32 to vector<16xi32>
          %add3A_426 = arith.addi %iota3A, %add3A_425 : vector<16xi32>
          %scan3A_427 = arith.constant 0 : i32
          %scan3A_428 = arith.constant 32 : i32
          %scan3A_429 = arith.addi %scan3A_427, %scan3A_428 : i32
          %scan3A_430 = arith.constant 1 : i32
          scf.for %scan3A_432 = %scan3A_427 to %scan3A_429 step %scan3A_430  : i32 {
            %mul3A_433 = arith.constant 1 : i32
            %mul3A_434 = arith.muli %scan3A_432, %mul3A_433 : i32
            %add3A_435 = arith.constant 0 : i32
            %add3A_436 = arith.addi %add3A_435, %mul3A_434 : i32
            %broadcast_in_dim3A_437 = arith.constant 0 : i32
            %broadcast_in_dim3A_438 = vector.broadcast %broadcast_in_dim3A_437 : i32 to vector<16xi32>
            %add3A_439 = vector.broadcast %add3A_436 : i32 to vector<16xi32>
            %add3A_440 = arith.addi %broadcast_in_dim3A_438, %add3A_439 : vector<16xi32>
            %scatter3A = arith.constant 0 : i32
            %scatter3A_441 = arith.constant 0 : i32
            %scatter3A_442 = tpu.memref_slice %arg7[%add3A_139, %scatter3A, %scatter3A_441] : memref<8x200x32xf32, #tpu.memory_space<vmem>> -> memref<1x200x32xf32, #tpu.memory_space<vmem>>
            %scatter3A_443 = tpu.memref_squeeze %scatter3A_442 : memref<1x200x32xf32, #tpu.memory_space<vmem>> -> memref<200x32xf32, #tpu.memory_space<vmem>>
            tpu.vector_store_idx %scatter3A_443[%add3A_426, %add3A_440], %broadcast_in_dim3A_140 masked %eq3A_387 : memref<200x32xf32, #tpu.memory_space<vmem>>[vector<16xi32>, vector<16xi32>], vector<16xf32>, vector<16xi1>
          }
          %scan3A_431 = arith.constant 32 : i32
        } else {
        }
        %get3A_402 = arith.constant 0 : i32
        %get3A_403 = tpu.memref_slice %arg5[%add3A_139, %get3A_402] : memref<8x200xi32, #tpu.memory_space<vmem>> -> memref<1x200xi32, #tpu.memory_space<vmem>>
        %get3A_404 = tpu.memref_squeeze %get3A_403 : memref<1x200xi32, #tpu.memory_space<vmem>> -> memref<200xi32, #tpu.memory_space<vmem>>
        %get3A_405 = arith.constant 184 : index
        %get3A_406 = tpu.vector_load %get3A_404[%get3A_405] {strides = array<i32>} : memref<200xi32, #tpu.memory_space<vmem>>, vector<16xi32>,
        %eq3A_407 = arith.constant 0 : i32
        %eq3A_408 = vector.broadcast %eq3A_407 : i32 to vector<16xi32>
        %eq3A_409 = arith.cmpi eq, %get3A_406, %eq3A_408 : vector<16xi32>
        %reduce_or3A_410 = arith.constant 1.000000e+00 : f32
        %reduce_or3A_411 = arith.constant 0.000000e+00 : f32
        %reduce_or3A_412 = vector.broadcast %reduce_or3A_410 : f32 to vector<16xf32>
        %reduce_or3A_413 = vector.broadcast %reduce_or3A_411 : f32 to vector<16xf32>
        %reduce_or3A_414 = arith.select %eq3A_409, %reduce_or3A_412, %reduce_or3A_413 : vector<16xi1>, vector<16xf32>
        %reduce_or3A_415 = arith.constant true
        %reduce_or3A_416 = vector.broadcast %reduce_or3A_415 : i1 to vector<16xi1>
        %reduce_or3A_417 = tpu.scan <max>, %reduce_or3A_414 masked %reduce_or3A_416 : vector<16xf32>, vector<16xi1> -> vector<16xf32>
        %reduce_or3A_418 = vector.extract %reduce_or3A_417[15] : f32 from vector<16xf32>
        %reduce_or3A_419 = arith.constant 0.000000e+00 : f32
        %reduce_or3A_420 = arith.cmpf ogt, %reduce_or3A_418, %reduce_or3A_419 : f32
        %convert_element_type3A_421 = arith.extui %reduce_or3A_420 : i1 to i32
        %cond3A_422 = arith.constant 0 : i32
        %cond3A_423 = arith.cmpi ne, %convert_element_type3A_421, %cond3A_422 : i32
        scf.if %cond3A_423 {
          %iota3A = tpu.iota {dimensions = array<i32: 0>} : vector<16xi32>
          %add3A_424 = arith.constant 184 : i32
          %add3A_425 = vector.broadcast %add3A_424 : i32 to vector<16xi32>
          %add3A_426 = arith.addi %iota3A, %add3A_425 : vector<16xi32>
          %scan3A_427 = arith.constant 0 : i32
          %scan3A_428 = arith.constant 32 : i32
          %scan3A_429 = arith.addi %scan3A_427, %scan3A_428 : i32
          %scan3A_430 = arith.constant 1 : i32
          scf.for %scan3A_432 = %scan3A_427 to %scan3A_429 step %scan3A_430  : i32 {
            %mul3A_433 = arith.constant 1 : i32
            %mul3A_434 = arith.muli %scan3A_432, %mul3A_433 : i32
            %add3A_435 = arith.constant 0 : i32
            %add3A_436 = arith.addi %add3A_435, %mul3A_434 : i32
            %broadcast_in_dim3A_437 = arith.constant 0 : i32
            %broadcast_in_dim3A_438 = vector.broadcast %broadcast_in_dim3A_437 : i32 to vector<16xi32>
            %add3A_439 = vector.broadcast %add3A_436 : i32 to vector<16xi32>
            %add3A_440 = arith.addi %broadcast_in_dim3A_438, %add3A_439 : vector<16xi32>
            %scatter3A = arith.constant 0 : i32
            %scatter3A_441 = arith.constant 0 : i32
            %scatter3A_442 = tpu.memref_slice %arg7[%add3A_139, %scatter3A, %scatter3A_441] : memref<8x200x32xf32, #tpu.memory_space<vmem>> -> memref<1x200x32xf32, #tpu.memory_space<vmem>>
            %scatter3A_443 = tpu.memref_squeeze %scatter3A_442 : memref<1x200x32xf32, #tpu.memory_space<vmem>> -> memref<200x32xf32, #tpu.memory_space<vmem>>
            tpu.vector_store_idx %scatter3A_443[%add3A_426, %add3A_440], %broadcast_in_dim3A_140 masked %eq3A_409 : memref<200x32xf32, #tpu.memory_space<vmem>>[vector<16xi32>, vector<16xi32>], vector<16xf32>, vector<16xi1>
          }
          %scan3A_431 = arith.constant 32 : i32
        } else {
        }
      }
      %scan3A_69 = arith.constant 8 : i32
      %add3A_70 = arith.constant 2 : i32
      %add3A_71 = arith.addi %add3A_44, %add3A_70 : i32
      %lt3A_72 = arith.constant 16 : i32
      %lt3A_73 = arith.cmpi slt, %add3A_71, %lt3A_72 : i32
      %convert_element_type3A_74 = arith.extui %lt3A_73 : i1 to i32
      %cond3A_75 = arith.constant 0 : i32
      %cond3A_76 = arith.cmpi ne, %convert_element_type3A_74, %cond3A_75 : i32
      scf.if %cond3A_76 {
        %add3A_135 = arith.constant 2 : i32
        %add3A_136 = arith.addi %add3A_44, %add3A_135 : i32
        %mul3A_137 = arith.constant 8 : i32
        %mul3A_138 = arith.muli %add3A_136, %mul3A_137 : i32
        %add3A_139 = arith.addi %mul3A_2, %mul3A_138 : i32
        %dma_start3A_140 = arith.constant 0 : i32
        %dma_start3A_141 = tpu.memref_slice %arg3[%add3A_139, %dma_start3A_140] : memref<4096x200xi32, #tpu.memory_space<hbm>> -> memref<8x200xi32, #tpu.memory_space<hbm>>
        %dma_start3A_142 = arith.constant 0 : i32
        %dma_start3A_143 = tpu.memref_slice %arg3[%add3A_139, %dma_start3A_142] : memref<4096x200xi32, #tpu.memory_space<hbm>> -> memref<8x200xi32, #tpu.memory_space<hbm>>
        tpu.enqueue_dma source(%dma_start3A_143 : memref<8x200xi32, #tpu.memory_space<hbm>>) target(%arg5 : memref<8x200xi32, #tpu.memory_space<vmem>>) target_semaphore(%arg9 : memref<!tpu.dma_semaphore, #tpu.memory_space<semaphore_mem>>)
      } else {
      }
      %mul3A_77 = arith.constant 8 : i32
      %mul3A_78 = arith.muli %add3A_44, %mul3A_77 : i32
      %add3A_79 = arith.addi %mul3A_2, %mul3A_78 : i32
      %dma_start3A_80 = arith.constant 0 : i32
      %dma_start3A_81 = arith.constant 0 : i32
      %dma_start3A_82 = tpu.memref_slice %arg4[%add3A_79, %dma_start3A_80, %dma_start3A_81] : memref<4096x200x32xf32, #tpu.memory_space<hbm>> -> memref<8x200x32xf32, #tpu.memory_space<hbm>>
      %dma_start3A_83 = arith.constant 0 : i32
      %dma_start3A_84 = arith.constant 0 : i32
      %dma_start3A_85 = tpu.memref_slice %arg4[%add3A_79, %dma_start3A_83, %dma_start3A_84] : memref<4096x200x32xf32, #tpu.memory_space<hbm>> -> memref<8x200x32xf32, #tpu.memory_space<hbm>>
      tpu.enqueue_dma source(%arg7 : memref<8x200x32xf32, #tpu.memory_space<vmem>>) target(%dma_start3A_85 : memref<8x200x32xf32, #tpu.memory_space<hbm>>) target_semaphore(%arg13 : memref<!tpu.dma_semaphore, #tpu.memory_space<semaphore_mem>>)
      %mul3A_86 = arith.constant 2 : i32
      %mul3A_87 = arith.muli %mul3A_86, %add3A_40 : i32
      %add3A_88 = arith.constant 1 : i32
      %add3A_89 = arith.addi %mul3A_87, %add3A_88 : i32
      %add3A_90 = arith.constant 1 : i32
      %add3A_91 = arith.addi %add3A_89, %add3A_90 : i32
      %lt3A_92 = arith.constant 16 : i32
      %lt3A_93 = arith.cmpi slt, %add3A_91, %lt3A_92 : i32
      %convert_element_type3A_94 = arith.extui %lt3A_93 : i1 to i32
      %cond3A_95 = arith.constant 0 : i32
      %cond3A_96 = arith.cmpi ne, %convert_element_type3A_94, %cond3A_95 : i32
      scf.if %cond3A_96 {
        %dma_wait3A_135 = arith.constant 0 : i32
        %dma_wait3A_136 = arith.constant 0 : i32
        %dma_wait3A_137 = tpu.memref_slice %arg3[%dma_wait3A_135, %dma_wait3A_136] : memref<4096x200xi32, #tpu.memory_space<hbm>> -> memref<8x200xi32, #tpu.memory_space<hbm>>
        %dma_wait3A_138 = arith.constant 0 : i32
        %dma_wait3A_139 = arith.constant 0 : i32
        %dma_wait3A_140 = tpu.memref_slice %arg3[%dma_wait3A_138, %dma_wait3A_139] : memref<4096x200xi32, #tpu.memory_space<hbm>> -> memref<8x200xi32, #tpu.memory_space<hbm>>
        tpu.wait_dma2 semaphore(%arg9 : memref<!tpu.dma_semaphore, #tpu.memory_space<semaphore_mem>>) src(%dma_wait3A_140 : memref<8x200xi32, #tpu.memory_space<hbm>>) dst(%arg5 : memref<8x200xi32, #tpu.memory_space<vmem>>)
      } else {
      }
      %ge3A_97 = arith.constant 1 : i32
      %ge3A_98 = arith.cmpi sge, %add3A_89, %ge3A_97 : i32
      %convert_element_type3A_99 = arith.extui %ge3A_98 : i1 to i32
      %cond3A_100 = arith.constant 0 : i32
      %cond3A_101 = arith.cmpi ne, %convert_element_type3A_99, %cond3A_100 : i32
      scf.if %cond3A_101 {
        %dma_wait3A_135 = arith.constant 0 : i32
        %dma_wait3A_136 = arith.constant 0 : i32
        %dma_wait3A_137 = arith.constant 0 : i32
        %dma_wait3A_138 = tpu.memref_slice %arg4[%dma_wait3A_135, %dma_wait3A_136, %dma_wait3A_137] : memref<4096x200x32xf32, #tpu.memory_space<hbm>> -> memref<8x200x32xf32, #tpu.memory_space<hbm>>
        %dma_wait3A_139 = arith.constant 0 : i32
        %dma_wait3A_140 = arith.constant 0 : i32
        %dma_wait3A_141 = arith.constant 0 : i32
        %dma_wait3A_142 = tpu.memref_slice %arg4[%dma_wait3A_139, %dma_wait3A_140, %dma_wait3A_141] : memref<4096x200x32xf32, #tpu.memory_space<hbm>> -> memref<8x200x32xf32, #tpu.memory_space<hbm>>
        tpu.wait_dma2 semaphore(%arg13 : memref<!tpu.dma_semaphore, #tpu.memory_space<semaphore_mem>>) src(%arg7 : memref<8x200x32xf32, #tpu.memory_space<vmem>>) dst(%dma_wait3A_142 : memref<8x200x32xf32, #tpu.memory_space<hbm>>)
      } else {
      }
      %add3A_102 = arith.constant 1 : i32
      %add3A_103 = arith.addi %add3A_89, %add3A_102 : i32
      %lt3A_104 = arith.constant 16 : i32
      %lt3A_105 = arith.cmpi slt, %add3A_103, %lt3A_104 : i32
      %convert_element_type3A_106 = arith.extui %lt3A_105 : i1 to i32
      %cond3A_107 = arith.constant 0 : i32
      %cond3A_108 = arith.cmpi ne, %convert_element_type3A_106, %cond3A_107 : i32
      scf.if %cond3A_108 {
        %scan3A_135 = arith.constant 0 : i32
        %scan3A_136 = arith.constant 8 : i32
        %scan3A_137 = arith.addi %scan3A_135, %scan3A_136 : i32
        %scan3A_138 = arith.constant 1 : i32
        scf.for %scan3A_140 = %scan3A_135 to %scan3A_137 step %scan3A_138  : i32 {
          %mul3A_141 = arith.constant 1 : i32
          %mul3A_142 = arith.muli %scan3A_140, %mul3A_141 : i32
          %add3A_143 = arith.constant 0 : i32
          %add3A_144 = arith.addi %add3A_143, %mul3A_142 : i32
          %dma_start3A_145 = arith.constant 0 : i32
          %dma_start3A_146 = arith.constant 0 : i32
          %dma_start3A_147 = tpu.memref_slice %arg7[%add3A_144, %dma_start3A_145, %dma_start3A_146] : memref<8x200x32xf32, #tpu.memory_space<vmem>> -> memref<1x128x32xf32, #tpu.memory_space<vmem>>
          %dma_start3A_148 = tpu.memref_squeeze %dma_start3A_147 : memref<1x128x32xf32, #tpu.memory_space<vmem>> -> memref<128x32xf32, #tpu.memory_space<vmem>>
          %dma_start3A_149 = arith.constant 0 : i32
          %dma_start3A_150 = tpu.memref_slice %arg5[%add3A_144, %dma_start3A_149] : memref<8x200xi32, #tpu.memory_space<vmem>> -> memref<1x128xi32, #tpu.memory_space<vmem>>
          %dma_start3A_151 = tpu.memref_squeeze %dma_start3A_150 : memref<1x128xi32, #tpu.memory_space<vmem>> -> memref<128xi32, #tpu.memory_space<vmem>>
          %dma_start3A_152 = arith.constant 0 : i32
          %dma_start3A_153 = arith.constant 0 : i32
          %dma_start3A_154 = tpu.memref_slice %arg2[%dma_start3A_152, %dma_start3A_153] : memref<1000000x32xf32, #tpu.memory_space<hbm>> -> memref<1000000x32xf32, #tpu.memory_space<hbm>>
          tpu.enqueue_indirect_dma source(%dma_start3A_154 : memref<1000000x32xf32, #tpu.memory_space<hbm>>) target(%dma_start3A_148 : memref<128x32xf32, #tpu.memory_space<vmem>>) offsets(%dma_start3A_151 : memref<128xi32, #tpu.memory_space<vmem>>) semaphore(%arg11 : memref<!tpu.dma_semaphore, #tpu.memory_space<semaphore_mem>>)
          %dma_start3A_155 = arith.constant 128 : i32
          %dma_start3A_156 = arith.constant 0 : i32
          %dma_start3A_157 = tpu.memref_slice %arg7[%add3A_144, %dma_start3A_155, %dma_start3A_156] : memref<8x200x32xf32, #tpu.memory_space<vmem>> -> memref<1x72x32xf32, #tpu.memory_space<vmem>>
          %dma_start3A_158 = tpu.memref_squeeze %dma_start3A_157 : memref<1x72x32xf32, #tpu.memory_space<vmem>> -> memref<72x32xf32, #tpu.memory_space<vmem>>
          %dma_start3A_159 = arith.constant 128 : i32
          %dma_start3A_160 = tpu.memref_slice %arg5[%add3A_144, %dma_start3A_159] : memref<8x200xi32, #tpu.memory_space<vmem>> -> memref<1x72xi32, #tpu.memory_space<vmem>>
          %dma_start3A_161 = tpu.memref_squeeze %dma_start3A_160 : memref<1x72xi32, #tpu.memory_space<vmem>> -> memref<72xi32, #tpu.memory_space<vmem>>
          %dma_start3A_162 = arith.constant 0 : i32
          %dma_start3A_163 = arith.constant 0 : i32
          %dma_start3A_164 = tpu.memref_slice %arg2[%dma_start3A_162, %dma_start3A_163] : memref<1000000x32xf32, #tpu.memory_space<hbm>> -> memref<1000000x32xf32, #tpu.memory_space<hbm>>
          tpu.enqueue_indirect_dma source(%dma_start3A_164 : memref<1000000x32xf32, #tpu.memory_space<hbm>>) target(%dma_start3A_158 : memref<72x32xf32, #tpu.memory_space<vmem>>) offsets(%dma_start3A_161 : memref<72xi32, #tpu.memory_space<vmem>>) semaphore(%arg11 : memref<!tpu.dma_semaphore, #tpu.memory_space<semaphore_mem>>)
        }
        %scan3A_139 = arith.constant 8 : i32
      } else {
      }
      %scan3A_109 = arith.constant 0 : i32
      %scan3A_110 = arith.constant 8 : i32
      %scan3A_111 = arith.addi %scan3A_109, %scan3A_110 : i32
      %scan3A_112 = arith.constant 1 : i32
      scf.for %scan3A_135 = %scan3A_109 to %scan3A_111 step %scan3A_112  : i32 {
        %mul3A_136 = arith.constant 1 : i32
        %mul3A_137 = arith.muli %scan3A_135, %mul3A_136 : i32
        %add3A_138 = arith.constant 0 : i32
        %add3A_139 = arith.addi %add3A_138, %mul3A_137 : i32
        %dma_wait3A_140 = arith.constant 0 : i32
        %dma_wait3A_141 = arith.constant 0 : i32
        %dma_wait3A_142 = tpu.memref_slice %arg8[%add3A_139, %dma_wait3A_140, %dma_wait3A_141] : memref<8x200x32xf32, #tpu.memory_space<vmem>> -> memref<1x128x32xf32, #tpu.memory_space<vmem>>
        %dma_wait3A_143 = tpu.memref_squeeze %dma_wait3A_142 : memref<1x128x32xf32, #tpu.memory_space<vmem>> -> memref<128x32xf32, #tpu.memory_space<vmem>>
        %dma_wait3A_144 = arith.constant 0 : i32
        %dma_wait3A_145 = tpu.memref_slice %arg6[%add3A_139, %dma_wait3A_144] : memref<8x200xi32, #tpu.memory_space<vmem>> -> memref<1x128xi32, #tpu.memory_space<vmem>>
        %dma_wait3A_146 = tpu.memref_squeeze %dma_wait3A_145 : memref<1x128xi32, #tpu.memory_space<vmem>> -> memref<128xi32, #tpu.memory_space<vmem>>
        %dma_wait3A_147 = arith.constant 0 : i32
        %dma_wait3A_148 = arith.constant 0 : i32
        %dma_wait3A_149 = tpu.memref_slice %arg2[%dma_wait3A_147, %dma_wait3A_148] : memref<1000000x32xf32, #tpu.memory_space<hbm>> -> memref<1000000x32xf32, #tpu.memory_space<hbm>>
        tpu.wait_indirect_dma semaphore(%arg12 : memref<!tpu.dma_semaphore, #tpu.memory_space<semaphore_mem>>) src(%dma_wait3A_149 : memref<1000000x32xf32, #tpu.memory_space<hbm>>) dst(%dma_wait3A_143 : memref<128x32xf32, #tpu.memory_space<vmem>>)
        %dma_wait3A_150 = arith.constant 128 : i32
        %dma_wait3A_151 = arith.constant 0 : i32
        %dma_wait3A_152 = tpu.memref_slice %arg8[%add3A_139, %dma_wait3A_150, %dma_wait3A_151] : memref<8x200x32xf32, #tpu.memory_space<vmem>> -> memref<1x72x32xf32, #tpu.memory_space<vmem>>
        %dma_wait3A_153 = tpu.memref_squeeze %dma_wait3A_152 : memref<1x72x32xf32, #tpu.memory_space<vmem>> -> memref<72x32xf32, #tpu.memory_space<vmem>>
        %dma_wait3A_154 = arith.constant 128 : i32
        %dma_wait3A_155 = tpu.memref_slice %arg6[%add3A_139, %dma_wait3A_154] : memref<8x200xi32, #tpu.memory_space<vmem>> -> memref<1x72xi32, #tpu.memory_space<vmem>>
        %dma_wait3A_156 = tpu.memref_squeeze %dma_wait3A_155 : memref<1x72xi32, #tpu.memory_space<vmem>> -> memref<72xi32, #tpu.memory_space<vmem>>
        %dma_wait3A_157 = arith.constant 0 : i32
        %dma_wait3A_158 = arith.constant 0 : i32
        %dma_wait3A_159 = tpu.memref_slice %arg2[%dma_wait3A_157, %dma_wait3A_158] : memref<1000000x32xf32, #tpu.memory_space<hbm>> -> memref<1000000x32xf32, #tpu.memory_space<hbm>>
        tpu.wait_indirect_dma semaphore(%arg12 : memref<!tpu.dma_semaphore, #tpu.memory_space<semaphore_mem>>) src(%dma_wait3A_159 : memref<1000000x32xf32, #tpu.memory_space<hbm>>) dst(%dma_wait3A_153 : memref<72x32xf32, #tpu.memory_space<vmem>>)
      }
      %scan3A_113 = arith.constant 8 : i32
      %scan3A_114 = arith.constant 0 : i32
      %scan3A_115 = arith.constant 8 : i32
      %scan3A_116 = arith.addi %scan3A_114, %scan3A_115 : i32
      %scan3A_117 = arith.constant 1 : i32
      scf.for %scan3A_135 = %scan3A_114 to %scan3A_116 step %scan3A_117  : i32 {
        %mul3A_136 = arith.constant 1 : i32
        %mul3A_137 = arith.muli %scan3A_135, %mul3A_136 : i32
        %add3A_138 = arith.constant 0 : i32
        %add3A_139 = arith.addi %add3A_138, %mul3A_137 : i32
        %broadcast_in_dim3A = arith.constant 0.000000e+00 : f32
        %broadcast_in_dim3A_140 = vector.broadcast %broadcast_in_dim3A : f32 to vector<16xf32>
        %get3A = arith.constant 0 : i32
        %get3A_141 = tpu.memref_slice %arg6[%add3A_139, %get3A] : memref<8x200xi32, #tpu.memory_space<vmem>> -> memref<1x200xi32, #tpu.memory_space<vmem>>
        %get3A_142 = tpu.memref_squeeze %get3A_141 : memref<1x200xi32, #tpu.memory_space<vmem>> -> memref<200xi32, #tpu.memory_space<vmem>>
        %get3A_143 = arith.constant 0 : index
        %get3A_144 = tpu.vector_load %get3A_142[%get3A_143] {strides = array<i32>} : memref<200xi32, #tpu.memory_space<vmem>>, vector<16xi32>,
        %eq3A = arith.constant 0 : i32
        %eq3A_145 = vector.broadcast %eq3A : i32 to vector<16xi32>
        %eq3A_146 = arith.cmpi eq, %get3A_144, %eq3A_145 : vector<16xi32>
        %reduce_or3A = arith.constant 1.000000e+00 : f32
        %reduce_or3A_147 = arith.constant 0.000000e+00 : f32
        %reduce_or3A_148 = vector.broadcast %reduce_or3A : f32 to vector<16xf32>
        %reduce_or3A_149 = vector.broadcast %reduce_or3A_147 : f32 to vector<16xf32>
        %reduce_or3A_150 = arith.select %eq3A_146, %reduce_or3A_148, %reduce_or3A_149 : vector<16xi1>, vector<16xf32>
        %reduce_or3A_151 = arith.constant true
        %reduce_or3A_152 = vector.broadcast %reduce_or3A_151 : i1 to vector<16xi1>
        %reduce_or3A_153 = tpu.scan <max>, %reduce_or3A_150 masked %reduce_or3A_152 : vector<16xf32>, vector<16xi1> -> vector<16xf32>
        %reduce_or3A_154 = vector.extract %reduce_or3A_153[15] : f32 from vector<16xf32>
        %reduce_or3A_155 = arith.constant 0.000000e+00 : f32
        %reduce_or3A_156 = arith.cmpf ogt, %reduce_or3A_154, %reduce_or3A_155 : f32
        %convert_element_type3A_157 = arith.extui %reduce_or3A_156 : i1 to i32
        %cond3A_158 = arith.constant 0 : i32
        %cond3A_159 = arith.cmpi ne, %convert_element_type3A_157, %cond3A_158 : i32
        scf.if %cond3A_159 {
          %iota3A = tpu.iota {dimensions = array<i32: 0>} : vector<16xi32>
          %add3A_424 = arith.constant 0 : i32
          %add3A_425 = vector.broadcast %add3A_424 : i32 to vector<16xi32>
          %add3A_426 = arith.addi %iota3A, %add3A_425 : vector<16xi32>
          %scan3A_427 = arith.constant 0 : i32
          %scan3A_428 = arith.constant 32 : i32
          %scan3A_429 = arith.addi %scan3A_427, %scan3A_428 : i32
          %scan3A_430 = arith.constant 1 : i32
          scf.for %scan3A_432 = %scan3A_427 to %scan3A_429 step %scan3A_430  : i32 {
            %mul3A_433 = arith.constant 1 : i32
            %mul3A_434 = arith.muli %scan3A_432, %mul3A_433 : i32
            %add3A_435 = arith.constant 0 : i32
            %add3A_436 = arith.addi %add3A_435, %mul3A_434 : i32
            %broadcast_in_dim3A_437 = arith.constant 0 : i32
            %broadcast_in_dim3A_438 = vector.broadcast %broadcast_in_dim3A_437 : i32 to vector<16xi32>
            %add3A_439 = vector.broadcast %add3A_436 : i32 to vector<16xi32>
            %add3A_440 = arith.addi %broadcast_in_dim3A_438, %add3A_439 : vector<16xi32>
            %scatter3A = arith.constant 0 : i32
            %scatter3A_441 = arith.constant 0 : i32
            %scatter3A_442 = tpu.memref_slice %arg8[%add3A_139, %scatter3A, %scatter3A_441] : memref<8x200x32xf32, #tpu.memory_space<vmem>> -> memref<1x200x32xf32, #tpu.memory_space<vmem>>
            %scatter3A_443 = tpu.memref_squeeze %scatter3A_442 : memref<1x200x32xf32, #tpu.memory_space<vmem>> -> memref<200x32xf32, #tpu.memory_space<vmem>>
            tpu.vector_store_idx %scatter3A_443[%add3A_426, %add3A_440], %broadcast_in_dim3A_140 masked %eq3A_146 : memref<200x32xf32, #tpu.memory_space<vmem>>[vector<16xi32>, vector<16xi32>], vector<16xf32>, vector<16xi1>
          }
          %scan3A_431 = arith.constant 32 : i32
        } else {
        }
        %get3A_160 = arith.constant 0 : i32
        %get3A_161 = tpu.memref_slice %arg6[%add3A_139, %get3A_160] : memref<8x200xi32, #tpu.memory_space<vmem>> -> memref<1x200xi32, #tpu.memory_space<vmem>>
        %get3A_162 = tpu.memref_squeeze %get3A_161 : memref<1x200xi32, #tpu.memory_space<vmem>> -> memref<200xi32, #tpu.memory_space<vmem>>
        %get3A_163 = arith.constant 16 : index
        %get3A_164 = tpu.vector_load %get3A_162[%get3A_163] {strides = array<i32>} : memref<200xi32, #tpu.memory_space<vmem>>, vector<16xi32>,
        %eq3A_165 = arith.constant 0 : i32
        %eq3A_166 = vector.broadcast %eq3A_165 : i32 to vector<16xi32>
        %eq3A_167 = arith.cmpi eq, %get3A_164, %eq3A_166 : vector<16xi32>
        %reduce_or3A_168 = arith.constant 1.000000e+00 : f32
        %reduce_or3A_169 = arith.constant 0.000000e+00 : f32
        %reduce_or3A_170 = vector.broadcast %reduce_or3A_168 : f32 to vector<16xf32>
        %reduce_or3A_171 = vector.broadcast %reduce_or3A_169 : f32 to vector<16xf32>
        %reduce_or3A_172 = arith.select %eq3A_167, %reduce_or3A_170, %reduce_or3A_171 : vector<16xi1>, vector<16xf32>
        %reduce_or3A_173 = arith.constant true
        %reduce_or3A_174 = vector.broadcast %reduce_or3A_173 : i1 to vector<16xi1>
        %reduce_or3A_175 = tpu.scan <max>, %reduce_or3A_172 masked %reduce_or3A_174 : vector<16xf32>, vector<16xi1> -> vector<16xf32>
        %reduce_or3A_176 = vector.extract %reduce_or3A_175[15] : f32 from vector<16xf32>
        %reduce_or3A_177 = arith.constant 0.000000e+00 : f32
        %reduce_or3A_178 = arith.cmpf ogt, %reduce_or3A_176, %reduce_or3A_177 : f32
        %convert_element_type3A_179 = arith.extui %reduce_or3A_178 : i1 to i32
        %cond3A_180 = arith.constant 0 : i32
        %cond3A_181 = arith.cmpi ne, %convert_element_type3A_179, %cond3A_180 : i32
        scf.if %cond3A_181 {
          %iota3A = tpu.iota {dimensions = array<i32: 0>} : vector<16xi32>
          %add3A_424 = arith.constant 16 : i32
          %add3A_425 = vector.broadcast %add3A_424 : i32 to vector<16xi32>
          %add3A_426 = arith.addi %iota3A, %add3A_425 : vector<16xi32>
          %scan3A_427 = arith.constant 0 : i32
          %scan3A_428 = arith.constant 32 : i32
          %scan3A_429 = arith.addi %scan3A_427, %scan3A_428 : i32
          %scan3A_430 = arith.constant 1 : i32
          scf.for %scan3A_432 = %scan3A_427 to %scan3A_429 step %scan3A_430  : i32 {
            %mul3A_433 = arith.constant 1 : i32
            %mul3A_434 = arith.muli %scan3A_432, %mul3A_433 : i32
            %add3A_435 = arith.constant 0 : i32
            %add3A_436 = arith.addi %add3A_435, %mul3A_434 : i32
            %broadcast_in_dim3A_437 = arith.constant 0 : i32
            %broadcast_in_dim3A_438 = vector.broadcast %broadcast_in_dim3A_437 : i32 to vector<16xi32>
            %add3A_439 = vector.broadcast %add3A_436 : i32 to vector<16xi32>
            %add3A_440 = arith.addi %broadcast_in_dim3A_438, %add3A_439 : vector<16xi32>
            %scatter3A = arith.constant 0 : i32
            %scatter3A_441 = arith.constant 0 : i32
            %scatter3A_442 = tpu.memref_slice %arg8[%add3A_139, %scatter3A, %scatter3A_441] : memref<8x200x32xf32, #tpu.memory_space<vmem>> -> memref<1x200x32xf32, #tpu.memory_space<vmem>>
            %scatter3A_443 = tpu.memref_squeeze %scatter3A_442 : memref<1x200x32xf32, #tpu.memory_space<vmem>> -> memref<200x32xf32, #tpu.memory_space<vmem>>
            tpu.vector_store_idx %scatter3A_443[%add3A_426, %add3A_440], %broadcast_in_dim3A_140 masked %eq3A_167 : memref<200x32xf32, #tpu.memory_space<vmem>>[vector<16xi32>, vector<16xi32>], vector<16xf32>, vector<16xi1>
          }
          %scan3A_431 = arith.constant 32 : i32
        } else {
        }
        %get3A_182 = arith.constant 0 : i32
        %get3A_183 = tpu.memref_slice %arg6[%add3A_139, %get3A_182] : memref<8x200xi32, #tpu.memory_space<vmem>> -> memref<1x200xi32, #tpu.memory_space<vmem>>
        %get3A_184 = tpu.memref_squeeze %get3A_183 : memref<1x200xi32, #tpu.memory_space<vmem>> -> memref<200xi32, #tpu.memory_space<vmem>>
        %get3A_185 = arith.constant 32 : index
        %get3A_186 = tpu.vector_load %get3A_184[%get3A_185] {strides = array<i32>} : memref<200xi32, #tpu.memory_space<vmem>>, vector<16xi32>,
        %eq3A_187 = arith.constant 0 : i32
        %eq3A_188 = vector.broadcast %eq3A_187 : i32 to vector<16xi32>
        %eq3A_189 = arith.cmpi eq, %get3A_186, %eq3A_188 : vector<16xi32>
        %reduce_or3A_190 = arith.constant 1.000000e+00 : f32
        %reduce_or3A_191 = arith.constant 0.000000e+00 : f32
        %reduce_or3A_192 = vector.broadcast %reduce_or3A_190 : f32 to vector<16xf32>
        %reduce_or3A_193 = vector.broadcast %reduce_or3A_191 : f32 to vector<16xf32>
        %reduce_or3A_194 = arith.select %eq3A_189, %reduce_or3A_192, %reduce_or3A_193 : vector<16xi1>, vector<16xf32>
        %reduce_or3A_195 = arith.constant true
        %reduce_or3A_196 = vector.broadcast %reduce_or3A_195 : i1 to vector<16xi1>
        %reduce_or3A_197 = tpu.scan <max>, %reduce_or3A_194 masked %reduce_or3A_196 : vector<16xf32>, vector<16xi1> -> vector<16xf32>
        %reduce_or3A_198 = vector.extract %reduce_or3A_197[15] : f32 from vector<16xf32>
        %reduce_or3A_199 = arith.constant 0.000000e+00 : f32
        %reduce_or3A_200 = arith.cmpf ogt, %reduce_or3A_198, %reduce_or3A_199 : f32
        %convert_element_type3A_201 = arith.extui %reduce_or3A_200 : i1 to i32
        %cond3A_202 = arith.constant 0 : i32
        %cond3A_203 = arith.cmpi ne, %convert_element_type3A_201, %cond3A_202 : i32
        scf.if %cond3A_203 {
          %iota3A = tpu.iota {dimensions = array<i32: 0>} : vector<16xi32>
          %add3A_424 = arith.constant 32 : i32
          %add3A_425 = vector.broadcast %add3A_424 : i32 to vector<16xi32>
          %add3A_426 = arith.addi %iota3A, %add3A_425 : vector<16xi32>
          %scan3A_427 = arith.constant 0 : i32
          %scan3A_428 = arith.constant 32 : i32
          %scan3A_429 = arith.addi %scan3A_427, %scan3A_428 : i32
          %scan3A_430 = arith.constant 1 : i32
          scf.for %scan3A_432 = %scan3A_427 to %scan3A_429 step %scan3A_430  : i32 {
            %mul3A_433 = arith.constant 1 : i32
            %mul3A_434 = arith.muli %scan3A_432, %mul3A_433 : i32
            %add3A_435 = arith.constant 0 : i32
            %add3A_436 = arith.addi %add3A_435, %mul3A_434 : i32
            %broadcast_in_dim3A_437 = arith.constant 0 : i32
            %broadcast_in_dim3A_438 = vector.broadcast %broadcast_in_dim3A_437 : i32 to vector<16xi32>
            %add3A_439 = vector.broadcast %add3A_436 : i32 to vector<16xi32>
            %add3A_440 = arith.addi %broadcast_in_dim3A_438, %add3A_439 : vector<16xi32>
            %scatter3A = arith.constant 0 : i32
            %scatter3A_441 = arith.constant 0 : i32
            %scatter3A_442 = tpu.memref_slice %arg8[%add3A_139, %scatter3A, %scatter3A_441] : memref<8x200x32xf32, #tpu.memory_space<vmem>> -> memref<1x200x32xf32, #tpu.memory_space<vmem>>
            %scatter3A_443 = tpu.memref_squeeze %scatter3A_442 : memref<1x200x32xf32, #tpu.memory_space<vmem>> -> memref<200x32xf32, #tpu.memory_space<vmem>>
            tpu.vector_store_idx %scatter3A_443[%add3A_426, %add3A_440], %broadcast_in_dim3A_140 masked %eq3A_189 : memref<200x32xf32, #tpu.memory_space<vmem>>[vector<16xi32>, vector<16xi32>], vector<16xf32>, vector<16xi1>
          }
          %scan3A_431 = arith.constant 32 : i32
        } else {
        }
        %get3A_204 = arith.constant 0 : i32
        %get3A_205 = tpu.memref_slice %arg6[%add3A_139, %get3A_204] : memref<8x200xi32, #tpu.memory_space<vmem>> -> memref<1x200xi32, #tpu.memory_space<vmem>>
        %get3A_206 = tpu.memref_squeeze %get3A_205 : memref<1x200xi32, #tpu.memory_space<vmem>> -> memref<200xi32, #tpu.memory_space<vmem>>
        %get3A_207 = arith.constant 48 : index
        %get3A_208 = tpu.vector_load %get3A_206[%get3A_207] {strides = array<i32>} : memref<200xi32, #tpu.memory_space<vmem>>, vector<16xi32>,
        %eq3A_209 = arith.constant 0 : i32
        %eq3A_210 = vector.broadcast %eq3A_209 : i32 to vector<16xi32>
        %eq3A_211 = arith.cmpi eq, %get3A_208, %eq3A_210 : vector<16xi32>
        %reduce_or3A_212 = arith.constant 1.000000e+00 : f32
        %reduce_or3A_213 = arith.constant 0.000000e+00 : f32
        %reduce_or3A_214 = vector.broadcast %reduce_or3A_212 : f32 to vector<16xf32>
        %reduce_or3A_215 = vector.broadcast %reduce_or3A_213 : f32 to vector<16xf32>
        %reduce_or3A_216 = arith.select %eq3A_211, %reduce_or3A_214, %reduce_or3A_215 : vector<16xi1>, vector<16xf32>
        %reduce_or3A_217 = arith.constant true
        %reduce_or3A_218 = vector.broadcast %reduce_or3A_217 : i1 to vector<16xi1>
        %reduce_or3A_219 = tpu.scan <max>, %reduce_or3A_216 masked %reduce_or3A_218 : vector<16xf32>, vector<16xi1> -> vector<16xf32>
        %reduce_or3A_220 = vector.extract %reduce_or3A_219[15] : f32 from vector<16xf32>
        %reduce_or3A_221 = arith.constant 0.000000e+00 : f32
        %reduce_or3A_222 = arith.cmpf ogt, %reduce_or3A_220, %reduce_or3A_221 : f32
        %convert_element_type3A_223 = arith.extui %reduce_or3A_222 : i1 to i32
        %cond3A_224 = arith.constant 0 : i32
        %cond3A_225 = arith.cmpi ne, %convert_element_type3A_223, %cond3A_224 : i32
        scf.if %cond3A_225 {
          %iota3A = tpu.iota {dimensions = array<i32: 0>} : vector<16xi32>
          %add3A_424 = arith.constant 48 : i32
          %add3A_425 = vector.broadcast %add3A_424 : i32 to vector<16xi32>
          %add3A_426 = arith.addi %iota3A, %add3A_425 : vector<16xi32>
          %scan3A_427 = arith.constant 0 : i32
          %scan3A_428 = arith.constant 32 : i32
          %scan3A_429 = arith.addi %scan3A_427, %scan3A_428 : i32
          %scan3A_430 = arith.constant 1 : i32
          scf.for %scan3A_432 = %scan3A_427 to %scan3A_429 step %scan3A_430  : i32 {
            %mul3A_433 = arith.constant 1 : i32
            %mul3A_434 = arith.muli %scan3A_432, %mul3A_433 : i32
            %add3A_435 = arith.constant 0 : i32
            %add3A_436 = arith.addi %add3A_435, %mul3A_434 : i32
            %broadcast_in_dim3A_437 = arith.constant 0 : i32
            %broadcast_in_dim3A_438 = vector.broadcast %broadcast_in_dim3A_437 : i32 to vector<16xi32>
            %add3A_439 = vector.broadcast %add3A_436 : i32 to vector<16xi32>
            %add3A_440 = arith.addi %broadcast_in_dim3A_438, %add3A_439 : vector<16xi32>
            %scatter3A = arith.constant 0 : i32
            %scatter3A_441 = arith.constant 0 : i32
            %scatter3A_442 = tpu.memref_slice %arg8[%add3A_139, %scatter3A, %scatter3A_441] : memref<8x200x32xf32, #tpu.memory_space<vmem>> -> memref<1x200x32xf32, #tpu.memory_space<vmem>>
            %scatter3A_443 = tpu.memref_squeeze %scatter3A_442 : memref<1x200x32xf32, #tpu.memory_space<vmem>> -> memref<200x32xf32, #tpu.memory_space<vmem>>
            tpu.vector_store_idx %scatter3A_443[%add3A_426, %add3A_440], %broadcast_in_dim3A_140 masked %eq3A_211 : memref<200x32xf32, #tpu.memory_space<vmem>>[vector<16xi32>, vector<16xi32>], vector<16xf32>, vector<16xi1>
          }
          %scan3A_431 = arith.constant 32 : i32
        } else {
        }
        %get3A_226 = arith.constant 0 : i32
        %get3A_227 = tpu.memref_slice %arg6[%add3A_139, %get3A_226] : memref<8x200xi32, #tpu.memory_space<vmem>> -> memref<1x200xi32, #tpu.memory_space<vmem>>
        %get3A_228 = tpu.memref_squeeze %get3A_227 : memref<1x200xi32, #tpu.memory_space<vmem>> -> memref<200xi32, #tpu.memory_space<vmem>>
        %get3A_229 = arith.constant 64 : index
        %get3A_230 = tpu.vector_load %get3A_228[%get3A_229] {strides = array<i32>} : memref<200xi32, #tpu.memory_space<vmem>>, vector<16xi32>,
        %eq3A_231 = arith.constant 0 : i32
        %eq3A_232 = vector.broadcast %eq3A_231 : i32 to vector<16xi32>
        %eq3A_233 = arith.cmpi eq, %get3A_230, %eq3A_232 : vector<16xi32>
        %reduce_or3A_234 = arith.constant 1.000000e+00 : f32
        %reduce_or3A_235 = arith.constant 0.000000e+00 : f32
        %reduce_or3A_236 = vector.broadcast %reduce_or3A_234 : f32 to vector<16xf32>
        %reduce_or3A_237 = vector.broadcast %reduce_or3A_235 : f32 to vector<16xf32>
        %reduce_or3A_238 = arith.select %eq3A_233, %reduce_or3A_236, %reduce_or3A_237 : vector<16xi1>, vector<16xf32>
        %reduce_or3A_239 = arith.constant true
        %reduce_or3A_240 = vector.broadcast %reduce_or3A_239 : i1 to vector<16xi1>
        %reduce_or3A_241 = tpu.scan <max>, %reduce_or3A_238 masked %reduce_or3A_240 : vector<16xf32>, vector<16xi1> -> vector<16xf32>
        %reduce_or3A_242 = vector.extract %reduce_or3A_241[15] : f32 from vector<16xf32>
        %reduce_or3A_243 = arith.constant 0.000000e+00 : f32
        %reduce_or3A_244 = arith.cmpf ogt, %reduce_or3A_242, %reduce_or3A_243 : f32
        %convert_element_type3A_245 = arith.extui %reduce_or3A_244 : i1 to i32
        %cond3A_246 = arith.constant 0 : i32
        %cond3A_247 = arith.cmpi ne, %convert_element_type3A_245, %cond3A_246 : i32
        scf.if %cond3A_247 {
          %iota3A = tpu.iota {dimensions = array<i32: 0>} : vector<16xi32>
          %add3A_424 = arith.constant 64 : i32
          %add3A_425 = vector.broadcast %add3A_424 : i32 to vector<16xi32>
          %add3A_426 = arith.addi %iota3A, %add3A_425 : vector<16xi32>
          %scan3A_427 = arith.constant 0 : i32
          %scan3A_428 = arith.constant 32 : i32
          %scan3A_429 = arith.addi %scan3A_427, %scan3A_428 : i32
          %scan3A_430 = arith.constant 1 : i32
          scf.for %scan3A_432 = %scan3A_427 to %scan3A_429 step %scan3A_430  : i32 {
            %mul3A_433 = arith.constant 1 : i32
            %mul3A_434 = arith.muli %scan3A_432, %mul3A_433 : i32
            %add3A_435 = arith.constant 0 : i32
            %add3A_436 = arith.addi %add3A_435, %mul3A_434 : i32
            %broadcast_in_dim3A_437 = arith.constant 0 : i32
            %broadcast_in_dim3A_438 = vector.broadcast %broadcast_in_dim3A_437 : i32 to vector<16xi32>
            %add3A_439 = vector.broadcast %add3A_436 : i32 to vector<16xi32>
            %add3A_440 = arith.addi %broadcast_in_dim3A_438, %add3A_439 : vector<16xi32>
            %scatter3A = arith.constant 0 : i32
            %scatter3A_441 = arith.constant 0 : i32
            %scatter3A_442 = tpu.memref_slice %arg8[%add3A_139, %scatter3A, %scatter3A_441] : memref<8x200x32xf32, #tpu.memory_space<vmem>> -> memref<1x200x32xf32, #tpu.memory_space<vmem>>
            %scatter3A_443 = tpu.memref_squeeze %scatter3A_442 : memref<1x200x32xf32, #tpu.memory_space<vmem>> -> memref<200x32xf32, #tpu.memory_space<vmem>>
            tpu.vector_store_idx %scatter3A_443[%add3A_426, %add3A_440], %broadcast_in_dim3A_140 masked %eq3A_233 : memref<200x32xf32, #tpu.memory_space<vmem>>[vector<16xi32>, vector<16xi32>], vector<16xf32>, vector<16xi1>
          }
          %scan3A_431 = arith.constant 32 : i32
        } else {
        }
        %get3A_248 = arith.constant 0 : i32
        %get3A_249 = tpu.memref_slice %arg6[%add3A_139, %get3A_248] : memref<8x200xi32, #tpu.memory_space<vmem>> -> memref<1x200xi32, #tpu.memory_space<vmem>>
        %get3A_250 = tpu.memref_squeeze %get3A_249 : memref<1x200xi32, #tpu.memory_space<vmem>> -> memref<200xi32, #tpu.memory_space<vmem>>
        %get3A_251 = arith.constant 80 : index
        %get3A_252 = tpu.vector_load %get3A_250[%get3A_251] {strides = array<i32>} : memref<200xi32, #tpu.memory_space<vmem>>, vector<16xi32>,
        %eq3A_253 = arith.constant 0 : i32
        %eq3A_254 = vector.broadcast %eq3A_253 : i32 to vector<16xi32>
        %eq3A_255 = arith.cmpi eq, %get3A_252, %eq3A_254 : vector<16xi32>
        %reduce_or3A_256 = arith.constant 1.000000e+00 : f32
        %reduce_or3A_257 = arith.constant 0.000000e+00 : f32
        %reduce_or3A_258 = vector.broadcast %reduce_or3A_256 : f32 to vector<16xf32>
        %reduce_or3A_259 = vector.broadcast %reduce_or3A_257 : f32 to vector<16xf32>
        %reduce_or3A_260 = arith.select %eq3A_255, %reduce_or3A_258, %reduce_or3A_259 : vector<16xi1>, vector<16xf32>
        %reduce_or3A_261 = arith.constant true
        %reduce_or3A_262 = vector.broadcast %reduce_or3A_261 : i1 to vector<16xi1>
        %reduce_or3A_263 = tpu.scan <max>, %reduce_or3A_260 masked %reduce_or3A_262 : vector<16xf32>, vector<16xi1> -> vector<16xf32>
        %reduce_or3A_264 = vector.extract %reduce_or3A_263[15] : f32 from vector<16xf32>
        %reduce_or3A_265 = arith.constant 0.000000e+00 : f32
        %reduce_or3A_266 = arith.cmpf ogt, %reduce_or3A_264, %reduce_or3A_265 : f32
        %convert_element_type3A_267 = arith.extui %reduce_or3A_266 : i1 to i32
        %cond3A_268 = arith.constant 0 : i32
        %cond3A_269 = arith.cmpi ne, %convert_element_type3A_267, %cond3A_268 : i32
        scf.if %cond3A_269 {
          %iota3A = tpu.iota {dimensions = array<i32: 0>} : vector<16xi32>
          %add3A_424 = arith.constant 80 : i32
          %add3A_425 = vector.broadcast %add3A_424 : i32 to vector<16xi32>
          %add3A_426 = arith.addi %iota3A, %add3A_425 : vector<16xi32>
          %scan3A_427 = arith.constant 0 : i32
          %scan3A_428 = arith.constant 32 : i32
          %scan3A_429 = arith.addi %scan3A_427, %scan3A_428 : i32
          %scan3A_430 = arith.constant 1 : i32
          scf.for %scan3A_432 = %scan3A_427 to %scan3A_429 step %scan3A_430  : i32 {
            %mul3A_433 = arith.constant 1 : i32
            %mul3A_434 = arith.muli %scan3A_432, %mul3A_433 : i32
            %add3A_435 = arith.constant 0 : i32
            %add3A_436 = arith.addi %add3A_435, %mul3A_434 : i32
            %broadcast_in_dim3A_437 = arith.constant 0 : i32
            %broadcast_in_dim3A_438 = vector.broadcast %broadcast_in_dim3A_437 : i32 to vector<16xi32>
            %add3A_439 = vector.broadcast %add3A_436 : i32 to vector<16xi32>
            %add3A_440 = arith.addi %broadcast_in_dim3A_438, %add3A_439 : vector<16xi32>
            %scatter3A = arith.constant 0 : i32
            %scatter3A_441 = arith.constant 0 : i32
            %scatter3A_442 = tpu.memref_slice %arg8[%add3A_139, %scatter3A, %scatter3A_441] : memref<8x200x32xf32, #tpu.memory_space<vmem>> -> memref<1x200x32xf32, #tpu.memory_space<vmem>>
            %scatter3A_443 = tpu.memref_squeeze %scatter3A_442 : memref<1x200x32xf32, #tpu.memory_space<vmem>> -> memref<200x32xf32, #tpu.memory_space<vmem>>
            tpu.vector_store_idx %scatter3A_443[%add3A_426, %add3A_440], %broadcast_in_dim3A_140 masked %eq3A_255 : memref<200x32xf32, #tpu.memory_space<vmem>>[vector<16xi32>, vector<16xi32>], vector<16xf32>, vector<16xi1>
          }
          %scan3A_431 = arith.constant 32 : i32
        } else {
        }
        %get3A_270 = arith.constant 0 : i32
        %get3A_271 = tpu.memref_slice %arg6[%add3A_139, %get3A_270] : memref<8x200xi32, #tpu.memory_space<vmem>> -> memref<1x200xi32, #tpu.memory_space<vmem>>
        %get3A_272 = tpu.memref_squeeze %get3A_271 : memref<1x200xi32, #tpu.memory_space<vmem>> -> memref<200xi32, #tpu.memory_space<vmem>>
        %get3A_273 = arith.constant 96 : index
        %get3A_274 = tpu.vector_load %get3A_272[%get3A_273] {strides = array<i32>} : memref<200xi32, #tpu.memory_space<vmem>>, vector<16xi32>,
        %eq3A_275 = arith.constant 0 : i32
        %eq3A_276 = vector.broadcast %eq3A_275 : i32 to vector<16xi32>
        %eq3A_277 = arith.cmpi eq, %get3A_274, %eq3A_276 : vector<16xi32>
        %reduce_or3A_278 = arith.constant 1.000000e+00 : f32
        %reduce_or3A_279 = arith.constant 0.000000e+00 : f32
        %reduce_or3A_280 = vector.broadcast %reduce_or3A_278 : f32 to vector<16xf32>
        %reduce_or3A_281 = vector.broadcast %reduce_or3A_279 : f32 to vector<16xf32>
        %reduce_or3A_282 = arith.select %eq3A_277, %reduce_or3A_280, %reduce_or3A_281 : vector<16xi1>, vector<16xf32>
        %reduce_or3A_283 = arith.constant true
        %reduce_or3A_284 = vector.broadcast %reduce_or3A_283 : i1 to vector<16xi1>
        %reduce_or3A_285 = tpu.scan <max>, %reduce_or3A_282 masked %reduce_or3A_284 : vector<16xf32>, vector<16xi1> -> vector<16xf32>
        %reduce_or3A_286 = vector.extract %reduce_or3A_285[15] : f32 from vector<16xf32>
        %reduce_or3A_287 = arith.constant 0.000000e+00 : f32
        %reduce_or3A_288 = arith.cmpf ogt, %reduce_or3A_286, %reduce_or3A_287 : f32
        %convert_element_type3A_289 = arith.extui %reduce_or3A_288 : i1 to i32
        %cond3A_290 = arith.constant 0 : i32
        %cond3A_291 = arith.cmpi ne, %convert_element_type3A_289, %cond3A_290 : i32
        scf.if %cond3A_291 {
          %iota3A = tpu.iota {dimensions = array<i32: 0>} : vector<16xi32>
          %add3A_424 = arith.constant 96 : i32
          %add3A_425 = vector.broadcast %add3A_424 : i32 to vector<16xi32>
          %add3A_426 = arith.addi %iota3A, %add3A_425 : vector<16xi32>
          %scan3A_427 = arith.constant 0 : i32
          %scan3A_428 = arith.constant 32 : i32
          %scan3A_429 = arith.addi %scan3A_427, %scan3A_428 : i32
          %scan3A_430 = arith.constant 1 : i32
          scf.for %scan3A_432 = %scan3A_427 to %scan3A_429 step %scan3A_430  : i32 {
            %mul3A_433 = arith.constant 1 : i32
            %mul3A_434 = arith.muli %scan3A_432, %mul3A_433 : i32
            %add3A_435 = arith.constant 0 : i32
            %add3A_436 = arith.addi %add3A_435, %mul3A_434 : i32
            %broadcast_in_dim3A_437 = arith.constant 0 : i32
            %broadcast_in_dim3A_438 = vector.broadcast %broadcast_in_dim3A_437 : i32 to vector<16xi32>
            %add3A_439 = vector.broadcast %add3A_436 : i32 to vector<16xi32>
            %add3A_440 = arith.addi %broadcast_in_dim3A_438, %add3A_439 : vector<16xi32>
            %scatter3A = arith.constant 0 : i32
            %scatter3A_441 = arith.constant 0 : i32
            %scatter3A_442 = tpu.memref_slice %arg8[%add3A_139, %scatter3A, %scatter3A_441] : memref<8x200x32xf32, #tpu.memory_space<vmem>> -> memref<1x200x32xf32, #tpu.memory_space<vmem>>
            %scatter3A_443 = tpu.memref_squeeze %scatter3A_442 : memref<1x200x32xf32, #tpu.memory_space<vmem>> -> memref<200x32xf32, #tpu.memory_space<vmem>>
            tpu.vector_store_idx %scatter3A_443[%add3A_426, %add3A_440], %broadcast_in_dim3A_140 masked %eq3A_277 : memref<200x32xf32, #tpu.memory_space<vmem>>[vector<16xi32>, vector<16xi32>], vector<16xf32>, vector<16xi1>
          }
          %scan3A_431 = arith.constant 32 : i32
        } else {
        }
        %get3A_292 = arith.constant 0 : i32
        %get3A_293 = tpu.memref_slice %arg6[%add3A_139, %get3A_292] : memref<8x200xi32, #tpu.memory_space<vmem>> -> memref<1x200xi32, #tpu.memory_space<vmem>>
        %get3A_294 = tpu.memref_squeeze %get3A_293 : memref<1x200xi32, #tpu.memory_space<vmem>> -> memref<200xi32, #tpu.memory_space<vmem>>
        %get3A_295 = arith.constant 112 : index
        %get3A_296 = tpu.vector_load %get3A_294[%get3A_295] {strides = array<i32>} : memref<200xi32, #tpu.memory_space<vmem>>, vector<16xi32>,
        %eq3A_297 = arith.constant 0 : i32
        %eq3A_298 = vector.broadcast %eq3A_297 : i32 to vector<16xi32>
        %eq3A_299 = arith.cmpi eq, %get3A_296, %eq3A_298 : vector<16xi32>
        %reduce_or3A_300 = arith.constant 1.000000e+00 : f32
        %reduce_or3A_301 = arith.constant 0.000000e+00 : f32
        %reduce_or3A_302 = vector.broadcast %reduce_or3A_300 : f32 to vector<16xf32>
        %reduce_or3A_303 = vector.broadcast %reduce_or3A_301 : f32 to vector<16xf32>
        %reduce_or3A_304 = arith.select %eq3A_299, %reduce_or3A_302, %reduce_or3A_303 : vector<16xi1>, vector<16xf32>
        %reduce_or3A_305 = arith.constant true
        %reduce_or3A_306 = vector.broadcast %reduce_or3A_305 : i1 to vector<16xi1>
        %reduce_or3A_307 = tpu.scan <max>, %reduce_or3A_304 masked %reduce_or3A_306 : vector<16xf32>, vector<16xi1> -> vector<16xf32>
        %reduce_or3A_308 = vector.extract %reduce_or3A_307[15] : f32 from vector<16xf32>
        %reduce_or3A_309 = arith.constant 0.000000e+00 : f32
        %reduce_or3A_310 = arith.cmpf ogt, %reduce_or3A_308, %reduce_or3A_309 : f32
        %convert_element_type3A_311 = arith.extui %reduce_or3A_310 : i1 to i32
        %cond3A_312 = arith.constant 0 : i32
        %cond3A_313 = arith.cmpi ne, %convert_element_type3A_311, %cond3A_312 : i32
        scf.if %cond3A_313 {
          %iota3A = tpu.iota {dimensions = array<i32: 0>} : vector<16xi32>
          %add3A_424 = arith.constant 112 : i32
          %add3A_425 = vector.broadcast %add3A_424 : i32 to vector<16xi32>
          %add3A_426 = arith.addi %iota3A, %add3A_425 : vector<16xi32>
          %scan3A_427 = arith.constant 0 : i32
          %scan3A_428 = arith.constant 32 : i32
          %scan3A_429 = arith.addi %scan3A_427, %scan3A_428 : i32
          %scan3A_430 = arith.constant 1 : i32
          scf.for %scan3A_432 = %scan3A_427 to %scan3A_429 step %scan3A_430  : i32 {
            %mul3A_433 = arith.constant 1 : i32
            %mul3A_434 = arith.muli %scan3A_432, %mul3A_433 : i32
            %add3A_435 = arith.constant 0 : i32
            %add3A_436 = arith.addi %add3A_435, %mul3A_434 : i32
            %broadcast_in_dim3A_437 = arith.constant 0 : i32
            %broadcast_in_dim3A_438 = vector.broadcast %broadcast_in_dim3A_437 : i32 to vector<16xi32>
            %add3A_439 = vector.broadcast %add3A_436 : i32 to vector<16xi32>
            %add3A_440 = arith.addi %broadcast_in_dim3A_438, %add3A_439 : vector<16xi32>
            %scatter3A = arith.constant 0 : i32
            %scatter3A_441 = arith.constant 0 : i32
            %scatter3A_442 = tpu.memref_slice %arg8[%add3A_139, %scatter3A, %scatter3A_441] : memref<8x200x32xf32, #tpu.memory_space<vmem>> -> memref<1x200x32xf32, #tpu.memory_space<vmem>>
            %scatter3A_443 = tpu.memref_squeeze %scatter3A_442 : memref<1x200x32xf32, #tpu.memory_space<vmem>> -> memref<200x32xf32, #tpu.memory_space<vmem>>
            tpu.vector_store_idx %scatter3A_443[%add3A_426, %add3A_440], %broadcast_in_dim3A_140 masked %eq3A_299 : memref<200x32xf32, #tpu.memory_space<vmem>>[vector<16xi32>, vector<16xi32>], vector<16xf32>, vector<16xi1>
          }
          %scan3A_431 = arith.constant 32 : i32
        } else {
        }
        %get3A_314 = arith.constant 0 : i32
        %get3A_315 = tpu.memref_slice %arg6[%add3A_139, %get3A_314] : memref<8x200xi32, #tpu.memory_space<vmem>> -> memref<1x200xi32, #tpu.memory_space<vmem>>
        %get3A_316 = tpu.memref_squeeze %get3A_315 : memref<1x200xi32, #tpu.memory_space<vmem>> -> memref<200xi32, #tpu.memory_space<vmem>>
        %get3A_317 = arith.constant 128 : index
        %get3A_318 = tpu.vector_load %get3A_316[%get3A_317] {strides = array<i32>} : memref<200xi32, #tpu.memory_space<vmem>>, vector<16xi32>,
        %eq3A_319 = arith.constant 0 : i32
        %eq3A_320 = vector.broadcast %eq3A_319 : i32 to vector<16xi32>
        %eq3A_321 = arith.cmpi eq, %get3A_318, %eq3A_320 : vector<16xi32>
        %reduce_or3A_322 = arith.constant 1.000000e+00 : f32
        %reduce_or3A_323 = arith.constant 0.000000e+00 : f32
        %reduce_or3A_324 = vector.broadcast %reduce_or3A_322 : f32 to vector<16xf32>
        %reduce_or3A_325 = vector.broadcast %reduce_or3A_323 : f32 to vector<16xf32>
        %reduce_or3A_326 = arith.select %eq3A_321, %reduce_or3A_324, %reduce_or3A_325 : vector<16xi1>, vector<16xf32>
        %reduce_or3A_327 = arith.constant true
        %reduce_or3A_328 = vector.broadcast %reduce_or3A_327 : i1 to vector<16xi1>
        %reduce_or3A_329 = tpu.scan <max>, %reduce_or3A_326 masked %reduce_or3A_328 : vector<16xf32>, vector<16xi1> -> vector<16xf32>
        %reduce_or3A_330 = vector.extract %reduce_or3A_329[15] : f32 from vector<16xf32>
        %reduce_or3A_331 = arith.constant 0.000000e+00 : f32
        %reduce_or3A_332 = arith.cmpf ogt, %reduce_or3A_330, %reduce_or3A_331 : f32
        %convert_element_type3A_333 = arith.extui %reduce_or3A_332 : i1 to i32
        %cond3A_334 = arith.constant 0 : i32
        %cond3A_335 = arith.cmpi ne, %convert_element_type3A_333, %cond3A_334 : i32
        scf.if %cond3A_335 {
          %iota3A = tpu.iota {dimensions = array<i32: 0>} : vector<16xi32>
          %add3A_424 = arith.constant 128 : i32
          %add3A_425 = vector.broadcast %add3A_424 : i32 to vector<16xi32>
          %add3A_426 = arith.addi %iota3A, %add3A_425 : vector<16xi32>
          %scan3A_427 = arith.constant 0 : i32
          %scan3A_428 = arith.constant 32 : i32
          %scan3A_429 = arith.addi %scan3A_427, %scan3A_428 : i32
          %scan3A_430 = arith.constant 1 : i32
          scf.for %scan3A_432 = %scan3A_427 to %scan3A_429 step %scan3A_430  : i32 {
            %mul3A_433 = arith.constant 1 : i32
            %mul3A_434 = arith.muli %scan3A_432, %mul3A_433 : i32
            %add3A_435 = arith.constant 0 : i32
            %add3A_436 = arith.addi %add3A_435, %mul3A_434 : i32
            %broadcast_in_dim3A_437 = arith.constant 0 : i32
            %broadcast_in_dim3A_438 = vector.broadcast %broadcast_in_dim3A_437 : i32 to vector<16xi32>
            %add3A_439 = vector.broadcast %add3A_436 : i32 to vector<16xi32>
            %add3A_440 = arith.addi %broadcast_in_dim3A_438, %add3A_439 : vector<16xi32>
            %scatter3A = arith.constant 0 : i32
            %scatter3A_441 = arith.constant 0 : i32
            %scatter3A_442 = tpu.memref_slice %arg8[%add3A_139, %scatter3A, %scatter3A_441] : memref<8x200x32xf32, #tpu.memory_space<vmem>> -> memref<1x200x32xf32, #tpu.memory_space<vmem>>
            %scatter3A_443 = tpu.memref_squeeze %scatter3A_442 : memref<1x200x32xf32, #tpu.memory_space<vmem>> -> memref<200x32xf32, #tpu.memory_space<vmem>>
            tpu.vector_store_idx %scatter3A_443[%add3A_426, %add3A_440], %broadcast_in_dim3A_140 masked %eq3A_321 : memref<200x32xf32, #tpu.memory_space<vmem>>[vector<16xi32>, vector<16xi32>], vector<16xf32>, vector<16xi1>
          }
          %scan3A_431 = arith.constant 32 : i32
        } else {
        }
        %get3A_336 = arith.constant 0 : i32
        %get3A_337 = tpu.memref_slice %arg6[%add3A_139, %get3A_336] : memref<8x200xi32, #tpu.memory_space<vmem>> -> memref<1x200xi32, #tpu.memory_space<vmem>>
        %get3A_338 = tpu.memref_squeeze %get3A_337 : memref<1x200xi32, #tpu.memory_space<vmem>> -> memref<200xi32, #tpu.memory_space<vmem>>
        %get3A_339 = arith.constant 144 : index
        %get3A_340 = tpu.vector_load %get3A_338[%get3A_339] {strides = array<i32>} : memref<200xi32, #tpu.memory_space<vmem>>, vector<16xi32>,
        %eq3A_341 = arith.constant 0 : i32
        %eq3A_342 = vector.broadcast %eq3A_341 : i32 to vector<16xi32>
        %eq3A_343 = arith.cmpi eq, %get3A_340, %eq3A_342 : vector<16xi32>
        %reduce_or3A_344 = arith.constant 1.000000e+00 : f32
        %reduce_or3A_345 = arith.constant 0.000000e+00 : f32
        %reduce_or3A_346 = vector.broadcast %reduce_or3A_344 : f32 to vector<16xf32>
        %reduce_or3A_347 = vector.broadcast %reduce_or3A_345 : f32 to vector<16xf32>
        %reduce_or3A_348 = arith.select %eq3A_343, %reduce_or3A_346, %reduce_or3A_347 : vector<16xi1>, vector<16xf32>
        %reduce_or3A_349 = arith.constant true
        %reduce_or3A_350 = vector.broadcast %reduce_or3A_349 : i1 to vector<16xi1>
        %reduce_or3A_351 = tpu.scan <max>, %reduce_or3A_348 masked %reduce_or3A_350 : vector<16xf32>, vector<16xi1> -> vector<16xf32>
        %reduce_or3A_352 = vector.extract %reduce_or3A_351[15] : f32 from vector<16xf32>
        %reduce_or3A_353 = arith.constant 0.000000e+00 : f32
        %reduce_or3A_354 = arith.cmpf ogt, %reduce_or3A_352, %reduce_or3A_353 : f32
        %convert_element_type3A_355 = arith.extui %reduce_or3A_354 : i1 to i32
        %cond3A_356 = arith.constant 0 : i32
        %cond3A_357 = arith.cmpi ne, %convert_element_type3A_355, %cond3A_356 : i32
        scf.if %cond3A_357 {
          %iota3A = tpu.iota {dimensions = array<i32: 0>} : vector<16xi32>
          %add3A_424 = arith.constant 144 : i32
          %add3A_425 = vector.broadcast %add3A_424 : i32 to vector<16xi32>
          %add3A_426 = arith.addi %iota3A, %add3A_425 : vector<16xi32>
          %scan3A_427 = arith.constant 0 : i32
          %scan3A_428 = arith.constant 32 : i32
          %scan3A_429 = arith.addi %scan3A_427, %scan3A_428 : i32
          %scan3A_430 = arith.constant 1 : i32
          scf.for %scan3A_432 = %scan3A_427 to %scan3A_429 step %scan3A_430  : i32 {
            %mul3A_433 = arith.constant 1 : i32
            %mul3A_434 = arith.muli %scan3A_432, %mul3A_433 : i32
            %add3A_435 = arith.constant 0 : i32
            %add3A_436 = arith.addi %add3A_435, %mul3A_434 : i32
            %broadcast_in_dim3A_437 = arith.constant 0 : i32
            %broadcast_in_dim3A_438 = vector.broadcast %broadcast_in_dim3A_437 : i32 to vector<16xi32>
            %add3A_439 = vector.broadcast %add3A_436 : i32 to vector<16xi32>
            %add3A_440 = arith.addi %broadcast_in_dim3A_438, %add3A_439 : vector<16xi32>
            %scatter3A = arith.constant 0 : i32
            %scatter3A_441 = arith.constant 0 : i32
            %scatter3A_442 = tpu.memref_slice %arg8[%add3A_139, %scatter3A, %scatter3A_441] : memref<8x200x32xf32, #tpu.memory_space<vmem>> -> memref<1x200x32xf32, #tpu.memory_space<vmem>>
            %scatter3A_443 = tpu.memref_squeeze %scatter3A_442 : memref<1x200x32xf32, #tpu.memory_space<vmem>> -> memref<200x32xf32, #tpu.memory_space<vmem>>
            tpu.vector_store_idx %scatter3A_443[%add3A_426, %add3A_440], %broadcast_in_dim3A_140 masked %eq3A_343 : memref<200x32xf32, #tpu.memory_space<vmem>>[vector<16xi32>, vector<16xi32>], vector<16xf32>, vector<16xi1>
          }
          %scan3A_431 = arith.constant 32 : i32
        } else {
        }
        %get3A_358 = arith.constant 0 : i32
        %get3A_359 = tpu.memref_slice %arg6[%add3A_139, %get3A_358] : memref<8x200xi32, #tpu.memory_space<vmem>> -> memref<1x200xi32, #tpu.memory_space<vmem>>
        %get3A_360 = tpu.memref_squeeze %get3A_359 : memref<1x200xi32, #tpu.memory_space<vmem>> -> memref<200xi32, #tpu.memory_space<vmem>>
        %get3A_361 = arith.constant 160 : index
        %get3A_362 = tpu.vector_load %get3A_360[%get3A_361] {strides = array<i32>} : memref<200xi32, #tpu.memory_space<vmem>>, vector<16xi32>,
        %eq3A_363 = arith.constant 0 : i32
        %eq3A_364 = vector.broadcast %eq3A_363 : i32 to vector<16xi32>
        %eq3A_365 = arith.cmpi eq, %get3A_362, %eq3A_364 : vector<16xi32>
        %reduce_or3A_366 = arith.constant 1.000000e+00 : f32
        %reduce_or3A_367 = arith.constant 0.000000e+00 : f32
        %reduce_or3A_368 = vector.broadcast %reduce_or3A_366 : f32 to vector<16xf32>
        %reduce_or3A_369 = vector.broadcast %reduce_or3A_367 : f32 to vector<16xf32>
        %reduce_or3A_370 = arith.select %eq3A_365, %reduce_or3A_368, %reduce_or3A_369 : vector<16xi1>, vector<16xf32>
        %reduce_or3A_371 = arith.constant true
        %reduce_or3A_372 = vector.broadcast %reduce_or3A_371 : i1 to vector<16xi1>
        %reduce_or3A_373 = tpu.scan <max>, %reduce_or3A_370 masked %reduce_or3A_372 : vector<16xf32>, vector<16xi1> -> vector<16xf32>
        %reduce_or3A_374 = vector.extract %reduce_or3A_373[15] : f32 from vector<16xf32>
        %reduce_or3A_375 = arith.constant 0.000000e+00 : f32
        %reduce_or3A_376 = arith.cmpf ogt, %reduce_or3A_374, %reduce_or3A_375 : f32
        %convert_element_type3A_377 = arith.extui %reduce_or3A_376 : i1 to i32
        %cond3A_378 = arith.constant 0 : i32
        %cond3A_379 = arith.cmpi ne, %convert_element_type3A_377, %cond3A_378 : i32
        scf.if %cond3A_379 {
          %iota3A = tpu.iota {dimensions = array<i32: 0>} : vector<16xi32>
          %add3A_424 = arith.constant 160 : i32
          %add3A_425 = vector.broadcast %add3A_424 : i32 to vector<16xi32>
          %add3A_426 = arith.addi %iota3A, %add3A_425 : vector<16xi32>
          %scan3A_427 = arith.constant 0 : i32
          %scan3A_428 = arith.constant 32 : i32
          %scan3A_429 = arith.addi %scan3A_427, %scan3A_428 : i32
          %scan3A_430 = arith.constant 1 : i32
          scf.for %scan3A_432 = %scan3A_427 to %scan3A_429 step %scan3A_430  : i32 {
            %mul3A_433 = arith.constant 1 : i32
            %mul3A_434 = arith.muli %scan3A_432, %mul3A_433 : i32
            %add3A_435 = arith.constant 0 : i32
            %add3A_436 = arith.addi %add3A_435, %mul3A_434 : i32
            %broadcast_in_dim3A_437 = arith.constant 0 : i32
            %broadcast_in_dim3A_438 = vector.broadcast %broadcast_in_dim3A_437 : i32 to vector<16xi32>
            %add3A_439 = vector.broadcast %add3A_436 : i32 to vector<16xi32>
            %add3A_440 = arith.addi %broadcast_in_dim3A_438, %add3A_439 : vector<16xi32>
            %scatter3A = arith.constant 0 : i32
            %scatter3A_441 = arith.constant 0 : i32
            %scatter3A_442 = tpu.memref_slice %arg8[%add3A_139, %scatter3A, %scatter3A_441] : memref<8x200x32xf32, #tpu.memory_space<vmem>> -> memref<1x200x32xf32, #tpu.memory_space<vmem>>
            %scatter3A_443 = tpu.memref_squeeze %scatter3A_442 : memref<1x200x32xf32, #tpu.memory_space<vmem>> -> memref<200x32xf32, #tpu.memory_space<vmem>>
            tpu.vector_store_idx %scatter3A_443[%add3A_426, %add3A_440], %broadcast_in_dim3A_140 masked %eq3A_365 : memref<200x32xf32, #tpu.memory_space<vmem>>[vector<16xi32>, vector<16xi32>], vector<16xf32>, vector<16xi1>
          }
          %scan3A_431 = arith.constant 32 : i32
        } else {
        }
        %get3A_380 = arith.constant 0 : i32
        %get3A_381 = tpu.memref_slice %arg6[%add3A_139, %get3A_380] : memref<8x200xi32, #tpu.memory_space<vmem>> -> memref<1x200xi32, #tpu.memory_space<vmem>>
        %get3A_382 = tpu.memref_squeeze %get3A_381 : memref<1x200xi32, #tpu.memory_space<vmem>> -> memref<200xi32, #tpu.memory_space<vmem>>
        %get3A_383 = arith.constant 176 : index
        %get3A_384 = tpu.vector_load %get3A_382[%get3A_383] {strides = array<i32>} : memref<200xi32, #tpu.memory_space<vmem>>, vector<16xi32>,
        %eq3A_385 = arith.constant 0 : i32
        %eq3A_386 = vector.broadcast %eq3A_385 : i32 to vector<16xi32>
        %eq3A_387 = arith.cmpi eq, %get3A_384, %eq3A_386 : vector<16xi32>
        %reduce_or3A_388 = arith.constant 1.000000e+00 : f32
        %reduce_or3A_389 = arith.constant 0.000000e+00 : f32
        %reduce_or3A_390 = vector.broadcast %reduce_or3A_388 : f32 to vector<16xf32>
        %reduce_or3A_391 = vector.broadcast %reduce_or3A_389 : f32 to vector<16xf32>
        %reduce_or3A_392 = arith.select %eq3A_387, %reduce_or3A_390, %reduce_or3A_391 : vector<16xi1>, vector<16xf32>
        %reduce_or3A_393 = arith.constant true
        %reduce_or3A_394 = vector.broadcast %reduce_or3A_393 : i1 to vector<16xi1>
        %reduce_or3A_395 = tpu.scan <max>, %reduce_or3A_392 masked %reduce_or3A_394 : vector<16xf32>, vector<16xi1> -> vector<16xf32>
        %reduce_or3A_396 = vector.extract %reduce_or3A_395[15] : f32 from vector<16xf32>
        %reduce_or3A_397 = arith.constant 0.000000e+00 : f32
        %reduce_or3A_398 = arith.cmpf ogt, %reduce_or3A_396, %reduce_or3A_397 : f32
        %convert_element_type3A_399 = arith.extui %reduce_or3A_398 : i1 to i32
        %cond3A_400 = arith.constant 0 : i32
        %cond3A_401 = arith.cmpi ne, %convert_element_type3A_399, %cond3A_400 : i32
        scf.if %cond3A_401 {
          %iota3A = tpu.iota {dimensions = array<i32: 0>} : vector<16xi32>
          %add3A_424 = arith.constant 176 : i32
          %add3A_425 = vector.broadcast %add3A_424 : i32 to vector<16xi32>
          %add3A_426 = arith.addi %iota3A, %add3A_425 : vector<16xi32>
          %scan3A_427 = arith.constant 0 : i32
          %scan3A_428 = arith.constant 32 : i32
          %scan3A_429 = arith.addi %scan3A_427, %scan3A_428 : i32
          %scan3A_430 = arith.constant 1 : i32
          scf.for %scan3A_432 = %scan3A_427 to %scan3A_429 step %scan3A_430  : i32 {
            %mul3A_433 = arith.constant 1 : i32
            %mul3A_434 = arith.muli %scan3A_432, %mul3A_433 : i32
            %add3A_435 = arith.constant 0 : i32
            %add3A_436 = arith.addi %add3A_435, %mul3A_434 : i32
            %broadcast_in_dim3A_437 = arith.constant 0 : i32
            %broadcast_in_dim3A_438 = vector.broadcast %broadcast_in_dim3A_437 : i32 to vector<16xi32>
            %add3A_439 = vector.broadcast %add3A_436 : i32 to vector<16xi32>
            %add3A_440 = arith.addi %broadcast_in_dim3A_438, %add3A_439 : vector<16xi32>
            %scatter3A = arith.constant 0 : i32
            %scatter3A_441 = arith.constant 0 : i32
            %scatter3A_442 = tpu.memref_slice %arg8[%add3A_139, %scatter3A, %scatter3A_441] : memref<8x200x32xf32, #tpu.memory_space<vmem>> -> memref<1x200x32xf32, #tpu.memory_space<vmem>>
            %scatter3A_443 = tpu.memref_squeeze %scatter3A_442 : memref<1x200x32xf32, #tpu.memory_space<vmem>> -> memref<200x32xf32, #tpu.memory_space<vmem>>
            tpu.vector_store_idx %scatter3A_443[%add3A_426, %add3A_440], %broadcast_in_dim3A_140 masked %eq3A_387 : memref<200x32xf32, #tpu.memory_space<vmem>>[vector<16xi32>, vector<16xi32>], vector<16xf32>, vector<16xi1>
          }
          %scan3A_431 = arith.constant 32 : i32
        } else {
        }
        %get3A_402 = arith.constant 0 : i32
        %get3A_403 = tpu.memref_slice %arg6[%add3A_139, %get3A_402] : memref<8x200xi32, #tpu.memory_space<vmem>> -> memref<1x200xi32, #tpu.memory_space<vmem>>
        %get3A_404 = tpu.memref_squeeze %get3A_403 : memref<1x200xi32, #tpu.memory_space<vmem>> -> memref<200xi32, #tpu.memory_space<vmem>>
        %get3A_405 = arith.constant 184 : index
        %get3A_406 = tpu.vector_load %get3A_404[%get3A_405] {strides = array<i32>} : memref<200xi32, #tpu.memory_space<vmem>>, vector<16xi32>,
        %eq3A_407 = arith.constant 0 : i32
        %eq3A_408 = vector.broadcast %eq3A_407 : i32 to vector<16xi32>
        %eq3A_409 = arith.cmpi eq, %get3A_406, %eq3A_408 : vector<16xi32>
        %reduce_or3A_410 = arith.constant 1.000000e+00 : f32
        %reduce_or3A_411 = arith.constant 0.000000e+00 : f32
        %reduce_or3A_412 = vector.broadcast %reduce_or3A_410 : f32 to vector<16xf32>
        %reduce_or3A_413 = vector.broadcast %reduce_or3A_411 : f32 to vector<16xf32>
        %reduce_or3A_414 = arith.select %eq3A_409, %reduce_or3A_412, %reduce_or3A_413 : vector<16xi1>, vector<16xf32>
        %reduce_or3A_415 = arith.constant true
        %reduce_or3A_416 = vector.broadcast %reduce_or3A_415 : i1 to vector<16xi1>
        %reduce_or3A_417 = tpu.scan <max>, %reduce_or3A_414 masked %reduce_or3A_416 : vector<16xf32>, vector<16xi1> -> vector<16xf32>
        %reduce_or3A_418 = vector.extract %reduce_or3A_417[15] : f32 from vector<16xf32>
        %reduce_or3A_419 = arith.constant 0.000000e+00 : f32
        %reduce_or3A_420 = arith.cmpf ogt, %reduce_or3A_418, %reduce_or3A_419 : f32
        %convert_element_type3A_421 = arith.extui %reduce_or3A_420 : i1 to i32
        %cond3A_422 = arith.constant 0 : i32
        %cond3A_423 = arith.cmpi ne, %convert_element_type3A_421, %cond3A_422 : i32
        scf.if %cond3A_423 {
          %iota3A = tpu.iota {dimensions = array<i32: 0>} : vector<16xi32>
          %add3A_424 = arith.constant 184 : i32
          %add3A_425 = vector.broadcast %add3A_424 : i32 to vector<16xi32>
          %add3A_426 = arith.addi %iota3A, %add3A_425 : vector<16xi32>
          %scan3A_427 = arith.constant 0 : i32
          %scan3A_428 = arith.constant 32 : i32
          %scan3A_429 = arith.addi %scan3A_427, %scan3A_428 : i32
          %scan3A_430 = arith.constant 1 : i32
          scf.for %scan3A_432 = %scan3A_427 to %scan3A_429 step %scan3A_430  : i32 {
            %mul3A_433 = arith.constant 1 : i32
            %mul3A_434 = arith.muli %scan3A_432, %mul3A_433 : i32
            %add3A_435 = arith.constant 0 : i32
            %add3A_436 = arith.addi %add3A_435, %mul3A_434 : i32
            %broadcast_in_dim3A_437 = arith.constant 0 : i32
            %broadcast_in_dim3A_438 = vector.broadcast %broadcast_in_dim3A_437 : i32 to vector<16xi32>
            %add3A_439 = vector.broadcast %add3A_436 : i32 to vector<16xi32>
            %add3A_440 = arith.addi %broadcast_in_dim3A_438, %add3A_439 : vector<16xi32>
            %scatter3A = arith.constant 0 : i32
            %scatter3A_441 = arith.constant 0 : i32
            %scatter3A_442 = tpu.memref_slice %arg8[%add3A_139, %scatter3A, %scatter3A_441] : memref<8x200x32xf32, #tpu.memory_space<vmem>> -> memref<1x200x32xf32, #tpu.memory_space<vmem>>
            %scatter3A_443 = tpu.memref_squeeze %scatter3A_442 : memref<1x200x32xf32, #tpu.memory_space<vmem>> -> memref<200x32xf32, #tpu.memory_space<vmem>>
            tpu.vector_store_idx %scatter3A_443[%add3A_426, %add3A_440], %broadcast_in_dim3A_140 masked %eq3A_409 : memref<200x32xf32, #tpu.memory_space<vmem>>[vector<16xi32>, vector<16xi32>], vector<16xf32>, vector<16xi1>
          }
          %scan3A_431 = arith.constant 32 : i32
        } else {
        }
      }
      %scan3A_118 = arith.constant 8 : i32
      %add3A_119 = arith.constant 2 : i32
      %add3A_120 = arith.addi %add3A_89, %add3A_119 : i32
      %lt3A_121 = arith.constant 16 : i32
      %lt3A_122 = arith.cmpi slt, %add3A_120, %lt3A_121 : i32
      %convert_element_type3A_123 = arith.extui %lt3A_122 : i1 to i32
      %cond3A_124 = arith.constant 0 : i32
      %cond3A_125 = arith.cmpi ne, %convert_element_type3A_123, %cond3A_124 : i32
      scf.if %cond3A_125 {
        %add3A_135 = arith.constant 2 : i32
        %add3A_136 = arith.addi %add3A_89, %add3A_135 : i32
        %mul3A_137 = arith.constant 8 : i32
        %mul3A_138 = arith.muli %add3A_136, %mul3A_137 : i32
        %add3A_139 = arith.addi %mul3A_2, %mul3A_138 : i32
        %dma_start3A_140 = arith.constant 0 : i32
        %dma_start3A_141 = tpu.memref_slice %arg3[%add3A_139, %dma_start3A_140] : memref<4096x200xi32, #tpu.memory_space<hbm>> -> memref<8x200xi32, #tpu.memory_space<hbm>>
        %dma_start3A_142 = arith.constant 0 : i32
        %dma_start3A_143 = tpu.memref_slice %arg3[%add3A_139, %dma_start3A_142] : memref<4096x200xi32, #tpu.memory_space<hbm>> -> memref<8x200xi32, #tpu.memory_space<hbm>>
        tpu.enqueue_dma source(%dma_start3A_143 : memref<8x200xi32, #tpu.memory_space<hbm>>) target(%arg6 : memref<8x200xi32, #tpu.memory_space<vmem>>) target_semaphore(%arg10 : memref<!tpu.dma_semaphore, #tpu.memory_space<semaphore_mem>>)
      } else {
      }
      %mul3A_126 = arith.constant 8 : i32
      %mul3A_127 = arith.muli %add3A_89, %mul3A_126 : i32
      %add3A_128 = arith.addi %mul3A_2, %mul3A_127 : i32
      %dma_start3A_129 = arith.constant 0 : i32
      %dma_start3A_130 = arith.constant 0 : i32
      %dma_start3A_131 = tpu.memref_slice %arg4[%add3A_128, %dma_start3A_129, %dma_start3A_130] : memref<4096x200x32xf32, #tpu.memory_space<hbm>> -> memref<8x200x32xf32, #tpu.memory_space<hbm>>
      %dma_start3A_132 = arith.constant 0 : i32
      %dma_start3A_133 = arith.constant 0 : i32
      %dma_start3A_134 = tpu.memref_slice %arg4[%add3A_128, %dma_start3A_132, %dma_start3A_133] : memref<4096x200x32xf32, #tpu.memory_space<hbm>> -> memref<8x200x32xf32, #tpu.memory_space<hbm>>
      tpu.enqueue_dma source(%arg8 : memref<8x200x32xf32, #tpu.memory_space<vmem>>) target(%dma_start3A_134 : memref<8x200x32xf32, #tpu.memory_space<hbm>>) target_semaphore(%arg14 : memref<!tpu.dma_semaphore, #tpu.memory_space<semaphore_mem>>)
    }
    %scan3A_27 = arith.constant 8 : i32
    %dma_wait3A_28 = arith.constant 0 : i32
    %dma_wait3A_29 = arith.constant 0 : i32
    %dma_wait3A_30 = arith.constant 0 : i32
    %dma_wait3A_31 = tpu.memref_slice %arg4[%dma_wait3A_28, %dma_wait3A_29, %dma_wait3A_30] : memref<4096x200x32xf32, #tpu.memory_space<hbm>> -> memref<8x200x32xf32, #tpu.memory_space<hbm>>
    %dma_wait3A_32 = arith.constant 0 : i32
    %dma_wait3A_33 = arith.constant 0 : i32
    %dma_wait3A_34 = arith.constant 0 : i32
    %dma_wait3A_35 = tpu.memref_slice %arg4[%dma_wait3A_32, %dma_wait3A_33, %dma_wait3A_34] : memref<4096x200x32xf32, #tpu.memory_space<hbm>> -> memref<8x200x32xf32, #tpu.memory_space<hbm>>
    tpu.wait_dma2 semaphore(%arg14 : memref<!tpu.dma_semaphore, #tpu.memory_space<semaphore_mem>>) src(%arg8 : memref<8x200x32xf32, #tpu.memory_space<vmem>>) dst(%dma_wait3A_35 : memref<8x200x32xf32, #tpu.memory_space<hbm>>)
    return
  }
}

</mosaic_0001>

<sc_bundles>
// kernel: kernel.4.cloned.1.call-start
scs
__scs_entry_jumppad:
0x0: {  	(pc) =	sbr.rel $0x88, $3  }
0x1: {  	(tag) =	ssettag $0x0;
	lr =	simm.s32 $0x1  }
0x2: {  	[smem:$0x3F9D] =	sst lr;
	_ =	strace $0xD0000000  }
0x3: {  	_ = 	snop  }
0x4: {  	_ = 	snop  }
0x5: {  	_ = 	snop  }
0x6: {  	_ = 	snop  }
0x7: {  	_ = 	snop  }
__scs_overlays_trampoline_lowered:
0x8: {  	[smem:$0x3FAC] =	sst s0  }
0x9: {  	[smem:$0x3FAD] =	sst s1  }
0xa: {  	[smem:$0x3FAE] =	sst s2  }
0xb: {  	[smem:$0x3FAF] =	sst s3  }
0xc: {  	[smem:$0x3FB0] =	sst s4  }
0xd: {  	[smem:$0x3FB1] =	sst s5  }
0xe: {  	[smem:$0x3FB2] =	sst s6  }
0xf: {  	[smem:$0x3FB3] =	sst s7  }
0x10: {  	[smem:$0x3FB4] =	sst s8  }
0x11: {  	[smem:$0x3FB5] =	sst s9;
	s0 =	simm.s32 @!p0 $0x0  }
0x12: {  	s1 =	sld [smem:$0x3F9B];
	s0 =	simm.s32 @p0 $0x1  }
0x13: {  	[smem:$0x3FB6] =	sst s0;
	s0 =	simm.s32 @!p1 $0x0  }
0x14: {  	s2 =	sld [smem:$0x3F9A];
	s0 =	simm.s32 @p1 $0x1  }
0x15: {  	[smem:$0x3FB7] =	sst s0;
	s0 =	simm.s32 @!p2 $0x0  }
0x16: {  	s3 =	sld [smem:$0x3FDB];
	s0 =	simm.s32 @p2 $0x1  }
0x17: {  	s4 =	simm.s32 $0x1BF5;
	[smem:$0x3FB9] =	sst s0  }
0x18: {  	s0 =	sld [smem:$0x3F9C];
	_ =	swait.ge [sflag:s4], $0x0  }
0x19: {  	s7 =	sld [smem:$0x3F9D]  }
0x1a: {  	s8 =	sadd.s32 $0xFFFFE003, lr  }
0x1b: {  	s9 =	sadd.s32 $0xFFFFFEF7, lr;
	s5 =	simm.s32 $0xFFFFFFFF;
	p2 =	slt.u32 s8, $0xFFFFF086  }
0x1c: {  	p1 =	slt.u32 s9, $0xF7A;
	s5 =	simm.s32 @!p2 $0x0  }
0x1d: {  	s5 =	simm.s32 @p1 $0x1;
	p0 =	seq.s32 s7, s2  }
0x1e: {  	s7 =	smul.u32 @!p0 $0xF7A, s2;
	p2 =	seq.s32 @!p0 s5, $0x0  }
0x1f: {  	s9 =	smul.u32 $0xF7A, s1;
	s8 =	simm.s32 @!p0 $0x1BF5;
	p2 =	por !p2, p0  }
0x20: {  	[sflag:s8] =	ssyncset.s32 @!p0 $0xFFFFF086;
	s6 =	sadd.s32 @!p0 s3, s7;
	s7 =	simm.s32 @!p0 $0x108  }
0x21: {  	s3 =	sadd.s32 s3, s9;
	s6 =	sadd.s32 @!p0 $0x88, s6;
	s7 =	simm.s32 @p2 $0x1082  }
0x22: {  	[simem:s7], [sflag:s8] =	dma.local @!p0 [hbm:s6], $0xF7A  }
0x23: {  	s9 =	sor.u32 $0xD0000000, s2;
	s6 =	simm.s32 $0x108;
	_ =	swait.ge @!p0 [sflag:s8], $0x0  }
0x24: {  	s3 =	sadd.s32 $0x88, s3;
	s6 =	simm.s32 @!p1 $0x1082;
	[sflag:s4] =	ssyncset.s32 $0xFFFFF086  }
0x25: {  	[simem:s6], [sflag:s4] =	dma.local [hbm:s3], $0xF7A  }
0x26: {  	[smem:$0x3F9D] =	sst s1;
	(tag) =	ssettag s2;
	_ =	strace s9  }
0x27: {  	s1 =	sld [smem:$0x3FAD]  }
0x28: {  	s2 =	sld [smem:$0x3FAE]  }
0x29: {  	s4 =	sld [smem:$0x3FB0]  }
0x2a: {  	p0 =	seq.s32 s5, $0x0;
	s5 =	sld [smem:$0x3FB1]  }
0x2b: {  	s6 =	sld [smem:$0x3FB2]  }
0x2c: {  	s7 =	sld [smem:$0x3FB3]  }
0x2d: {  	s3 =	simm.s32 $0x108;
	s8 =	sld [smem:$0x3FB4]  }
0x2e: {  	s3 =	simm.s32 @!p0 $0x1082;
	s9 =	sld [smem:$0x3FB5]  }
0x2f: {  	lr =	sadd.s32 s0, s3;
	s0 =	sld [smem:$0x3FAC]  }
0x30: {  	s3 =	sld [smem:$0x3FAF]  }
0x31: {  	[smem:$0x3FB8] =	sst s10  }
0x32: {  	s10 =	sld [smem:$0x3FB6];
	_ =	sdelay $0x3  }
0x33: {  	p0 =	seq.s32 s10, $0x1;
	s10 =	sld [smem:$0x3FB8];
	_ =	sdelay $0x3  }
0x34: {  	[smem:$0x3FB8] =	sst s10  }
0x35: {  	s10 =	sld [smem:$0x3FB7];
	_ =	sdelay $0x3  }
0x36: {  	p1 =	seq.s32 s10, $0x1;
	s10 =	sld [smem:$0x3FB8];
	_ =	sdelay $0x3  }
0x37: {  	[smem:$0x3FB8] =	sst s10  }
0x38: {  	s10 =	sld [smem:$0x3FB9]  }
0x39: {  	_ = 	snop;
	(pc) =	sbr.ind lr, $3  }
0x3a: {  	_ = 	snop  }
0x3b: {  	_ = 	snop  }
0x3c: {  	p2 =	seq.s32 s10, $0x1;
	s10 =	sld [smem:$0x3FB8]  }
0x3d: {  	_ =	shalt  }
0x3e: {  	_ =	shalt  }
0x3f: {  	_ =	shalt  }
0x40: {  	_ =	shalt  }
0x41: {  	_ =	shalt  }
0x42: {  	_ =	shalt  }
0x43: {  	_ =	shalt  }
0x44: {  	_ =	shalt  }
0x45: {  	_ =	shalt  }
0x46: {  	_ =	shalt  }
0x47: {  	_ =	shalt  }
0x48: {  	_ =	shalt  }
0x49: {  	_ =	shalt  }
0x4a: {  	_ =	shalt  }
0x4b: {  	_ =	shalt  }
0x4c: {  	_ =	shalt  }
0x4d: {  	_ =	shalt  }
0x4e: {  	_ =	shalt  }
0x4f: {  	_ =	shalt  }
0x50: {  	_ =	shalt  }
0x51: {  	_ =	shalt  }
0x52: {  	_ =	shalt  }
0x53: {  	_ =	shalt  }
0x54: {  	_ =	shalt  }
0x55: {  	_ =	shalt  }
0x56: {  	_ =	shalt  }
0x57: {  	_ =	shalt  }
0x58: {  	_ =	shalt  }
0x59: {  	_ =	shalt  }
0x5a: {  	_ =	shalt  }
0x5b: {  	_ =	shalt  }
0x5c: {  	_ =	shalt  }
0x5d: {  	_ =	shalt  }
0x5e: {  	_ =	shalt  }
0x5f: {  	_ =	shalt  }
0x60: {  	_ =	shalt  }
0x61: {  	_ =	shalt  }
0x62: {  	_ =	shalt  }
0x63: {  	_ =	shalt  }
0x64: {  	_ =	shalt  }
0x65: {  	_ =	shalt  }
0x66: {  	_ =	shalt  }
0x67: {  	_ =	shalt  }
0x68: {  	_ =	shalt  }
0x69: {  	_ =	shalt  }
0x6a: {  	_ =	shalt  }
0x6b: {  	_ =	shalt  }
0x6c: {  	_ =	shalt  }
0x6d: {  	_ =	shalt  }
0x6e: {  	_ =	shalt  }
0x6f: {  	_ =	shalt  }
0x70: {  	_ =	shalt  }
0x71: {  	_ =	shalt  }
0x72: {  	_ =	shalt  }
0x73: {  	_ =	shalt  }
0x74: {  	_ =	shalt  }
0x75: {  	_ =	shalt  }
0x76: {  	_ =	shalt  }
0x77: {  	_ =	shalt  }
0x78: {  	_ =	shalt  }
0x79: {  	_ =	shalt  }
0x7a: {  	_ =	shalt  }
0x7b: {  	_ =	shalt  }
0x7c: {  	_ =	shalt  }
0x7d: {  	_ =	shalt  }
0x7e: {  	_ =	shalt  }
0x7f: {  	_ =	shalt  }
0x80: {  	_ =	shalt  }
0x81: {  	_ =	shalt  }
0x82: {  	_ =	shalt  }
0x83: {  	_ =	shalt  }
0x84: {  	_ =	shalt  }
0x85: {  	_ =	shalt  }
0x86: {  	_ =	shalt  }
0x87: {  	_ =	shalt  }
.Lfunc_end0:
.L_simem_size_0:
called_computation.2_lowered:
.L_overlay_start_0:
0x88: {  	s2 =	sld [smem:$0x3FD9]  }
0x89: {  	s3 =	sld [smem:$0x3FFE];
	_ =	sdelay $0x1  }
0x8a: {  	s1 =	srdreg.scid  }
0x8b: {  	s0 =	sand.u32 $0x1, s1  }
0x8c: {  	s14 =	sshll.u32 s0, $0xA;
	s2 =	sadd.s32 s3, s2  }
0x8d: {  	s2 =	sadd.s32 s2, s14  }
0x8e: {  	[smem:$0x3FC4] =	sst s2  }
0x8f: {  	_ = 	snop  }
0x90: {  	s2 =	sld [smem:$0x3FD0];
	_ =	sdelay $0x2  }
0x91: {  	s15 =	simm.s32 $0xB;
	s4 =	simm.s32 $0x10  }
0x92: {  	[smem:s4], [sflag:s15] =	dma.local [hbm:s2], $0x1  }
0x93: {  	_ =	swait.eq [sflag:s15], $0x1  }
0x94: {  	[sflag:s15] =	ssyncset.done $0x0  }
0x95: {  	[sflag:s15] =	ssyncadd.s32 $0xFFFFFFFF  }
0x96: {  	s16 =	sld [smem:$0x10];
	(tm) =	ssettm $0x1  }
0x97: {  	s17 =	sld [smem:$0x3FFB];
	_ =	sdelay $0x3  }
0x98: {  	_ =	strace s17  }
0x99: {  	s3 =	sld [smem:$0x3FFC];
	_ =	sdelay $0x3  }
0x9a: {  	_ =	strace s3  }
0x9b: {  	s3 =	sld [smem:$0x3FFD];
	_ =	sdelay $0x3  }
0x9c: {  	_ =	strace s3  }
0x9d: {  	_ =	strace $0x8FFFFFFF  }
0x9e: {  	s18 =	sld [smem:$0x3FDB];
	_ =	sdelay $0x1  }
0x9f: {  	s19 =	simm.s32 $_scs_section_size  }
0xa0: {  	s5 =	simm.s32 $_size__tile_overlayer_lowered;
	s6 =	simm.s32 $_tile_overlayer_lowered  }
0xa1: {  	s22 =	simm.s32 $0x1BFF;
	s21 =	sshll.u32 s6, $0x1;
	s3 =	sadd.s32 s19, s18  }
0xa2: {  	s7 =	simm.s32 $0x0;
	s20 =	sshll.u32 s5, $0x1;
	s5 =	sadd.s32 s21, s3  }
0xa3: {  	[timem:s7], [sflag:s22] =	dma.local [hbm:s5], s20  }
0xa4: {  	_ =	swait.ge [sflag:s22], s20  }
0xa5: {  	s4 =	ssub.s32 $0x0, s20;
	[sflag:s22] =	ssyncset.done $0x0  }
0xa6: {  	[sflag:s22] =	ssyncadd.s32 s4;
	_ =	sdelay $0x1  }
0xa7: {  	s23 =	simm.s32 $0x1B8B  }
0xa8: {  	_ =	swait.ge [sflag:s23], $0x1  }
0xa9: {  	[sflag:s23] =	ssyncset.done $0x0  }
0xaa: {  	s25 =	simm.s32 $0x1B8E;
	s24 =	sld [smem:$0x3FFE];
	[sflag:s23] =	ssyncadd.s32 $0xFFFFFFFF  }
0xab: {  	s26 =	simm.s32 $execute0_lowered;
	[smem:$0x3FD2] =	sst s25  }
0xac: {  	s5 =	sshll.u32 s26, $0x1;
	_ =	strace $0x80000046;
	[dreg:$0x1] =	wrdreg $0xFFFFFFFF  }
0xad: {  	s28 =	simm.s32 $_size_execute0_lowered;
	s3 =	sadd.s32 s3, s5;
	[dreg:$0x0] =	wrdreg $0x0  }
0xae: {  	s5 =	sshll.u32 s28, $0x1;
	[dreg:$0x2] =	wrdreg s3  }
0xaf: {  	[dreg:$0x3] =	wrdreg s5  }
0xb0: {  	[dreg:$0x4] =	wrdreg $0xC0  }
0xb1: {  	_ =	task [dreg:s7], $0x5FFFF  }
0xb2: {  	[dreg:$0x1] =	wrdreg $0xFFFFFFFF  }
0xb3: {  	[dreg:$0x0] =	wrdreg $0x60  }
0xb4: {  	[dreg:$0x2] =	wrdreg s24  }
0xb5: {  	[dreg:$0x3] =	wrdreg s16  }
0xb6: {  	[dreg:$0x4] =	wrdreg $0x9  }
0xb7: {  	_ =	task.clear_ibuf [dreg:s7], $0x5FFFF;
	_ =	strace $0x90000046  }
0xb8: {  	s29 =	simm.s32 $0x9;
	_ =	strace $0x80000048  }
0xb9: {  	_ =	swait.ge [sflag:s29], $0x1  }
0xba: {  	[sflag:s29] =	ssyncadd.s32 $0xFFFFFFFF  }
0xbb: {  	_ =	strace $0x90000048  }
0xbc: {  	_ =	sfence  }
0xbd: {  	s30 =	sld [smem:$0x0];
	_ =	sdelay $0x2  }
0xbe: {  	s31 =	sshll.u32 s1, $0xD;
	s1 =	sshrl.u32 s1, $0x2  }
0xbf: {  	s3 =	sand.u32 $0x4000, s31;
	s1 =	sadd.s32 s1, s30  }
0xc0: {  	s0 =	sor.u32 s3, s0;
	s1 =	sshll.u32 s1, $0x11  }
0xc1: {  	s0 =	sor.u32 s1, s0  }
0xc2: {  	s0 =	sadd.s32 $0x8F2B, s0  }
0xc3: {  	[sflag:s0] =	ssyncadd.remote.s32 $0x1  }
0xc4: {  	_ =	sfence.sel $0xFFFF  }
0xc5: {  	[dreg:$0x0] =	wrdreg $0xFFFFFFFF;
	(pc) =	sbr.abs _section_cstart, $3  }
0xc6: {  	[dreg:$0x1] =	wrdreg $0xFFFFFFFF  }
0xc7: {  	_ =	task.clear_ibuf [dreg:s7], $0x2FFFF;
	_ =	strace $0x9FFFFFFF  }
0xc8: {  	(tm) =	ssettm $0x7FFFFFFF  }
0xc9: {  	_ =	shalt  }
tec
execute0_lowered:
.L_overlay_start_1:
0x0: {  	(tag) =	ssettag $0x1  }
0x1: {  	s0 =	rddreg [dreg:$0x0]  }
0x2: {  	s2 =	rddreg [dreg:$0x1]  }
0x3: {  	s1 =	srdreg.scid;
	s4 =	stileid.u32  }
0x4: {  	s3 =	simm.s32 $0x0;
	s14 =	simm.s32 $0x1;
	s15 =	simm.s32 $0x80  }
0x5: {  	s16 =	simm.s32 $0xC80;
	s17 =	simm.s32 $0x48;
	s30 =	simm.s32 $0x2  }
0x6: {  	s31 =	simm.s32 $0xD480;
	s13 =	simm.s32 $0xAF0;
	s12 =	simm.s32 $0x16A80  }
0x7: {  	s18 =	simm.s32 $0xB70;
	s19 =	simm.s32 $0x17A80;
	s20 =	simm.s32 $0xBB8  }
0x8: {  	s21 =	simm.s32 $0x18380;
	s22 =	simm.s32 $0xC38;
	s1 =	sand.u32 $0x1, s1  }
0x9: {  	s23 =	simm.s32 $0x19380;
	s4 =	sshll.u32 s4, $0x8;
	s5 =	sshll.u32 s1, $0x7  }
0xa: {  	s24 =	simm.s32 $0x3;
	[smem:$0x7FF] =	sst s3;
	s4 =	sor.u32 s5, s4  }
0xb: {  	_ =	strace $0x80000047;
	s1 =	ssub.s32 $0x2, s1;
	s6 =	smul.u32 $0xC8, s4  }
0xc: {  	s5 =	sadd.s32 $0x1400, s0;
	s8 =	sshrl.u32 s1, $0x1;
	s7 =	smul.u32 $0x19, s4  }
0xd: {  	v0 =	vlaneseq.u32;
	s10 =	smul.u32 $0x320, s4;
	s25 =	ssub.s32 s1, s8;
	s29 =	sor.u32 $0x10, s4  }
0xe: {  	v0 =	vmul.u32 $0x20, v0;
	s11 =	sor.u32 $0x18, s4;
	[dreg:$0x5] =	wrdreg s29;
	s9 =	sshrl.u32 s6, $0x3  }
.Ltmp0:
0xf: {  	v1 =	vimm.f32 $0.0e+00;
	s6 =	sadd.s32 $0xF43800, s0;
	s7 =	sadd.s32 s5, s7;
	(pc) =	sbr.rel .LBB2_1-.Ltmp0, $4  }
0x10: {  	v2 =	vor.u32 $0x200, v0;
	v3 =	vor.u32 $0x400, v0;
	v4 =	vor.u32 $0x600, v0;
	s0 =	smax.u32 s25, $0x1;
	s26 =	sadd.s32 s5, s9;
	[dreg:$0x3] =	wrdreg s7  }
0x11: {  	v5 =	vor.u32 $0x800, v0;
	v6 =	vor.u32 $0xA00, v0;
	v7 =	vor.u32 $0xC00, v0;
	s28 =	sadd.s32 s10, s2;
	[dreg:$0x7] =	wrdreg s0;
	s1 =	sadd.s32 $0xC8, s26  }
0x12: {  	v8 =	vor.u32 $0xE00, v0;
	v9 =	vor.u32 $0x1000, v0;
	v10 =	vor.u32 $0x1200, v0;
	s25 =	simm.s32 $0x5;
	[dreg:$0x4] =	wrdreg s1;
	s1 =	sadd.s32 $0x15E00, s28  }
0x13: {  	v11 =	vor.u32 $0x1400, v0;
	v12 =	vor.u32 $0x1600, v0;
	v13 =	vadd.s32 $0x1700, v0;
	s7 =	simm.s32 $0x0;
	s26 =	simm.s32 $0x4;
	[dreg:$0x6] =	wrdreg s1  }
.LBB2_114:
0x14: {  	s1 =	simm.s32 $0x6  }
0x15: {  	_ =	swait.ge [sflag:s1], $0xC800  }
0x16: {  	s7 =	rddreg [dreg:$0x8]  }
0x17: {  	s0 =	rddreg [dreg:$0x7];
	s7 =	sadd.s32 $0x1, s7  }
0x18: {  	p0 =	sne.s32 s7, s0  }
.Ltmp1:
0x19: {  	_ = 	snop;
	(pc) =	sbr.rel @!p0 .LBB2_115-.Ltmp1, $3  }
0x1a: {  	_ =	sdelay $0x1  }
0x1b: {  	[sflag:s1] =	ssyncset.done $0x0  }
0x1c: {  	[sflag:s1] =	ssyncadd.s32 $0xFFFF3800  }
.LBB2_1:
0x1d: {  	[dreg:$0x8] =	wrdreg s7  }
0x1e: {  	s0 =	rddreg [dreg:$0x3]  }
0x1f: {  	[tilespmem:s3], [sflag:$0x1] =	stream.linear.gather [hbm4b:s0+s3], $0x640, $0x38;
	[tilespmem:$0x19C80] =	vst v63  }
0x20: {  	s29 =	rddreg [dreg:$0x4];
	s1 =	simm.s32 $0x640  }
0x21: {  	[tilespmem:s1], [sflag:$0x2] =	stream.linear.gather [hbm4b:s29+s3], $0x640, $0x38;
	[tilespmem:$0x19C80] =	vst v63  }
0x22: {  	_ =	swait.ge [sflag:s14], $0x640  }
0x23: {  	[sflag:s14] =	ssyncset.done $0x0  }
0x24: {  	[sflag:s14] =	ssyncadd.s32 $0xFFFFF9C0  }
0x25: {  	[tilespmem:s16], [sflag:$0x3] =	stream.indirect.gather [hbm4b:s6+s15], $0x20, s3, s15, $0xb8;
	[tilespmem:$0x19C80] =	vst v63  }
0x26: {  	s7 =	simm.s32 $0x1C80  }
0x27: {  	[tilespmem:s7], [sflag:$0x3] =	stream.indirect.gather [hbm4b:s6+s17], $0x20, s15, s17, $0xb8;
	[tilespmem:$0x19C80] =	vst v63  }
0x28: {  	s8 =	simm.s32 $0xC8;
	s9 =	simm.s32 $0x2580  }
0x29: {  	[tilespmem:s9], [sflag:$0x3] =	stream.indirect.gather [hbm4b:s6+s15], $0x20, s8, s15, $0xb8;
	[tilespmem:$0x19C80] =	vst v63  }
0x2a: {  	s10 =	simm.s32 $0x148;
	s29 =	simm.s32 $0x3580  }
0x2b: {  	[tilespmem:s29], [sflag:$0x3] =	stream.indirect.gather [hbm4b:s6+s17], $0x20, s10, s17, $0xb8;
	[tilespmem:$0x19C80] =	vst v63  }
0x2c: {  	s1 =	simm.s32 $0x190;
	s7 =	simm.s32 $0x3E80  }
0x2d: {  	[tilespmem:s7], [sflag:$0x3] =	stream.indirect.gather [hbm4b:s6+s15], $0x20, s1, s15, $0xb8;
	[tilespmem:$0x19C80] =	vst v63  }
0x2e: {  	s8 =	simm.s32 $0x210;
	s9 =	simm.s32 $0x4E80  }
0x2f: {  	[tilespmem:s9], [sflag:$0x3] =	stream.indirect.gather [hbm4b:s6+s17], $0x20, s8, s17, $0xb8;
	[tilespmem:$0x19C80] =	vst v63  }
0x30: {  	s10 =	simm.s32 $0x258;
	s29 =	simm.s32 $0x5780  }
0x31: {  	[tilespmem:s29], [sflag:$0x3] =	stream.indirect.gather [hbm4b:s6+s15], $0x20, s10, s15, $0xb8;
	[tilespmem:$0x19C80] =	vst v63  }
0x32: {  	s1 =	simm.s32 $0x2D8;
	s7 =	simm.s32 $0x6780  }
0x33: {  	[tilespmem:s7], [sflag:$0x3] =	stream.indirect.gather [hbm4b:s6+s17], $0x20, s1, s17, $0xb8;
	[tilespmem:$0x19C80] =	vst v63  }
0x34: {  	s8 =	simm.s32 $0x320;
	s9 =	simm.s32 $0x7080  }
0x35: {  	[tilespmem:s9], [sflag:$0x3] =	stream.indirect.gather [hbm4b:s6+s15], $0x20, s8, s15, $0xb8;
	[tilespmem:$0x19C80] =	vst v63  }
0x36: {  	s10 =	simm.s32 $0x3A0;
	s29 =	simm.s32 $0x8080  }
0x37: {  	[tilespmem:s29], [sflag:$0x3] =	stream.indirect.gather [hbm4b:s6+s17], $0x20, s10, s17, $0xb8;
	[tilespmem:$0x19C80] =	vst v63  }
0x38: {  	s1 =	simm.s32 $0x3E8;
	s7 =	simm.s32 $0x8980  }
0x39: {  	[tilespmem:s7], [sflag:$0x3] =	stream.indirect.gather [hbm4b:s6+s15], $0x20, s1, s15, $0xb8;
	[tilespmem:$0x19C80] =	vst v63  }
0x3a: {  	s8 =	simm.s32 $0x468;
	s9 =	simm.s32 $0x9980  }
0x3b: {  	[tilespmem:s9], [sflag:$0x3] =	stream.indirect.gather [hbm4b:s6+s17], $0x20, s8, s17, $0xb8;
	[tilespmem:$0x19C80] =	vst v63  }
0x3c: {  	s10 =	simm.s32 $0x4B0;
	s29 =	simm.s32 $0xA280  }
0x3d: {  	[tilespmem:s29], [sflag:$0x3] =	stream.indirect.gather [hbm4b:s6+s15], $0x20, s10, s15, $0xb8;
	[tilespmem:$0x19C80] =	vst v63  }
0x3e: {  	s1 =	simm.s32 $0x530;
	s7 =	simm.s32 $0xB280  }
0x3f: {  	[tilespmem:s7], [sflag:$0x3] =	stream.indirect.gather [hbm4b:s6+s17], $0x20, s1, s17, $0xb8;
	[tilespmem:$0x19C80] =	vst v63  }
.Ltmp2:
0x40: {  	_ = 	snop;
	(pc) =	sbr.rel .LBB2_2-.Ltmp2, $4  }
0x41: {  	s8 =	simm.s32 $0x578;
	s9 =	simm.s32 $0xBB80  }
0x42: {  	[tilespmem:s9], [sflag:$0x3] =	stream.indirect.gather [hbm4b:s6+s15], $0x20, s8, s15, $0xb8;
	[tilespmem:$0x19C80] =	vst v63  }
0x43: {  	s28 =	simm.s32 $0x0;
	s10 =	simm.s32 $0x5F8;
	s29 =	simm.s32 $0xCB80  }
0x44: {  	[tilespmem:s29], [sflag:$0x3] =	stream.indirect.gather [hbm4b:s6+s17], $0x20, s10, s17, $0xb8;
	[tilespmem:$0x19C80] =	vst v63  }
.LBB2_113:
0x45: {  	s0 =	sadd.s32 @!p0 s9, s11  }
0x46: {  	s0 =	smul.u32 @!p0 $0x19, s0  }
0x47: {  	s7 =	simm.s32 @!p0 $0x0  }
0x48: {  	s8 =	simm.s32 @!p0 $0x640;
	s28 =	sadd.s32 $0x1, s28;
	s0 =	sadd.s32 @!p0 s5, s0  }
0x49: {  	[tilespmem:s8], [sflag:$0x2] =	stream.linear.gather @!p0 [hbm4b:s0+s7], $0x640, $0x38;
	[tilespmem:$0x19C80] =	vst v63  }
0x4a: {  	p0 =	sne.s32 s28, $0x8  }
.Ltmp3:
0x4b: {  	s1 =	sadd.s32 s4, s29;
	(pc) =	sbr.rel @!p0 .LBB2_114-.Ltmp3, $3  }
0x4c: {  	s1 =	smul.u32 $0x320, s1;
	_ =	sdelay $0x1  }
0x4d: {  	s29 =	sadd.s32 s2, s1  }
0x4e: {  	[hbm4b:s29+s3] =	stream.linear.scatter [tilespmem:s31], [sflag:$0x6], $0xC800, $0x38;
	[tilespmem:$0x19C80] =	vst v63  }
.LBB2_2:
0x4f: {  	_ =	swait.ge [sflag:s30], $0x640  }
0x50: {  	p0 =	seq.s32 s28, $0x0;
	[sflag:s30] =	ssyncset.done $0x0  }
0x51: {  	s0 =	simm.s32 @!p0 $0x6;
	[sflag:s30] =	ssyncadd.s32 $0xFFFFF9C0  }
0x52: {  	_ =	swait.ge @!p0 [sflag:s0], $0xC800  }
0x53: {  	[sflag:s0] =	ssyncset.done @!p0 $0x0  }
0x54: {  	s9 =	simm.s32 $0x640;
	[sflag:s0] =	ssyncadd.s32 @!p0 $0xFFFF3800  }
0x55: {  	[tilespmem:s31], [sflag:$0x4] =	stream.indirect.gather [hbm4b:s6+s15], $0x20, s9, s15, $0xb8;
	[tilespmem:$0x19C80] =	vst v63  }
0x56: {  	s10 =	simm.s32 $0x6C0;
	s1 =	simm.s32 $0xE480  }
0x57: {  	[tilespmem:s1], [sflag:$0x4] =	stream.indirect.gather [hbm4b:s6+s17], $0x20, s10, s17, $0xb8;
	[tilespmem:$0x19C80] =	vst v63  }
0x58: {  	s7 =	simm.s32 $0x708;
	s8 =	simm.s32 $0xED80  }
0x59: {  	[tilespmem:s8], [sflag:$0x4] =	stream.indirect.gather [hbm4b:s6+s15], $0x20, s7, s15, $0xb8;
	[tilespmem:$0x19C80] =	vst v63  }
0x5a: {  	s9 =	simm.s32 $0x788;
	s10 =	simm.s32 $0xFD80  }
0x5b: {  	[tilespmem:s10], [sflag:$0x4] =	stream.indirect.gather [hbm4b:s6+s17], $0x20, s9, s17, $0xb8;
	[tilespmem:$0x19C80] =	vst v63  }
0x5c: {  	s7 =	simm.s32 $0x7D0;
	s8 =	simm.s32 $0x10680  }
0x5d: {  	[tilespmem:s8], [sflag:$0x4] =	stream.indirect.gather [hbm4b:s6+s15], $0x20, s7, s15, $0xb8;
	[tilespmem:$0x19C80] =	vst v63  }
0x5e: {  	s9 =	simm.s32 $0x850;
	s10 =	simm.s32 $0x11680  }
0x5f: {  	[tilespmem:s10], [sflag:$0x4] =	stream.indirect.gather [hbm4b:s6+s17], $0x20, s9, s17, $0xb8;
	[tilespmem:$0x19C80] =	vst v63  }
0x60: {  	s7 =	simm.s32 $0x898;
	s8 =	simm.s32 $0x11F80  }
0x61: {  	[tilespmem:s8], [sflag:$0x4] =	stream.indirect.gather [hbm4b:s6+s15], $0x20, s7, s15, $0xb8;
	[tilespmem:$0x19C80] =	vst v63  }
0x62: {  	s9 =	simm.s32 $0x918;
	s10 =	simm.s32 $0x12F80  }
0x63: {  	[tilespmem:s10], [sflag:$0x4] =	stream.indirect.gather [hbm4b:s6+s17], $0x20, s9, s17, $0xb8;
	[tilespmem:$0x19C80] =	vst v63  }
0x64: {  	s7 =	simm.s32 $0x960;
	s8 =	simm.s32 $0x13880  }
0x65: {  	[tilespmem:s8], [sflag:$0x4] =	stream.indirect.gather [hbm4b:s6+s15], $0x20, s7, s15, $0xb8;
	[tilespmem:$0x19C80] =	vst v63  }
0x66: {  	s9 =	simm.s32 $0x9E0;
	s10 =	simm.s32 $0x14880  }
0x67: {  	[tilespmem:s10], [sflag:$0x4] =	stream.indirect.gather [hbm4b:s6+s17], $0x20, s9, s17, $0xb8;
	[tilespmem:$0x19C80] =	vst v63  }
0x68: {  	s7 =	simm.s32 $0xA28;
	s8 =	simm.s32 $0x15180  }
0x69: {  	[tilespmem:s8], [sflag:$0x4] =	stream.indirect.gather [hbm4b:s6+s15], $0x20, s7, s15, $0xb8;
	[tilespmem:$0x19C80] =	vst v63  }
0x6a: {  	s9 =	simm.s32 $0xAA8;
	s10 =	simm.s32 $0x16180  }
0x6b: {  	[tilespmem:s10], [sflag:$0x4] =	stream.indirect.gather [hbm4b:s6+s17], $0x20, s9, s17, $0xb8;
	[tilespmem:$0x19C80] =	vst v63  }
0x6c: {  	_ = 	snop  }
0x6d: {  	[tilespmem:s12], [sflag:$0x4] =	stream.indirect.gather [hbm4b:s6+s15], $0x20, s13, s15, $0xb8;
	[tilespmem:$0x19C80] =	vst v63  }
0x6e: {  	_ = 	snop  }
0x6f: {  	[tilespmem:s19], [sflag:$0x4] =	stream.indirect.gather [hbm4b:s6+s17], $0x20, s18, s17, $0xb8;
	[tilespmem:$0x19C80] =	vst v63  }
0x70: {  	_ = 	snop  }
0x71: {  	[tilespmem:s21], [sflag:$0x4] =	stream.indirect.gather [hbm4b:s6+s15], $0x20, s20, s15, $0xb8;
	[tilespmem:$0x19C80] =	vst v63  }
0x72: {  	_ = 	snop  }
0x73: {  	[tilespmem:s23], [sflag:$0x4] =	stream.indirect.gather [hbm4b:s6+s17], $0x20, s22, s17, $0xb8;
	[tilespmem:$0x19C80] =	vst v63  }
0x74: {  	_ =	swait.ge [sflag:s24], $0x1000  }
0x75: {  	[sflag:s24] =	ssyncset.done $0x0  }
0x76: {  	[sflag:s24] =	ssyncadd.s32 $0xFFFFF000  }
0x77: {  	_ =	swait.ge [sflag:s24], $0x900  }
0x78: {  	[sflag:s24] =	ssyncset.done $0x0  }
0x79: {  	[sflag:s24] =	ssyncadd.s32 $0xFFFFF700  }
0x7a: {  	_ =	swait.ge [sflag:s24], $0x1000  }
0x7b: {  	[sflag:s24] =	ssyncset.done $0x0  }
0x7c: {  	[sflag:s24] =	ssyncadd.s32 $0xFFFFF000  }
0x7d: {  	_ =	swait.ge [sflag:s24], $0x900  }
0x7e: {  	[sflag:s24] =	ssyncset.done $0x0  }
0x7f: {  	[sflag:s24] =	ssyncadd.s32 $0xFFFFF700  }
0x80: {  	_ =	swait.ge [sflag:s24], $0x1000  }
0x81: {  	[sflag:s24] =	ssyncset.done $0x0  }
0x82: {  	[sflag:s24] =	ssyncadd.s32 $0xFFFFF000  }
0x83: {  	_ =	swait.ge [sflag:s24], $0x900  }
0x84: {  	[sflag:s24] =	ssyncset.done $0x0  }
0x85: {  	[sflag:s24] =	ssyncadd.s32 $0xFFFFF700  }
0x86: {  	_ =	swait.ge [sflag:s24], $0x1000  }
0x87: {  	[sflag:s24] =	ssyncset.done $0x0  }
0x88: {  	[sflag:s24] =	ssyncadd.s32 $0xFFFFF000  }
0x89: {  	_ =	swait.ge [sflag:s24], $0x900  }
0x8a: {  	[sflag:s24] =	ssyncset.done $0x0  }
0x8b: {  	[sflag:s24] =	ssyncadd.s32 $0xFFFFF700  }
0x8c: {  	_ =	swait.ge [sflag:s24], $0x1000  }
0x8d: {  	[sflag:s24] =	ssyncset.done $0x0  }
0x8e: {  	[sflag:s24] =	ssyncadd.s32 $0xFFFFF000  }
0x8f: {  	_ =	swait.ge [sflag:s24], $0x900  }
0x90: {  	[sflag:s24] =	ssyncset.done $0x0  }
0x91: {  	[sflag:s24] =	ssyncadd.s32 $0xFFFFF700  }
0x92: {  	_ =	swait.ge [sflag:s24], $0x1000  }
0x93: {  	[sflag:s24] =	ssyncset.done $0x0  }
0x94: {  	[sflag:s24] =	ssyncadd.s32 $0xFFFFF000  }
0x95: {  	_ =	swait.ge [sflag:s24], $0x900  }
0x96: {  	[sflag:s24] =	ssyncset.done $0x0  }
0x97: {  	[sflag:s24] =	ssyncadd.s32 $0xFFFFF700  }
0x98: {  	_ =	swait.ge [sflag:s24], $0x1000  }
0x99: {  	[sflag:s24] =	ssyncset.done $0x0  }
0x9a: {  	[sflag:s24] =	ssyncadd.s32 $0xFFFFF000  }
0x9b: {  	_ =	swait.ge [sflag:s24], $0x900  }
0x9c: {  	[sflag:s24] =	ssyncset.done $0x0  }
0x9d: {  	[sflag:s24] =	ssyncadd.s32 $0xFFFFF700  }
0x9e: {  	_ =	swait.ge [sflag:s24], $0x1000  }
.Ltmp4:
0x9f: {  	[sflag:s24] =	ssyncset.done $0x0;
	(pc) =	sbr.rel .LBB2_3-.Ltmp4, $4  }
0xa0: {  	[sflag:s24] =	ssyncadd.s32 $0xFFFFF000  }
0xa1: {  	_ =	swait.ge [sflag:s24], $0x900  }
0xa2: {  	s9 =	sshll.u32 s28, $0x4;
	[sflag:s24] =	ssyncset.done $0x0  }
0xa3: {  	s10 =	simm.s32 $0x0;
	s29 =	sor.u32 $0x8, s9;
	[sflag:s24] =	ssyncadd.s32 $0xFFFFF700  }
.LBB2_54:
0xa4: {  	_ =	sdelay $0x4  }
0xa5: {  	[tilespmem:v14+s0+$0x0] =	vst.idx.msk vm0, v1  }
.LBB2_55:
0xa6: {  	s10 =	sadd.s32 $0x1, s10  }
0xa7: {  	p0 =	sne.s32 s10, $0x8  }
.Ltmp5:
0xa8: {  	_ = 	snop;
	(pc) =	sbr.rel @!p0 .LBB2_56-.Ltmp5, $1  }
0xa9: {  	_ =	sdelay $0x3  }
.LBB2_3:
0xaa: {  	s0 =	smul.u32 $0x320, s10;
	_ =	sdelay $0x1  }
0xab: {  	s1 =	sshra.s32 s0, $0x2  }
0xac: {  	v14 =	vld [tilespmem:s1+$0x0];
	_ =	sdelay $0x4  }
0xad: {  	vm0 =	veq.s32 v14, $0x0  }
0xae: {  	v14 =	vsel vm0, $0x3F800000, v1  }
0xaf: {  	(xrf0) =	vmax.scan.msk.f32 $0xffff, v14;
	_ =	sdelay $0x5  }
0xb0: {  	v14, _, _ =	vpop (xrf0)  }
0xb1: {  	(v2sf) =	vpush v14, $0xF;
	_ =	sdelay $0xe  }
0xb2: {  	s7 =	spop (v2sf)  }
0xb3: {  	p0 =	sgt.f32 s7, $0.0e+00  }
.Ltmp6:
0xb4: {  	_ = 	snop;
	(pc) =	sbr.rel @!p0 .LBB2_7-.Ltmp6, $3  }
0xb5: {  	_ = 	snop  }
0xb6: {  	s8 =	smul.u32 $0x6400, s10;
	_ =	sdelay $0x1  }
0xb7: {  	s0 =	sshra.s32 s8, $0x2  }
0xb8: {  	s7 =	simm.s32 $0x0  }
0xb9: {  	v14 =	vmov s7  }
0xba: {  	v14 =	vand.u32 $0x1F, v14  }
0xbb: {  	v14 =	vbroadcast v14, $0x0;
	_ =	sdelay $0x1  }
0xbc: {  	s8 =	simm.s32 $0x1;
	s7 =	sadd.s32 $0xC80, s0;
	v14 =	vor.u32 v0, v14  }
.LBB2_5:
0xbd: {  	p0 =	sne.s32 s8, $0x1F  }
.Ltmp7:
0xbe: {  	v15 =	vmov s8;
	s8 =	sadd.s32 $0x1, s8;
	(pc) =	sbr.rel @p0 .LBB2_5-.Ltmp7, $4  }
0xbf: {  	v15 =	vand.u32 $0x1F, v15  }
0xc0: {  	v15 =	vbroadcast v15, $0x0  }
0xc1: {  	[tilespmem:v14+s7+$0x0] =	vst.idx.msk vm0, v1  }
0xc2: {  	v14 =	vor.u32 v0, v15  }
0xc3: {  	_ =	sdelay $0x4  }
0xc4: {  	[tilespmem:v14+s7+$0x0] =	vst.idx.msk vm0, v1  }
.LBB2_7:
0xc5: {  	v14 =	vld [tilespmem:s1+$0x10];
	_ =	sdelay $0x4  }
0xc6: {  	vm0 =	veq.s32 v14, $0x0  }
0xc7: {  	v14 =	vsel vm0, $0x3F800000, v1  }
0xc8: {  	(xrf0) =	vmax.scan.msk.f32 $0xffff, v14;
	_ =	sdelay $0x5  }
0xc9: {  	v14, _, _ =	vpop (xrf0)  }
0xca: {  	(v2sf) =	vpush v14, $0xF;
	_ =	sdelay $0xe  }
0xcb: {  	s7 =	spop (v2sf)  }
0xcc: {  	p0 =	sgt.f32 s7, $0.0e+00  }
.Ltmp8:
0xcd: {  	_ = 	snop;
	(pc) =	sbr.rel @!p0 .LBB2_11-.Ltmp8, $1  }
0xce: {  	_ =	sdelay $0x3  }
0xcf: {  	s7 =	simm.s32 $0x0  }
0xd0: {  	v14 =	vmov s7  }
0xd1: {  	v14 =	vand.u32 $0x1F, v14  }
0xd2: {  	v14 =	vbroadcast v14, $0x0;
	_ =	sdelay $0x1  }
0xd3: {  	s8 =	simm.s32 $0x1;
	s7 =	sadd.s32 $0xC80, s0;
	v14 =	vor.u32 v2, v14  }
.LBB2_9:
0xd4: {  	p0 =	sne.s32 s8, $0x1F  }
.Ltmp9:
0xd5: {  	v15 =	vmov s8;
	s8 =	sadd.s32 $0x1, s8;
	(pc) =	sbr.rel @p0 .LBB2_9-.Ltmp9, $4  }
0xd6: {  	v15 =	vand.u32 $0x1F, v15  }
0xd7: {  	v15 =	vbroadcast v15, $0x0  }
0xd8: {  	[tilespmem:v14+s7+$0x0] =	vst.idx.msk vm0, v1  }
0xd9: {  	v14 =	vor.u32 v2, v15  }
0xda: {  	_ =	sdelay $0x4  }
0xdb: {  	[tilespmem:v14+s7+$0x0] =	vst.idx.msk vm0, v1  }
.LBB2_11:
0xdc: {  	v14 =	vld [tilespmem:s1+$0x20];
	_ =	sdelay $0x4  }
0xdd: {  	vm0 =	veq.s32 v14, $0x0  }
0xde: {  	v14 =	vsel vm0, $0x3F800000, v1  }
0xdf: {  	(xrf0) =	vmax.scan.msk.f32 $0xffff, v14;
	_ =	sdelay $0x5  }
0xe0: {  	v14, _, _ =	vpop (xrf0)  }
0xe1: {  	(v2sf) =	vpush v14, $0xF;
	_ =	sdelay $0xe  }
0xe2: {  	s7 =	spop (v2sf)  }
0xe3: {  	p0 =	sgt.f32 s7, $0.0e+00  }
.Ltmp10:
0xe4: {  	_ = 	snop;
	(pc) =	sbr.rel @!p0 .LBB2_15-.Ltmp10, $1  }
0xe5: {  	_ =	sdelay $0x3  }
0xe6: {  	s7 =	simm.s32 $0x0  }
0xe7: {  	v14 =	vmov s7  }
0xe8: {  	v14 =	vand.u32 $0x1F, v14  }
0xe9: {  	v14 =	vbroadcast v14, $0x0;
	_ =	sdelay $0x1  }
0xea: {  	s8 =	simm.s32 $0x1;
	s7 =	sadd.s32 $0xC80, s0;
	v14 =	vor.u32 v3, v14  }
.LBB2_13:
0xeb: {  	p0 =	sne.s32 s8, $0x1F  }
.Ltmp11:
0xec: {  	v15 =	vmov s8;
	s8 =	sadd.s32 $0x1, s8;
	(pc) =	sbr.rel @p0 .LBB2_13-.Ltmp11, $4  }
0xed: {  	v15 =	vand.u32 $0x1F, v15  }
0xee: {  	v15 =	vbroadcast v15, $0x0  }
0xef: {  	[tilespmem:v14+s7+$0x0] =	vst.idx.msk vm0, v1  }
0xf0: {  	v14 =	vor.u32 v3, v15  }
0xf1: {  	_ =	sdelay $0x4  }
0xf2: {  	[tilespmem:v14+s7+$0x0] =	vst.idx.msk vm0, v1  }
.LBB2_15:
0xf3: {  	v14 =	vld [tilespmem:s1+$0x30];
	_ =	sdelay $0x4  }
0xf4: {  	vm0 =	veq.s32 v14, $0x0  }
0xf5: {  	v14 =	vsel vm0, $0x3F800000, v1  }
0xf6: {  	(xrf0) =	vmax.scan.msk.f32 $0xffff, v14;
	_ =	sdelay $0x5  }
0xf7: {  	v14, _, _ =	vpop (xrf0)  }
0xf8: {  	(v2sf) =	vpush v14, $0xF;
	_ =	sdelay $0xe  }
0xf9: {  	s7 =	spop (v2sf)  }
0xfa: {  	p0 =	sgt.f32 s7, $0.0e+00  }
.Ltmp12:
0xfb: {  	_ = 	snop;
	(pc) =	sbr.rel @!p0 .LBB2_19-.Ltmp12, $1  }
0xfc: {  	_ =	sdelay $0x3  }
0xfd: {  	s7 =	simm.s32 $0x0  }
0xfe: {  	v14 =	vmov s7  }
0xff: {  	v14 =	vand.u32 $0x1F, v14  }
0x100: {  	v14 =	vbroadcast v14, $0x0;
	_ =	sdelay $0x1  }
0x101: {  	s8 =	simm.s32 $0x1;
	s7 =	sadd.s32 $0xC80, s0;
	v14 =	vor.u32 v4, v14  }
.LBB2_17:
0x102: {  	p0 =	sne.s32 s8, $0x1F  }
.Ltmp13:
0x103: {  	v15 =	vmov s8;
	s8 =	sadd.s32 $0x1, s8;
	(pc) =	sbr.rel @p0 .LBB2_17-.Ltmp13, $4  }
0x104: {  	v15 =	vand.u32 $0x1F, v15  }
0x105: {  	v15 =	vbroadcast v15, $0x0  }
0x106: {  	[tilespmem:v14+s7+$0x0] =	vst.idx.msk vm0, v1  }
0x107: {  	v14 =	vor.u32 v4, v15  }
0x108: {  	_ =	sdelay $0x4  }
0x109: {  	[tilespmem:v14+s7+$0x0] =	vst.idx.msk vm0, v1  }
.LBB2_19:
0x10a: {  	v14 =	vld [tilespmem:s1+$0x40];
	_ =	sdelay $0x4  }
0x10b: {  	vm0 =	veq.s32 v14, $0x0  }
0x10c: {  	v14 =	vsel vm0, $0x3F800000, v1  }
0x10d: {  	(xrf0) =	vmax.scan.msk.f32 $0xffff, v14;
	_ =	sdelay $0x5  }
0x10e: {  	v14, _, _ =	vpop (xrf0)  }
0x10f: {  	(v2sf) =	vpush v14, $0xF;
	_ =	sdelay $0xe  }
0x110: {  	s7 =	spop (v2sf)  }
0x111: {  	p0 =	sgt.f32 s7, $0.0e+00  }
.Ltmp14:
0x112: {  	_ = 	snop;
	(pc) =	sbr.rel @!p0 .LBB2_23-.Ltmp14, $1  }
0x113: {  	_ =	sdelay $0x3  }
0x114: {  	s7 =	simm.s32 $0x0  }
0x115: {  	v14 =	vmov s7  }
0x116: {  	v14 =	vand.u32 $0x1F, v14  }
0x117: {  	v14 =	vbroadcast v14, $0x0;
	_ =	sdelay $0x1  }
0x118: {  	s8 =	simm.s32 $0x1;
	s7 =	sadd.s32 $0xC80, s0;
	v14 =	vor.u32 v5, v14  }
.LBB2_21:
0x119: {  	p0 =	sne.s32 s8, $0x1F  }
.Ltmp15:
0x11a: {  	v15 =	vmov s8;
	s8 =	sadd.s32 $0x1, s8;
	(pc) =	sbr.rel @p0 .LBB2_21-.Ltmp15, $4  }
0x11b: {  	v15 =	vand.u32 $0x1F, v15  }
0x11c: {  	v15 =	vbroadcast v15, $0x0  }
0x11d: {  	[tilespmem:v14+s7+$0x0] =	vst.idx.msk vm0, v1  }
0x11e: {  	v14 =	vor.u32 v5, v15  }
0x11f: {  	_ =	sdelay $0x4  }
0x120: {  	[tilespmem:v14+s7+$0x0] =	vst.idx.msk vm0, v1  }
.LBB2_23:
0x121: {  	v14 =	vld [tilespmem:s1+$0x50];
	_ =	sdelay $0x4  }
0x122: {  	vm0 =	veq.s32 v14, $0x0  }
0x123: {  	v14 =	vsel vm0, $0x3F800000, v1  }
0x124: {  	(xrf0) =	vmax.scan.msk.f32 $0xffff, v14;
	_ =	sdelay $0x5  }
0x125: {  	v14, _, _ =	vpop (xrf0)  }
0x126: {  	(v2sf) =	vpush v14, $0xF;
	_ =	sdelay $0xe  }
0x127: {  	s7 =	spop (v2sf)  }
0x128: {  	p0 =	sgt.f32 s7, $0.0e+00  }
.Ltmp16:
0x129: {  	_ = 	snop;
	(pc) =	sbr.rel @!p0 .LBB2_27-.Ltmp16, $1  }
0x12a: {  	_ =	sdelay $0x3  }
0x12b: {  	s7 =	simm.s32 $0x0  }
0x12c: {  	v14 =	vmov s7  }
0x12d: {  	v14 =	vand.u32 $0x1F, v14  }
0x12e: {  	v14 =	vbroadcast v14, $0x0;
	_ =	sdelay $0x1  }
0x12f: {  	s8 =	simm.s32 $0x1;
	s7 =	sadd.s32 $0xC80, s0;
	v14 =	vor.u32 v6, v14  }
.LBB2_25:
0x130: {  	p0 =	sne.s32 s8, $0x1F  }
.Ltmp17:
0x131: {  	v15 =	vmov s8;
	s8 =	sadd.s32 $0x1, s8;
	(pc) =	sbr.rel @p0 .LBB2_25-.Ltmp17, $4  }
0x132: {  	v15 =	vand.u32 $0x1F, v15  }
0x133: {  	v15 =	vbroadcast v15, $0x0  }
0x134: {  	[tilespmem:v14+s7+$0x0] =	vst.idx.msk vm0, v1  }
0x135: {  	v14 =	vor.u32 v6, v15  }
0x136: {  	_ =	sdelay $0x4  }
0x137: {  	[tilespmem:v14+s7+$0x0] =	vst.idx.msk vm0, v1  }
.LBB2_27:
0x138: {  	v14 =	vld [tilespmem:s1+$0x60];
	_ =	sdelay $0x4  }
0x139: {  	vm0 =	veq.s32 v14, $0x0  }
0x13a: {  	v14 =	vsel vm0, $0x3F800000, v1  }
0x13b: {  	(xrf0) =	vmax.scan.msk.f32 $0xffff, v14;
	_ =	sdelay $0x5  }
0x13c: {  	v14, _, _ =	vpop (xrf0)  }
0x13d: {  	(v2sf) =	vpush v14, $0xF;
	_ =	sdelay $0xe  }
0x13e: {  	s7 =	spop (v2sf)  }
0x13f: {  	p0 =	sgt.f32 s7, $0.0e+00  }
.Ltmp18:
0x140: {  	_ = 	snop;
	(pc) =	sbr.rel @!p0 .LBB2_31-.Ltmp18, $1  }
0x141: {  	_ =	sdelay $0x3  }
0x142: {  	s7 =	simm.s32 $0x0  }
0x143: {  	v14 =	vmov s7  }
0x144: {  	v14 =	vand.u32 $0x1F, v14  }
0x145: {  	v14 =	vbroadcast v14, $0x0;
	_ =	sdelay $0x1  }
0x146: {  	s8 =	simm.s32 $0x1;
	s7 =	sadd.s32 $0xC80, s0;
	v14 =	vor.u32 v7, v14  }
.LBB2_29:
0x147: {  	p0 =	sne.s32 s8, $0x1F  }
.Ltmp19:
0x148: {  	v15 =	vmov s8;
	s8 =	sadd.s32 $0x1, s8;
	(pc) =	sbr.rel @p0 .LBB2_29-.Ltmp19, $4  }
0x149: {  	v15 =	vand.u32 $0x1F, v15  }
0x14a: {  	v15 =	vbroadcast v15, $0x0  }
0x14b: {  	[tilespmem:v14+s7+$0x0] =	vst.idx.msk vm0, v1  }
0x14c: {  	v14 =	vor.u32 v7, v15  }
0x14d: {  	_ =	sdelay $0x4  }
0x14e: {  	[tilespmem:v14+s7+$0x0] =	vst.idx.msk vm0, v1  }
.LBB2_31:
0x14f: {  	v14 =	vld [tilespmem:s1+$0x70];
	_ =	sdelay $0x4  }
0x150: {  	vm0 =	veq.s32 v14, $0x0  }
0x151: {  	v14 =	vsel vm0, $0x3F800000, v1  }
0x152: {  	(xrf0) =	vmax.scan.msk.f32 $0xffff, v14;
	_ =	sdelay $0x5  }
0x153: {  	v14, _, _ =	vpop (xrf0)  }
0x154: {  	(v2sf) =	vpush v14, $0xF;
	_ =	sdelay $0xe  }
0x155: {  	s7 =	spop (v2sf)  }
0x156: {  	p0 =	sgt.f32 s7, $0.0e+00  }
.Ltmp20:
0x157: {  	_ = 	snop;
	(pc) =	sbr.rel @!p0 .LBB2_35-.Ltmp20, $1  }
0x158: {  	_ =	sdelay $0x3  }
0x159: {  	s7 =	simm.s32 $0x0  }
0x15a: {  	v14 =	vmov s7  }
0x15b: {  	v14 =	vand.u32 $0x1F, v14  }
0x15c: {  	v14 =	vbroadcast v14, $0x0;
	_ =	sdelay $0x1  }
0x15d: {  	s8 =	simm.s32 $0x1;
	s7 =	sadd.s32 $0xC80, s0;
	v14 =	vor.u32 v8, v14  }
.LBB2_33:
0x15e: {  	p0 =	sne.s32 s8, $0x1F  }
.Ltmp21:
0x15f: {  	v15 =	vmov s8;
	s8 =	sadd.s32 $0x1, s8;
	(pc) =	sbr.rel @p0 .LBB2_33-.Ltmp21, $4  }
0x160: {  	v15 =	vand.u32 $0x1F, v15  }
0x161: {  	v15 =	vbroadcast v15, $0x0  }
0x162: {  	[tilespmem:v14+s7+$0x0] =	vst.idx.msk vm0, v1  }
0x163: {  	v14 =	vor.u32 v8, v15  }
0x164: {  	_ =	sdelay $0x4  }
0x165: {  	[tilespmem:v14+s7+$0x0] =	vst.idx.msk vm0, v1  }
.LBB2_35:
0x166: {  	v14 =	vld [tilespmem:s1+$0x80];
	_ =	sdelay $0x4  }
0x167: {  	vm0 =	veq.s32 v14, $0x0  }
0x168: {  	v14 =	vsel vm0, $0x3F800000, v1  }
0x169: {  	(xrf0) =	vmax.scan.msk.f32 $0xffff, v14;
	_ =	sdelay $0x5  }
0x16a: {  	v14, _, _ =	vpop (xrf0)  }
0x16b: {  	(v2sf) =	vpush v14, $0xF;
	_ =	sdelay $0xe  }
0x16c: {  	s7 =	spop (v2sf)  }
0x16d: {  	p0 =	sgt.f32 s7, $0.0e+00  }
.Ltmp22:
0x16e: {  	_ = 	snop;
	(pc) =	sbr.rel @!p0 .LBB2_39-.Ltmp22, $1  }
0x16f: {  	_ =	sdelay $0x3  }
0x170: {  	s7 =	simm.s32 $0x0  }
0x171: {  	v14 =	vmov s7  }
0x172: {  	v14 =	vand.u32 $0x1F, v14  }
0x173: {  	v14 =	vbroadcast v14, $0x0;
	_ =	sdelay $0x1  }
0x174: {  	s8 =	simm.s32 $0x1;
	s7 =	sadd.s32 $0xC80, s0;
	v14 =	vor.u32 v9, v14  }
.LBB2_37:
0x175: {  	p0 =	sne.s32 s8, $0x1F  }
.Ltmp23:
0x176: {  	v15 =	vmov s8;
	s8 =	sadd.s32 $0x1, s8;
	(pc) =	sbr.rel @p0 .LBB2_37-.Ltmp23, $4  }
0x177: {  	v15 =	vand.u32 $0x1F, v15  }
0x178: {  	v15 =	vbroadcast v15, $0x0  }
0x179: {  	[tilespmem:v14+s7+$0x0] =	vst.idx.msk vm0, v1  }
0x17a: {  	v14 =	vor.u32 v9, v15  }
0x17b: {  	_ =	sdelay $0x4  }
0x17c: {  	[tilespmem:v14+s7+$0x0] =	vst.idx.msk vm0, v1  }
.LBB2_39:
0x17d: {  	v14 =	vld [tilespmem:s1+$0x90];
	_ =	sdelay $0x4  }
0x17e: {  	vm0 =	veq.s32 v14, $0x0  }
0x17f: {  	v14 =	vsel vm0, $0x3F800000, v1  }
0x180: {  	(xrf0) =	vmax.scan.msk.f32 $0xffff, v14;
	_ =	sdelay $0x5  }
0x181: {  	v14, _, _ =	vpop (xrf0)  }
0x182: {  	(v2sf) =	vpush v14, $0xF;
	_ =	sdelay $0xe  }
0x183: {  	s7 =	spop (v2sf)  }
0x184: {  	p0 =	sgt.f32 s7, $0.0e+00  }
.Ltmp24:
0x185: {  	_ = 	snop;
	(pc) =	sbr.rel @!p0 .LBB2_43-.Ltmp24, $1  }
0x186: {  	_ =	sdelay $0x3  }
0x187: {  	s7 =	simm.s32 $0x0  }
0x188: {  	v14 =	vmov s7  }
0x189: {  	v14 =	vand.u32 $0x1F, v14  }
0x18a: {  	v14 =	vbroadcast v14, $0x0;
	_ =	sdelay $0x1  }
0x18b: {  	s8 =	simm.s32 $0x1;
	s7 =	sadd.s32 $0xC80, s0;
	v14 =	vor.u32 v10, v14  }
.LBB2_41:
0x18c: {  	p0 =	sne.s32 s8, $0x1F  }
.Ltmp25:
0x18d: {  	v15 =	vmov s8;
	s8 =	sadd.s32 $0x1, s8;
	(pc) =	sbr.rel @p0 .LBB2_41-.Ltmp25, $4  }
0x18e: {  	v15 =	vand.u32 $0x1F, v15  }
0x18f: {  	v15 =	vbroadcast v15, $0x0  }
0x190: {  	[tilespmem:v14+s7+$0x0] =	vst.idx.msk vm0, v1  }
0x191: {  	v14 =	vor.u32 v10, v15  }
0x192: {  	_ =	sdelay $0x4  }
0x193: {  	[tilespmem:v14+s7+$0x0] =	vst.idx.msk vm0, v1  }
.LBB2_43:
0x194: {  	v14 =	vld [tilespmem:s1+$0xA0];
	_ =	sdelay $0x4  }
0x195: {  	vm0 =	veq.s32 v14, $0x0  }
0x196: {  	v14 =	vsel vm0, $0x3F800000, v1  }
0x197: {  	(xrf0) =	vmax.scan.msk.f32 $0xffff, v14;
	_ =	sdelay $0x5  }
0x198: {  	v14, _, _ =	vpop (xrf0)  }
0x199: {  	(v2sf) =	vpush v14, $0xF;
	_ =	sdelay $0xe  }
0x19a: {  	s7 =	spop (v2sf)  }
0x19b: {  	p0 =	sgt.f32 s7, $0.0e+00  }
.Ltmp26:
0x19c: {  	_ = 	snop;
	(pc) =	sbr.rel @!p0 .LBB2_47-.Ltmp26, $1  }
0x19d: {  	_ =	sdelay $0x3  }
0x19e: {  	s7 =	simm.s32 $0x0  }
0x19f: {  	v14 =	vmov s7  }
0x1a0: {  	v14 =	vand.u32 $0x1F, v14  }
0x1a1: {  	v14 =	vbroadcast v14, $0x0;
	_ =	sdelay $0x1  }
0x1a2: {  	s8 =	simm.s32 $0x1;
	s7 =	sadd.s32 $0xC80, s0;
	v14 =	vor.u32 v11, v14  }
.LBB2_45:
0x1a3: {  	p0 =	sne.s32 s8, $0x1F  }
.Ltmp27:
0x1a4: {  	v15 =	vmov s8;
	s8 =	sadd.s32 $0x1, s8;
	(pc) =	sbr.rel @p0 .LBB2_45-.Ltmp27, $4  }
0x1a5: {  	v15 =	vand.u32 $0x1F, v15  }
0x1a6: {  	v15 =	vbroadcast v15, $0x0  }
0x1a7: {  	[tilespmem:v14+s7+$0x0] =	vst.idx.msk vm0, v1  }
0x1a8: {  	v14 =	vor.u32 v11, v15  }
0x1a9: {  	_ =	sdelay $0x4  }
0x1aa: {  	[tilespmem:v14+s7+$0x0] =	vst.idx.msk vm0, v1  }
.LBB2_47:
0x1ab: {  	v14 =	vld [tilespmem:s1+$0xB0];
	_ =	sdelay $0x4  }
0x1ac: {  	vm0 =	veq.s32 v14, $0x0  }
0x1ad: {  	v14 =	vsel vm0, $0x3F800000, v1  }
0x1ae: {  	(xrf0) =	vmax.scan.msk.f32 $0xffff, v14;
	_ =	sdelay $0x5  }
0x1af: {  	v14, _, _ =	vpop (xrf0)  }
0x1b0: {  	(v2sf) =	vpush v14, $0xF;
	_ =	sdelay $0xe  }
0x1b1: {  	s7 =	spop (v2sf)  }
0x1b2: {  	p0 =	sgt.f32 s7, $0.0e+00  }
.Ltmp28:
0x1b3: {  	_ = 	snop;
	(pc) =	sbr.rel @!p0 .LBB2_51-.Ltmp28, $1  }
0x1b4: {  	_ =	sdelay $0x3  }
0x1b5: {  	s7 =	simm.s32 $0x0  }
0x1b6: {  	v14 =	vmov s7  }
0x1b7: {  	v14 =	vand.u32 $0x1F, v14  }
0x1b8: {  	v14 =	vbroadcast v14, $0x0;
	_ =	sdelay $0x1  }
0x1b9: {  	s8 =	simm.s32 $0x1;
	s7 =	sadd.s32 $0xC80, s0;
	v14 =	vor.u32 v12, v14  }
.LBB2_49:
0x1ba: {  	p0 =	sne.s32 s8, $0x1F  }
.Ltmp29:
0x1bb: {  	v15 =	vmov s8;
	s8 =	sadd.s32 $0x1, s8;
	(pc) =	sbr.rel @p0 .LBB2_49-.Ltmp29, $4  }
0x1bc: {  	v15 =	vand.u32 $0x1F, v15  }
0x1bd: {  	v15 =	vbroadcast v15, $0x0  }
0x1be: {  	[tilespmem:v14+s7+$0x0] =	vst.idx.msk vm0, v1  }
0x1bf: {  	v14 =	vor.u32 v12, v15  }
0x1c0: {  	_ =	sdelay $0x4  }
0x1c1: {  	[tilespmem:v14+s7+$0x0] =	vst.idx.msk vm0, v1  }
.LBB2_51:
0x1c2: {  	v14 =	vld [tilespmem:s1+$0xB8];
	_ =	sdelay $0x4  }
0x1c3: {  	vm0 =	veq.s32 v14, $0x0  }
0x1c4: {  	v14 =	vsel vm0, $0x3F800000, v1  }
0x1c5: {  	(xrf0) =	vmax.scan.msk.f32 $0xffff, v14;
	_ =	sdelay $0x5  }
0x1c6: {  	v14, _, _ =	vpop (xrf0)  }
0x1c7: {  	(v2sf) =	vpush v14, $0xF;
	_ =	sdelay $0xe  }
0x1c8: {  	s8 =	spop (v2sf)  }
0x1c9: {  	p0 =	sgt.f32 s8, $0.0e+00  }
.Ltmp30:
0x1ca: {  	_ = 	snop;
	(pc) =	sbr.rel @!p0 .LBB2_55-.Ltmp30, $1  }
0x1cb: {  	_ =	sdelay $0x3  }
0x1cc: {  	s1 =	simm.s32 $0x0  }
0x1cd: {  	v14 =	vmov s1  }
0x1ce: {  	v14 =	vand.u32 $0x1F, v14  }
0x1cf: {  	v14 =	vbroadcast v14, $0x0;
	_ =	sdelay $0x1  }
0x1d0: {  	s0 =	sadd.s32 $0xC80, s0;
	s1 =	simm.s32 $0x1;
	v14 =	vor.u32 v13, v14  }
.LBB2_53:
0x1d1: {  	p0 =	sne.s32 s1, $0x1F  }
.Ltmp31:
0x1d2: {  	v15 =	vmov s1;
	s1 =	sadd.s32 $0x1, s1;
	(pc) =	sbr.rel @p0 .LBB2_53-.Ltmp31, $4  }
0x1d3: {  	v15 =	vand.u32 $0x1F, v15  }
0x1d4: {  	v15 =	vbroadcast v15, $0x0  }
0x1d5: {  	[tilespmem:v14+s0+$0x0] =	vst.idx.msk vm0, v1  }
0x1d6: {  	v14 =	vor.u32 v13, v15  }
.Ltmp32:
0x1d7: {  	_ = 	snop;
	(pc) =	sbr.rel .LBB2_54-.Ltmp32, $1  }
0x1d8: {  	_ =	sdelay $0x3  }
.LBB2_56:
0x1d9: {  	p0 =	seq.s32 s28, $0x7  }
.Ltmp33:
0x1da: {  	_ = 	snop;
	(pc) =	sbr.rel @!p0 .LBB2_57-.Ltmp33, $1  }
0x1db: {  	_ =	sdelay $0x3  }
.Ltmp34:
0x1dc: {  	s0 =	rddreg [dreg:$0x6];
	(pc) =	sbr.rel .LBB2_59-.Ltmp34, $4  }
0x1dd: {  	[hbm4b:s0+s3] =	stream.linear.scatter [tilespmem:s16], [sflag:$0x5], $0xC800, $0x38;
	[tilespmem:$0x19C80] =	vst v63  }
0x1de: {  	_ =	swait.ge [sflag:s25], $0xC800  }
0x1df: {  	[sflag:s25] =	ssyncset.done $0x0  }
0x1e0: {  	[sflag:s25] =	ssyncadd.s32 $0xFFFF3800  }
.LBB2_57:
0x1e1: {  	s0 =	rddreg [dreg:$0x5]  }
0x1e2: {  	s0 =	sadd.s32 s9, s0  }
0x1e3: {  	s0 =	smul.u32 $0x19, s0  }
0x1e4: {  	s1 =	sadd.s32 s4, s9  }
0x1e5: {  	s1 =	smul.u32 $0x320, s1;
	s0 =	sadd.s32 s5, s0  }
0x1e6: {  	[tilespmem:s3], [sflag:$0x1] =	stream.linear.gather [hbm4b:s0+s3], $0x640, $0x38;
	[tilespmem:$0x19C80] =	vst v63  }
0x1e7: {  	s8 =	sadd.s32 s2, s1  }
0x1e8: {  	[hbm4b:s8+s3] =	stream.linear.scatter [tilespmem:s16], [sflag:$0x5], $0xC800, $0x38;
	[tilespmem:$0x19C80] =	vst v63  }
0x1e9: {  	_ =	swait.ge [sflag:s14], $0x640  }
0x1ea: {  	[sflag:s14] =	ssyncset.done $0x0  }
0x1eb: {  	[sflag:s14] =	ssyncadd.s32 $0xFFFFF9C0  }
0x1ec: {  	_ =	swait.ge [sflag:s25], $0xC800  }
0x1ed: {  	[sflag:s25] =	ssyncset.done $0x0  }
0x1ee: {  	[sflag:s25] =	ssyncadd.s32 $0xFFFF3800  }
0x1ef: {  	[tilespmem:s16], [sflag:$0x3] =	stream.indirect.gather [hbm4b:s6+s15], $0x20, s3, s15, $0xb8;
	[tilespmem:$0x19C80] =	vst v63  }
0x1f0: {  	s10 =	simm.s32 $0x1C80  }
0x1f1: {  	[tilespmem:s10], [sflag:$0x3] =	stream.indirect.gather [hbm4b:s6+s17], $0x20, s15, s17, $0xb8;
	[tilespmem:$0x19C80] =	vst v63  }
0x1f2: {  	s7 =	simm.s32 $0x2580;
	s1 =	simm.s32 $0xC8  }
0x1f3: {  	[tilespmem:s7], [sflag:$0x3] =	stream.indirect.gather [hbm4b:s6+s15], $0x20, s1, s15, $0xb8;
	[tilespmem:$0x19C80] =	vst v63  }
0x1f4: {  	s8 =	simm.s32 $0x148;
	s10 =	simm.s32 $0x3580  }
0x1f5: {  	[tilespmem:s10], [sflag:$0x3] =	stream.indirect.gather [hbm4b:s6+s17], $0x20, s8, s17, $0xb8;
	[tilespmem:$0x19C80] =	vst v63  }
0x1f6: {  	s1 =	simm.s32 $0x190;
	s7 =	simm.s32 $0x3E80  }
0x1f7: {  	[tilespmem:s7], [sflag:$0x3] =	stream.indirect.gather [hbm4b:s6+s15], $0x20, s1, s15, $0xb8;
	[tilespmem:$0x19C80] =	vst v63  }
0x1f8: {  	s8 =	simm.s32 $0x210;
	s10 =	simm.s32 $0x4E80  }
0x1f9: {  	[tilespmem:s10], [sflag:$0x3] =	stream.indirect.gather [hbm4b:s6+s17], $0x20, s8, s17, $0xb8;
	[tilespmem:$0x19C80] =	vst v63  }
0x1fa: {  	s1 =	simm.s32 $0x258;
	s7 =	simm.s32 $0x5780  }
0x1fb: {  	[tilespmem:s7], [sflag:$0x3] =	stream.indirect.gather [hbm4b:s6+s15], $0x20, s1, s15, $0xb8;
	[tilespmem:$0x19C80] =	vst v63  }
0x1fc: {  	s8 =	simm.s32 $0x2D8;
	s10 =	simm.s32 $0x6780  }
0x1fd: {  	[tilespmem:s10], [sflag:$0x3] =	stream.indirect.gather [hbm4b:s6+s17], $0x20, s8, s17, $0xb8;
	[tilespmem:$0x19C80] =	vst v63  }
0x1fe: {  	s1 =	simm.s32 $0x320;
	s7 =	simm.s32 $0x7080  }
0x1ff: {  	[tilespmem:s7], [sflag:$0x3] =	stream.indirect.gather [hbm4b:s6+s15], $0x20, s1, s15, $0xb8;
	[tilespmem:$0x19C80] =	vst v63  }
0x200: {  	s8 =	simm.s32 $0x3A0;
	s10 =	simm.s32 $0x8080  }
0x201: {  	[tilespmem:s10], [sflag:$0x3] =	stream.indirect.gather [hbm4b:s6+s17], $0x20, s8, s17, $0xb8;
	[tilespmem:$0x19C80] =	vst v63  }
0x202: {  	s1 =	simm.s32 $0x3E8;
	s7 =	simm.s32 $0x8980  }
0x203: {  	[tilespmem:s7], [sflag:$0x3] =	stream.indirect.gather [hbm4b:s6+s15], $0x20, s1, s15, $0xb8;
	[tilespmem:$0x19C80] =	vst v63  }
0x204: {  	s8 =	simm.s32 $0x468;
	s10 =	simm.s32 $0x9980  }
0x205: {  	[tilespmem:s10], [sflag:$0x3] =	stream.indirect.gather [hbm4b:s6+s17], $0x20, s8, s17, $0xb8;
	[tilespmem:$0x19C80] =	vst v63  }
0x206: {  	s1 =	simm.s32 $0x4B0;
	s7 =	simm.s32 $0xA280  }
0x207: {  	[tilespmem:s7], [sflag:$0x3] =	stream.indirect.gather [hbm4b:s6+s15], $0x20, s1, s15, $0xb8;
	[tilespmem:$0x19C80] =	vst v63  }
0x208: {  	s8 =	simm.s32 $0x530;
	s10 =	simm.s32 $0xB280  }
0x209: {  	[tilespmem:s10], [sflag:$0x3] =	stream.indirect.gather [hbm4b:s6+s17], $0x20, s8, s17, $0xb8;
	[tilespmem:$0x19C80] =	vst v63  }
0x20a: {  	s1 =	simm.s32 $0x578;
	s7 =	simm.s32 $0xBB80  }
0x20b: {  	[tilespmem:s7], [sflag:$0x3] =	stream.indirect.gather [hbm4b:s6+s15], $0x20, s1, s15, $0xb8;
	[tilespmem:$0x19C80] =	vst v63  }
0x20c: {  	s8 =	simm.s32 $0x5F8;
	s10 =	simm.s32 $0xCB80  }
0x20d: {  	[tilespmem:s10], [sflag:$0x3] =	stream.indirect.gather [hbm4b:s6+s17], $0x20, s8, s17, $0xb8;
	[tilespmem:$0x19C80] =	vst v63  }
.LBB2_59:
0x20e: {  	_ =	swait.ge [sflag:s26], $0x1000  }
0x20f: {  	[sflag:s26] =	ssyncset.done $0x0  }
0x210: {  	[sflag:s26] =	ssyncadd.s32 $0xFFFFF000  }
0x211: {  	_ =	swait.ge [sflag:s26], $0x900  }
0x212: {  	[sflag:s26] =	ssyncset.done $0x0  }
0x213: {  	[sflag:s26] =	ssyncadd.s32 $0xFFFFF700  }
0x214: {  	_ =	swait.ge [sflag:s26], $0x1000  }
0x215: {  	[sflag:s26] =	ssyncset.done $0x0  }
0x216: {  	[sflag:s26] =	ssyncadd.s32 $0xFFFFF000  }
0x217: {  	_ =	swait.ge [sflag:s26], $0x900  }
0x218: {  	[sflag:s26] =	ssyncset.done $0x0  }
0x219: {  	[sflag:s26] =	ssyncadd.s32 $0xFFFFF700  }
0x21a: {  	_ =	swait.ge [sflag:s26], $0x1000  }
0x21b: {  	[sflag:s26] =	ssyncset.done $0x0  }
0x21c: {  	[sflag:s26] =	ssyncadd.s32 $0xFFFFF000  }
0x21d: {  	_ =	swait.ge [sflag:s26], $0x900  }
0x21e: {  	[sflag:s26] =	ssyncset.done $0x0  }
0x21f: {  	[sflag:s26] =	ssyncadd.s32 $0xFFFFF700  }
0x220: {  	_ =	swait.ge [sflag:s26], $0x1000  }
0x221: {  	[sflag:s26] =	ssyncset.done $0x0  }
0x222: {  	[sflag:s26] =	ssyncadd.s32 $0xFFFFF000  }
0x223: {  	_ =	swait.ge [sflag:s26], $0x900  }
0x224: {  	[sflag:s26] =	ssyncset.done $0x0  }
0x225: {  	[sflag:s26] =	ssyncadd.s32 $0xFFFFF700  }
0x226: {  	_ =	swait.ge [sflag:s26], $0x1000  }
0x227: {  	[sflag:s26] =	ssyncset.done $0x0  }
0x228: {  	[sflag:s26] =	ssyncadd.s32 $0xFFFFF000  }
0x229: {  	_ =	swait.ge [sflag:s26], $0x900  }
0x22a: {  	[sflag:s26] =	ssyncset.done $0x0  }
0x22b: {  	[sflag:s26] =	ssyncadd.s32 $0xFFFFF700  }
0x22c: {  	_ =	swait.ge [sflag:s26], $0x1000  }
0x22d: {  	[sflag:s26] =	ssyncset.done $0x0  }
0x22e: {  	[sflag:s26] =	ssyncadd.s32 $0xFFFFF000  }
0x22f: {  	_ =	swait.ge [sflag:s26], $0x900  }
0x230: {  	[sflag:s26] =	ssyncset.done $0x0  }
0x231: {  	[sflag:s26] =	ssyncadd.s32 $0xFFFFF700  }
0x232: {  	_ =	swait.ge [sflag:s26], $0x1000  }
0x233: {  	[sflag:s26] =	ssyncset.done $0x0  }
0x234: {  	[sflag:s26] =	ssyncadd.s32 $0xFFFFF000  }
0x235: {  	_ =	swait.ge [sflag:s26], $0x900  }
0x236: {  	[sflag:s26] =	ssyncset.done $0x0  }
0x237: {  	[sflag:s26] =	ssyncadd.s32 $0xFFFFF700  }
0x238: {  	_ =	swait.ge [sflag:s26], $0x1000  }
.Ltmp35:
0x239: {  	[sflag:s26] =	ssyncset.done $0x0;
	(pc) =	sbr.rel .LBB2_60-.Ltmp35, $4  }
0x23a: {  	[sflag:s26] =	ssyncadd.s32 $0xFFFFF000  }
0x23b: {  	_ =	swait.ge [sflag:s26], $0x900  }
0x23c: {  	[sflag:s26] =	ssyncset.done $0x0  }
0x23d: {  	s10 =	simm.s32 $0x0;
	[sflag:s26] =	ssyncadd.s32 $0xFFFFF700  }
.LBB2_111:
0x23e: {  	_ =	sdelay $0x4  }
0x23f: {  	[tilespmem:v14+s0+$0x0] =	vst.idx.msk vm0, v1  }
.LBB2_112:
0x240: {  	s10 =	sadd.s32 $0x1, s10  }
0x241: {  	p1 =	sne.s32 s10, $0x8  }
.Ltmp36:
0x242: {  	_ = 	snop;
	(pc) =	sbr.rel @!p1 .LBB2_113-.Ltmp36, $1  }
0x243: {  	_ =	sdelay $0x3  }
.LBB2_60:
0x244: {  	s0 =	smul.u32 $0x320, s10;
	_ =	sdelay $0x1  }
0x245: {  	s1 =	sshra.s32 s0, $0x2  }
0x246: {  	v14 =	vld [tilespmem:s1+$0x640];
	_ =	sdelay $0x4  }
0x247: {  	vm0 =	veq.s32 v14, $0x0  }
0x248: {  	v14 =	vsel vm0, $0x3F800000, v1  }
0x249: {  	(xrf0) =	vmax.scan.msk.f32 $0xffff, v14;
	_ =	sdelay $0x5  }
0x24a: {  	v14, _, _ =	vpop (xrf0)  }
0x24b: {  	(v2sf) =	vpush v14, $0xF;
	_ =	sdelay $0xe  }
0x24c: {  	s7 =	spop (v2sf)  }
0x24d: {  	p1 =	sgt.f32 s7, $0.0e+00  }
.Ltmp37:
0x24e: {  	_ = 	snop;
	(pc) =	sbr.rel @!p1 .LBB2_64-.Ltmp37, $3  }
0x24f: {  	_ = 	snop  }
0x250: {  	s8 =	smul.u32 $0x6400, s10;
	_ =	sdelay $0x1  }
0x251: {  	s0 =	sshra.s32 s8, $0x2  }
0x252: {  	s7 =	simm.s32 $0x0  }
0x253: {  	v14 =	vmov s7  }
0x254: {  	v14 =	vand.u32 $0x1F, v14  }
0x255: {  	v14 =	vbroadcast v14, $0x0;
	_ =	sdelay $0x1  }
0x256: {  	s8 =	simm.s32 $0x1;
	s7 =	sadd.s32 $0xD480, s0;
	v14 =	vor.u32 v0, v14  }
.LBB2_62:
0x257: {  	p1 =	sne.s32 s8, $0x1F  }
.Ltmp38:
0x258: {  	v15 =	vmov s8;
	s8 =	sadd.s32 $0x1, s8;
	(pc) =	sbr.rel @p1 .LBB2_62-.Ltmp38, $4  }
0x259: {  	v15 =	vand.u32 $0x1F, v15  }
0x25a: {  	v15 =	vbroadcast v15, $0x0  }
0x25b: {  	[tilespmem:v14+s7+$0x0] =	vst.idx.msk vm0, v1  }
0x25c: {  	v14 =	vor.u32 v0, v15  }
0x25d: {  	_ =	sdelay $0x4  }
0x25e: {  	[tilespmem:v14+s7+$0x0] =	vst.idx.msk vm0, v1  }
.LBB2_64:
0x25f: {  	v14 =	vld [tilespmem:s1+$0x650];
	_ =	sdelay $0x4  }
0x260: {  	vm0 =	veq.s32 v14, $0x0  }
0x261: {  	v14 =	vsel vm0, $0x3F800000, v1  }
0x262: {  	(xrf0) =	vmax.scan.msk.f32 $0xffff, v14;
	_ =	sdelay $0x5  }
0x263: {  	v14, _, _ =	vpop (xrf0)  }
0x264: {  	(v2sf) =	vpush v14, $0xF;
	_ =	sdelay $0xe  }
0x265: {  	s7 =	spop (v2sf)  }
0x266: {  	p1 =	sgt.f32 s7, $0.0e+00  }
.Ltmp39:
0x267: {  	_ = 	snop;
	(pc) =	sbr.rel @!p1 .LBB2_68-.Ltmp39, $1  }
0x268: {  	_ =	sdelay $0x3  }
0x269: {  	s7 =	simm.s32 $0x0  }
0x26a: {  	v14 =	vmov s7  }
0x26b: {  	v14 =	vand.u32 $0x1F, v14  }
0x26c: {  	v14 =	vbroadcast v14, $0x0;
	_ =	sdelay $0x1  }
0x26d: {  	s8 =	simm.s32 $0x1;
	s7 =	sadd.s32 $0xD480, s0;
	v14 =	vor.u32 v2, v14  }
.LBB2_66:
0x26e: {  	p1 =	sne.s32 s8, $0x1F  }
.Ltmp40:
0x26f: {  	v15 =	vmov s8;
	s8 =	sadd.s32 $0x1, s8;
	(pc) =	sbr.rel @p1 .LBB2_66-.Ltmp40, $4  }
0x270: {  	v15 =	vand.u32 $0x1F, v15  }
0x271: {  	v15 =	vbroadcast v15, $0x0  }
0x272: {  	[tilespmem:v14+s7+$0x0] =	vst.idx.msk vm0, v1  }
0x273: {  	v14 =	vor.u32 v2, v15  }
0x274: {  	_ =	sdelay $0x4  }
0x275: {  	[tilespmem:v14+s7+$0x0] =	vst.idx.msk vm0, v1  }
.LBB2_68:
0x276: {  	v14 =	vld [tilespmem:s1+$0x660];
	_ =	sdelay $0x4  }
0x277: {  	vm0 =	veq.s32 v14, $0x0  }
0x278: {  	v14 =	vsel vm0, $0x3F800000, v1  }
0x279: {  	(xrf0) =	vmax.scan.msk.f32 $0xffff, v14;
	_ =	sdelay $0x5  }
0x27a: {  	v14, _, _ =	vpop (xrf0)  }
0x27b: {  	(v2sf) =	vpush v14, $0xF;
	_ =	sdelay $0xe  }
0x27c: {  	s7 =	spop (v2sf)  }
0x27d: {  	p1 =	sgt.f32 s7, $0.0e+00  }
.Ltmp41:
0x27e: {  	_ = 	snop;
	(pc) =	sbr.rel @!p1 .LBB2_72-.Ltmp41, $1  }
0x27f: {  	_ =	sdelay $0x3  }
0x280: {  	s7 =	simm.s32 $0x0  }
0x281: {  	v14 =	vmov s7  }
0x282: {  	v14 =	vand.u32 $0x1F, v14  }
0x283: {  	v14 =	vbroadcast v14, $0x0;
	_ =	sdelay $0x1  }
0x284: {  	s8 =	simm.s32 $0x1;
	s7 =	sadd.s32 $0xD480, s0;
	v14 =	vor.u32 v3, v14  }
.LBB2_70:
0x285: {  	p1 =	sne.s32 s8, $0x1F  }
.Ltmp42:
0x286: {  	v15 =	vmov s8;
	s8 =	sadd.s32 $0x1, s8;
	(pc) =	sbr.rel @p1 .LBB2_70-.Ltmp42, $4  }
0x287: {  	v15 =	vand.u32 $0x1F, v15  }
0x288: {  	v15 =	vbroadcast v15, $0x0  }
0x289: {  	[tilespmem:v14+s7+$0x0] =	vst.idx.msk vm0, v1  }
0x28a: {  	v14 =	vor.u32 v3, v15  }
0x28b: {  	_ =	sdelay $0x4  }
0x28c: {  	[tilespmem:v14+s7+$0x0] =	vst.idx.msk vm0, v1  }
.LBB2_72:
0x28d: {  	v14 =	vld [tilespmem:s1+$0x670];
	_ =	sdelay $0x4  }
0x28e: {  	vm0 =	veq.s32 v14, $0x0  }
0x28f: {  	v14 =	vsel vm0, $0x3F800000, v1  }
0x290: {  	(xrf0) =	vmax.scan.msk.f32 $0xffff, v14;
	_ =	sdelay $0x5  }
0x291: {  	v14, _, _ =	vpop (xrf0)  }
0x292: {  	(v2sf) =	vpush v14, $0xF;
	_ =	sdelay $0xe  }
0x293: {  	s7 =	spop (v2sf)  }
0x294: {  	p1 =	sgt.f32 s7, $0.0e+00  }
.Ltmp43:
0x295: {  	_ = 	snop;
	(pc) =	sbr.rel @!p1 .LBB2_76-.Ltmp43, $1  }
0x296: {  	_ =	sdelay $0x3  }
0x297: {  	s7 =	simm.s32 $0x0  }
0x298: {  	v14 =	vmov s7  }
0x299: {  	v14 =	vand.u32 $0x1F, v14  }
0x29a: {  	v14 =	vbroadcast v14, $0x0;
	_ =	sdelay $0x1  }
0x29b: {  	s8 =	simm.s32 $0x1;
	s7 =	sadd.s32 $0xD480, s0;
	v14 =	vor.u32 v4, v14  }
.LBB2_74:
0x29c: {  	p1 =	sne.s32 s8, $0x1F  }
.Ltmp44:
0x29d: {  	v15 =	vmov s8;
	s8 =	sadd.s32 $0x1, s8;
	(pc) =	sbr.rel @p1 .LBB2_74-.Ltmp44, $4  }
0x29e: {  	v15 =	vand.u32 $0x1F, v15  }
0x29f: {  	v15 =	vbroadcast v15, $0x0  }
0x2a0: {  	[tilespmem:v14+s7+$0x0] =	vst.idx.msk vm0, v1  }
0x2a1: {  	v14 =	vor.u32 v4, v15  }
0x2a2: {  	_ =	sdelay $0x4  }
0x2a3: {  	[tilespmem:v14+s7+$0x0] =	vst.idx.msk vm0, v1  }
.LBB2_76:
0x2a4: {  	v14 =	vld [tilespmem:s1+$0x680];
	_ =	sdelay $0x4  }
0x2a5: {  	vm0 =	veq.s32 v14, $0x0  }
0x2a6: {  	v14 =	vsel vm0, $0x3F800000, v1  }
0x2a7: {  	(xrf0) =	vmax.scan.msk.f32 $0xffff, v14;
	_ =	sdelay $0x5  }
0x2a8: {  	v14, _, _ =	vpop (xrf0)  }
0x2a9: {  	(v2sf) =	vpush v14, $0xF;
	_ =	sdelay $0xe  }
0x2aa: {  	s7 =	spop (v2sf)  }
0x2ab: {  	p1 =	sgt.f32 s7, $0.0e+00  }
.Ltmp45:
0x2ac: {  	_ = 	snop;
	(pc) =	sbr.rel @!p1 .LBB2_80-.Ltmp45, $1  }
0x2ad: {  	_ =	sdelay $0x3  }
0x2ae: {  	s7 =	simm.s32 $0x0  }
0x2af: {  	v14 =	vmov s7  }
0x2b0: {  	v14 =	vand.u32 $0x1F, v14  }
0x2b1: {  	v14 =	vbroadcast v14, $0x0;
	_ =	sdelay $0x1  }
0x2b2: {  	s8 =	simm.s32 $0x1;
	s7 =	sadd.s32 $0xD480, s0;
	v14 =	vor.u32 v5, v14  }
.LBB2_78:
0x2b3: {  	p1 =	sne.s32 s8, $0x1F  }
.Ltmp46:
0x2b4: {  	v15 =	vmov s8;
	s8 =	sadd.s32 $0x1, s8;
	(pc) =	sbr.rel @p1 .LBB2_78-.Ltmp46, $4  }
0x2b5: {  	v15 =	vand.u32 $0x1F, v15  }
0x2b6: {  	v15 =	vbroadcast v15, $0x0  }
0x2b7: {  	[tilespmem:v14+s7+$0x0] =	vst.idx.msk vm0, v1  }
0x2b8: {  	v14 =	vor.u32 v5, v15  }
0x2b9: {  	_ =	sdelay $0x4  }
0x2ba: {  	[tilespmem:v14+s7+$0x0] =	vst.idx.msk vm0, v1  }
.LBB2_80:
0x2bb: {  	v14 =	vld [tilespmem:s1+$0x690];
	_ =	sdelay $0x4  }
0x2bc: {  	vm0 =	veq.s32 v14, $0x0  }
0x2bd: {  	v14 =	vsel vm0, $0x3F800000, v1  }
0x2be: {  	(xrf0) =	vmax.scan.msk.f32 $0xffff, v14;
	_ =	sdelay $0x5  }
0x2bf: {  	v14, _, _ =	vpop (xrf0)  }
0x2c0: {  	(v2sf) =	vpush v14, $0xF;
	_ =	sdelay $0xe  }
0x2c1: {  	s7 =	spop (v2sf)  }
0x2c2: {  	p1 =	sgt.f32 s7, $0.0e+00  }
.Ltmp47:
0x2c3: {  	_ = 	snop;
	(pc) =	sbr.rel @!p1 .LBB2_84-.Ltmp47, $1  }
0x2c4: {  	_ =	sdelay $0x3  }
0x2c5: {  	s7 =	simm.s32 $0x0  }
0x2c6: {  	v14 =	vmov s7  }
0x2c7: {  	v14 =	vand.u32 $0x1F, v14  }
0x2c8: {  	v14 =	vbroadcast v14, $0x0;
	_ =	sdelay $0x1  }
0x2c9: {  	s8 =	simm.s32 $0x1;
	s7 =	sadd.s32 $0xD480, s0;
	v14 =	vor.u32 v6, v14  }
.LBB2_82:
0x2ca: {  	p1 =	sne.s32 s8, $0x1F  }
.Ltmp48:
0x2cb: {  	v15 =	vmov s8;
	s8 =	sadd.s32 $0x1, s8;
	(pc) =	sbr.rel @p1 .LBB2_82-.Ltmp48, $4  }
0x2cc: {  	v15 =	vand.u32 $0x1F, v15  }
0x2cd: {  	v15 =	vbroadcast v15, $0x0  }
0x2ce: {  	[tilespmem:v14+s7+$0x0] =	vst.idx.msk vm0, v1  }
0x2cf: {  	v14 =	vor.u32 v6, v15  }
0x2d0: {  	_ =	sdelay $0x4  }
0x2d1: {  	[tilespmem:v14+s7+$0x0] =	vst.idx.msk vm0, v1  }
.LBB2_84:
0x2d2: {  	v14 =	vld [tilespmem:s1+$0x6A0];
	_ =	sdelay $0x4  }
0x2d3: {  	vm0 =	veq.s32 v14, $0x0  }
0x2d4: {  	v14 =	vsel vm0, $0x3F800000, v1  }
0x2d5: {  	(xrf0) =	vmax.scan.msk.f32 $0xffff, v14;
	_ =	sdelay $0x5  }
0x2d6: {  	v14, _, _ =	vpop (xrf0)  }
0x2d7: {  	(v2sf) =	vpush v14, $0xF;
	_ =	sdelay $0xe  }
0x2d8: {  	s7 =	spop (v2sf)  }
0x2d9: {  	p1 =	sgt.f32 s7, $0.0e+00  }
.Ltmp49:
0x2da: {  	_ = 	snop;
	(pc) =	sbr.rel @!p1 .LBB2_88-.Ltmp49, $1  }
0x2db: {  	_ =	sdelay $0x3  }
0x2dc: {  	s7 =	simm.s32 $0x0  }
0x2dd: {  	v14 =	vmov s7  }
0x2de: {  	v14 =	vand.u32 $0x1F, v14  }
0x2df: {  	v14 =	vbroadcast v14, $0x0;
	_ =	sdelay $0x1  }
0x2e0: {  	s8 =	simm.s32 $0x1;
	s7 =	sadd.s32 $0xD480, s0;
	v14 =	vor.u32 v7, v14  }
.LBB2_86:
0x2e1: {  	p1 =	sne.s32 s8, $0x1F  }
.Ltmp50:
0x2e2: {  	v15 =	vmov s8;
	s8 =	sadd.s32 $0x1, s8;
	(pc) =	sbr.rel @p1 .LBB2_86-.Ltmp50, $4  }
0x2e3: {  	v15 =	vand.u32 $0x1F, v15  }
0x2e4: {  	v15 =	vbroadcast v15, $0x0  }
0x2e5: {  	[tilespmem:v14+s7+$0x0] =	vst.idx.msk vm0, v1  }
0x2e6: {  	v14 =	vor.u32 v7, v15  }
0x2e7: {  	_ =	sdelay $0x4  }
0x2e8: {  	[tilespmem:v14+s7+$0x0] =	vst.idx.msk vm0, v1  }
.LBB2_88:
0x2e9: {  	v14 =	vld [tilespmem:s1+$0x6B0];
	_ =	sdelay $0x4  }
0x2ea: {  	vm0 =	veq.s32 v14, $0x0  }
0x2eb: {  	v14 =	vsel vm0, $0x3F800000, v1  }
0x2ec: {  	(xrf0) =	vmax.scan.msk.f32 $0xffff, v14;
	_ =	sdelay $0x5  }
0x2ed: {  	v14, _, _ =	vpop (xrf0)  }
0x2ee: {  	(v2sf) =	vpush v14, $0xF;
	_ =	sdelay $0xe  }
0x2ef: {  	s7 =	spop (v2sf)  }
0x2f0: {  	p1 =	sgt.f32 s7, $0.0e+00  }
.Ltmp51:
0x2f1: {  	_ = 	snop;
	(pc) =	sbr.rel @!p1 .LBB2_92-.Ltmp51, $1  }
0x2f2: {  	_ =	sdelay $0x3  }
0x2f3: {  	s7 =	simm.s32 $0x0  }
0x2f4: {  	v14 =	vmov s7  }
0x2f5: {  	v14 =	vand.u32 $0x1F, v14  }
0x2f6: {  	v14 =	vbroadcast v14, $0x0;
	_ =	sdelay $0x1  }
0x2f7: {  	s8 =	simm.s32 $0x1;
	s7 =	sadd.s32 $0xD480, s0;
	v14 =	vor.u32 v8, v14  }
.LBB2_90:
0x2f8: {  	p1 =	sne.s32 s8, $0x1F  }
.Ltmp52:
0x2f9: {  	v15 =	vmov s8;
	s8 =	sadd.s32 $0x1, s8;
	(pc) =	sbr.rel @p1 .LBB2_90-.Ltmp52, $4  }
0x2fa: {  	v15 =	vand.u32 $0x1F, v15  }
0x2fb: {  	v15 =	vbroadcast v15, $0x0  }
0x2fc: {  	[tilespmem:v14+s7+$0x0] =	vst.idx.msk vm0, v1  }
0x2fd: {  	v14 =	vor.u32 v8, v15  }
0x2fe: {  	_ =	sdelay $0x4  }
0x2ff: {  	[tilespmem:v14+s7+$0x0] =	vst.idx.msk vm0, v1  }
.LBB2_92:
0x300: {  	v14 =	vld [tilespmem:s1+$0x6C0];
	_ =	sdelay $0x4  }
0x301: {  	vm0 =	veq.s32 v14, $0x0  }
0x302: {  	v14 =	vsel vm0, $0x3F800000, v1  }
0x303: {  	(xrf0) =	vmax.scan.msk.f32 $0xffff, v14;
	_ =	sdelay $0x5  }
0x304: {  	v14, _, _ =	vpop (xrf0)  }
0x305: {  	(v2sf) =	vpush v14, $0xF;
	_ =	sdelay $0xe  }
0x306: {  	s7 =	spop (v2sf)  }
0x307: {  	p1 =	sgt.f32 s7, $0.0e+00  }
.Ltmp53:
0x308: {  	_ = 	snop;
	(pc) =	sbr.rel @!p1 .LBB2_96-.Ltmp53, $1  }
0x309: {  	_ =	sdelay $0x3  }
0x30a: {  	s7 =	simm.s32 $0x0  }
0x30b: {  	v14 =	vmov s7  }
0x30c: {  	v14 =	vand.u32 $0x1F, v14  }
0x30d: {  	v14 =	vbroadcast v14, $0x0;
	_ =	sdelay $0x1  }
0x30e: {  	s8 =	simm.s32 $0x1;
	s7 =	sadd.s32 $0xD480, s0;
	v14 =	vor.u32 v9, v14  }
.LBB2_94:
0x30f: {  	p1 =	sne.s32 s8, $0x1F  }
.Ltmp54:
0x310: {  	v15 =	vmov s8;
	s8 =	sadd.s32 $0x1, s8;
	(pc) =	sbr.rel @p1 .LBB2_94-.Ltmp54, $4  }
0x311: {  	v15 =	vand.u32 $0x1F, v15  }
0x312: {  	v15 =	vbroadcast v15, $0x0  }
0x313: {  	[tilespmem:v14+s7+$0x0] =	vst.idx.msk vm0, v1  }
0x314: {  	v14 =	vor.u32 v9, v15  }
0x315: {  	_ =	sdelay $0x4  }
0x316: {  	[tilespmem:v14+s7+$0x0] =	vst.idx.msk vm0, v1  }
.LBB2_96:
0x317: {  	v14 =	vld [tilespmem:s1+$0x6D0];
	_ =	sdelay $0x4  }
0x318: {  	vm0 =	veq.s32 v14, $0x0  }
0x319: {  	v14 =	vsel vm0, $0x3F800000, v1  }
0x31a: {  	(xrf0) =	vmax.scan.msk.f32 $0xffff, v14;
	_ =	sdelay $0x5  }
0x31b: {  	v14, _, _ =	vpop (xrf0)  }
0x31c: {  	(v2sf) =	vpush v14, $0xF;
	_ =	sdelay $0xe  }
0x31d: {  	s7 =	spop (v2sf)  }
0x31e: {  	p1 =	sgt.f32 s7, $0.0e+00  }
.Ltmp55:
0x31f: {  	_ = 	snop;
	(pc) =	sbr.rel @!p1 .LBB2_100-.Ltmp55, $1  }
0x320: {  	_ =	sdelay $0x3  }
0x321: {  	s7 =	simm.s32 $0x0  }
0x322: {  	v14 =	vmov s7  }
0x323: {  	v14 =	vand.u32 $0x1F, v14  }
0x324: {  	v14 =	vbroadcast v14, $0x0;
	_ =	sdelay $0x1  }
0x325: {  	s8 =	simm.s32 $0x1;
	s7 =	sadd.s32 $0xD480, s0;
	v14 =	vor.u32 v10, v14  }
.LBB2_98:
0x326: {  	p1 =	sne.s32 s8, $0x1F  }
.Ltmp56:
0x327: {  	v15 =	vmov s8;
	s8 =	sadd.s32 $0x1, s8;
	(pc) =	sbr.rel @p1 .LBB2_98-.Ltmp56, $4  }
0x328: {  	v15 =	vand.u32 $0x1F, v15  }
0x329: {  	v15 =	vbroadcast v15, $0x0  }
0x32a: {  	[tilespmem:v14+s7+$0x0] =	vst.idx.msk vm0, v1  }
0x32b: {  	v14 =	vor.u32 v10, v15  }
0x32c: {  	_ =	sdelay $0x4  }
0x32d: {  	[tilespmem:v14+s7+$0x0] =	vst.idx.msk vm0, v1  }
.LBB2_100:
0x32e: {  	v14 =	vld [tilespmem:s1+$0x6E0];
	_ =	sdelay $0x4  }
0x32f: {  	vm0 =	veq.s32 v14, $0x0  }
0x330: {  	v14 =	vsel vm0, $0x3F800000, v1  }
0x331: {  	(xrf0) =	vmax.scan.msk.f32 $0xffff, v14;
	_ =	sdelay $0x5  }
0x332: {  	v14, _, _ =	vpop (xrf0)  }
0x333: {  	(v2sf) =	vpush v14, $0xF;
	_ =	sdelay $0xe  }
0x334: {  	s7 =	spop (v2sf)  }
0x335: {  	p1 =	sgt.f32 s7, $0.0e+00  }
.Ltmp57:
0x336: {  	_ = 	snop;
	(pc) =	sbr.rel @!p1 .LBB2_104-.Ltmp57, $1  }
0x337: {  	_ =	sdelay $0x3  }
0x338: {  	s7 =	simm.s32 $0x0  }
0x339: {  	v14 =	vmov s7  }
0x33a: {  	v14 =	vand.u32 $0x1F, v14  }
0x33b: {  	v14 =	vbroadcast v14, $0x0;
	_ =	sdelay $0x1  }
0x33c: {  	s8 =	simm.s32 $0x1;
	s7 =	sadd.s32 $0xD480, s0;
	v14 =	vor.u32 v11, v14  }
.LBB2_102:
0x33d: {  	p1 =	sne.s32 s8, $0x1F  }
.Ltmp58:
0x33e: {  	v15 =	vmov s8;
	s8 =	sadd.s32 $0x1, s8;
	(pc) =	sbr.rel @p1 .LBB2_102-.Ltmp58, $4  }
0x33f: {  	v15 =	vand.u32 $0x1F, v15  }
0x340: {  	v15 =	vbroadcast v15, $0x0  }
0x341: {  	[tilespmem:v14+s7+$0x0] =	vst.idx.msk vm0, v1  }
0x342: {  	v14 =	vor.u32 v11, v15  }
0x343: {  	_ =	sdelay $0x4  }
0x344: {  	[tilespmem:v14+s7+$0x0] =	vst.idx.msk vm0, v1  }
.LBB2_104:
0x345: {  	v14 =	vld [tilespmem:s1+$0x6F0];
	_ =	sdelay $0x4  }
0x346: {  	vm0 =	veq.s32 v14, $0x0  }
0x347: {  	v14 =	vsel vm0, $0x3F800000, v1  }
0x348: {  	(xrf0) =	vmax.scan.msk.f32 $0xffff, v14;
	_ =	sdelay $0x5  }
0x349: {  	v14, _, _ =	vpop (xrf0)  }
0x34a: {  	(v2sf) =	vpush v14, $0xF;
	_ =	sdelay $0xe  }
0x34b: {  	s7 =	spop (v2sf)  }
0x34c: {  	p1 =	sgt.f32 s7, $0.0e+00  }
.Ltmp59:
0x34d: {  	_ = 	snop;
	(pc) =	sbr.rel @!p1 .LBB2_108-.Ltmp59, $1  }
0x34e: {  	_ =	sdelay $0x3  }
0x34f: {  	s7 =	simm.s32 $0x0  }
0x350: {  	v14 =	vmov s7  }
0x351: {  	v14 =	vand.u32 $0x1F, v14  }
0x352: {  	v14 =	vbroadcast v14, $0x0;
	_ =	sdelay $0x1  }
0x353: {  	s8 =	simm.s32 $0x1;
	s7 =	sadd.s32 $0xD480, s0;
	v14 =	vor.u32 v12, v14  }
.LBB2_106:
0x354: {  	p1 =	sne.s32 s8, $0x1F  }
.Ltmp60:
0x355: {  	v15 =	vmov s8;
	s8 =	sadd.s32 $0x1, s8;
	(pc) =	sbr.rel @p1 .LBB2_106-.Ltmp60, $4  }
0x356: {  	v15 =	vand.u32 $0x1F, v15  }
0x357: {  	v15 =	vbroadcast v15, $0x0  }
0x358: {  	[tilespmem:v14+s7+$0x0] =	vst.idx.msk vm0, v1  }
0x359: {  	v14 =	vor.u32 v12, v15  }
0x35a: {  	_ =	sdelay $0x4  }
0x35b: {  	[tilespmem:v14+s7+$0x0] =	vst.idx.msk vm0, v1  }
.LBB2_108:
0x35c: {  	v14 =	vld [tilespmem:s1+$0x6F8];
	_ =	sdelay $0x4  }
0x35d: {  	vm0 =	veq.s32 v14, $0x0  }
0x35e: {  	v14 =	vsel vm0, $0x3F800000, v1  }
0x35f: {  	(xrf0) =	vmax.scan.msk.f32 $0xffff, v14;
	_ =	sdelay $0x5  }
0x360: {  	v14, _, _ =	vpop (xrf0)  }
0x361: {  	(v2sf) =	vpush v14, $0xF;
	_ =	sdelay $0xe  }
0x362: {  	s8 =	spop (v2sf)  }
0x363: {  	p1 =	sgt.f32 s8, $0.0e+00  }
.Ltmp61:
0x364: {  	_ = 	snop;
	(pc) =	sbr.rel @!p1 .LBB2_112-.Ltmp61, $1  }
0x365: {  	_ =	sdelay $0x3  }
0x366: {  	s1 =	simm.s32 $0x0  }
0x367: {  	v14 =	vmov s1  }
0x368: {  	v14 =	vand.u32 $0x1F, v14  }
0x369: {  	v14 =	vbroadcast v14, $0x0;
	_ =	sdelay $0x1  }
0x36a: {  	s0 =	sadd.s32 $0xD480, s0;
	s1 =	simm.s32 $0x1;
	v14 =	vor.u32 v13, v14  }
.LBB2_110:
0x36b: {  	p1 =	sne.s32 s1, $0x1F  }
.Ltmp62:
0x36c: {  	v15 =	vmov s1;
	s1 =	sadd.s32 $0x1, s1;
	(pc) =	sbr.rel @p1 .LBB2_110-.Ltmp62, $4  }
0x36d: {  	v15 =	vand.u32 $0x1F, v15  }
0x36e: {  	v15 =	vbroadcast v15, $0x0  }
0x36f: {  	[tilespmem:v14+s0+$0x0] =	vst.idx.msk vm0, v1  }
0x370: {  	v14 =	vor.u32 v13, v15  }
.Ltmp63:
0x371: {  	_ = 	snop;
	(pc) =	sbr.rel .LBB2_111-.Ltmp63, $1  }
0x372: {  	_ =	sdelay $0x3  }
.LBB2_115:
0x373: {  	_ =	sfence.sel $0x180000  }
0x374: {  	[bflag:$0x0] =	sbarrier.arrive $0xFFFF  }
0x375: {  	_ =	strace $0x90000047  }
0x376: {  	s0 =	stileid.u32;
	[bflag:$0x2] =	sbarrier.arrive $0xFFFF  }
0x377: {  	p0 =	sne.s32 s0, $0x0;
	s0 =	rddreg [dreg:$0x2]  }
0x378: {  	s0 =	sadd.s32 @!p0 $0x100000, s0  }
0x379: {  	[sflag:s0] =	ssyncadd.tile.s32 @!p0 $0x1;
	_ =	shalt  }
.Lfunc_end2:
_tile_overlayer_lowered:
.L_overlay_start_2:
0x37a: {  	(tag) =	ssettag $0x2  }
0x37b: {  	s0 =	rddreg [dreg:$0x0];
	s2 =	stileid.u32  }
0x37c: {  	s1 =	rddreg [dreg:$0x1];
	p0 =	sne.s32 s2, $0x0  }
0x37d: {  	s3 =	rddreg [dreg:$0x2];
	[bflag:$0x3] =	sbarrier.arrive $0xFFFF;
	s2 =	simm.s32 @!p0 $0x1C07  }
0x37e: {  	[timem:s3], [sflag:s2] =	dma.local @!p0 [hbm:s0], s1  }
0x37f: {  	s0 =	simm.s32 @!p0 $0x7  }
0x380: {  	_ =	swait.ge @!p0 [sflag:s0], s1  }
0x381: {  	s1 =	ssub.s32 @!p0 $0x0, s1;
	[sflag:s0] =	ssyncset.done @!p0 $0x0  }
0x382: {  	[sflag:s0] =	ssyncadd.s32 @!p0 s1  }
0x383: {  	[bflag:$0x3] =	sbarrier.arrive $0xFFFF  }
0x384: {  	_ =	shalt  }

// kernel: kernel.7.cloned.1.call-start
scs
__scs_entry_jumppad:
0x0: {  	(pc) =	sbr.rel $0x88, $3  }
0x1: {  	(tag) =	ssettag $0x0;
	lr =	simm.s32 $0x1  }
0x2: {  	[smem:$0x3F9D] =	sst lr;
	_ =	strace $0xD0000000  }
0x3: {  	_ = 	snop  }
0x4: {  	_ = 	snop  }
0x5: {  	_ = 	snop  }
0x6: {  	_ = 	snop  }
0x7: {  	_ = 	snop  }
__scs_overlays_trampoline_lowered:
0x8: {  	[smem:$0x3FAC] =	sst s0  }
0x9: {  	[smem:$0x3FAD] =	sst s1  }
0xa: {  	[smem:$0x3FAE] =	sst s2  }
0xb: {  	[smem:$0x3FAF] =	sst s3  }
0xc: {  	[smem:$0x3FB0] =	sst s4  }
0xd: {  	[smem:$0x3FB1] =	sst s5  }
0xe: {  	[smem:$0x3FB2] =	sst s6  }
0xf: {  	[smem:$0x3FB3] =	sst s7  }
0x10: {  	[smem:$0x3FB4] =	sst s8  }
0x11: {  	[smem:$0x3FB5] =	sst s9;
	s0 =	simm.s32 @!p0 $0x0  }
0x12: {  	s1 =	sld [smem:$0x3F9B];
	s0 =	simm.s32 @p0 $0x1  }
0x13: {  	[smem:$0x3FB6] =	sst s0;
	s0 =	simm.s32 @!p1 $0x0  }
0x14: {  	s2 =	sld [smem:$0x3F9A];
	s0 =	simm.s32 @p1 $0x1  }
0x15: {  	[smem:$0x3FB7] =	sst s0;
	s0 =	simm.s32 @!p2 $0x0  }
0x16: {  	s3 =	sld [smem:$0x3FDB];
	s0 =	simm.s32 @p2 $0x1  }
0x17: {  	s4 =	simm.s32 $0x1BF5;
	[smem:$0x3FB9] =	sst s0  }
0x18: {  	s0 =	sld [smem:$0x3F9C];
	_ =	swait.ge [sflag:s4], $0x0  }
0x19: {  	s7 =	sld [smem:$0x3F9D]  }
0x1a: {  	s8 =	sadd.s32 $0xFFFFE003, lr  }
0x1b: {  	s9 =	sadd.s32 $0xFFFFFEF7, lr;
	s5 =	simm.s32 $0xFFFFFFFF;
	p2 =	slt.u32 s8, $0xFFFFF086  }
0x1c: {  	p1 =	slt.u32 s9, $0xF7A;
	s5 =	simm.s32 @!p2 $0x0  }
0x1d: {  	s5 =	simm.s32 @p1 $0x1;
	p0 =	seq.s32 s7, s2  }
0x1e: {  	s7 =	smul.u32 @!p0 $0xF7A, s2;
	p2 =	seq.s32 @!p0 s5, $0x0  }
0x1f: {  	s9 =	smul.u32 $0xF7A, s1;
	s8 =	simm.s32 @!p0 $0x1BF5;
	p2 =	por !p2, p0  }
0x20: {  	[sflag:s8] =	ssyncset.s32 @!p0 $0xFFFFF086;
	s6 =	sadd.s32 @!p0 s3, s7;
	s7 =	simm.s32 @!p0 $0x108  }
0x21: {  	s3 =	sadd.s32 s3, s9;
	s6 =	sadd.s32 @!p0 $0x88, s6;
	s7 =	simm.s32 @p2 $0x1082  }
0x22: {  	[simem:s7], [sflag:s8] =	dma.local @!p0 [hbm:s6], $0xF7A  }
0x23: {  	s9 =	sor.u32 $0xD0000000, s2;
	s6 =	simm.s32 $0x108;
	_ =	swait.ge @!p0 [sflag:s8], $0x0  }
0x24: {  	s3 =	sadd.s32 $0x88, s3;
	s6 =	simm.s32 @!p1 $0x1082;
	[sflag:s4] =	ssyncset.s32 $0xFFFFF086  }
0x25: {  	[simem:s6], [sflag:s4] =	dma.local [hbm:s3], $0xF7A  }
0x26: {  	[smem:$0x3F9D] =	sst s1;
	(tag) =	ssettag s2;
	_ =	strace s9  }
0x27: {  	s1 =	sld [smem:$0x3FAD]  }
0x28: {  	s2 =	sld [smem:$0x3FAE]  }
0x29: {  	s4 =	sld [smem:$0x3FB0]  }
0x2a: {  	p0 =	seq.s32 s5, $0x0;
	s5 =	sld [smem:$0x3FB1]  }
0x2b: {  	s6 =	sld [smem:$0x3FB2]  }
0x2c: {  	s7 =	sld [smem:$0x3FB3]  }
0x2d: {  	s3 =	simm.s32 $0x108;
	s8 =	sld [smem:$0x3FB4]  }
0x2e: {  	s3 =	simm.s32 @!p0 $0x1082;
	s9 =	sld [smem:$0x3FB5]  }
0x2f: {  	lr =	sadd.s32 s0, s3;
	s0 =	sld [smem:$0x3FAC]  }
0x30: {  	s3 =	sld [smem:$0x3FAF]  }
0x31: {  	[smem:$0x3FB8] =	sst s10  }
0x32: {  	s10 =	sld [smem:$0x3FB6];
	_ =	sdelay $0x3  }
0x33: {  	p0 =	seq.s32 s10, $0x1;
	s10 =	sld [smem:$0x3FB8];
	_ =	sdelay $0x3  }
0x34: {  	[smem:$0x3FB8] =	sst s10  }
0x35: {  	s10 =	sld [smem:$0x3FB7];
	_ =	sdelay $0x3  }
0x36: {  	p1 =	seq.s32 s10, $0x1;
	s10 =	sld [smem:$0x3FB8];
	_ =	sdelay $0x3  }
0x37: {  	[smem:$0x3FB8] =	sst s10  }
0x38: {  	s10 =	sld [smem:$0x3FB9]  }
0x39: {  	_ = 	snop;
	(pc) =	sbr.ind lr, $3  }
0x3a: {  	_ = 	snop  }
0x3b: {  	_ = 	snop  }
0x3c: {  	p2 =	seq.s32 s10, $0x1;
	s10 =	sld [smem:$0x3FB8]  }
0x3d: {  	_ =	shalt  }
0x3e: {  	_ =	shalt  }
0x3f: {  	_ =	shalt  }
0x40: {  	_ =	shalt  }
0x41: {  	_ =	shalt  }
0x42: {  	_ =	shalt  }
0x43: {  	_ =	shalt  }
0x44: {  	_ =	shalt  }
0x45: {  	_ =	shalt  }
0x46: {  	_ =	shalt  }
0x47: {  	_ =	shalt  }
0x48: {  	_ =	shalt  }
0x49: {  	_ =	shalt  }
0x4a: {  	_ =	shalt  }
0x4b: {  	_ =	shalt  }
0x4c: {  	_ =	shalt  }
0x4d: {  	_ =	shalt  }
0x4e: {  	_ =	shalt  }
0x4f: {  	_ =	shalt  }
0x50: {  	_ =	shalt  }
0x51: {  	_ =	shalt  }
0x52: {  	_ =	shalt  }
0x53: {  	_ =	shalt  }
0x54: {  	_ =	shalt  }
0x55: {  	_ =	shalt  }
0x56: {  	_ =	shalt  }
0x57: {  	_ =	shalt  }
0x58: {  	_ =	shalt  }
0x59: {  	_ =	shalt  }
0x5a: {  	_ =	shalt  }
0x5b: {  	_ =	shalt  }
0x5c: {  	_ =	shalt  }
0x5d: {  	_ =	shalt  }
0x5e: {  	_ =	shalt  }
0x5f: {  	_ =	shalt  }
0x60: {  	_ =	shalt  }
0x61: {  	_ =	shalt  }
0x62: {  	_ =	shalt  }
0x63: {  	_ =	shalt  }
0x64: {  	_ =	shalt  }
0x65: {  	_ =	shalt  }
0x66: {  	_ =	shalt  }
0x67: {  	_ =	shalt  }
0x68: {  	_ =	shalt  }
0x69: {  	_ =	shalt  }
0x6a: {  	_ =	shalt  }
0x6b: {  	_ =	shalt  }
0x6c: {  	_ =	shalt  }
0x6d: {  	_ =	shalt  }
0x6e: {  	_ =	shalt  }
0x6f: {  	_ =	shalt  }
0x70: {  	_ =	shalt  }
0x71: {  	_ =	shalt  }
0x72: {  	_ =	shalt  }
0x73: {  	_ =	shalt  }
0x74: {  	_ =	shalt  }
0x75: {  	_ =	shalt  }
0x76: {  	_ =	shalt  }
0x77: {  	_ =	shalt  }
0x78: {  	_ =	shalt  }
0x79: {  	_ =	shalt  }
0x7a: {  	_ =	shalt  }
0x7b: {  	_ =	shalt  }
0x7c: {  	_ =	shalt  }
0x7d: {  	_ =	shalt  }
0x7e: {  	_ =	shalt  }
0x7f: {  	_ =	shalt  }
0x80: {  	_ =	shalt  }
0x81: {  	_ =	shalt  }
0x82: {  	_ =	shalt  }
0x83: {  	_ =	shalt  }
0x84: {  	_ =	shalt  }
0x85: {  	_ =	shalt  }
0x86: {  	_ =	shalt  }
0x87: {  	_ =	shalt  }
.Lfunc_end0:
.L_simem_size_0:
called_computation.3_lowered:
.L_overlay_start_0:
0x88: {  	s2 =	sld [smem:$0x3FD9]  }
0x89: {  	s3 =	sld [smem:$0x3FFE];
	_ =	sdelay $0x1  }
0x8a: {  	s1 =	srdreg.scid  }
0x8b: {  	s0 =	sand.u32 $0x1, s1  }
0x8c: {  	s15 =	sshll.u32 s0, $0xA;
	s2 =	sadd.s32 s3, s2  }
0x8d: {  	s2 =	sadd.s32 s2, s15  }
0x8e: {  	[smem:$0x3FC4] =	sst s2  }
0x8f: {  	_ = 	snop  }
0x90: {  	s2 =	sld [smem:$0x3FD0];
	_ =	sdelay $0x2  }
0x91: {  	s16 =	simm.s32 $0xB;
	s4 =	simm.s32 $0x10  }
0x92: {  	[smem:s4], [sflag:s16] =	dma.local [hbm:s2], $0x1  }
0x93: {  	_ =	swait.eq [sflag:s16], $0x1  }
0x94: {  	[sflag:s16] =	ssyncset.done $0x0  }
0x95: {  	[sflag:s16] =	ssyncadd.s32 $0xFFFFFFFF  }
0x96: {  	s17 =	sld [smem:$0x11];
	(tm) =	ssettm $0x1  }
0x97: {  	s18 =	sld [smem:$0x3FFB];
	_ =	sdelay $0x3  }
0x98: {  	_ =	strace s18  }
0x99: {  	s2 =	sld [smem:$0x3FFC];
	_ =	sdelay $0x3  }
0x9a: {  	_ =	strace s2  }
0x9b: {  	s2 =	sld [smem:$0x3FFD];
	_ =	sdelay $0x3  }
0x9c: {  	_ =	strace s2  }
0x9d: {  	_ =	strace $0x8FFFFFFF  }
0x9e: {  	s19 =	sld [smem:$0x3FDB];
	_ =	sdelay $0x1  }
0x9f: {  	s20 =	simm.s32 $_scs_section_size  }
0xa0: {  	s5 =	simm.s32 $_size__tile_overlayer_lowered;
	s6 =	simm.s32 $_tile_overlayer_lowered  }
0xa1: {  	s7 =	simm.s32 $0x1BFF;
	s21 =	sshll.u32 s6, $0x1;
	s4 =	sadd.s32 s20, s19  }
0xa2: {  	s22 =	simm.s32 $0x0;
	s5 =	sshll.u32 s5, $0x1;
	s6 =	sadd.s32 s21, s4  }
0xa3: {  	[timem:s22], [sflag:s7] =	dma.local [hbm:s6], s5  }
0xa4: {  	_ =	swait.ge [sflag:s7], s5  }
0xa5: {  	s5 =	ssub.s32 $0x0, s5;
	[sflag:s7] =	ssyncset.done $0x0  }
0xa6: {  	[sflag:s7] =	ssyncadd.s32 s5;
	_ =	sdelay $0x1  }
0xa7: {  	s23 =	simm.s32 $0x1B8B  }
0xa8: {  	_ =	swait.ge [sflag:s23], $0x1  }
0xa9: {  	[sflag:s23] =	ssyncset.done $0x0  }
0xaa: {  	[sflag:s23] =	ssyncadd.s32 $0xFFFFFFFF  }
0xab: {  	s5 =	sld [smem:$0x0]  }
0xac: {  	s6 =	sand.u32 $0xFFFFFFFE, s1  }
0xad: {  	p0 =	sne.s32 s1, s6  }
0xae: {  	s6 =	sshll.u32 @p0 s6, $0xE  }
0xaf: {  	s6 =	sadd.s32 @p0 $0x11B8D, s6;
	s7 =	sshll.u32 @p0 s5, $0x11  }
0xb0: {  	s6 =	sor.u32 @p0 s7, s6  }
0xb1: {  	[sflag:s6] =	ssyncadd.remote.s32 @p0 $0x1;
	_ =	sdelay $0x1  }
0xb2: {  	s6 =	simm.s32 @p0 $0x1B8D  }
0xb3: {  	_ =	swait.eq @p0 [sflag:s6], $0x1  }
0xb4: {  	[sflag:s6] =	ssyncadd.s32 @p0 $0xFFFFFFFF  }
0xb5: {  	s7 =	sshll.u32 @!p0 s1, $0xE  }
0xb6: {  	s7 =	sor.u32 @!p0 $0x4000, s7;
	s6 =	simm.s32 @!p0 $0x1B8D  }
0xb7: {  	s5 =	sshll.u32 @!p0 s5, $0x11;
	s7 =	sadd.s32 @!p0 $0x11B8D, s7;
	_ =	swait.eq @!p0 [sflag:s6], $0x1  }
0xb8: {  	s5 =	sor.u32 @!p0 s5, s7;
	[sflag:s6] =	ssyncadd.s32 @!p0 $0xFFFFFFFF  }
0xb9: {  	s25 =	simm.s32 $0x1B8E;
	s24 =	sld [smem:$0x3FFE];
	[sflag:s5] =	ssyncadd.remote.s32 @!p0 $0x1  }
0xba: {  	s26 =	simm.s32 $execute0_lowered;
	[smem:$0x3FD2] =	sst s25  }
0xbb: {  	s6 =	sshll.u32 s26, $0x1;
	_ =	strace $0x80000049;
	[dreg:$0x1] =	wrdreg $0xFFFFFFFF  }
0xbc: {  	s28 =	simm.s32 $_size_execute0_lowered;
	s4 =	sadd.s32 s4, s6;
	[dreg:$0x0] =	wrdreg $0x0  }
0xbd: {  	s6 =	sshll.u32 s28, $0x1;
	[dreg:$0x2] =	wrdreg s4  }
0xbe: {  	[dreg:$0x3] =	wrdreg s6  }
0xbf: {  	[dreg:$0x4] =	wrdreg $0xC0  }
0xc0: {  	_ =	task [dreg:s22], $0x5FFFF  }
0xc1: {  	[dreg:$0x1] =	wrdreg $0xFFFFFFFF  }
0xc2: {  	[dreg:$0x0] =	wrdreg $0x60  }
0xc3: {  	[dreg:$0x2] =	wrdreg s24  }
0xc4: {  	[dreg:$0x3] =	wrdreg s17  }
0xc5: {  	[dreg:$0x4] =	wrdreg $0xA  }
0xc6: {  	_ =	task.clear_ibuf [dreg:s22], $0x5FFFF;
	_ =	strace $0x90000049  }
0xc7: {  	s29 =	simm.s32 $0xA;
	_ =	strace $0x8000004B  }
0xc8: {  	_ =	swait.ge [sflag:s29], $0x1  }
0xc9: {  	[sflag:s29] =	ssyncadd.s32 $0xFFFFFFFF  }
0xca: {  	_ =	strace $0x9000004B  }
0xcb: {  	_ =	sfence  }
0xcc: {  	s30 =	sld [smem:$0x0];
	_ =	sdelay $0x2  }
0xcd: {  	s31 =	sshll.u32 s1, $0xD;
	s1 =	sshrl.u32 s1, $0x2  }
0xce: {  	s4 =	sand.u32 $0x4000, s31;
	s1 =	sadd.s32 s1, s30  }
0xcf: {  	s0 =	sor.u32 s4, s0;
	s1 =	sshll.u32 s1, $0x11  }
0xd0: {  	s0 =	sor.u32 s1, s0  }
0xd1: {  	s0 =	sadd.s32 $0x8F2B, s0  }
0xd2: {  	[sflag:s0] =	ssyncadd.remote.s32 $0x1  }
0xd3: {  	_ =	sfence.sel $0xFFFF  }
0xd4: {  	[dreg:$0x0] =	wrdreg $0xFFFFFFFF;
	(pc) =	sbr.abs _section_cstart, $3  }
0xd5: {  	[dreg:$0x1] =	wrdreg $0xFFFFFFFF  }
0xd6: {  	_ =	task.clear_ibuf [dreg:s22], $0x2FFFF;
	_ =	strace $0x9FFFFFFF  }
0xd7: {  	(tm) =	ssettm $0x7FFFFFFF  }
tec
execute0_lowered:
.L_overlay_start_1:
0x0: {  	(tag) =	ssettag $0x1  }
0x1: {  	s0 =	rddreg [dreg:$0x0]  }
0x2: {  	s2 =	rddreg [dreg:$0x1]  }
0x3: {  	s1 =	srdreg.scid;
	s4 =	stileid.u32  }
0x4: {  	s3 =	simm.s32 $0x0;
	s14 =	simm.s32 $0x1;
	s15 =	simm.s32 $0x80  }
0x5: {  	s16 =	simm.s32 $0xC80;
	s17 =	simm.s32 $0x48;
	s30 =	simm.s32 $0x2  }
0x6: {  	s31 =	simm.s32 $0xD480;
	s13 =	simm.s32 $0xAF0;
	s12 =	simm.s32 $0x16A80  }
0x7: {  	s18 =	simm.s32 $0xB70;
	s19 =	simm.s32 $0x17A80;
	s20 =	simm.s32 $0xBB8  }
0x8: {  	s21 =	simm.s32 $0x18380;
	s22 =	simm.s32 $0xC38;
	s1 =	sand.u32 $0x1, s1  }
0x9: {  	s23 =	simm.s32 $0x19380;
	s4 =	sshll.u32 s4, $0x8;
	s5 =	sshll.u32 s1, $0x7  }
0xa: {  	s24 =	simm.s32 $0x3;
	[smem:$0x7FF] =	sst s3;
	s4 =	sor.u32 s5, s4  }
0xb: {  	_ =	strace $0x8000004A;
	s1 =	ssub.s32 $0x2, s1;
	s6 =	smul.u32 $0xC8, s4  }
0xc: {  	s5 =	sadd.s32 $0x3EAE00, s0;
	s8 =	sshrl.u32 s1, $0x1;
	s7 =	smul.u32 $0x19, s4  }
0xd: {  	v0 =	vlaneseq.u32;
	s10 =	smul.u32 $0x320, s4;
	s25 =	ssub.s32 s1, s8;
	s29 =	sor.u32 $0x10, s4  }
0xe: {  	v0 =	vmul.u32 $0x20, v0;
	s11 =	sor.u32 $0x18, s4;
	[dreg:$0x5] =	wrdreg s29;
	s9 =	sshrl.u32 s6, $0x3  }
.Ltmp0:
0xf: {  	v1 =	vimm.f32 $0.0e+00;
	s6 =	sadd.s32 $0x1A400, s0;
	s7 =	sadd.s32 s5, s7;
	(pc) =	sbr.rel .LBB2_1-.Ltmp0, $4  }
0x10: {  	v2 =	vor.u32 $0x200, v0;
	v3 =	vor.u32 $0x400, v0;
	v4 =	vor.u32 $0x600, v0;
	s0 =	smax.u32 s25, $0x1;
	s26 =	sadd.s32 s5, s9;
	[dreg:$0x3] =	wrdreg s7  }
0x11: {  	v5 =	vor.u32 $0x800, v0;
	v6 =	vor.u32 $0xA00, v0;
	v7 =	vor.u32 $0xC00, v0;
	s28 =	sadd.s32 s10, s2;
	[dreg:$0x7] =	wrdreg s0;
	s1 =	sadd.s32 $0xC8, s26  }
0x12: {  	v8 =	vor.u32 $0xE00, v0;
	v9 =	vor.u32 $0x1000, v0;
	v10 =	vor.u32 $0x1200, v0;
	s25 =	simm.s32 $0x5;
	[dreg:$0x4] =	wrdreg s1;
	s1 =	sadd.s32 $0x15E00, s28  }
0x13: {  	v11 =	vor.u32 $0x1400, v0;
	v12 =	vor.u32 $0x1600, v0;
	v13 =	vadd.s32 $0x1700, v0;
	s7 =	simm.s32 $0x0;
	s26 =	simm.s32 $0x4;
	[dreg:$0x6] =	wrdreg s1  }
.LBB2_114:
0x14: {  	s1 =	simm.s32 $0x6  }
0x15: {  	_ =	swait.ge [sflag:s1], $0xC800  }
0x16: {  	s7 =	rddreg [dreg:$0x8]  }
0x17: {  	s0 =	rddreg [dreg:$0x7];
	s7 =	sadd.s32 $0x1, s7  }
0x18: {  	p0 =	sne.s32 s7, s0  }
.Ltmp1:
0x19: {  	_ = 	snop;
	(pc) =	sbr.rel @!p0 .LBB2_115-.Ltmp1, $3  }
0x1a: {  	_ =	sdelay $0x1  }
0x1b: {  	[sflag:s1] =	ssyncset.done $0x0  }
0x1c: {  	[sflag:s1] =	ssyncadd.s32 $0xFFFF3800  }
.LBB2_1:
0x1d: {  	[dreg:$0x8] =	wrdreg s7  }
0x1e: {  	s0 =	rddreg [dreg:$0x3]  }
0x1f: {  	[tilespmem:s3], [sflag:$0x1] =	stream.linear.gather [hbm4b:s0+s3], $0x640, $0x38;
	[tilespmem:$0x19C80] =	vst v63  }
0x20: {  	s29 =	rddreg [dreg:$0x4];
	s1 =	simm.s32 $0x640  }
0x21: {  	[tilespmem:s1], [sflag:$0x2] =	stream.linear.gather [hbm4b:s29+s3], $0x640, $0x38;
	[tilespmem:$0x19C80] =	vst v63  }
0x22: {  	_ =	swait.ge [sflag:s14], $0x640  }
0x23: {  	[sflag:s14] =	ssyncset.done $0x0  }
0x24: {  	[sflag:s14] =	ssyncadd.s32 $0xFFFFF9C0  }
0x25: {  	[tilespmem:s16], [sflag:$0x3] =	stream.indirect.gather [hbm4b:s6+s15], $0x20, s3, s15, $0xb8;
	[tilespmem:$0x19C80] =	vst v63  }
0x26: {  	s7 =	simm.s32 $0x1C80  }
0x27: {  	[tilespmem:s7], [sflag:$0x3] =	stream.indirect.gather [hbm4b:s6+s17], $0x20, s15, s17, $0xb8;
	[tilespmem:$0x19C80] =	vst v63  }
0x28: {  	s8 =	simm.s32 $0xC8;
	s9 =	simm.s32 $0x2580  }
0x29: {  	[tilespmem:s9], [sflag:$0x3] =	stream.indirect.gather [hbm4b:s6+s15], $0x20, s8, s15, $0xb8;
	[tilespmem:$0x19C80] =	vst v63  }
0x2a: {  	s10 =	simm.s32 $0x148;
	s29 =	simm.s32 $0x3580  }
0x2b: {  	[tilespmem:s29], [sflag:$0x3] =	stream.indirect.gather [hbm4b:s6+s17], $0x20, s10, s17, $0xb8;
	[tilespmem:$0x19C80] =	vst v63  }
0x2c: {  	s1 =	simm.s32 $0x190;
	s7 =	simm.s32 $0x3E80  }
0x2d: {  	[tilespmem:s7], [sflag:$0x3] =	stream.indirect.gather [hbm4b:s6+s15], $0x20, s1, s15, $0xb8;
	[tilespmem:$0x19C80] =	vst v63  }
0x2e: {  	s8 =	simm.s32 $0x210;
	s9 =	simm.s32 $0x4E80  }
0x2f: {  	[tilespmem:s9], [sflag:$0x3] =	stream.indirect.gather [hbm4b:s6+s17], $0x20, s8, s17, $0xb8;
	[tilespmem:$0x19C80] =	vst v63  }
0x30: {  	s10 =	simm.s32 $0x258;
	s29 =	simm.s32 $0x5780  }
0x31: {  	[tilespmem:s29], [sflag:$0x3] =	stream.indirect.gather [hbm4b:s6+s15], $0x20, s10, s15, $0xb8;
	[tilespmem:$0x19C80] =	vst v63  }
0x32: {  	s1 =	simm.s32 $0x2D8;
	s7 =	simm.s32 $0x6780  }
0x33: {  	[tilespmem:s7], [sflag:$0x3] =	stream.indirect.gather [hbm4b:s6+s17], $0x20, s1, s17, $0xb8;
	[tilespmem:$0x19C80] =	vst v63  }
0x34: {  	s8 =	simm.s32 $0x320;
	s9 =	simm.s32 $0x7080  }
0x35: {  	[tilespmem:s9], [sflag:$0x3] =	stream.indirect.gather [hbm4b:s6+s15], $0x20, s8, s15, $0xb8;
	[tilespmem:$0x19C80] =	vst v63  }
0x36: {  	s10 =	simm.s32 $0x3A0;
	s29 =	simm.s32 $0x8080  }
0x37: {  	[tilespmem:s29], [sflag:$0x3] =	stream.indirect.gather [hbm4b:s6+s17], $0x20, s10, s17, $0xb8;
	[tilespmem:$0x19C80] =	vst v63  }
0x38: {  	s1 =	simm.s32 $0x3E8;
	s7 =	simm.s32 $0x8980  }
0x39: {  	[tilespmem:s7], [sflag:$0x3] =	stream.indirect.gather [hbm4b:s6+s15], $0x20, s1, s15, $0xb8;
	[tilespmem:$0x19C80] =	vst v63  }
0x3a: {  	s8 =	simm.s32 $0x468;
	s9 =	simm.s32 $0x9980  }
0x3b: {  	[tilespmem:s9], [sflag:$0x3] =	stream.indirect.gather [hbm4b:s6+s17], $0x20, s8, s17, $0xb8;
	[tilespmem:$0x19C80] =	vst v63  }
0x3c: {  	s10 =	simm.s32 $0x4B0;
	s29 =	simm.s32 $0xA280  }
0x3d: {  	[tilespmem:s29], [sflag:$0x3] =	stream.indirect.gather [hbm4b:s6+s15], $0x20, s10, s15, $0xb8;
	[tilespmem:$0x19C80] =	vst v63  }
0x3e: {  	s1 =	simm.s32 $0x530;
	s7 =	simm.s32 $0xB280  }
0x3f: {  	[tilespmem:s7], [sflag:$0x3] =	stream.indirect.gather [hbm4b:s6+s17], $0x20, s1, s17, $0xb8;
	[tilespmem:$0x19C80] =	vst v63  }
.Ltmp2:
0x40: {  	_ = 	snop;
	(pc) =	sbr.rel .LBB2_2-.Ltmp2, $4  }
0x41: {  	s8 =	simm.s32 $0x578;
	s9 =	simm.s32 $0xBB80  }
0x42: {  	[tilespmem:s9], [sflag:$0x3] =	stream.indirect.gather [hbm4b:s6+s15], $0x20, s8, s15, $0xb8;
	[tilespmem:$0x19C80] =	vst v63  }
0x43: {  	s28 =	simm.s32 $0x0;
	s10 =	simm.s32 $0x5F8;
	s29 =	simm.s32 $0xCB80  }
0x44: {  	[tilespmem:s29], [sflag:$0x3] =	stream.indirect.gather [hbm4b:s6+s17], $0x20, s10, s17, $0xb8;
	[tilespmem:$0x19C80] =	vst v63  }
.LBB2_113:
0x45: {  	s0 =	sadd.s32 @!p0 s9, s11  }
0x46: {  	s0 =	smul.u32 @!p0 $0x19, s0  }
0x47: {  	s7 =	simm.s32 @!p0 $0x0  }
0x48: {  	s8 =	simm.s32 @!p0 $0x640;
	s28 =	sadd.s32 $0x1, s28;
	s0 =	sadd.s32 @!p0 s5, s0  }
0x49: {  	[tilespmem:s8], [sflag:$0x2] =	stream.linear.gather @!p0 [hbm4b:s0+s7], $0x640, $0x38;
	[tilespmem:$0x19C80] =	vst v63  }
0x4a: {  	p0 =	sne.s32 s28, $0x8  }
.Ltmp3:
0x4b: {  	s1 =	sadd.s32 s4, s29;
	(pc) =	sbr.rel @!p0 .LBB2_114-.Ltmp3, $3  }
0x4c: {  	s1 =	smul.u32 $0x320, s1;
	_ =	sdelay $0x1  }
0x4d: {  	s29 =	sadd.s32 s2, s1  }
0x4e: {  	[hbm4b:s29+s3] =	stream.linear.scatter [tilespmem:s31], [sflag:$0x6], $0xC800, $0x38;
	[tilespmem:$0x19C80] =	vst v63  }
.LBB2_2:
0x4f: {  	_ =	swait.ge [sflag:s30], $0x640  }
0x50: {  	p0 =	seq.s32 s28, $0x0;
	[sflag:s30] =	ssyncset.done $0x0  }
0x51: {  	s0 =	simm.s32 @!p0 $0x6;
	[sflag:s30] =	ssyncadd.s32 $0xFFFFF9C0  }
0x52: {  	_ =	swait.ge @!p0 [sflag:s0], $0xC800  }
0x53: {  	[sflag:s0] =	ssyncset.done @!p0 $0x0  }
0x54: {  	s9 =	simm.s32 $0x640;
	[sflag:s0] =	ssyncadd.s32 @!p0 $0xFFFF3800  }
0x55: {  	[tilespmem:s31], [sflag:$0x4] =	stream.indirect.gather [hbm4b:s6+s15], $0x20, s9, s15, $0xb8;
	[tilespmem:$0x19C80] =	vst v63  }
0x56: {  	s10 =	simm.s32 $0x6C0;
	s1 =	simm.s32 $0xE480  }
0x57: {  	[tilespmem:s1], [sflag:$0x4] =	stream.indirect.gather [hbm4b:s6+s17], $0x20, s10, s17, $0xb8;
	[tilespmem:$0x19C80] =	vst v63  }
0x58: {  	s7 =	simm.s32 $0x708;
	s8 =	simm.s32 $0xED80  }
0x59: {  	[tilespmem:s8], [sflag:$0x4] =	stream.indirect.gather [hbm4b:s6+s15], $0x20, s7, s15, $0xb8;
	[tilespmem:$0x19C80] =	vst v63  }
0x5a: {  	s9 =	simm.s32 $0x788;
	s10 =	simm.s32 $0xFD80  }
0x5b: {  	[tilespmem:s10], [sflag:$0x4] =	stream.indirect.gather [hbm4b:s6+s17], $0x20, s9, s17, $0xb8;
	[tilespmem:$0x19C80] =	vst v63  }
0x5c: {  	s7 =	simm.s32 $0x7D0;
	s8 =	simm.s32 $0x10680  }
0x5d: {  	[tilespmem:s8], [sflag:$0x4] =	stream.indirect.gather [hbm4b:s6+s15], $0x20, s7, s15, $0xb8;
	[tilespmem:$0x19C80] =	vst v63  }
0x5e: {  	s9 =	simm.s32 $0x850;
	s10 =	simm.s32 $0x11680  }
0x5f: {  	[tilespmem:s10], [sflag:$0x4] =	stream.indirect.gather [hbm4b:s6+s17], $0x20, s9, s17, $0xb8;
	[tilespmem:$0x19C80] =	vst v63  }
0x60: {  	s7 =	simm.s32 $0x898;
	s8 =	simm.s32 $0x11F80  }
0x61: {  	[tilespmem:s8], [sflag:$0x4] =	stream.indirect.gather [hbm4b:s6+s15], $0x20, s7, s15, $0xb8;
	[tilespmem:$0x19C80] =	vst v63  }
0x62: {  	s9 =	simm.s32 $0x918;
	s10 =	simm.s32 $0x12F80  }
0x63: {  	[tilespmem:s10], [sflag:$0x4] =	stream.indirect.gather [hbm4b:s6+s17], $0x20, s9, s17, $0xb8;
	[tilespmem:$0x19C80] =	vst v63  }
0x64: {  	s7 =	simm.s32 $0x960;
	s8 =	simm.s32 $0x13880  }
0x65: {  	[tilespmem:s8], [sflag:$0x4] =	stream.indirect.gather [hbm4b:s6+s15], $0x20, s7, s15, $0xb8;
	[tilespmem:$0x19C80] =	vst v63  }
0x66: {  	s9 =	simm.s32 $0x9E0;
	s10 =	simm.s32 $0x14880  }
0x67: {  	[tilespmem:s10], [sflag:$0x4] =	stream.indirect.gather [hbm4b:s6+s17], $0x20, s9, s17, $0xb8;
	[tilespmem:$0x19C80] =	vst v63  }
0x68: {  	s7 =	simm.s32 $0xA28;
	s8 =	simm.s32 $0x15180  }
0x69: {  	[tilespmem:s8], [sflag:$0x4] =	stream.indirect.gather [hbm4b:s6+s15], $0x20, s7, s15, $0xb8;
	[tilespmem:$0x19C80] =	vst v63  }
0x6a: {  	s9 =	simm.s32 $0xAA8;
	s10 =	simm.s32 $0x16180  }
0x6b: {  	[tilespmem:s10], [sflag:$0x4] =	stream.indirect.gather [hbm4b:s6+s17], $0x20, s9, s17, $0xb8;
	[tilespmem:$0x19C80] =	vst v63  }
0x6c: {  	_ = 	snop  }
0x6d: {  	[tilespmem:s12], [sflag:$0x4] =	stream.indirect.gather [hbm4b:s6+s15], $0x20, s13, s15, $0xb8;
	[tilespmem:$0x19C80] =	vst v63  }
0x6e: {  	_ = 	snop  }
0x6f: {  	[tilespmem:s19], [sflag:$0x4] =	stream.indirect.gather [hbm4b:s6+s17], $0x20, s18, s17, $0xb8;
	[tilespmem:$0x19C80] =	vst v63  }
0x70: {  	_ = 	snop  }
0x71: {  	[tilespmem:s21], [sflag:$0x4] =	stream.indirect.gather [hbm4b:s6+s15], $0x20, s20, s15, $0xb8;
	[tilespmem:$0x19C80] =	vst v63  }
0x72: {  	_ = 	snop  }
0x73: {  	[tilespmem:s23], [sflag:$0x4] =	stream.indirect.gather [hbm4b:s6+s17], $0x20, s22, s17, $0xb8;
	[tilespmem:$0x19C80] =	vst v63  }
0x74: {  	_ =	swait.ge [sflag:s24], $0x1000  }
0x75: {  	[sflag:s24] =	ssyncset.done $0x0  }
0x76: {  	[sflag:s24] =	ssyncadd.s32 $0xFFFFF000  }
0x77: {  	_ =	swait.ge [sflag:s24], $0x900  }
0x78: {  	[sflag:s24] =	ssyncset.done $0x0  }
0x79: {  	[sflag:s24] =	ssyncadd.s32 $0xFFFFF700  }
0x7a: {  	_ =	swait.ge [sflag:s24], $0x1000  }
0x7b: {  	[sflag:s24] =	ssyncset.done $0x0  }
0x7c: {  	[sflag:s24] =	ssyncadd.s32 $0xFFFFF000  }
0x7d: {  	_ =	swait.ge [sflag:s24], $0x900  }
0x7e: {  	[sflag:s24] =	ssyncset.done $0x0  }
0x7f: {  	[sflag:s24] =	ssyncadd.s32 $0xFFFFF700  }
0x80: {  	_ =	swait.ge [sflag:s24], $0x1000  }
0x81: {  	[sflag:s24] =	ssyncset.done $0x0  }
0x82: {  	[sflag:s24] =	ssyncadd.s32 $0xFFFFF000  }
0x83: {  	_ =	swait.ge [sflag:s24], $0x900  }
0x84: {  	[sflag:s24] =	ssyncset.done $0x0  }
0x85: {  	[sflag:s24] =	ssyncadd.s32 $0xFFFFF700  }
0x86: {  	_ =	swait.ge [sflag:s24], $0x1000  }
0x87: {  	[sflag:s24] =	ssyncset.done $0x0  }
0x88: {  	[sflag:s24] =	ssyncadd.s32 $0xFFFFF000  }
0x89: {  	_ =	swait.ge [sflag:s24], $0x900  }
0x8a: {  	[sflag:s24] =	ssyncset.done $0x0  }
0x8b: {  	[sflag:s24] =	ssyncadd.s32 $0xFFFFF700  }
0x8c: {  	_ =	swait.ge [sflag:s24], $0x1000  }
0x8d: {  	[sflag:s24] =	ssyncset.done $0x0  }
0x8e: {  	[sflag:s24] =	ssyncadd.s32 $0xFFFFF000  }
0x8f: {  	_ =	swait.ge [sflag:s24], $0x900  }
0x90: {  	[sflag:s24] =	ssyncset.done $0x0  }
0x91: {  	[sflag:s24] =	ssyncadd.s32 $0xFFFFF700  }
0x92: {  	_ =	swait.ge [sflag:s24], $0x1000  }
0x93: {  	[sflag:s24] =	ssyncset.done $0x0  }
0x94: {  	[sflag:s24] =	ssyncadd.s32 $0xFFFFF000  }
0x95: {  	_ =	swait.ge [sflag:s24], $0x900  }
0x96: {  	[sflag:s24] =	ssyncset.done $0x0  }
0x97: {  	[sflag:s24] =	ssyncadd.s32 $0xFFFFF700  }
0x98: {  	_ =	swait.ge [sflag:s24], $0x1000  }
0x99: {  	[sflag:s24] =	ssyncset.done $0x0  }
0x9a: {  	[sflag:s24] =	ssyncadd.s32 $0xFFFFF000  }
0x9b: {  	_ =	swait.ge [sflag:s24], $0x900  }
0x9c: {  	[sflag:s24] =	ssyncset.done $0x0  }
0x9d: {  	[sflag:s24] =	ssyncadd.s32 $0xFFFFF700  }
0x9e: {  	_ =	swait.ge [sflag:s24], $0x1000  }
.Ltmp4:
0x9f: {  	[sflag:s24] =	ssyncset.done $0x0;
	(pc) =	sbr.rel .LBB2_3-.Ltmp4, $4  }
0xa0: {  	[sflag:s24] =	ssyncadd.s32 $0xFFFFF000  }
0xa1: {  	_ =	swait.ge [sflag:s24], $0x900  }
0xa2: {  	s9 =	sshll.u32 s28, $0x4;
	[sflag:s24] =	ssyncset.done $0x0  }
0xa3: {  	s10 =	simm.s32 $0x0;
	s29 =	sor.u32 $0x8, s9;
	[sflag:s24] =	ssyncadd.s32 $0xFFFFF700  }
.LBB2_54:
0xa4: {  	_ =	sdelay $0x4  }
0xa5: {  	[tilespmem:v14+s0+$0x0] =	vst.idx.msk vm0, v1  }
.LBB2_55:
0xa6: {  	s10 =	sadd.s32 $0x1, s10  }
0xa7: {  	p0 =	sne.s32 s10, $0x8  }
.Ltmp5:
0xa8: {  	_ = 	snop;
	(pc) =	sbr.rel @!p0 .LBB2_56-.Ltmp5, $1  }
0xa9: {  	_ =	sdelay $0x3  }
.LBB2_3:
0xaa: {  	s0 =	smul.u32 $0x320, s10;
	_ =	sdelay $0x1  }
0xab: {  	s1 =	sshra.s32 s0, $0x2  }
0xac: {  	v14 =	vld [tilespmem:s1+$0x0];
	_ =	sdelay $0x4  }
0xad: {  	vm0 =	veq.s32 v14, $0x0  }
0xae: {  	v14 =	vsel vm0, $0x3F800000, v1  }
0xaf: {  	(xrf0) =	vmax.scan.msk.f32 $0xffff, v14;
	_ =	sdelay $0x5  }
0xb0: {  	v14, _, _ =	vpop (xrf0)  }
0xb1: {  	(v2sf) =	vpush v14, $0xF;
	_ =	sdelay $0xe  }
0xb2: {  	s7 =	spop (v2sf)  }
0xb3: {  	p0 =	sgt.f32 s7, $0.0e+00  }
.Ltmp6:
0xb4: {  	_ = 	snop;
	(pc) =	sbr.rel @!p0 .LBB2_7-.Ltmp6, $3  }
0xb5: {  	_ = 	snop  }
0xb6: {  	s8 =	smul.u32 $0x6400, s10;
	_ =	sdelay $0x1  }
0xb7: {  	s0 =	sshra.s32 s8, $0x2  }
0xb8: {  	s7 =	simm.s32 $0x0  }
0xb9: {  	v14 =	vmov s7  }
0xba: {  	v14 =	vand.u32 $0x1F, v14  }
0xbb: {  	v14 =	vbroadcast v14, $0x0;
	_ =	sdelay $0x1  }
0xbc: {  	s8 =	simm.s32 $0x1;
	s7 =	sadd.s32 $0xC80, s0;
	v14 =	vor.u32 v0, v14  }
.LBB2_5:
0xbd: {  	p0 =	sne.s32 s8, $0x1F  }
.Ltmp7:
0xbe: {  	v15 =	vmov s8;
	s8 =	sadd.s32 $0x1, s8;
	(pc) =	sbr.rel @p0 .LBB2_5-.Ltmp7, $4  }
0xbf: {  	v15 =	vand.u32 $0x1F, v15  }
0xc0: {  	v15 =	vbroadcast v15, $0x0  }
0xc1: {  	[tilespmem:v14+s7+$0x0] =	vst.idx.msk vm0, v1  }
0xc2: {  	v14 =	vor.u32 v0, v15  }
0xc3: {  	_ =	sdelay $0x4  }
0xc4: {  	[tilespmem:v14+s7+$0x0] =	vst.idx.msk vm0, v1  }
.LBB2_7:
0xc5: {  	v14 =	vld [tilespmem:s1+$0x10];
	_ =	sdelay $0x4  }
0xc6: {  	vm0 =	veq.s32 v14, $0x0  }
0xc7: {  	v14 =	vsel vm0, $0x3F800000, v1  }
0xc8: {  	(xrf0) =	vmax.scan.msk.f32 $0xffff, v14;
	_ =	sdelay $0x5  }
0xc9: {  	v14, _, _ =	vpop (xrf0)  }
0xca: {  	(v2sf) =	vpush v14, $0xF;
	_ =	sdelay $0xe  }
0xcb: {  	s7 =	spop (v2sf)  }
0xcc: {  	p0 =	sgt.f32 s7, $0.0e+00  }
.Ltmp8:
0xcd: {  	_ = 	snop;
	(pc) =	sbr.rel @!p0 .LBB2_11-.Ltmp8, $1  }
0xce: {  	_ =	sdelay $0x3  }
0xcf: {  	s7 =	simm.s32 $0x0  }
0xd0: {  	v14 =	vmov s7  }
0xd1: {  	v14 =	vand.u32 $0x1F, v14  }
0xd2: {  	v14 =	vbroadcast v14, $0x0;
	_ =	sdelay $0x1  }
0xd3: {  	s8 =	simm.s32 $0x1;
	s7 =	sadd.s32 $0xC80, s0;
	v14 =	vor.u32 v2, v14  }
.LBB2_9:
0xd4: {  	p0 =	sne.s32 s8, $0x1F  }
.Ltmp9:
0xd5: {  	v15 =	vmov s8;
	s8 =	sadd.s32 $0x1, s8;
	(pc) =	sbr.rel @p0 .LBB2_9-.Ltmp9, $4  }
0xd6: {  	v15 =	vand.u32 $0x1F, v15  }
0xd7: {  	v15 =	vbroadcast v15, $0x0  }
0xd8: {  	[tilespmem:v14+s7+$0x0] =	vst.idx.msk vm0, v1  }
0xd9: {  	v14 =	vor.u32 v2, v15  }
0xda: {  	_ =	sdelay $0x4  }
0xdb: {  	[tilespmem:v14+s7+$0x0] =	vst.idx.msk vm0, v1  }
.LBB2_11:
0xdc: {  	v14 =	vld [tilespmem:s1+$0x20];
	_ =	sdelay $0x4  }
0xdd: {  	vm0 =	veq.s32 v14, $0x0  }
0xde: {  	v14 =	vsel vm0, $0x3F800000, v1  }
0xdf: {  	(xrf0) =	vmax.scan.msk.f32 $0xffff, v14;
	_ =	sdelay $0x5  }
0xe0: {  	v14, _, _ =	vpop (xrf0)  }
0xe1: {  	(v2sf) =	vpush v14, $0xF;
	_ =	sdelay $0xe  }
0xe2: {  	s7 =	spop (v2sf)  }
0xe3: {  	p0 =	sgt.f32 s7, $0.0e+00  }
.Ltmp10:
0xe4: {  	_ = 	snop;
	(pc) =	sbr.rel @!p0 .LBB2_15-.Ltmp10, $1  }
0xe5: {  	_ =	sdelay $0x3  }
0xe6: {  	s7 =	simm.s32 $0x0  }
0xe7: {  	v14 =	vmov s7  }
0xe8: {  	v14 =	vand.u32 $0x1F, v14  }
0xe9: {  	v14 =	vbroadcast v14, $0x0;
	_ =	sdelay $0x1  }
0xea: {  	s8 =	simm.s32 $0x1;
	s7 =	sadd.s32 $0xC80, s0;
	v14 =	vor.u32 v3, v14  }
.LBB2_13:
0xeb: {  	p0 =	sne.s32 s8, $0x1F  }
.Ltmp11:
0xec: {  	v15 =	vmov s8;
	s8 =	sadd.s32 $0x1, s8;
	(pc) =	sbr.rel @p0 .LBB2_13-.Ltmp11, $4  }
0xed: {  	v15 =	vand.u32 $0x1F, v15  }
0xee: {  	v15 =	vbroadcast v15, $0x0  }
0xef: {  	[tilespmem:v14+s7+$0x0] =	vst.idx.msk vm0, v1  }
0xf0: {  	v14 =	vor.u32 v3, v15  }
0xf1: {  	_ =	sdelay $0x4  }
0xf2: {  	[tilespmem:v14+s7+$0x0] =	vst.idx.msk vm0, v1  }
.LBB2_15:
0xf3: {  	v14 =	vld [tilespmem:s1+$0x30];
	_ =	sdelay $0x4  }
0xf4: {  	vm0 =	veq.s32 v14, $0x0  }
0xf5: {  	v14 =	vsel vm0, $0x3F800000, v1  }
0xf6: {  	(xrf0) =	vmax.scan.msk.f32 $0xffff, v14;
	_ =	sdelay $0x5  }
0xf7: {  	v14, _, _ =	vpop (xrf0)  }
0xf8: {  	(v2sf) =	vpush v14, $0xF;
	_ =	sdelay $0xe  }
0xf9: {  	s7 =	spop (v2sf)  }
0xfa: {  	p0 =	sgt.f32 s7, $0.0e+00  }
.Ltmp12:
0xfb: {  	_ = 	snop;
	(pc) =	sbr.rel @!p0 .LBB2_19-.Ltmp12, $1  }
0xfc: {  	_ =	sdelay $0x3  }
0xfd: {  	s7 =	simm.s32 $0x0  }
0xfe: {  	v14 =	vmov s7  }
0xff: {  	v14 =	vand.u32 $0x1F, v14  }
0x100: {  	v14 =	vbroadcast v14, $0x0;
	_ =	sdelay $0x1  }
0x101: {  	s8 =	simm.s32 $0x1;
	s7 =	sadd.s32 $0xC80, s0;
	v14 =	vor.u32 v4, v14  }
.LBB2_17:
0x102: {  	p0 =	sne.s32 s8, $0x1F  }
.Ltmp13:
0x103: {  	v15 =	vmov s8;
	s8 =	sadd.s32 $0x1, s8;
	(pc) =	sbr.rel @p0 .LBB2_17-.Ltmp13, $4  }
0x104: {  	v15 =	vand.u32 $0x1F, v15  }
0x105: {  	v15 =	vbroadcast v15, $0x0  }
0x106: {  	[tilespmem:v14+s7+$0x0] =	vst.idx.msk vm0, v1  }
0x107: {  	v14 =	vor.u32 v4, v15  }
0x108: {  	_ =	sdelay $0x4  }
0x109: {  	[tilespmem:v14+s7+$0x0] =	vst.idx.msk vm0, v1  }
.LBB2_19:
0x10a: {  	v14 =	vld [tilespmem:s1+$0x40];
	_ =	sdelay $0x4  }
0x10b: {  	vm0 =	veq.s32 v14, $0x0  }
0x10c: {  	v14 =	vsel vm0, $0x3F800000, v1  }
0x10d: {  	(xrf0) =	vmax.scan.msk.f32 $0xffff, v14;
	_ =	sdelay $0x5  }
0x10e: {  	v14, _, _ =	vpop (xrf0)  }
0x10f: {  	(v2sf) =	vpush v14, $0xF;
	_ =	sdelay $0xe  }
0x110: {  	s7 =	spop (v2sf)  }
0x111: {  	p0 =	sgt.f32 s7, $0.0e+00  }
.Ltmp14:
0x112: {  	_ = 	snop;
	(pc) =	sbr.rel @!p0 .LBB2_23-.Ltmp14, $1  }
0x113: {  	_ =	sdelay $0x3  }
0x114: {  	s7 =	simm.s32 $0x0  }
0x115: {  	v14 =	vmov s7  }
0x116: {  	v14 =	vand.u32 $0x1F, v14  }
0x117: {  	v14 =	vbroadcast v14, $0x0;
	_ =	sdelay $0x1  }
0x118: {  	s8 =	simm.s32 $0x1;
	s7 =	sadd.s32 $0xC80, s0;
	v14 =	vor.u32 v5, v14  }
.LBB2_21:
0x119: {  	p0 =	sne.s32 s8, $0x1F  }
.Ltmp15:
0x11a: {  	v15 =	vmov s8;
	s8 =	sadd.s32 $0x1, s8;
	(pc) =	sbr.rel @p0 .LBB2_21-.Ltmp15, $4  }
0x11b: {  	v15 =	vand.u32 $0x1F, v15  }
0x11c: {  	v15 =	vbroadcast v15, $0x0  }
0x11d: {  	[tilespmem:v14+s7+$0x0] =	vst.idx.msk vm0, v1  }
0x11e: {  	v14 =	vor.u32 v5, v15  }
0x11f: {  	_ =	sdelay $0x4  }
0x120: {  	[tilespmem:v14+s7+$0x0] =	vst.idx.msk vm0, v1  }
.LBB2_23:
0x121: {  	v14 =	vld [tilespmem:s1+$0x50];
	_ =	sdelay $0x4  }
0x122: {  	vm0 =	veq.s32 v14, $0x0  }
0x123: {  	v14 =	vsel vm0, $0x3F800000, v1  }
0x124: {  	(xrf0) =	vmax.scan.msk.f32 $0xffff, v14;
	_ =	sdelay $0x5  }
0x125: {  	v14, _, _ =	vpop (xrf0)  }
0x126: {  	(v2sf) =	vpush v14, $0xF;
	_ =	sdelay $0xe  }
0x127: {  	s7 =	spop (v2sf)  }
0x128: {  	p0 =	sgt.f32 s7, $0.0e+00  }
.Ltmp16:
0x129: {  	_ = 	snop;
	(pc) =	sbr.rel @!p0 .LBB2_27-.Ltmp16, $1  }
0x12a: {  	_ =	sdelay $0x3  }
0x12b: {  	s7 =	simm.s32 $0x0  }
0x12c: {  	v14 =	vmov s7  }
0x12d: {  	v14 =	vand.u32 $0x1F, v14  }
0x12e: {  	v14 =	vbroadcast v14, $0x0;
	_ =	sdelay $0x1  }
0x12f: {  	s8 =	simm.s32 $0x1;
	s7 =	sadd.s32 $0xC80, s0;
	v14 =	vor.u32 v6, v14  }
.LBB2_25:
0x130: {  	p0 =	sne.s32 s8, $0x1F  }
.Ltmp17:
0x131: {  	v15 =	vmov s8;
	s8 =	sadd.s32 $0x1, s8;
	(pc) =	sbr.rel @p0 .LBB2_25-.Ltmp17, $4  }
0x132: {  	v15 =	vand.u32 $0x1F, v15  }
0x133: {  	v15 =	vbroadcast v15, $0x0  }
0x134: {  	[tilespmem:v14+s7+$0x0] =	vst.idx.msk vm0, v1  }
0x135: {  	v14 =	vor.u32 v6, v15  }
0x136: {  	_ =	sdelay $0x4  }
0x137: {  	[tilespmem:v14+s7+$0x0] =	vst.idx.msk vm0, v1  }
.LBB2_27:
0x138: {  	v14 =	vld [tilespmem:s1+$0x60];
	_ =	sdelay $0x4  }
0x139: {  	vm0 =	veq.s32 v14, $0x0  }
0x13a: {  	v14 =	vsel vm0, $0x3F800000, v1  }
0x13b: {  	(xrf0) =	vmax.scan.msk.f32 $0xffff, v14;
	_ =	sdelay $0x5  }
0x13c: {  	v14, _, _ =	vpop (xrf0)  }
0x13d: {  	(v2sf) =	vpush v14, $0xF;
	_ =	sdelay $0xe  }
0x13e: {  	s7 =	spop (v2sf)  }
0x13f: {  	p0 =	sgt.f32 s7, $0.0e+00  }
.Ltmp18:
0x140: {  	_ = 	snop;
	(pc) =	sbr.rel @!p0 .LBB2_31-.Ltmp18, $1  }
0x141: {  	_ =	sdelay $0x3  }
0x142: {  	s7 =	simm.s32 $0x0  }
0x143: {  	v14 =	vmov s7  }
0x144: {  	v14 =	vand.u32 $0x1F, v14  }
0x145: {  	v14 =	vbroadcast v14, $0x0;
	_ =	sdelay $0x1  }
0x146: {  	s8 =	simm.s32 $0x1;
	s7 =	sadd.s32 $0xC80, s0;
	v14 =	vor.u32 v7, v14  }
.LBB2_29:
0x147: {  	p0 =	sne.s32 s8, $0x1F  }
.Ltmp19:
0x148: {  	v15 =	vmov s8;
	s8 =	sadd.s32 $0x1, s8;
	(pc) =	sbr.rel @p0 .LBB2_29-.Ltmp19, $4  }
0x149: {  	v15 =	vand.u32 $0x1F, v15  }
0x14a: {  	v15 =	vbroadcast v15, $0x0  }
0x14b: {  	[tilespmem:v14+s7+$0x0] =	vst.idx.msk vm0, v1  }
0x14c: {  	v14 =	vor.u32 v7, v15  }
0x14d: {  	_ =	sdelay $0x4  }
0x14e: {  	[tilespmem:v14+s7+$0x0] =	vst.idx.msk vm0, v1  }
.LBB2_31:
0x14f: {  	v14 =	vld [tilespmem:s1+$0x70];
	_ =	sdelay $0x4  }
0x150: {  	vm0 =	veq.s32 v14, $0x0  }
0x151: {  	v14 =	vsel vm0, $0x3F800000, v1  }
0x152: {  	(xrf0) =	vmax.scan.msk.f32 $0xffff, v14;
	_ =	sdelay $0x5  }
0x153: {  	v14, _, _ =	vpop (xrf0)  }
0x154: {  	(v2sf) =	vpush v14, $0xF;
	_ =	sdelay $0xe  }
0x155: {  	s7 =	spop (v2sf)  }
0x156: {  	p0 =	sgt.f32 s7, $0.0e+00  }
.Ltmp20:
0x157: {  	_ = 	snop;
	(pc) =	sbr.rel @!p0 .LBB2_35-.Ltmp20, $1  }
0x158: {  	_ =	sdelay $0x3  }
0x159: {  	s7 =	simm.s32 $0x0  }
0x15a: {  	v14 =	vmov s7  }
0x15b: {  	v14 =	vand.u32 $0x1F, v14  }
0x15c: {  	v14 =	vbroadcast v14, $0x0;
	_ =	sdelay $0x1  }
0x15d: {  	s8 =	simm.s32 $0x1;
	s7 =	sadd.s32 $0xC80, s0;
	v14 =	vor.u32 v8, v14  }
.LBB2_33:
0x15e: {  	p0 =	sne.s32 s8, $0x1F  }
.Ltmp21:
0x15f: {  	v15 =	vmov s8;
	s8 =	sadd.s32 $0x1, s8;
	(pc) =	sbr.rel @p0 .LBB2_33-.Ltmp21, $4  }
0x160: {  	v15 =	vand.u32 $0x1F, v15  }
0x161: {  	v15 =	vbroadcast v15, $0x0  }
0x162: {  	[tilespmem:v14+s7+$0x0] =	vst.idx.msk vm0, v1  }
0x163: {  	v14 =	vor.u32 v8, v15  }
0x164: {  	_ =	sdelay $0x4  }
0x165: {  	[tilespmem:v14+s7+$0x0] =	vst.idx.msk vm0, v1  }
.LBB2_35:
0x166: {  	v14 =	vld [tilespmem:s1+$0x80];
	_ =	sdelay $0x4  }
0x167: {  	vm0 =	veq.s32 v14, $0x0  }
0x168: {  	v14 =	vsel vm0, $0x3F800000, v1  }
0x169: {  	(xrf0) =	vmax.scan.msk.f32 $0xffff, v14;
	_ =	sdelay $0x5  }
0x16a: {  	v14, _, _ =	vpop (xrf0)  }
0x16b: {  	(v2sf) =	vpush v14, $0xF;
	_ =	sdelay $0xe  }
0x16c: {  	s7 =	spop (v2sf)  }
0x16d: {  	p0 =	sgt.f32 s7, $0.0e+00  }
.Ltmp22:
0x16e: {  	_ = 	snop;
	(pc) =	sbr.rel @!p0 .LBB2_39-.Ltmp22, $1  }
0x16f: {  	_ =	sdelay $0x3  }
0x170: {  	s7 =	simm.s32 $0x0  }
0x171: {  	v14 =	vmov s7  }
0x172: {  	v14 =	vand.u32 $0x1F, v14  }
0x173: {  	v14 =	vbroadcast v14, $0x0;
	_ =	sdelay $0x1  }
0x174: {  	s8 =	simm.s32 $0x1;
	s7 =	sadd.s32 $0xC80, s0;
	v14 =	vor.u32 v9, v14  }
.LBB2_37:
0x175: {  	p0 =	sne.s32 s8, $0x1F  }
.Ltmp23:
0x176: {  	v15 =	vmov s8;
	s8 =	sadd.s32 $0x1, s8;
	(pc) =	sbr.rel @p0 .LBB2_37-.Ltmp23, $4  }
0x177: {  	v15 =	vand.u32 $0x1F, v15  }
0x178: {  	v15 =	vbroadcast v15, $0x0  }
0x179: {  	[tilespmem:v14+s7+$0x0] =	vst.idx.msk vm0, v1  }
0x17a: {  	v14 =	vor.u32 v9, v15  }
0x17b: {  	_ =	sdelay $0x4  }
0x17c: {  	[tilespmem:v14+s7+$0x0] =	vst.idx.msk vm0, v1  }
.LBB2_39:
0x17d: {  	v14 =	vld [tilespmem:s1+$0x90];
	_ =	sdelay $0x4  }
0x17e: {  	vm0 =	veq.s32 v14, $0x0  }
0x17f: {  	v14 =	vsel vm0, $0x3F800000, v1  }
0x180: {  	(xrf0) =	vmax.scan.msk.f32 $0xffff, v14;
	_ =	sdelay $0x5  }
0x181: {  	v14, _, _ =	vpop (xrf0)  }
0x182: {  	(v2sf) =	vpush v14, $0xF;
	_ =	sdelay $0xe  }
0x183: {  	s7 =	spop (v2sf)  }
0x184: {  	p0 =	sgt.f32 s7, $0.0e+00  }
.Ltmp24:
0x185: {  	_ = 	snop;
	(pc) =	sbr.rel @!p0 .LBB2_43-.Ltmp24, $1  }
0x186: {  	_ =	sdelay $0x3  }
0x187: {  	s7 =	simm.s32 $0x0  }
0x188: {  	v14 =	vmov s7  }
0x189: {  	v14 =	vand.u32 $0x1F, v14  }
0x18a: {  	v14 =	vbroadcast v14, $0x0;
	_ =	sdelay $0x1  }
0x18b: {  	s8 =	simm.s32 $0x1;
	s7 =	sadd.s32 $0xC80, s0;
	v14 =	vor.u32 v10, v14  }
.LBB2_41:
0x18c: {  	p0 =	sne.s32 s8, $0x1F  }
.Ltmp25:
0x18d: {  	v15 =	vmov s8;
	s8 =	sadd.s32 $0x1, s8;
	(pc) =	sbr.rel @p0 .LBB2_41-.Ltmp25, $4  }
0x18e: {  	v15 =	vand.u32 $0x1F, v15  }
0x18f: {  	v15 =	vbroadcast v15, $0x0  }
0x190: {  	[tilespmem:v14+s7+$0x0] =	vst.idx.msk vm0, v1  }
0x191: {  	v14 =	vor.u32 v10, v15  }
0x192: {  	_ =	sdelay $0x4  }
0x193: {  	[tilespmem:v14+s7+$0x0] =	vst.idx.msk vm0, v1  }
.LBB2_43:
0x194: {  	v14 =	vld [tilespmem:s1+$0xA0];
	_ =	sdelay $0x4  }
0x195: {  	vm0 =	veq.s32 v14, $0x0  }
0x196: {  	v14 =	vsel vm0, $0x3F800000, v1  }
0x197: {  	(xrf0) =	vmax.scan.msk.f32 $0xffff, v14;
	_ =	sdelay $0x5  }
0x198: {  	v14, _, _ =	vpop (xrf0)  }
0x199: {  	(v2sf) =	vpush v14, $0xF;
	_ =	sdelay $0xe  }
0x19a: {  	s7 =	spop (v2sf)  }
0x19b: {  	p0 =	sgt.f32 s7, $0.0e+00  }
.Ltmp26:
0x19c: {  	_ = 	snop;
	(pc) =	sbr.rel @!p0 .LBB2_47-.Ltmp26, $1  }
0x19d: {  	_ =	sdelay $0x3  }
0x19e: {  	s7 =	simm.s32 $0x0  }
0x19f: {  	v14 =	vmov s7  }
0x1a0: {  	v14 =	vand.u32 $0x1F, v14  }
0x1a1: {  	v14 =	vbroadcast v14, $0x0;
	_ =	sdelay $0x1  }
0x1a2: {  	s8 =	simm.s32 $0x1;
	s7 =	sadd.s32 $0xC80, s0;
	v14 =	vor.u32 v11, v14  }
.LBB2_45:
0x1a3: {  	p0 =	sne.s32 s8, $0x1F  }
.Ltmp27:
0x1a4: {  	v15 =	vmov s8;
	s8 =	sadd.s32 $0x1, s8;
	(pc) =	sbr.rel @p0 .LBB2_45-.Ltmp27, $4  }
0x1a5: {  	v15 =	vand.u32 $0x1F, v15  }
0x1a6: {  	v15 =	vbroadcast v15, $0x0  }
0x1a7: {  	[tilespmem:v14+s7+$0x0] =	vst.idx.msk vm0, v1  }
0x1a8: {  	v14 =	vor.u32 v11, v15  }
0x1a9: {  	_ =	sdelay $0x4  }
0x1aa: {  	[tilespmem:v14+s7+$0x0] =	vst.idx.msk vm0, v1  }
.LBB2_47:
0x1ab: {  	v14 =	vld [tilespmem:s1+$0xB0];
	_ =	sdelay $0x4  }
0x1ac: {  	vm0 =	veq.s32 v14, $0x0  }
0x1ad: {  	v14 =	vsel vm0, $0x3F800000, v1  }
0x1ae: {  	(xrf0) =	vmax.scan.msk.f32 $0xffff, v14;
	_ =	sdelay $0x5  }
0x1af: {  	v14, _, _ =	vpop (xrf0)  }
0x1b0: {  	(v2sf) =	vpush v14, $0xF;
	_ =	sdelay $0xe  }
0x1b1: {  	s7 =	spop (v2sf)  }
0x1b2: {  	p0 =	sgt.f32 s7, $0.0e+00  }
.Ltmp28:
0x1b3: {  	_ = 	snop;
	(pc) =	sbr.rel @!p0 .LBB2_51-.Ltmp28, $1  }
0x1b4: {  	_ =	sdelay $0x3  }
0x1b5: {  	s7 =	simm.s32 $0x0  }
0x1b6: {  	v14 =	vmov s7  }
0x1b7: {  	v14 =	vand.u32 $0x1F, v14  }
0x1b8: {  	v14 =	vbroadcast v14, $0x0;
	_ =	sdelay $0x1  }
0x1b9: {  	s8 =	simm.s32 $0x1;
	s7 =	sadd.s32 $0xC80, s0;
	v14 =	vor.u32 v12, v14  }
.LBB2_49:
0x1ba: {  	p0 =	sne.s32 s8, $0x1F  }
.Ltmp29:
0x1bb: {  	v15 =	vmov s8;
	s8 =	sadd.s32 $0x1, s8;
	(pc) =	sbr.rel @p0 .LBB2_49-.Ltmp29, $4  }
0x1bc: {  	v15 =	vand.u32 $0x1F, v15  }
0x1bd: {  	v15 =	vbroadcast v15, $0x0  }
0x1be: {  	[tilespmem:v14+s7+$0x0] =	vst.idx.msk vm0, v1  }
0x1bf: {  	v14 =	vor.u32 v12, v15  }
0x1c0: {  	_ =	sdelay $0x4  }
0x1c1: {  	[tilespmem:v14+s7+$0x0] =	vst.idx.msk vm0, v1  }
.LBB2_51:
0x1c2: {  	v14 =	vld [tilespmem:s1+$0xB8];
	_ =	sdelay $0x4  }
0x1c3: {  	vm0 =	veq.s32 v14, $0x0  }
0x1c4: {  	v14 =	vsel vm0, $0x3F800000, v1  }
0x1c5: {  	(xrf0) =	vmax.scan.msk.f32 $0xffff, v14;
	_ =	sdelay $0x5  }
0x1c6: {  	v14, _, _ =	vpop (xrf0)  }
0x1c7: {  	(v2sf) =	vpush v14, $0xF;
	_ =	sdelay $0xe  }
0x1c8: {  	s8 =	spop (v2sf)  }
0x1c9: {  	p0 =	sgt.f32 s8, $0.0e+00  }
.Ltmp30:
0x1ca: {  	_ = 	snop;
	(pc) =	sbr.rel @!p0 .LBB2_55-.Ltmp30, $1  }
0x1cb: {  	_ =	sdelay $0x3  }
0x1cc: {  	s1 =	simm.s32 $0x0  }
0x1cd: {  	v14 =	vmov s1  }
0x1ce: {  	v14 =	vand.u32 $0x1F, v14  }
0x1cf: {  	v14 =	vbroadcast v14, $0x0;
	_ =	sdelay $0x1  }
0x1d0: {  	s0 =	sadd.s32 $0xC80, s0;
	s1 =	simm.s32 $0x1;
	v14 =	vor.u32 v13, v14  }
.LBB2_53:
0x1d1: {  	p0 =	sne.s32 s1, $0x1F  }
.Ltmp31:
0x1d2: {  	v15 =	vmov s1;
	s1 =	sadd.s32 $0x1, s1;
	(pc) =	sbr.rel @p0 .LBB2_53-.Ltmp31, $4  }
0x1d3: {  	v15 =	vand.u32 $0x1F, v15  }
0x1d4: {  	v15 =	vbroadcast v15, $0x0  }
0x1d5: {  	[tilespmem:v14+s0+$0x0] =	vst.idx.msk vm0, v1  }
0x1d6: {  	v14 =	vor.u32 v13, v15  }
.Ltmp32:
0x1d7: {  	_ = 	snop;
	(pc) =	sbr.rel .LBB2_54-.Ltmp32, $1  }
0x1d8: {  	_ =	sdelay $0x3  }
.LBB2_56:
0x1d9: {  	p0 =	seq.s32 s28, $0x7  }
.Ltmp33:
0x1da: {  	_ = 	snop;
	(pc) =	sbr.rel @!p0 .LBB2_57-.Ltmp33, $1  }
0x1db: {  	_ =	sdelay $0x3  }
.Ltmp34:
0x1dc: {  	s0 =	rddreg [dreg:$0x6];
	(pc) =	sbr.rel .LBB2_59-.Ltmp34, $4  }
0x1dd: {  	[hbm4b:s0+s3] =	stream.linear.scatter [tilespmem:s16], [sflag:$0x5], $0xC800, $0x38;
	[tilespmem:$0x19C80] =	vst v63  }
0x1de: {  	_ =	swait.ge [sflag:s25], $0xC800  }
0x1df: {  	[sflag:s25] =	ssyncset.done $0x0  }
0x1e0: {  	[sflag:s25] =	ssyncadd.s32 $0xFFFF3800  }
.LBB2_57:
0x1e1: {  	s0 =	rddreg [dreg:$0x5]  }
0x1e2: {  	s0 =	sadd.s32 s9, s0  }
0x1e3: {  	s0 =	smul.u32 $0x19, s0  }
0x1e4: {  	s1 =	sadd.s32 s4, s9  }
0x1e5: {  	s1 =	smul.u32 $0x320, s1;
	s0 =	sadd.s32 s5, s0  }
0x1e6: {  	[tilespmem:s3], [sflag:$0x1] =	stream.linear.gather [hbm4b:s0+s3], $0x640, $0x38;
	[tilespmem:$0x19C80] =	vst v63  }
0x1e7: {  	s8 =	sadd.s32 s2, s1  }
0x1e8: {  	[hbm4b:s8+s3] =	stream.linear.scatter [tilespmem:s16], [sflag:$0x5], $0xC800, $0x38;
	[tilespmem:$0x19C80] =	vst v63  }
0x1e9: {  	_ =	swait.ge [sflag:s14], $0x640  }
0x1ea: {  	[sflag:s14] =	ssyncset.done $0x0  }
0x1eb: {  	[sflag:s14] =	ssyncadd.s32 $0xFFFFF9C0  }
0x1ec: {  	_ =	swait.ge [sflag:s25], $0xC800  }
0x1ed: {  	[sflag:s25] =	ssyncset.done $0x0  }
0x1ee: {  	[sflag:s25] =	ssyncadd.s32 $0xFFFF3800  }
0x1ef: {  	[tilespmem:s16], [sflag:$0x3] =	stream.indirect.gather [hbm4b:s6+s15], $0x20, s3, s15, $0xb8;
	[tilespmem:$0x19C80] =	vst v63  }
0x1f0: {  	s10 =	simm.s32 $0x1C80  }
0x1f1: {  	[tilespmem:s10], [sflag:$0x3] =	stream.indirect.gather [hbm4b:s6+s17], $0x20, s15, s17, $0xb8;
	[tilespmem:$0x19C80] =	vst v63  }
0x1f2: {  	s7 =	simm.s32 $0x2580;
	s1 =	simm.s32 $0xC8  }
0x1f3: {  	[tilespmem:s7], [sflag:$0x3] =	stream.indirect.gather [hbm4b:s6+s15], $0x20, s1, s15, $0xb8;
	[tilespmem:$0x19C80] =	vst v63  }
0x1f4: {  	s8 =	simm.s32 $0x148;
	s10 =	simm.s32 $0x3580  }
0x1f5: {  	[tilespmem:s10], [sflag:$0x3] =	stream.indirect.gather [hbm4b:s6+s17], $0x20, s8, s17, $0xb8;
	[tilespmem:$0x19C80] =	vst v63  }
0x1f6: {  	s1 =	simm.s32 $0x190;
	s7 =	simm.s32 $0x3E80  }
0x1f7: {  	[tilespmem:s7], [sflag:$0x3] =	stream.indirect.gather [hbm4b:s6+s15], $0x20, s1, s15, $0xb8;
	[tilespmem:$0x19C80] =	vst v63  }
0x1f8: {  	s8 =	simm.s32 $0x210;
	s10 =	simm.s32 $0x4E80  }
0x1f9: {  	[tilespmem:s10], [sflag:$0x3] =	stream.indirect.gather [hbm4b:s6+s17], $0x20, s8, s17, $0xb8;
	[tilespmem:$0x19C80] =	vst v63  }
0x1fa: {  	s1 =	simm.s32 $0x258;
	s7 =	simm.s32 $0x5780  }
0x1fb: {  	[tilespmem:s7], [sflag:$0x3] =	stream.indirect.gather [hbm4b:s6+s15], $0x20, s1, s15, $0xb8;
	[tilespmem:$0x19C80] =	vst v63  }
0x1fc: {  	s8 =	simm.s32 $0x2D8;
	s10 =	simm.s32 $0x6780  }
0x1fd: {  	[tilespmem:s10], [sflag:$0x3] =	stream.indirect.gather [hbm4b:s6+s17], $0x20, s8, s17, $0xb8;
	[tilespmem:$0x19C80] =	vst v63  }
0x1fe: {  	s1 =	simm.s32 $0x320;
	s7 =	simm.s32 $0x7080  }
0x1ff: {  	[tilespmem:s7], [sflag:$0x3] =	stream.indirect.gather [hbm4b:s6+s15], $0x20, s1, s15, $0xb8;
	[tilespmem:$0x19C80] =	vst v63  }
0x200: {  	s8 =	simm.s32 $0x3A0;
	s10 =	simm.s32 $0x8080  }
0x201: {  	[tilespmem:s10], [sflag:$0x3] =	stream.indirect.gather [hbm4b:s6+s17], $0x20, s8, s17, $0xb8;
	[tilespmem:$0x19C80] =	vst v63  }
0x202: {  	s1 =	simm.s32 $0x3E8;
	s7 =	simm.s32 $0x8980  }
0x203: {  	[tilespmem:s7], [sflag:$0x3] =	stream.indirect.gather [hbm4b:s6+s15], $0x20, s1, s15, $0xb8;
	[tilespmem:$0x19C80] =	vst v63  }
0x204: {  	s8 =	simm.s32 $0x468;
	s10 =	simm.s32 $0x9980  }
0x205: {  	[tilespmem:s10], [sflag:$0x3] =	stream.indirect.gather [hbm4b:s6+s17], $0x20, s8, s17, $0xb8;
	[tilespmem:$0x19C80] =	vst v63  }
0x206: {  	s1 =	simm.s32 $0x4B0;
	s7 =	simm.s32 $0xA280  }
0x207: {  	[tilespmem:s7], [sflag:$0x3] =	stream.indirect.gather [hbm4b:s6+s15], $0x20, s1, s15, $0xb8;
	[tilespmem:$0x19C80] =	vst v63  }
0x208: {  	s8 =	simm.s32 $0x530;
	s10 =	simm.s32 $0xB280  }
0x209: {  	[tilespmem:s10], [sflag:$0x3] =	stream.indirect.gather [hbm4b:s6+s17], $0x20, s8, s17, $0xb8;
	[tilespmem:$0x19C80] =	vst v63  }
0x20a: {  	s1 =	simm.s32 $0x578;
	s7 =	simm.s32 $0xBB80  }
0x20b: {  	[tilespmem:s7], [sflag:$0x3] =	stream.indirect.gather [hbm4b:s6+s15], $0x20, s1, s15, $0xb8;
	[tilespmem:$0x19C80] =	vst v63  }
0x20c: {  	s8 =	simm.s32 $0x5F8;
	s10 =	simm.s32 $0xCB80  }
0x20d: {  	[tilespmem:s10], [sflag:$0x3] =	stream.indirect.gather [hbm4b:s6+s17], $0x20, s8, s17, $0xb8;
	[tilespmem:$0x19C80] =	vst v63  }
.LBB2_59:
0x20e: {  	_ =	swait.ge [sflag:s26], $0x1000  }
0x20f: {  	[sflag:s26] =	ssyncset.done $0x0  }
0x210: {  	[sflag:s26] =	ssyncadd.s32 $0xFFFFF000  }
0x211: {  	_ =	swait.ge [sflag:s26], $0x900  }
0x212: {  	[sflag:s26] =	ssyncset.done $0x0  }
0x213: {  	[sflag:s26] =	ssyncadd.s32 $0xFFFFF700  }
0x214: {  	_ =	swait.ge [sflag:s26], $0x1000  }
0x215: {  	[sflag:s26] =	ssyncset.done $0x0  }
0x216: {  	[sflag:s26] =	ssyncadd.s32 $0xFFFFF000  }
0x217: {  	_ =	swait.ge [sflag:s26], $0x900  }
0x218: {  	[sflag:s26] =	ssyncset.done $0x0  }
0x219: {  	[sflag:s26] =	ssyncadd.s32 $0xFFFFF700  }
0x21a: {  	_ =	swait.ge [sflag:s26], $0x1000  }
0x21b: {  	[sflag:s26] =	ssyncset.done $0x0  }
0x21c: {  	[sflag:s26] =	ssyncadd.s32 $0xFFFFF000  }
0x21d: {  	_ =	swait.ge [sflag:s26], $0x900  }
0x21e: {  	[sflag:s26] =	ssyncset.done $0x0  }
0x21f: {  	[sflag:s26] =	ssyncadd.s32 $0xFFFFF700  }
0x220: {  	_ =	swait.ge [sflag:s26], $0x1000  }
0x221: {  	[sflag:s26] =	ssyncset.done $0x0  }
0x222: {  	[sflag:s26] =	ssyncadd.s32 $0xFFFFF000  }
0x223: {  	_ =	swait.ge [sflag:s26], $0x900  }
0x224: {  	[sflag:s26] =	ssyncset.done $0x0  }
0x225: {  	[sflag:s26] =	ssyncadd.s32 $0xFFFFF700  }
0x226: {  	_ =	swait.ge [sflag:s26], $0x1000  }
0x227: {  	[sflag:s26] =	ssyncset.done $0x0  }
0x228: {  	[sflag:s26] =	ssyncadd.s32 $0xFFFFF000  }
0x229: {  	_ =	swait.ge [sflag:s26], $0x900  }
0x22a: {  	[sflag:s26] =	ssyncset.done $0x0  }
0x22b: {  	[sflag:s26] =	ssyncadd.s32 $0xFFFFF700  }
0x22c: {  	_ =	swait.ge [sflag:s26], $0x1000  }
0x22d: {  	[sflag:s26] =	ssyncset.done $0x0  }
0x22e: {  	[sflag:s26] =	ssyncadd.s32 $0xFFFFF000  }
0x22f: {  	_ =	swait.ge [sflag:s26], $0x900  }
0x230: {  	[sflag:s26] =	ssyncset.done $0x0  }
0x231: {  	[sflag:s26] =	ssyncadd.s32 $0xFFFFF700  }
0x232: {  	_ =	swait.ge [sflag:s26], $0x1000  }
0x233: {  	[sflag:s26] =	ssyncset.done $0x0  }
0x234: {  	[sflag:s26] =	ssyncadd.s32 $0xFFFFF000  }
0x235: {  	_ =	swait.ge [sflag:s26], $0x900  }
0x236: {  	[sflag:s26] =	ssyncset.done $0x0  }
0x237: {  	[sflag:s26] =	ssyncadd.s32 $0xFFFFF700  }
0x238: {  	_ =	swait.ge [sflag:s26], $0x1000  }
.Ltmp35:
0x239: {  	[sflag:s26] =	ssyncset.done $0x0;
	(pc) =	sbr.rel .LBB2_60-.Ltmp35, $4  }
0x23a: {  	[sflag:s26] =	ssyncadd.s32 $0xFFFFF000  }
0x23b: {  	_ =	swait.ge [sflag:s26], $0x900  }
0x23c: {  	[sflag:s26] =	ssyncset.done $0x0  }
0x23d: {  	s10 =	simm.s32 $0x0;
	[sflag:s26] =	ssyncadd.s32 $0xFFFFF700  }
.LBB2_111:
0x23e: {  	_ =	sdelay $0x4  }
0x23f: {  	[tilespmem:v14+s0+$0x0] =	vst.idx.msk vm0, v1  }
.LBB2_112:
0x240: {  	s10 =	sadd.s32 $0x1, s10  }
0x241: {  	p1 =	sne.s32 s10, $0x8  }
.Ltmp36:
0x242: {  	_ = 	snop;
	(pc) =	sbr.rel @!p1 .LBB2_113-.Ltmp36, $1  }
0x243: {  	_ =	sdelay $0x3  }
.LBB2_60:
0x244: {  	s0 =	smul.u32 $0x320, s10;
	_ =	sdelay $0x1  }
0x245: {  	s1 =	sshra.s32 s0, $0x2  }
0x246: {  	v14 =	vld [tilespmem:s1+$0x640];
	_ =	sdelay $0x4  }
0x247: {  	vm0 =	veq.s32 v14, $0x0  }
0x248: {  	v14 =	vsel vm0, $0x3F800000, v1  }
0x249: {  	(xrf0) =	vmax.scan.msk.f32 $0xffff, v14;
	_ =	sdelay $0x5  }
0x24a: {  	v14, _, _ =	vpop (xrf0)  }
0x24b: {  	(v2sf) =	vpush v14, $0xF;
	_ =	sdelay $0xe  }
0x24c: {  	s7 =	spop (v2sf)  }
0x24d: {  	p1 =	sgt.f32 s7, $0.0e+00  }
.Ltmp37:
0x24e: {  	_ = 	snop;
	(pc) =	sbr.rel @!p1 .LBB2_64-.Ltmp37, $3  }
0x24f: {  	_ = 	snop  }
0x250: {  	s8 =	smul.u32 $0x6400, s10;
	_ =	sdelay $0x1  }
0x251: {  	s0 =	sshra.s32 s8, $0x2  }
0x252: {  	s7 =	simm.s32 $0x0  }
0x253: {  	v14 =	vmov s7  }
0x254: {  	v14 =	vand.u32 $0x1F, v14  }
0x255: {  	v14 =	vbroadcast v14, $0x0;
	_ =	sdelay $0x1  }
0x256: {  	s8 =	simm.s32 $0x1;
	s7 =	sadd.s32 $0xD480, s0;
	v14 =	vor.u32 v0, v14  }
.LBB2_62:
0x257: {  	p1 =	sne.s32 s8, $0x1F  }
.Ltmp38:
0x258: {  	v15 =	vmov s8;
	s8 =	sadd.s32 $0x1, s8;
	(pc) =	sbr.rel @p1 .LBB2_62-.Ltmp38, $4  }
0x259: {  	v15 =	vand.u32 $0x1F, v15  }
0x25a: {  	v15 =	vbroadcast v15, $0x0  }
0x25b: {  	[tilespmem:v14+s7+$0x0] =	vst.idx.msk vm0, v1  }
0x25c: {  	v14 =	vor.u32 v0, v15  }
0x25d: {  	_ =	sdelay $0x4  }
0x25e: {  	[tilespmem:v14+s7+$0x0] =	vst.idx.msk vm0, v1  }
.LBB2_64:
0x25f: {  	v14 =	vld [tilespmem:s1+$0x650];
	_ =	sdelay $0x4  }
0x260: {  	vm0 =	veq.s32 v14, $0x0  }
0x261: {  	v14 =	vsel vm0, $0x3F800000, v1  }
0x262: {  	(xrf0) =	vmax.scan.msk.f32 $0xffff, v14;
	_ =	sdelay $0x5  }
0x263: {  	v14, _, _ =	vpop (xrf0)  }
0x264: {  	(v2sf) =	vpush v14, $0xF;
	_ =	sdelay $0xe  }
0x265: {  	s7 =	spop (v2sf)  }
0x266: {  	p1 =	sgt.f32 s7, $0.0e+00  }
.Ltmp39:
0x267: {  	_ = 	snop;
	(pc) =	sbr.rel @!p1 .LBB2_68-.Ltmp39, $1  }
0x268: {  	_ =	sdelay $0x3  }
0x269: {  	s7 =	simm.s32 $0x0  }
0x26a: {  	v14 =	vmov s7  }
0x26b: {  	v14 =	vand.u32 $0x1F, v14  }
0x26c: {  	v14 =	vbroadcast v14, $0x0;
	_ =	sdelay $0x1  }
0x26d: {  	s8 =	simm.s32 $0x1;
	s7 =	sadd.s32 $0xD480, s0;
	v14 =	vor.u32 v2, v14  }
.LBB2_66:
0x26e: {  	p1 =	sne.s32 s8, $0x1F  }
.Ltmp40:
0x26f: {  	v15 =	vmov s8;
	s8 =	sadd.s32 $0x1, s8;
	(pc) =	sbr.rel @p1 .LBB2_66-.Ltmp40, $4  }
0x270: {  	v15 =	vand.u32 $0x1F, v15  }
0x271: {  	v15 =	vbroadcast v15, $0x0  }
0x272: {  	[tilespmem:v14+s7+$0x0] =	vst.idx.msk vm0, v1  }
0x273: {  	v14 =	vor.u32 v2, v15  }
0x274: {  	_ =	sdelay $0x4  }
0x275: {  	[tilespmem:v14+s7+$0x0] =	vst.idx.msk vm0, v1  }
.LBB2_68:
0x276: {  	v14 =	vld [tilespmem:s1+$0x660];
	_ =	sdelay $0x4  }
0x277: {  	vm0 =	veq.s32 v14, $0x0  }
0x278: {  	v14 =	vsel vm0, $0x3F800000, v1  }
0x279: {  	(xrf0) =	vmax.scan.msk.f32 $0xffff, v14;
	_ =	sdelay $0x5  }
0x27a: {  	v14, _, _ =	vpop (xrf0)  }
0x27b: {  	(v2sf) =	vpush v14, $0xF;
	_ =	sdelay $0xe  }
0x27c: {  	s7 =	spop (v2sf)  }
0x27d: {  	p1 =	sgt.f32 s7, $0.0e+00  }
.Ltmp41:
0x27e: {  	_ = 	snop;
	(pc) =	sbr.rel @!p1 .LBB2_72-.Ltmp41, $1  }
0x27f: {  	_ =	sdelay $0x3  }
0x280: {  	s7 =	simm.s32 $0x0  }
0x281: {  	v14 =	vmov s7  }
0x282: {  	v14 =	vand.u32 $0x1F, v14  }
0x283: {  	v14 =	vbroadcast v14, $0x0;
	_ =	sdelay $0x1  }
0x284: {  	s8 =	simm.s32 $0x1;
	s7 =	sadd.s32 $0xD480, s0;
	v14 =	vor.u32 v3, v14  }
.LBB2_70:
0x285: {  	p1 =	sne.s32 s8, $0x1F  }
.Ltmp42:
0x286: {  	v15 =	vmov s8;
	s8 =	sadd.s32 $0x1, s8;
	(pc) =	sbr.rel @p1 .LBB2_70-.Ltmp42, $4  }
0x287: {  	v15 =	vand.u32 $0x1F, v15  }
0x288: {  	v15 =	vbroadcast v15, $0x0  }
0x289: {  	[tilespmem:v14+s7+$0x0] =	vst.idx.msk vm0, v1  }
0x28a: {  	v14 =	vor.u32 v3, v15  }
0x28b: {  	_ =	sdelay $0x4  }
0x28c: {  	[tilespmem:v14+s7+$0x0] =	vst.idx.msk vm0, v1  }
.LBB2_72:
0x28d: {  	v14 =	vld [tilespmem:s1+$0x670];
	_ =	sdelay $0x4  }
0x28e: {  	vm0 =	veq.s32 v14, $0x0  }
0x28f: {  	v14 =	vsel vm0, $0x3F800000, v1  }
0x290: {  	(xrf0) =	vmax.scan.msk.f32 $0xffff, v14;
	_ =	sdelay $0x5  }
0x291: {  	v14, _, _ =	vpop (xrf0)  }
0x292: {  	(v2sf) =	vpush v14, $0xF;
	_ =	sdelay $0xe  }
0x293: {  	s7 =	spop (v2sf)  }
0x294: {  	p1 =	sgt.f32 s7, $0.0e+00  }
.Ltmp43:
0x295: {  	_ = 	snop;
	(pc) =	sbr.rel @!p1 .LBB2_76-.Ltmp43, $1  }
0x296: {  	_ =	sdelay $0x3  }
0x297: {  	s7 =	simm.s32 $0x0  }
0x298: {  	v14 =	vmov s7  }
0x299: {  	v14 =	vand.u32 $0x1F, v14  }
0x29a: {  	v14 =	vbroadcast v14, $0x0;
	_ =	sdelay $0x1  }
0x29b: {  	s8 =	simm.s32 $0x1;
	s7 =	sadd.s32 $0xD480, s0;
	v14 =	vor.u32 v4, v14  }
.LBB2_74:
0x29c: {  	p1 =	sne.s32 s8, $0x1F  }
.Ltmp44:
0x29d: {  	v15 =	vmov s8;
	s8 =	sadd.s32 $0x1, s8;
	(pc) =	sbr.rel @p1 .LBB2_74-.Ltmp44, $4  }
0x29e: {  	v15 =	vand.u32 $0x1F, v15  }
0x29f: {  	v15 =	vbroadcast v15, $0x0  }
0x2a0: {  	[tilespmem:v14+s7+$0x0] =	vst.idx.msk vm0, v1  }
0x2a1: {  	v14 =	vor.u32 v4, v15  }
0x2a2: {  	_ =	sdelay $0x4  }
0x2a3: {  	[tilespmem:v14+s7+$0x0] =	vst.idx.msk vm0, v1  }
.LBB2_76:
0x2a4: {  	v14 =	vld [tilespmem:s1+$0x680];
	_ =	sdelay $0x4  }
0x2a5: {  	vm0 =	veq.s32 v14, $0x0  }
0x2a6: {  	v14 =	vsel vm0, $0x3F800000, v1  }
0x2a7: {  	(xrf0) =	vmax.scan.msk.f32 $0xffff, v14;
	_ =	sdelay $0x5  }
0x2a8: {  	v14, _, _ =	vpop (xrf0)  }
0x2a9: {  	(v2sf) =	vpush v14, $0xF;
	_ =	sdelay $0xe  }
0x2aa: {  	s7 =	spop (v2sf)  }
0x2ab: {  	p1 =	sgt.f32 s7, $0.0e+00  }
.Ltmp45:
0x2ac: {  	_ = 	snop;
	(pc) =	sbr.rel @!p1 .LBB2_80-.Ltmp45, $1  }
0x2ad: {  	_ =	sdelay $0x3  }
0x2ae: {  	s7 =	simm.s32 $0x0  }
0x2af: {  	v14 =	vmov s7  }
0x2b0: {  	v14 =	vand.u32 $0x1F, v14  }
0x2b1: {  	v14 =	vbroadcast v14, $0x0;
	_ =	sdelay $0x1  }
0x2b2: {  	s8 =	simm.s32 $0x1;
	s7 =	sadd.s32 $0xD480, s0;
	v14 =	vor.u32 v5, v14  }
.LBB2_78:
0x2b3: {  	p1 =	sne.s32 s8, $0x1F  }
.Ltmp46:
0x2b4: {  	v15 =	vmov s8;
	s8 =	sadd.s32 $0x1, s8;
	(pc) =	sbr.rel @p1 .LBB2_78-.Ltmp46, $4  }
0x2b5: {  	v15 =	vand.u32 $0x1F, v15  }
0x2b6: {  	v15 =	vbroadcast v15, $0x0  }
0x2b7: {  	[tilespmem:v14+s7+$0x0] =	vst.idx.msk vm0, v1  }
0x2b8: {  	v14 =	vor.u32 v5, v15  }
0x2b9: {  	_ =	sdelay $0x4  }
0x2ba: {  	[tilespmem:v14+s7+$0x0] =	vst.idx.msk vm0, v1  }
.LBB2_80:
0x2bb: {  	v14 =	vld [tilespmem:s1+$0x690];
	_ =	sdelay $0x4  }
0x2bc: {  	vm0 =	veq.s32 v14, $0x0  }
0x2bd: {  	v14 =	vsel vm0, $0x3F800000, v1  }
0x2be: {  	(xrf0) =	vmax.scan.msk.f32 $0xffff, v14;
	_ =	sdelay $0x5  }
0x2bf: {  	v14, _, _ =	vpop (xrf0)  }
0x2c0: {  	(v2sf) =	vpush v14, $0xF;
	_ =	sdelay $0xe  }
0x2c1: {  	s7 =	spop (v2sf)  }
0x2c2: {  	p1 =	sgt.f32 s7, $0.0e+00  }
.Ltmp47:
0x2c3: {  	_ = 	snop;
	(pc) =	sbr.rel @!p1 .LBB2_84-.Ltmp47, $1  }
0x2c4: {  	_ =	sdelay $0x3  }
0x2c5: {  	s7 =	simm.s32 $0x0  }
0x2c6: {  	v14 =	vmov s7  }
0x2c7: {  	v14 =	vand.u32 $0x1F, v14  }
0x2c8: {  	v14 =	vbroadcast v14, $0x0;
	_ =	sdelay $0x1  }
0x2c9: {  	s8 =	simm.s32 $0x1;
	s7 =	sadd.s32 $0xD480, s0;
	v14 =	vor.u32 v6, v14  }
.LBB2_82:
0x2ca: {  	p1 =	sne.s32 s8, $0x1F  }
.Ltmp48:
0x2cb: {  	v15 =	vmov s8;
	s8 =	sadd.s32 $0x1, s8;
	(pc) =	sbr.rel @p1 .LBB2_82-.Ltmp48, $4  }
0x2cc: {  	v15 =	vand.u32 $0x1F, v15  }
0x2cd: {  	v15 =	vbroadcast v15, $0x0  }
0x2ce: {  	[tilespmem:v14+s7+$0x0] =	vst.idx.msk vm0, v1  }
0x2cf: {  	v14 =	vor.u32 v6, v15  }
0x2d0: {  	_ =	sdelay $0x4  }
0x2d1: {  	[tilespmem:v14+s7+$0x0] =	vst.idx.msk vm0, v1  }
.LBB2_84:
0x2d2: {  	v14 =	vld [tilespmem:s1+$0x6A0];
	_ =	sdelay $0x4  }
0x2d3: {  	vm0 =	veq.s32 v14, $0x0  }
0x2d4: {  	v14 =	vsel vm0, $0x3F800000, v1  }
0x2d5: {  	(xrf0) =	vmax.scan.msk.f32 $0xffff, v14;
	_ =	sdelay $0x5  }
0x2d6: {  	v14, _, _ =	vpop (xrf0)  }
0x2d7: {  	(v2sf) =	vpush v14, $0xF;
	_ =	sdelay $0xe  }
0x2d8: {  	s7 =	spop (v2sf)  }
0x2d9: {  	p1 =	sgt.f32 s7, $0.0e+00  }
.Ltmp49:
0x2da: {  	_ = 	snop;
	(pc) =	sbr.rel @!p1 .LBB2_88-.Ltmp49, $1  }
0x2db: {  	_ =	sdelay $0x3  }
0x2dc: {  	s7 =	simm.s32 $0x0  }
0x2dd: {  	v14 =	vmov s7  }
0x2de: {  	v14 =	vand.u32 $0x1F, v14  }
0x2df: {  	v14 =	vbroadcast v14, $0x0;
	_ =	sdelay $0x1  }
0x2e0: {  	s8 =	simm.s32 $0x1;
	s7 =	sadd.s32 $0xD480, s0;
	v14 =	vor.u32 v7, v14  }
.LBB2_86:
0x2e1: {  	p1 =	sne.s32 s8, $0x1F  }
.Ltmp50:
0x2e2: {  	v15 =	vmov s8;
	s8 =	sadd.s32 $0x1, s8;
	(pc) =	sbr.rel @p1 .LBB2_86-.Ltmp50, $4  }
0x2e3: {  	v15 =	vand.u32 $0x1F, v15  }
0x2e4: {  	v15 =	vbroadcast v15, $0x0  }
0x2e5: {  	[tilespmem:v14+s7+$0x0] =	vst.idx.msk vm0, v1  }
0x2e6: {  	v14 =	vor.u32 v7, v15  }
0x2e7: {  	_ =	sdelay $0x4  }
0x2e8: {  	[tilespmem:v14+s7+$0x0] =	vst.idx.msk vm0, v1  }
.LBB2_88:
0x2e9: {  	v14 =	vld [tilespmem:s1+$0x6B0];
	_ =	sdelay $0x4  }
0x2ea: {  	vm0 =	veq.s32 v14, $0x0  }
0x2eb: {  	v14 =	vsel vm0, $0x3F800000, v1  }
0x2ec: {  	(xrf0) =	vmax.scan.msk.f32 $0xffff, v14;
	_ =	sdelay $0x5  }
0x2ed: {  	v14, _, _ =	vpop (xrf0)  }
0x2ee: {  	(v2sf) =	vpush v14, $0xF;
	_ =	sdelay $0xe  }
0x2ef: {  	s7 =	spop (v2sf)  }
0x2f0: {  	p1 =	sgt.f32 s7, $0.0e+00  }
.Ltmp51:
0x2f1: {  	_ = 	snop;
	(pc) =	sbr.rel @!p1 .LBB2_92-.Ltmp51, $1  }
0x2f2: {  	_ =	sdelay $0x3  }
0x2f3: {  	s7 =	simm.s32 $0x0  }
0x2f4: {  	v14 =	vmov s7  }
0x2f5: {  	v14 =	vand.u32 $0x1F, v14  }
0x2f6: {  	v14 =	vbroadcast v14, $0x0;
	_ =	sdelay $0x1  }
0x2f7: {  	s8 =	simm.s32 $0x1;
	s7 =	sadd.s32 $0xD480, s0;
	v14 =	vor.u32 v8, v14  }
.LBB2_90:
0x2f8: {  	p1 =	sne.s32 s8, $0x1F  }
.Ltmp52:
0x2f9: {  	v15 =	vmov s8;
	s8 =	sadd.s32 $0x1, s8;
	(pc) =	sbr.rel @p1 .LBB2_90-.Ltmp52, $4  }
0x2fa: {  	v15 =	vand.u32 $0x1F, v15  }
0x2fb: {  	v15 =	vbroadcast v15, $0x0  }
0x2fc: {  	[tilespmem:v14+s7+$0x0] =	vst.idx.msk vm0, v1  }
0x2fd: {  	v14 =	vor.u32 v8, v15  }
0x2fe: {  	_ =	sdelay $0x4  }
0x2ff: {  	[tilespmem:v14+s7+$0x0] =	vst.idx.msk vm0, v1  }
.LBB2_92:
0x300: {  	v14 =	vld [tilespmem:s1+$0x6C0];
	_ =	sdelay $0x4  }
0x301: {  	vm0 =	veq.s32 v14, $0x0  }
0x302: {  	v14 =	vsel vm0, $0x3F800000, v1  }
0x303: {  	(xrf0) =	vmax.scan.msk.f32 $0xffff, v14;
	_ =	sdelay $0x5  }
0x304: {  	v14, _, _ =	vpop (xrf0)  }
0x305: {  	(v2sf) =	vpush v14, $0xF;
	_ =	sdelay $0xe  }
0x306: {  	s7 =	spop (v2sf)  }
0x307: {  	p1 =	sgt.f32 s7, $0.0e+00  }
.Ltmp53:
0x308: {  	_ = 	snop;
	(pc) =	sbr.rel @!p1 .LBB2_96-.Ltmp53, $1  }
0x309: {  	_ =	sdelay $0x3  }
0x30a: {  	s7 =	simm.s32 $0x0  }
0x30b: {  	v14 =	vmov s7  }
0x30c: {  	v14 =	vand.u32 $0x1F, v14  }
0x30d: {  	v14 =	vbroadcast v14, $0x0;
	_ =	sdelay $0x1  }
0x30e: {  	s8 =	simm.s32 $0x1;
	s7 =	sadd.s32 $0xD480, s0;
	v14 =	vor.u32 v9, v14  }
.LBB2_94:
0x30f: {  	p1 =	sne.s32 s8, $0x1F  }
.Ltmp54:
0x310: {  	v15 =	vmov s8;
	s8 =	sadd.s32 $0x1, s8;
	(pc) =	sbr.rel @p1 .LBB2_94-.Ltmp54, $4  }
0x311: {  	v15 =	vand.u32 $0x1F, v15  }
0x312: {  	v15 =	vbroadcast v15, $0x0  }
0x313: {  	[tilespmem:v14+s7+$0x0] =	vst.idx.msk vm0, v1  }
0x314: {  	v14 =	vor.u32 v9, v15  }
0x315: {  	_ =	sdelay $0x4  }
0x316: {  	[tilespmem:v14+s7+$0x0] =	vst.idx.msk vm0, v1  }
.LBB2_96:
0x317: {  	v14 =	vld [tilespmem:s1+$0x6D0];
	_ =	sdelay $0x4  }
0x318: {  	vm0 =	veq.s32 v14, $0x0  }
0x319: {  	v14 =	vsel vm0, $0x3F800000, v1  }
0x31a: {  	(xrf0) =	vmax.scan.msk.f32 $0xffff, v14;
	_ =	sdelay $0x5  }
0x31b: {  	v14, _, _ =	vpop (xrf0)  }
0x31c: {  	(v2sf) =	vpush v14, $0xF;
	_ =	sdelay $0xe  }
0x31d: {  	s7 =	spop (v2sf)  }
0x31e: {  	p1 =	sgt.f32 s7, $0.0e+00  }
.Ltmp55:
0x31f: {  	_ = 	snop;
	(pc) =	sbr.rel @!p1 .LBB2_100-.Ltmp55, $1  }
0x320: {  	_ =	sdelay $0x3  }
0x321: {  	s7 =	simm.s32 $0x0  }
0x322: {  	v14 =	vmov s7  }
0x323: {  	v14 =	vand.u32 $0x1F, v14  }
0x324: {  	v14 =	vbroadcast v14, $0x0;
	_ =	sdelay $0x1  }
0x325: {  	s8 =	simm.s32 $0x1;
	s7 =	sadd.s32 $0xD480, s0;
	v14 =	vor.u32 v10, v14  }
.LBB2_98:
0x326: {  	p1 =	sne.s32 s8, $0x1F  }
.Ltmp56:
0x327: {  	v15 =	vmov s8;
	s8 =	sadd.s32 $0x1, s8;
	(pc) =	sbr.rel @p1 .LBB2_98-.Ltmp56, $4  }
0x328: {  	v15 =	vand.u32 $0x1F, v15  }
0x329: {  	v15 =	vbroadcast v15, $0x0  }
0x32a: {  	[tilespmem:v14+s7+$0x0] =	vst.idx.msk vm0, v1  }
0x32b: {  	v14 =	vor.u32 v10, v15  }
0x32c: {  	_ =	sdelay $0x4  }
0x32d: {  	[tilespmem:v14+s7+$0x0] =	vst.idx.msk vm0, v1  }
.LBB2_100:
0x32e: {  	v14 =	vld [tilespmem:s1+$0x6E0];
	_ =	sdelay $0x4  }
0x32f: {  	vm0 =	veq.s32 v14, $0x0  }
0x330: {  	v14 =	vsel vm0, $0x3F800000, v1  }
0x331: {  	(xrf0) =	vmax.scan.msk.f32 $0xffff, v14;
	_ =	sdelay $0x5  }
0x332: {  	v14, _, _ =	vpop (xrf0)  }
0x333: {  	(v2sf) =	vpush v14, $0xF;
	_ =	sdelay $0xe  }
0x334: {  	s7 =	spop (v2sf)  }
0x335: {  	p1 =	sgt.f32 s7, $0.0e+00  }
.Ltmp57:
0x336: {  	_ = 	snop;
	(pc) =	sbr.rel @!p1 .LBB2_104-.Ltmp57, $1  }
0x337: {  	_ =	sdelay $0x3  }
0x338: {  	s7 =	simm.s32 $0x0  }
0x339: {  	v14 =	vmov s7  }
0x33a: {  	v14 =	vand.u32 $0x1F, v14  }
0x33b: {  	v14 =	vbroadcast v14, $0x0;
	_ =	sdelay $0x1  }
0x33c: {  	s8 =	simm.s32 $0x1;
	s7 =	sadd.s32 $0xD480, s0;
	v14 =	vor.u32 v11, v14  }
.LBB2_102:
0x33d: {  	p1 =	sne.s32 s8, $0x1F  }
.Ltmp58:
0x33e: {  	v15 =	vmov s8;
	s8 =	sadd.s32 $0x1, s8;
	(pc) =	sbr.rel @p1 .LBB2_102-.Ltmp58, $4  }
0x33f: {  	v15 =	vand.u32 $0x1F, v15  }
0x340: {  	v15 =	vbroadcast v15, $0x0  }
0x341: {  	[tilespmem:v14+s7+$0x0] =	vst.idx.msk vm0, v1  }
0x342: {  	v14 =	vor.u32 v11, v15  }
0x343: {  	_ =	sdelay $0x4  }
0x344: {  	[tilespmem:v14+s7+$0x0] =	vst.idx.msk vm0, v1  }
.LBB2_104:
0x345: {  	v14 =	vld [tilespmem:s1+$0x6F0];
	_ =	sdelay $0x4  }
0x346: {  	vm0 =	veq.s32 v14, $0x0  }
0x347: {  	v14 =	vsel vm0, $0x3F800000, v1  }
0x348: {  	(xrf0) =	vmax.scan.msk.f32 $0xffff, v14;
	_ =	sdelay $0x5  }
0x349: {  	v14, _, _ =	vpop (xrf0)  }
0x34a: {  	(v2sf) =	vpush v14, $0xF;
	_ =	sdelay $0xe  }
0x34b: {  	s7 =	spop (v2sf)  }
0x34c: {  	p1 =	sgt.f32 s7, $0.0e+00  }
.Ltmp59:
0x34d: {  	_ = 	snop;
	(pc) =	sbr.rel @!p1 .LBB2_108-.Ltmp59, $1  }
0x34e: {  	_ =	sdelay $0x3  }
0x34f: {  	s7 =	simm.s32 $0x0  }
0x350: {  	v14 =	vmov s7  }
0x351: {  	v14 =	vand.u32 $0x1F, v14  }
0x352: {  	v14 =	vbroadcast v14, $0x0;
	_ =	sdelay $0x1  }
0x353: {  	s8 =	simm.s32 $0x1;
	s7 =	sadd.s32 $0xD480, s0;
	v14 =	vor.u32 v12, v14  }
.LBB2_106:
0x354: {  	p1 =	sne.s32 s8, $0x1F  }
.Ltmp60:
0x355: {  	v15 =	vmov s8;
	s8 =	sadd.s32 $0x1, s8;
	(pc) =	sbr.rel @p1 .LBB2_106-.Ltmp60, $4  }
0x356: {  	v15 =	vand.u32 $0x1F, v15  }
0x357: {  	v15 =	vbroadcast v15, $0x0  }
0x358: {  	[tilespmem:v14+s7+$0x0] =	vst.idx.msk vm0, v1  }
0x359: {  	v14 =	vor.u32 v12, v15  }
0x35a: {  	_ =	sdelay $0x4  }
0x35b: {  	[tilespmem:v14+s7+$0x0] =	vst.idx.msk vm0, v1  }
.LBB2_108:
0x35c: {  	v14 =	vld [tilespmem:s1+$0x6F8];
	_ =	sdelay $0x4  }
0x35d: {  	vm0 =	veq.s32 v14, $0x0  }
0x35e: {  	v14 =	vsel vm0, $0x3F800000, v1  }
0x35f: {  	(xrf0) =	vmax.scan.msk.f32 $0xffff, v14;
	_ =	sdelay $0x5  }
0x360: {  	v14, _, _ =	vpop (xrf0)  }
0x361: {  	(v2sf) =	vpush v14, $0xF;
	_ =	sdelay $0xe  }
0x362: {  	s8 =	spop (v2sf)  }
0x363: {  	p1 =	sgt.f32 s8, $0.0e+00  }
.Ltmp61:
0x364: {  	_ = 	snop;
	(pc) =	sbr.rel @!p1 .LBB2_112-.Ltmp61, $1  }
0x365: {  	_ =	sdelay $0x3  }
0x366: {  	s1 =	simm.s32 $0x0  }
0x367: {  	v14 =	vmov s1  }
0x368: {  	v14 =	vand.u32 $0x1F, v14  }
0x369: {  	v14 =	vbroadcast v14, $0x0;
	_ =	sdelay $0x1  }
0x36a: {  	s0 =	sadd.s32 $0xD480, s0;
	s1 =	simm.s32 $0x1;
	v14 =	vor.u32 v13, v14  }
.LBB2_110:
0x36b: {  	p1 =	sne.s32 s1, $0x1F  }
.Ltmp62:
0x36c: {  	v15 =	vmov s1;
	s1 =	sadd.s32 $0x1, s1;
	(pc) =	sbr.rel @p1 .LBB2_110-.Ltmp62, $4  }
0x36d: {  	v15 =	vand.u32 $0x1F, v15  }
0x36e: {  	v15 =	vbroadcast v15, $0x0  }
0x36f: {  	[tilespmem:v14+s0+$0x0] =	vst.idx.msk vm0, v1  }
0x370: {  	v14 =	vor.u32 v13, v15  }
.Ltmp63:
0x371: {  	_ = 	snop;
	(pc) =	sbr.rel .LBB2_111-.Ltmp63, $1  }
0x372: {  	_ =	sdelay $0x3  }
.LBB2_115:
0x373: {  	_ =	sfence.sel $0x180000  }
0x374: {  	[bflag:$0x0] =	sbarrier.arrive $0xFFFF  }
0x375: {  	_ =	strace $0x9000004A  }
0x376: {  	s0 =	stileid.u32;
	[bflag:$0x2] =	sbarrier.arrive $0xFFFF  }
0x377: {  	p0 =	sne.s32 s0, $0x0;
	s0 =	rddreg [dreg:$0x2]  }
0x378: {  	s0 =	sadd.s32 @!p0 $0x100000, s0  }
0x379: {  	[sflag:s0] =	ssyncadd.tile.s32 @!p0 $0x1;
	_ =	shalt  }
.Lfunc_end2:
_tile_overlayer_lowered:
.L_overlay_start_2:
0x37a: {  	(tag) =	ssettag $0x2  }
0x37b: {  	s0 =	rddreg [dreg:$0x0];
	s2 =	stileid.u32  }
0x37c: {  	s1 =	rddreg [dreg:$0x1];
	p0 =	sne.s32 s2, $0x0  }
0x37d: {  	s3 =	rddreg [dreg:$0x2];
	[bflag:$0x3] =	sbarrier.arrive $0xFFFF;
	s2 =	simm.s32 @!p0 $0x1C07  }
0x37e: {  	[timem:s3], [sflag:s2] =	dma.local @!p0 [hbm:s0], s1  }
0x37f: {  	s0 =	simm.s32 @!p0 $0x7  }
0x380: {  	_ =	swait.ge @!p0 [sflag:s0], s1  }
0x381: {  	s1 =	ssub.s32 @!p0 $0x0, s1;
	[sflag:s0] =	ssyncset.done @!p0 $0x0  }
0x382: {  	[sflag:s0] =	ssyncadd.s32 @!p0 s1  }
0x383: {  	[bflag:$0x3] =	sbarrier.arrive $0xFFFF  }
0x384: {  	_ =	shalt  }

// kernel: sparse-core-data-format-call.1.cloned.1.call-start
scs
called_computation.1_lowered:
.L_overlay_start_0:
0x0: {  	s2 =	sld [smem:$0x3FD9]  }
0x1: {  	s3 =	sld [smem:$0x3FFE];
	_ =	sdelay $0x1  }
0x2: {  	s1 =	srdreg.scid  }
0x3: {  	s0 =	sand.u32 $0x1, s1  }
0x4: {  	s16 =	sshll.u32 s0, $0xA;
	s2 =	sadd.s32 s3, s2  }
0x5: {  	s2 =	sadd.s32 s2, s16  }
0x6: {  	[smem:$0x3FC4] =	sst s2  }
0x7: {  	_ = 	snop  }
0x8: {  	s2 =	sld [smem:$0x3FD0];
	_ =	sdelay $0x2  }
0x9: {  	s17 =	simm.s32 $0xB;
	s4 =	simm.s32 $0x10  }
0xa: {  	[smem:s4], [sflag:s17] =	dma.local [hbm:s2], $0x1  }
0xb: {  	_ =	swait.eq [sflag:s17], $0x1  }
0xc: {  	[sflag:s17] =	ssyncset.done $0x0  }
0xd: {  	[sflag:s17] =	ssyncadd.s32 $0xFFFFFFFF  }
0xe: {  	s18 =	sld [smem:$0x10];
	(tm) =	ssettm $0x1  }
0xf: {  	s19 =	sld [smem:$0x3FFB];
	_ =	sdelay $0x3  }
0x10: {  	_ =	strace s19  }
0x11: {  	s2 =	sld [smem:$0x3FFC];
	_ =	sdelay $0x3  }
0x12: {  	_ =	strace s2  }
0x13: {  	s2 =	sld [smem:$0x3FFD];
	_ =	sdelay $0x3  }
0x14: {  	_ =	strace s2  }
0x15: {  	_ =	strace $0x8FFFFFFF  }
0x16: {  	s20 =	sld [smem:$0x3FDB];
	_ =	sdelay $0x1  }
0x17: {  	s21 =	simm.s32 $_scs_section_size  }
0x18: {  	s5 =	simm.s32 $_size__tile_overlayer_lowered;
	s6 =	simm.s32 $_tile_overlayer_lowered  }
0x19: {  	s7 =	simm.s32 $0x1BFF;
	s22 =	sshll.u32 s6, $0x1;
	s4 =	sadd.s32 s21, s20  }
0x1a: {  	s23 =	simm.s32 $0x0;
	s5 =	sshll.u32 s5, $0x1;
	s6 =	sadd.s32 s22, s4  }
0x1b: {  	[timem:s23], [sflag:s7] =	dma.local [hbm:s6], s5  }
0x1c: {  	_ =	swait.ge [sflag:s7], s5  }
0x1d: {  	s5 =	ssub.s32 $0x0, s5;
	[sflag:s7] =	ssyncset.done $0x0  }
0x1e: {  	[sflag:s7] =	ssyncadd.s32 s5;
	_ =	sdelay $0x1  }
0x1f: {  	s24 =	simm.s32 $0x1B8B  }
0x20: {  	_ =	swait.ge [sflag:s24], $0x1  }
0x21: {  	[sflag:s24] =	ssyncset.done $0x0  }
0x22: {  	[sflag:s24] =	ssyncadd.s32 $0xFFFFFFFF  }
0x23: {  	s5 =	sld [smem:$0x0]  }
0x24: {  	s6 =	sand.u32 $0xFFFFFFFE, s1  }
0x25: {  	p0 =	sne.s32 s1, s6  }
0x26: {  	s6 =	sshll.u32 @p0 s6, $0xE  }
0x27: {  	s6 =	sadd.s32 @p0 $0x11B8D, s6;
	s7 =	sshll.u32 @p0 s5, $0x11  }
0x28: {  	s6 =	sor.u32 @p0 s7, s6  }
0x29: {  	[sflag:s6] =	ssyncadd.remote.s32 @p0 $0x1;
	_ =	sdelay $0x1  }
0x2a: {  	s6 =	simm.s32 @p0 $0x1B8D  }
0x2b: {  	_ =	swait.eq @p0 [sflag:s6], $0x1  }
0x2c: {  	[sflag:s6] =	ssyncadd.s32 @p0 $0xFFFFFFFF  }
0x2d: {  	s7 =	sshll.u32 @!p0 s1, $0xE  }
0x2e: {  	s7 =	sor.u32 @!p0 $0x4000, s7;
	s6 =	simm.s32 @!p0 $0x1B8D  }
0x2f: {  	s5 =	sshll.u32 @!p0 s5, $0x11;
	s7 =	sadd.s32 @!p0 $0x11B8D, s7;
	_ =	swait.eq @!p0 [sflag:s6], $0x1  }
0x30: {  	s5 =	sor.u32 @!p0 s5, s7;
	[sflag:s6] =	ssyncadd.s32 @!p0 $0xFFFFFFFF  }
0x31: {  	s26 =	simm.s32 $0x1B8E;
	s25 =	sld [smem:$0x3FFE];
	[sflag:s5] =	ssyncadd.remote.s32 @!p0 $0x1  }
0x32: {  	s27 =	simm.s32 $execute0_lowered;
	[smem:$0x3FD2] =	sst s26  }
0x33: {  	s6 =	sshll.u32 s27, $0x1;
	_ =	strace $0x8000004C;
	[dreg:$0x1] =	wrdreg $0xFFFFFFFF  }
0x34: {  	s28 =	simm.s32 $_size_execute0_lowered;
	s4 =	sadd.s32 s4, s6;
	[dreg:$0x0] =	wrdreg $0x0  }
0x35: {  	s6 =	sshll.u32 s28, $0x1;
	[dreg:$0x2] =	wrdreg s4  }
0x36: {  	[dreg:$0x3] =	wrdreg s6  }
0x37: {  	[dreg:$0x4] =	wrdreg $0xC0  }
0x38: {  	_ =	task [dreg:s23], $0x5FFFF  }
0x39: {  	[dreg:$0x1] =	wrdreg $0xFFFFFFFF  }
0x3a: {  	[dreg:$0x0] =	wrdreg $0x60  }
0x3b: {  	[dreg:$0x2] =	wrdreg s25  }
0x3c: {  	[dreg:$0x3] =	wrdreg s18  }
0x3d: {  	[dreg:$0x4] =	wrdreg $0x9  }
0x3e: {  	_ =	task.clear_ibuf [dreg:s23], $0x5FFFF;
	_ =	strace $0x9000004C  }
0x3f: {  	s29 =	simm.s32 $0x9;
	_ =	strace $0x8000004E  }
0x40: {  	_ =	swait.ge [sflag:s29], $0x1  }
0x41: {  	[sflag:s29] =	ssyncadd.s32 $0xFFFFFFFF  }
0x42: {  	_ =	strace $0x9000004E  }
0x43: {  	_ =	sfence  }
0x44: {  	s30 =	sld [smem:$0x0];
	_ =	sdelay $0x2  }
0x45: {  	s31 =	sshll.u32 s1, $0xD;
	s1 =	sshrl.u32 s1, $0x2  }
0x46: {  	s4 =	sand.u32 $0x4000, s31;
	s1 =	sadd.s32 s1, s30  }
0x47: {  	s0 =	sor.u32 s4, s0;
	s1 =	sshll.u32 s1, $0x11  }
0x48: {  	s0 =	sor.u32 s1, s0  }
0x49: {  	s0 =	sadd.s32 $0x8F2B, s0  }
0x4a: {  	[sflag:s0] =	ssyncadd.remote.s32 $0x1  }
0x4b: {  	_ =	sfence.sel $0xFFFF  }
0x4c: {  	[dreg:$0x0] =	wrdreg $0xFFFFFFFF;
	(pc) =	sbr.abs _section_cstart, $3  }
0x4d: {  	[dreg:$0x1] =	wrdreg $0xFFFFFFFF  }
0x4e: {  	_ =	task.clear_ibuf [dreg:s23], $0x2FFFF;
	_ =	strace $0x9FFFFFFF  }
0x4f: {  	(tm) =	ssettm $0x7FFFFFFF  }
tec
execute0_lowered:
.L_overlay_start_1:
0x0: {  	(tag) =	ssettag $0x1  }
0x1: {  	s0 =	srdreg.scid  }
0x2: {  	s1 =	sshll.u32 s0, $0x4  }
0x3: {  	s0 =	stileid.u32;
	s1 =	sand.u32 $0x10, s1  }
0x4: {  	s1 =	sor.u32 s0, s1  }
0x5: {  	s6 =	rddreg [dreg:$0x0];
	s4 =	simm.s32 $0x1;
	s2 =	sshll.u32 s1, $0x7  }
0x6: {  	s7 =	simm.s32 $0x2;
	s12 =	simm.s32 $0x0;
	s1 =	ssub.s32 $0x1000, s2  }
0x7: {  	s8 =	simm.s32 $0x8000;
	s13 =	simm.s32 $0x0;
	s3 =	sand.u32 $0xF80, s1  }
0x8: {  	s9 =	simm.s32 $0x0;
	s5 =	sshrl.u32 s1, $0xC;
	p0 =	sne.s32 s3, $0x0  }
.Ltmp0:
0x9: {  	s1 =	rddreg [dreg:$0x2];
	s4 =	simm.s32 @!p0 $0x0;
	(pc) =	sbr.rel .LBB1_1-.Ltmp0, $4  }
0xa: {  	s11 =	simm.s32 $0x0;
	s3 =	rddreg [dreg:$0x1];
	s5 =	sadd.s32 s4, s5  }
0xb: {  	_ =	strace $0x8000004D;
	s4 =	simm.s32 $0x1;
	s5 =	smul.u32 $0xC8, s5  }
0xc: {  	s6 =	sadd.s32 $0x403E00, s6;
	s10 =	smov.u32 s2;
	[sflag:s4] =	ssyncpa.u1 $0x0  }
0xd: {  	p0 =	por $0x0, $0x0;
	[sflag:s7] =	ssyncpa.u1 $0x0;
	s7 =	sor.u32 $0x1, s5  }
.LBB1_4:
0xe: {  	s16 =	sshll.u32 s13, $0x3;
	s17 =	sand.u32 $0x78, s13  }
0xf: {  	s30 =	sand.u32 $0x3E00, s13;
	s12 =	sshll.u32 s12, $0xE;
	s16 =	sand.u32 $0xC00, s16  }
0x10: {  	s31 =	sand.u32 $0x7, s13;
	s16 =	sor.u32 s17, s16;
	s17 =	sadd.s32 s3, s30  }
0x11: {  	s13 =	sshll.u32 s31, $0x12;
	s16 =	sshrl.u32 s16, $0x3;
	s12 =	sadd.s32 s12, s17  }
0x12: {  	[tilespmem:s15+$0x0 ss:$0x81] =	vst.msk $0xffff, v0;
	s13 =	sor.u32 $0x400, s13;
	s12 =	sadd.s32 s16, s12  }
0x13: {  	[hbm4b:s12+s13] =	stream.strided.scatter [tilespmem:s14], [sflag:$0x2], $0x1000, s8, s13, $0x20;
	[tilespmem:$0x4040] =	vst v63  }
.LBB1_5:
0x14: {  	s14 =	sadd.s32 $0x1, s9  }
0x15: {  	s12 =	sadd.s32 $0x1000, s10;
	s16 =	smov.u32 s10;
	p2 =	sgt.s32 s14, $0xC7  }
0x16: {  	s16 =	smov.u32 @p2 s12  }
0x17: {  	s14 =	simm.s32 @p2 $0x0;
	p2 =	sgt.s32 s16, $0xFFF  }
0x18: {  	s16 =	smov.u32 @p2 s2;
	p2 =	sne.s32 s11, s7  }
.Ltmp1:
0x19: {  	p1 =	slt.u32 s11, $0x2;
	(pc) =	sbr.rel @!p2 .LBB1_6-.Ltmp1, $4  }
0x1a: {  	s15 =	simm.s32 @!p1 $0x2  }
0x1b: {  	s13 =	smov.u32 s10;
	p0 =	por !p0, !p0;
	_ =	swait.ge @!p1 [sflag:s15], $0x1000  }
0x1c: {  	s12 =	smov.u32 s9;
	[sflag:s15] =	ssyncset.done @!p1 $0x0;
	s9 =	smov.u32 s14  }
0x1d: {  	s11 =	sadd.s32 $0x1, s11;
	[sflag:s15] =	ssyncadd.s32 @!p1 $0xFFFFF000;
	s10 =	smov.u32 s16  }
.LBB1_1:
0x1e: {  	p1 =	sge.u32 s11, s5  }
0x1f: {  	s14 =	sand.u32 @!p1 $0x1FFFFFF, s9  }
0x20: {  	s15 =	smulhi.u32 @!p1 $0x147AE15, s14;
	_ =	sdelay $0x1  }
0x21: {  	s15 =	smul.u32 @!p1 $0xC8, s15  }
0x22: {  	s16 =	sxor.u32 @!p1 $0xFFFFFFFF, s11;
	s17 =	smul.u32 @!p1 $0xC80, s10  }
0x23: {  	s31 =	sadd.s32 $0xFFFFFFFF, s11;
	s16 =	sshll.u32 @!p1 s16, $0xC;
	s14 =	ssub.s32 @!p1 s14, s15  }
0x24: {  	s15 =	sand.u32 @!p1 $0x1000, s16;
	s16 =	sadd.s32 @!p1 s6, s17;
	s14 =	sshll.u32 @!p1 s14, $0x4  }
0x25: {  	s17 =	simm.s32 @!p1 $0x6400;
	s14 =	sadd.s32 @!p1 s14, s16;
	s16 =	simm.s32 @!p1 $0x20  }
0x26: {  	[tilespmem:s15], [sflag:$0x1] =	stream.strided.gather @!p1 [hbm4b:s14+s16], $0x1000, s17, s16, $0x38;
	[tilespmem:$0x4040] =	vst v63  }
0x27: {  	p1 =	sge.u32 s31, s5  }
.Ltmp2:
0x28: {  	_ = 	snop;
	(pc) =	sbr.rel @p1 .LBB1_5-.Ltmp2, $1  }
0x29: {  	_ =	sdelay $0x3  }
0x2a: {  	s14 =	simm.s32 $0x1  }
0x2b: {  	_ =	swait.ge [sflag:s4], $0x1000;
	s14 =	simm.s32 @!p0 $0x0  }
0x2c: {  	[sflag:s4] =	ssyncset.done $0x0;
	s15 =	sshll.u32 s14, $0xC  }
0x2d: {  	[sflag:s4] =	ssyncadd.s32 $0xFFFFF000;
	s18 =	sor.u32 $0x10, s15  }
0x2e: {  	s14 =	smul.u32 $0x4080, s14;
	v1 =	vld [tilespmem:s18+$0x0]  }
0x2f: {  	s30 =	sand.u32 $0x1, s11;
	v0 =	vld [tilespmem:s18+$0xFFFFFFF0]  }
0x30: {  	s15 =	smul.u32 $0x4080, s30;
	s14 =	sshrl.u32 s14, $0x2  }
0x31: {  	s16 =	sor.u32 $0x2000, s14  }
0x32: {  	s31 =	sshrl.u32 s15, $0x2;
	s15 =	sadd.s32 $0x0, s16  }
0x33: {  	s17 =	simm.s32 $0x4;
	s18 =	sadd.s32 $0x20, s18;
	s14 =	sor.u32 $0x2000, s31;
	[tilespmem:s15+$0x810 ss:$0x81] =	vst.msk $0xffff, v1  }
.LBB1_3:
0x34: {  	v1 =	vld [tilespmem:s18+$0x0];
	p1 =	sne.s32 s17, $0x1FC;
	[tilespmem:s15+$0x0 ss:$0x81] =	vst.msk $0xffff, v0;
	s15 =	smov.u32 s17;
	s17 =	sadd.s32 $0x4, s17  }
.Ltmp3:
0x35: {  	v0 =	vld [tilespmem:s18+$0xFFFFFFF0];
	(pc) =	sbr.rel @p1 .LBB1_3-.Ltmp3, $4  }
0x36: {  	_ = 	snop  }
0x37: {  	s15 =	sshra.s32 s15, $0x2  }
0x38: {  	s15 =	sadd.s32 s15, s16  }
0x39: {  	s18 =	sadd.s32 $0x20, s18;
	[tilespmem:s15+$0x810 ss:$0x81] =	vst.msk $0xffff, v1  }
.Ltmp4:
0x3a: {  	_ = 	snop;
	(pc) =	sbr.rel .LBB1_4-.Ltmp4, $1  }
0x3b: {  	_ =	sdelay $0x3  }
.LBB1_6:
0x3c: {  	_ =	sfence.sel $0x180000  }
0x3d: {  	s2 =	simm.s32 $0x1;
	[bflag:$0x0] =	sbarrier.arrive $0xFFFF  }
0x3e: {  	s31 =	simm.s32 $0x2;
	[sflag:s2] =	ssyncpa.u1 $0x1  }
0x3f: {  	[sflag:s31] =	ssyncpa.u1 $0x1  }
0x40: {  	p0 =	sne.s32 s0, $0x0;
	_ =	strace $0x9000004D  }
0x41: {  	s0 =	sadd.s32 @!p0 $0x100000, s1;
	[bflag:$0x2] =	sbarrier.arrive $0xFFFF  }
0x42: {  	[sflag:s0] =	ssyncadd.tile.s32 @!p0 $0x1;
	_ =	shalt  }
.Lfunc_end1:
_tile_overlayer_lowered:
.L_overlay_start_2:
0x43: {  	(tag) =	ssettag $0x2  }
0x44: {  	s0 =	rddreg [dreg:$0x0];
	s2 =	stileid.u32  }
0x45: {  	s1 =	rddreg [dreg:$0x1];
	p0 =	sne.s32 s2, $0x0  }
0x46: {  	s3 =	rddreg [dreg:$0x2];
	[bflag:$0x3] =	sbarrier.arrive $0xFFFF;
	s2 =	simm.s32 @!p0 $0x1C01  }
0x47: {  	[timem:s3], [sflag:s2] =	dma.local @!p0 [hbm:s0], s1  }
0x48: {  	s0 =	simm.s32 @!p0 $0x1  }
0x49: {  	_ =	swait.ge @!p0 [sflag:s0], s1  }
0x4a: {  	s1 =	ssub.s32 @!p0 $0x0, s1;
	[sflag:s0] =	ssyncset.done @!p0 $0x0  }
0x4b: {  	[sflag:s0] =	ssyncadd.s32 @!p0 s1  }
0x4c: {  	[bflag:$0x3] =	sbarrier.arrive $0xFFFF  }
0x4d: {  	_ =	shalt  }

// kernel: sparse-core-data-format-call.cloned.1.call-start
scs
called_computation_lowered:
.L_overlay_start_0:
0x0: {  	s2 =	sld [smem:$0x3FD9]  }
0x1: {  	s3 =	sld [smem:$0x3FFE];
	_ =	sdelay $0x1  }
0x2: {  	s1 =	srdreg.scid  }
0x3: {  	s0 =	sand.u32 $0x1, s1  }
0x4: {  	s16 =	sshll.u32 s0, $0xA;
	s2 =	sadd.s32 s3, s2  }
0x5: {  	s2 =	sadd.s32 s2, s16  }
0x6: {  	[smem:$0x3FC4] =	sst s2  }
0x7: {  	_ = 	snop  }
0x8: {  	s2 =	sld [smem:$0x3FD0];
	_ =	sdelay $0x2  }
0x9: {  	s17 =	simm.s32 $0xB;
	s4 =	simm.s32 $0x10  }
0xa: {  	[smem:s4], [sflag:s17] =	dma.local [hbm:s2], $0x1  }
0xb: {  	_ =	swait.eq [sflag:s17], $0x1  }
0xc: {  	[sflag:s17] =	ssyncset.done $0x0  }
0xd: {  	[sflag:s17] =	ssyncadd.s32 $0xFFFFFFFF  }
0xe: {  	s18 =	sld [smem:$0x11];
	(tm) =	ssettm $0x1  }
0xf: {  	s19 =	sld [smem:$0x3FFB];
	_ =	sdelay $0x3  }
0x10: {  	_ =	strace s19  }
0x11: {  	s2 =	sld [smem:$0x3FFC];
	_ =	sdelay $0x3  }
0x12: {  	_ =	strace s2  }
0x13: {  	s2 =	sld [smem:$0x3FFD];
	_ =	sdelay $0x3  }
0x14: {  	_ =	strace s2  }
0x15: {  	_ =	strace $0x8FFFFFFF  }
0x16: {  	s20 =	sld [smem:$0x3FDB];
	_ =	sdelay $0x1  }
0x17: {  	s21 =	simm.s32 $_scs_section_size  }
0x18: {  	s5 =	simm.s32 $_size__tile_overlayer_lowered;
	s6 =	simm.s32 $_tile_overlayer_lowered  }
0x19: {  	s7 =	simm.s32 $0x1BFF;
	s22 =	sshll.u32 s6, $0x1;
	s4 =	sadd.s32 s21, s20  }
0x1a: {  	s23 =	simm.s32 $0x0;
	s5 =	sshll.u32 s5, $0x1;
	s6 =	sadd.s32 s22, s4  }
0x1b: {  	[timem:s23], [sflag:s7] =	dma.local [hbm:s6], s5  }
0x1c: {  	_ =	swait.ge [sflag:s7], s5  }
0x1d: {  	s5 =	ssub.s32 $0x0, s5;
	[sflag:s7] =	ssyncset.done $0x0  }
0x1e: {  	[sflag:s7] =	ssyncadd.s32 s5;
	_ =	sdelay $0x1  }
0x1f: {  	s24 =	simm.s32 $0x1B8B  }
0x20: {  	_ =	swait.ge [sflag:s24], $0x1  }
0x21: {  	[sflag:s24] =	ssyncset.done $0x0  }
0x22: {  	[sflag:s24] =	ssyncadd.s32 $0xFFFFFFFF  }
0x23: {  	s5 =	sld [smem:$0x0]  }
0x24: {  	s6 =	sand.u32 $0xFFFFFFFE, s1  }
0x25: {  	p0 =	sne.s32 s1, s6  }
0x26: {  	s6 =	sshll.u32 @p0 s6, $0xE  }
0x27: {  	s6 =	sadd.s32 @p0 $0x11B8D, s6;
	s7 =	sshll.u32 @p0 s5, $0x11  }
0x28: {  	s6 =	sor.u32 @p0 s7, s6  }
0x29: {  	[sflag:s6] =	ssyncadd.remote.s32 @p0 $0x1;
	_ =	sdelay $0x1  }
0x2a: {  	s6 =	simm.s32 @p0 $0x1B8D  }
0x2b: {  	_ =	swait.eq @p0 [sflag:s6], $0x1  }
0x2c: {  	[sflag:s6] =	ssyncadd.s32 @p0 $0xFFFFFFFF  }
0x2d: {  	s7 =	sshll.u32 @!p0 s1, $0xE  }
0x2e: {  	s7 =	sor.u32 @!p0 $0x4000, s7;
	s6 =	simm.s32 @!p0 $0x1B8D  }
0x2f: {  	s5 =	sshll.u32 @!p0 s5, $0x11;
	s7 =	sadd.s32 @!p0 $0x11B8D, s7;
	_ =	swait.eq @!p0 [sflag:s6], $0x1  }
0x30: {  	s5 =	sor.u32 @!p0 s5, s7;
	[sflag:s6] =	ssyncadd.s32 @!p0 $0xFFFFFFFF  }
0x31: {  	s26 =	simm.s32 $0x1B8E;
	s25 =	sld [smem:$0x3FFE];
	[sflag:s5] =	ssyncadd.remote.s32 @!p0 $0x1  }
0x32: {  	s27 =	simm.s32 $execute0_lowered;
	[smem:$0x3FD2] =	sst s26  }
0x33: {  	s6 =	sshll.u32 s27, $0x1;
	_ =	strace $0x8000004F;
	[dreg:$0x1] =	wrdreg $0xFFFFFFFF  }
0x34: {  	s28 =	simm.s32 $_size_execute0_lowered;
	s4 =	sadd.s32 s4, s6;
	[dreg:$0x0] =	wrdreg $0x0  }
0x35: {  	s6 =	sshll.u32 s28, $0x1;
	[dreg:$0x2] =	wrdreg s4  }
0x36: {  	[dreg:$0x3] =	wrdreg s6  }
0x37: {  	[dreg:$0x4] =	wrdreg $0xC0  }
0x38: {  	_ =	task [dreg:s23], $0x5FFFF  }
0x39: {  	[dreg:$0x1] =	wrdreg $0xFFFFFFFF  }
0x3a: {  	[dreg:$0x0] =	wrdreg $0x60  }
0x3b: {  	[dreg:$0x2] =	wrdreg s25  }
0x3c: {  	[dreg:$0x3] =	wrdreg s18  }
0x3d: {  	[dreg:$0x4] =	wrdreg $0xA  }
0x3e: {  	_ =	task.clear_ibuf [dreg:s23], $0x5FFFF;
	_ =	strace $0x9000004F  }
0x3f: {  	s29 =	simm.s32 $0xA;
	_ =	strace $0x80000051  }
0x40: {  	_ =	swait.ge [sflag:s29], $0x1  }
0x41: {  	[sflag:s29] =	ssyncadd.s32 $0xFFFFFFFF  }
0x42: {  	_ =	strace $0x90000051  }
0x43: {  	_ =	sfence  }
0x44: {  	s30 =	sld [smem:$0x0];
	_ =	sdelay $0x2  }
0x45: {  	s31 =	sshll.u32 s1, $0xD;
	s1 =	sshrl.u32 s1, $0x2  }
0x46: {  	s4 =	sand.u32 $0x4000, s31;
	s1 =	sadd.s32 s1, s30  }
0x47: {  	s0 =	sor.u32 s4, s0;
	s1 =	sshll.u32 s1, $0x11  }
0x48: {  	s0 =	sor.u32 s1, s0  }
0x49: {  	s0 =	sadd.s32 $0x8F2B, s0  }
0x4a: {  	[sflag:s0] =	ssyncadd.remote.s32 $0x1  }
0x4b: {  	_ =	sfence.sel $0xFFFF  }
0x4c: {  	[dreg:$0x0] =	wrdreg $0xFFFFFFFF;
	(pc) =	sbr.abs _section_cstart, $3  }
0x4d: {  	[dreg:$0x1] =	wrdreg $0xFFFFFFFF  }
0x4e: {  	_ =	task.clear_ibuf [dreg:s23], $0x2FFFF;
	_ =	strace $0x9FFFFFFF  }
0x4f: {  	(tm) =	ssettm $0x7FFFFFFF  }
tec
execute0_lowered:
.L_overlay_start_1:
0x0: {  	(tag) =	ssettag $0x1  }
0x1: {  	s0 =	srdreg.scid  }
0x2: {  	s1 =	sshll.u32 s0, $0x4  }
0x3: {  	s0 =	stileid.u32;
	s1 =	sand.u32 $0x10, s1  }
0x4: {  	s1 =	sor.u32 s0, s1  }
0x5: {  	s6 =	rddreg [dreg:$0x0];
	s4 =	simm.s32 $0x1;
	s2 =	sshll.u32 s1, $0x7  }
0x6: {  	s7 =	simm.s32 $0x2;
	s12 =	simm.s32 $0x0;
	s1 =	ssub.s32 $0x1000, s2  }
0x7: {  	s8 =	simm.s32 $0x8000;
	s13 =	simm.s32 $0x0;
	s3 =	sand.u32 $0xF80, s1  }
0x8: {  	s9 =	simm.s32 $0x0;
	s5 =	sshrl.u32 s1, $0xC;
	p0 =	sne.s32 s3, $0x0  }
.Ltmp0:
0x9: {  	s1 =	rddreg [dreg:$0x2];
	s4 =	simm.s32 @!p0 $0x0;
	(pc) =	sbr.rel .LBB1_1-.Ltmp0, $4  }
0xa: {  	s11 =	simm.s32 $0x0;
	s3 =	rddreg [dreg:$0x1];
	s5 =	sadd.s32 s4, s5  }
0xb: {  	_ =	strace $0x80000050;
	s4 =	simm.s32 $0x1;
	s5 =	smul.u32 $0xC8, s5  }
0xc: {  	s6 =	sadd.s32 $0x1083E00, s6;
	s10 =	smov.u32 s2;
	[sflag:s4] =	ssyncpa.u1 $0x0  }
0xd: {  	p0 =	por $0x0, $0x0;
	[sflag:s7] =	ssyncpa.u1 $0x0;
	s7 =	sor.u32 $0x1, s5  }
.LBB1_4:
0xe: {  	s16 =	sshll.u32 s13, $0x3;
	s17 =	sand.u32 $0x78, s13  }
0xf: {  	s30 =	sand.u32 $0x3E00, s13;
	s12 =	sshll.u32 s12, $0xE;
	s16 =	sand.u32 $0xC00, s16  }
0x10: {  	s31 =	sand.u32 $0x7, s13;
	s16 =	sor.u32 s17, s16;
	s17 =	sadd.s32 s3, s30  }
0x11: {  	s13 =	sshll.u32 s31, $0x12;
	s16 =	sshrl.u32 s16, $0x3;
	s12 =	sadd.s32 s12, s17  }
0x12: {  	[tilespmem:s15+$0x0 ss:$0x81] =	vst.msk $0xffff, v0;
	s13 =	sor.u32 $0x400, s13;
	s12 =	sadd.s32 s16, s12  }
0x13: {  	[hbm4b:s12+s13] =	stream.strided.scatter [tilespmem:s14], [sflag:$0x2], $0x1000, s8, s13, $0x20;
	[tilespmem:$0x4040] =	vst v63  }
.LBB1_5:
0x14: {  	s14 =	sadd.s32 $0x1, s9  }
0x15: {  	s12 =	sadd.s32 $0x1000, s10;
	s16 =	smov.u32 s10;
	p2 =	sgt.s32 s14, $0xC7  }
0x16: {  	s16 =	smov.u32 @p2 s12  }
0x17: {  	s14 =	simm.s32 @p2 $0x0;
	p2 =	sgt.s32 s16, $0xFFF  }
0x18: {  	s16 =	smov.u32 @p2 s2;
	p2 =	sne.s32 s11, s7  }
.Ltmp1:
0x19: {  	p1 =	slt.u32 s11, $0x2;
	(pc) =	sbr.rel @!p2 .LBB1_6-.Ltmp1, $4  }
0x1a: {  	s15 =	simm.s32 @!p1 $0x2  }
0x1b: {  	s13 =	smov.u32 s10;
	p0 =	por !p0, !p0;
	_ =	swait.ge @!p1 [sflag:s15], $0x1000  }
0x1c: {  	s12 =	smov.u32 s9;
	[sflag:s15] =	ssyncset.done @!p1 $0x0;
	s9 =	smov.u32 s14  }
0x1d: {  	s11 =	sadd.s32 $0x1, s11;
	[sflag:s15] =	ssyncadd.s32 @!p1 $0xFFFFF000;
	s10 =	smov.u32 s16  }
.LBB1_1:
0x1e: {  	p1 =	sge.u32 s11, s5  }
0x1f: {  	s14 =	sand.u32 @!p1 $0x1FFFFFF, s9  }
0x20: {  	s15 =	smulhi.u32 @!p1 $0x147AE15, s14;
	_ =	sdelay $0x1  }
0x21: {  	s15 =	smul.u32 @!p1 $0xC8, s15  }
0x22: {  	s16 =	sxor.u32 @!p1 $0xFFFFFFFF, s11;
	s17 =	smul.u32 @!p1 $0xC80, s10  }
0x23: {  	s31 =	sadd.s32 $0xFFFFFFFF, s11;
	s16 =	sshll.u32 @!p1 s16, $0xC;
	s14 =	ssub.s32 @!p1 s14, s15  }
0x24: {  	s15 =	sand.u32 @!p1 $0x1000, s16;
	s16 =	sadd.s32 @!p1 s6, s17;
	s14 =	sshll.u32 @!p1 s14, $0x4  }
0x25: {  	s17 =	simm.s32 @!p1 $0x6400;
	s14 =	sadd.s32 @!p1 s14, s16;
	s16 =	simm.s32 @!p1 $0x20  }
0x26: {  	[tilespmem:s15], [sflag:$0x1] =	stream.strided.gather @!p1 [hbm4b:s14+s16], $0x1000, s17, s16, $0x38;
	[tilespmem:$0x4040] =	vst v63  }
0x27: {  	p1 =	sge.u32 s31, s5  }
.Ltmp2:
0x28: {  	_ = 	snop;
	(pc) =	sbr.rel @p1 .LBB1_5-.Ltmp2, $1  }
0x29: {  	_ =	sdelay $0x3  }
0x2a: {  	s14 =	simm.s32 $0x1  }
0x2b: {  	_ =	swait.ge [sflag:s4], $0x1000;
	s14 =	simm.s32 @!p0 $0x0  }
0x2c: {  	[sflag:s4] =	ssyncset.done $0x0;
	s15 =	sshll.u32 s14, $0xC  }
0x2d: {  	[sflag:s4] =	ssyncadd.s32 $0xFFFFF000;
	s18 =	sor.u32 $0x10, s15  }
0x2e: {  	s14 =	smul.u32 $0x4080, s14;
	v1 =	vld [tilespmem:s18+$0x0]  }
0x2f: {  	s30 =	sand.u32 $0x1, s11;
	v0 =	vld [tilespmem:s18+$0xFFFFFFF0]  }
0x30: {  	s15 =	smul.u32 $0x4080, s30;
	s14 =	sshrl.u32 s14, $0x2  }
0x31: {  	s16 =	sor.u32 $0x2000, s14  }
0x32: {  	s31 =	sshrl.u32 s15, $0x2;
	s15 =	sadd.s32 $0x0, s16  }
0x33: {  	s17 =	simm.s32 $0x4;
	s18 =	sadd.s32 $0x20, s18;
	s14 =	sor.u32 $0x2000, s31;
	[tilespmem:s15+$0x810 ss:$0x81] =	vst.msk $0xffff, v1  }
.LBB1_3:
0x34: {  	v1 =	vld [tilespmem:s18+$0x0];
	p1 =	sne.s32 s17, $0x1FC;
	[tilespmem:s15+$0x0 ss:$0x81] =	vst.msk $0xffff, v0;
	s15 =	smov.u32 s17;
	s17 =	sadd.s32 $0x4, s17  }
.Ltmp3:
0x35: {  	v0 =	vld [tilespmem:s18+$0xFFFFFFF0];
	(pc) =	sbr.rel @p1 .LBB1_3-.Ltmp3, $4  }
0x36: {  	_ = 	snop  }
0x37: {  	s15 =	sshra.s32 s15, $0x2  }
0x38: {  	s15 =	sadd.s32 s15, s16  }
0x39: {  	s18 =	sadd.s32 $0x20, s18;
	[tilespmem:s15+$0x810 ss:$0x81] =	vst.msk $0xffff, v1  }
.Ltmp4:
0x3a: {  	_ = 	snop;
	(pc) =	sbr.rel .LBB1_4-.Ltmp4, $1  }
0x3b: {  	_ =	sdelay $0x3  }
.LBB1_6:
0x3c: {  	_ =	sfence.sel $0x180000  }
0x3d: {  	s2 =	simm.s32 $0x1;
	[bflag:$0x0] =	sbarrier.arrive $0xFFFF  }
0x3e: {  	s31 =	simm.s32 $0x2;
	[sflag:s2] =	ssyncpa.u1 $0x1  }
0x3f: {  	[sflag:s31] =	ssyncpa.u1 $0x1  }
0x40: {  	p0 =	sne.s32 s0, $0x0;
	_ =	strace $0x90000050  }
0x41: {  	s0 =	sadd.s32 @!p0 $0x100000, s1;
	[bflag:$0x2] =	sbarrier.arrive $0xFFFF  }
0x42: {  	[sflag:s0] =	ssyncadd.tile.s32 @!p0 $0x1;
	_ =	shalt  }
.Lfunc_end1:
_tile_overlayer_lowered:
.L_overlay_start_2:
0x43: {  	(tag) =	ssettag $0x2  }
0x44: {  	s0 =	rddreg [dreg:$0x0];
	s2 =	stileid.u32  }
0x45: {  	s1 =	rddreg [dreg:$0x1];
	p0 =	sne.s32 s2, $0x0  }
0x46: {  	s3 =	rddreg [dreg:$0x2];
	[bflag:$0x3] =	sbarrier.arrive $0xFFFF;
	s2 =	simm.s32 @!p0 $0x1C01  }
0x47: {  	[timem:s3], [sflag:s2] =	dma.local @!p0 [hbm:s0], s1  }
0x48: {  	s0 =	simm.s32 @!p0 $0x1  }
0x49: {  	_ =	swait.ge @!p0 [sflag:s0], s1  }
0x4a: {  	s1 =	ssub.s32 @!p0 $0x0, s1;
	[sflag:s0] =	ssyncset.done @!p0 $0x0  }
0x4b: {  	[sflag:s0] =	ssyncadd.s32 @!p0 s1  }
0x4c: {  	[bflag:$0x3] =	sbarrier.arrive $0xFFFF  }
0x4d: {  	_ =	shalt  }

</sc_bundles>
